<compile_context>
chip_gen: v7x
topology: tpu7x:2x2x1
jax: 0.10.2.dev20260603
libtpu: 0.0.44.dev20260713+nightly
codegen_flags: <defaults>
</compile_context>

<pallas_src>
import functools

import jax
import jax.numpy as jnp
from jax import lax
from jax.experimental import pallas as pl
from jax.experimental.pallas import tpu as pltpu
from jax.experimental.pallas import tpu_sc as plsc

_NC, _NS = 2, 16
_NW = _NC * _NS


@functools.lru_cache(maxsize=None)
def _make_sc_kernel(S, T, D):
    R = S // _NW
    C = 128
    STRIDE = 8
    SPAN = STRIDE * (R - 1)
    WN = C + SPAN
    WP = 16 * ((WN + 15) // 16)

    mesh = plsc.VectorSubcoreMesh(core_axis_name="c", subcore_axis_name="s")

    @functools.partial(
        pl.kernel,
        out_type=jax.ShapeDtypeStruct((S, S, D), jnp.float32),
        mesh=mesh,
        scratch_types=[
            pltpu.VMEM((WP,), jnp.int32),
            pltpu.VMEM((WP, D), jnp.float32),
            pltpu.SemaphoreType.DMA,
            pltpu.SemaphoreType.DMA,
        ],
        compiler_params=pltpu.CompilerParams(use_tc_tiling_on_sc=True),
    )
    def k(table_hbm, out_hbm, idx_v, win_v, gsem, ssem):
        wid = lax.axis_index("s") * _NC + lax.axis_index("c")
        b = wid // STRIDE
        s = wid % STRIDE
        i0 = b * (STRIDE * R) + s
        lanes = lax.iota(jnp.int32, 16)
        for h in range(S // C):
            maxidx = i0 + SPAN + (S - 1) - h * C
            for c in range(WP // 16):
                idx_v[pl.ds(c * 16, 16)] = jnp.maximum(
                    maxidx - (c * 16 + lanes), 0)
            gathers = []
            off = 0
            while off < WP:
                n = min(128, WP - off)
                gathers.append(pltpu.async_copy(
                    table_hbm.at[idx_v.at[pl.ds(off, n)]],
                    win_v.at[pl.ds(off, n)], gsem))
                off += n
            for d in gathers:
                d.wait()
            scatters = []
            for u in range(R):
                scatters.append(pltpu.async_copy(
                    win_v.at[pl.ds(SPAN - STRIDE * u, C)],
                    out_hbm.at[i0 + STRIDE * u, pl.ds(h * C, C)], ssem))
            for d in scatters:
                d.wait()

    return k


def kernel(x, rel_pos_embedding):
    S = x.shape[1]
    T, D = rel_pos_embedding.shape
    return _make_sc_kernel(S, T, D)(rel_pos_embedding)

# --- scband reference (transcript-rebuilt; emitter-appended) ---
"""Pipeline reference for scband-relative-position-encoding-979252543787 (READ-ONLY COPY).

The authoritative reference and input builder live on the scoring server;
editing this copy changes nothing except your own understanding.
"""

import jax, jax.numpy as jnp
import numpy as np

MAX_SEQ_LEN = 512
D_MODEL = 256
BATCH = 4

def setup_inputs(seed: int = 0) -> dict:
    key = jax.random.key(seed)
    k1, k2 = jax.random.split(key)
    x = jax.random.normal(k1, (BATCH, MAX_SEQ_LEN, D_MODEL), dtype=jnp.float32)
    rel_pos_embedding = jax.random.normal(k2, (2 * MAX_SEQ_LEN - 1, D_MODEL), dtype=jnp.float32)
    return {"x": x, "rel_pos_embedding": rel_pos_embedding}

def reference(x, rel_pos_embedding):
    seq_len = x.shape[1]
    pos_indices = jnp.arange(seq_len)
    rel_pos_indices = pos_indices[:, None] - pos_indices[None, :] + MAX_SEQ_LEN - 1
    rel_pos_encoded = jnp.take(rel_pos_embedding, rel_pos_indices, axis=0)
    return rel_pos_encoded

if __name__ == "__main__":
    import jax
    _d = setup_inputs()
    print(jax.jit(kernel)(*tuple(_d.values())))

</pallas_src>

<mosaic_0001>
#map = affine_map<(d0, d1) -> (0, 0)>
#map1 = affine_map<(d0, d1) -> (0, 0, 0)>
module attributes {stable_mosaic.version = 14 : i64} {
  func.func @k(%arg0: i32, %arg1: i32, %arg2: memref<1023x256xf32, #tpu.memory_space<hbm>>, %arg3: memref<512x512x256xf32, #tpu.memory_space<hbm>>, %arg4: memref<256xi32, #tpu.memory_space<vmem>>, %arg5: memref<256x256xf32, #tpu.memory_space<vmem>>, %arg6: memref<!tpu.dma_semaphore, #tpu.memory_space<semaphore_mem>>, %arg7: memref<!tpu.dma_semaphore, #tpu.memory_space<semaphore_mem>>) attributes {dimension_semantics = [#tpu.dimension_semantics<core_parallel>, #tpu.dimension_semantics<subcore_parallel>], iteration_bounds = array<i64: 2, 16>, scalar_prefetch = 0 : i64, scratch_operands = 4 : i64, tpu.core_type = #tpu.core_type<sc_vector_subcore>, window_params = [{transform_indices = #map}, {transform_indices = #map1}]} {
    %mul3A = arith.constant 2 : i32
    %mul3A_0 = arith.muli %arg1, %mul3A : i32
    %add3A = arith.addi %mul3A_0, %arg0 : i32
    %jit3A = arith.constant 8 : i32
    %div3A = arith.divsi %add3A, %jit3A : i32
    %sign3A = arith.constant 0 : i32
    %sign3A_1 = arith.cmpi sgt, %add3A, %sign3A : i32
    %sign3A_2 = arith.extui %sign3A_1 : i1 to i32
    %sign3A_3 = arith.constant 0 : i32
    %sign3A_4 = arith.cmpi slt, %add3A, %sign3A_3 : i32
    %sign3A_5 = arith.extui %sign3A_4 : i1 to i32
    %sign3A_6 = arith.subi %sign3A_2, %sign3A_5 : i32
    %sign3A_7 = arith.constant 0 : i32
    %sign3A_8 = arith.cmpi sgt, %jit3A, %sign3A_7 : i32
    %sign3A_9 = arith.extui %sign3A_8 : i1 to i32
    %sign3A_10 = arith.constant 0 : i32
    %sign3A_11 = arith.cmpi slt, %jit3A, %sign3A_10 : i32
    %sign3A_12 = arith.extui %sign3A_11 : i1 to i32
    %sign3A_13 = arith.subi %sign3A_9, %sign3A_12 : i32
    %ne3A = arith.cmpi ne, %sign3A_6, %sign3A_13 : i32
    %rem3A = arith.remsi %add3A, %jit3A : i32
    %ne3A_14 = arith.constant 0 : i32
    %ne3A_15 = arith.cmpi ne, %rem3A, %ne3A_14 : i32
    %and3A = arith.andi %ne3A, %ne3A_15 : i1
    %sub3A = arith.constant 1 : i32
    %sub3A_16 = arith.subi %div3A, %sub3A : i32
    %select_n3A = arith.select %and3A, %sub3A_16, %div3A : i32
    %jit3A_17 = arith.constant 8 : i32
    %eq3A = arith.constant 0 : i32
    %eq3A_18 = arith.cmpi eq, %jit3A_17, %eq3A : i32
    %jit3A_19 = arith.constant 1 : i32
    %select_n3A_20 = arith.select %eq3A_18, %jit3A_19, %jit3A_17 : i32
    %rem3A_21 = arith.remsi %add3A, %select_n3A_20 : i32
    %ne3A_22 = arith.constant 0 : i32
    %ne3A_23 = arith.cmpi ne, %rem3A_21, %ne3A_22 : i32
    %lt3A = arith.constant 0 : i32
    %lt3A_24 = arith.cmpi slt, %rem3A_21, %lt3A : i32
    %lt3A_25 = arith.constant 0 : i32
    %lt3A_26 = arith.cmpi slt, %select_n3A_20, %lt3A_25 : i32
    %ne3A_27 = arith.xori %lt3A_24, %lt3A_26 : i1
    %and3A_28 = arith.andi %ne3A_27, %ne3A_23 : i1
    %add3A_29 = arith.addi %rem3A_21, %select_n3A_20 : i32
    %select_n3A_30 = arith.select %and3A_28, %add3A_29, %rem3A_21 : i32
    %mul3A_31 = arith.constant 128 : i32
    %mul3A_32 = arith.muli %select_n3A, %mul3A_31 : i32
    %add3A_33 = arith.addi %mul3A_32, %select_n3A_30 : i32
    %iota3A = tpu.iota {dimensions = array<i32: 0>} : vector<16xi32>
    %add3A_34 = arith.constant 120 : i32
    %add3A_35 = arith.addi %add3A_33, %add3A_34 : i32
    %add3A_36 = arith.constant 511 : i32
    %add3A_37 = arith.addi %add3A_35, %add3A_36 : i32
    %sub3A_38 = arith.constant 0 : i32
    %sub3A_39 = arith.subi %add3A_37, %sub3A_38 : i32
    %add3A_40 = arith.constant 0 : i32
    %add3A_41 = vector.broadcast %add3A_40 : i32 to vector<16xi32>
    %add3A_42 = arith.addi %add3A_41, %iota3A : vector<16xi32>
    %sub3A_43 = vector.broadcast %sub3A_39 : i32 to vector<16xi32>
    %sub3A_44 = arith.subi %sub3A_43, %add3A_42 : vector<16xi32>
    %max3A = arith.constant 0 : i32
    %max3A_45 = vector.broadcast %max3A : i32 to vector<16xi32>
    %max3A_46 = arith.maxsi %sub3A_44, %max3A_45 : vector<16xi32>
    %swap3A = arith.constant 0 : index
    %swap3A_47 = tpu.vector_load %arg4[%swap3A] {strides = array<i32>} : memref<256xi32, #tpu.memory_space<vmem>>, vector<16xi32>,
    %swap3A_48 = vector.shape_cast %swap3A_47 : vector<16xi32> to vector<16xi32>
    %swap3A_49 = vector.shape_cast %max3A_46 : vector<16xi32> to vector<16xi32>
    tpu.vector_store %arg4[%swap3A], %swap3A_49 {strides = array<i32>} : memref<256xi32, #tpu.memory_space<vmem>>, vector<16xi32>,
    %add3A_50 = arith.constant 16 : i32
    %add3A_51 = vector.broadcast %add3A_50 : i32 to vector<16xi32>
    %add3A_52 = arith.addi %add3A_51, %iota3A : vector<16xi32>
    %sub3A_53 = vector.broadcast %sub3A_39 : i32 to vector<16xi32>
    %sub3A_54 = arith.subi %sub3A_53, %add3A_52 : vector<16xi32>
    %max3A_55 = arith.constant 0 : i32
    %max3A_56 = vector.broadcast %max3A_55 : i32 to vector<16xi32>
    %max3A_57 = arith.maxsi %sub3A_54, %max3A_56 : vector<16xi32>
    %swap3A_58 = arith.constant 16 : index
    %swap3A_59 = tpu.vector_load %arg4[%swap3A_58] {strides = array<i32>} : memref<256xi32, #tpu.memory_space<vmem>>, vector<16xi32>,
    %swap3A_60 = vector.shape_cast %swap3A_59 : vector<16xi32> to vector<16xi32>
    %swap3A_61 = vector.shape_cast %max3A_57 : vector<16xi32> to vector<16xi32>
    tpu.vector_store %arg4[%swap3A_58], %swap3A_61 {strides = array<i32>} : memref<256xi32, #tpu.memory_space<vmem>>, vector<16xi32>,
    %add3A_62 = arith.constant 32 : i32
    %add3A_63 = vector.broadcast %add3A_62 : i32 to vector<16xi32>
    %add3A_64 = arith.addi %add3A_63, %iota3A : vector<16xi32>
    %sub3A_65 = vector.broadcast %sub3A_39 : i32 to vector<16xi32>
    %sub3A_66 = arith.subi %sub3A_65, %add3A_64 : vector<16xi32>
    %max3A_67 = arith.constant 0 : i32
    %max3A_68 = vector.broadcast %max3A_67 : i32 to vector<16xi32>
    %max3A_69 = arith.maxsi %sub3A_66, %max3A_68 : vector<16xi32>
    %swap3A_70 = arith.constant 32 : index
    %swap3A_71 = tpu.vector_load %arg4[%swap3A_70] {strides = array<i32>} : memref<256xi32, #tpu.memory_space<vmem>>, vector<16xi32>,
    %swap3A_72 = vector.shape_cast %swap3A_71 : vector<16xi32> to vector<16xi32>
    %swap3A_73 = vector.shape_cast %max3A_69 : vector<16xi32> to vector<16xi32>
    tpu.vector_store %arg4[%swap3A_70], %swap3A_73 {strides = array<i32>} : memref<256xi32, #tpu.memory_space<vmem>>, vector<16xi32>,
    %add3A_74 = arith.constant 48 : i32
    %add3A_75 = vector.broadcast %add3A_74 : i32 to vector<16xi32>
    %add3A_76 = arith.addi %add3A_75, %iota3A : vector<16xi32>
    %sub3A_77 = vector.broadcast %sub3A_39 : i32 to vector<16xi32>
    %sub3A_78 = arith.subi %sub3A_77, %add3A_76 : vector<16xi32>
    %max3A_79 = arith.constant 0 : i32
    %max3A_80 = vector.broadcast %max3A_79 : i32 to vector<16xi32>
    %max3A_81 = arith.maxsi %sub3A_78, %max3A_80 : vector<16xi32>
    %swap3A_82 = arith.constant 48 : index
    %swap3A_83 = tpu.vector_load %arg4[%swap3A_82] {strides = array<i32>} : memref<256xi32, #tpu.memory_space<vmem>>, vector<16xi32>,
    %swap3A_84 = vector.shape_cast %swap3A_83 : vector<16xi32> to vector<16xi32>
    %swap3A_85 = vector.shape_cast %max3A_81 : vector<16xi32> to vector<16xi32>
    tpu.vector_store %arg4[%swap3A_82], %swap3A_85 {strides = array<i32>} : memref<256xi32, #tpu.memory_space<vmem>>, vector<16xi32>,
    %add3A_86 = arith.constant 64 : i32
    %add3A_87 = vector.broadcast %add3A_86 : i32 to vector<16xi32>
    %add3A_88 = arith.addi %add3A_87, %iota3A : vector<16xi32>
    %sub3A_89 = vector.broadcast %sub3A_39 : i32 to vector<16xi32>
    %sub3A_90 = arith.subi %sub3A_89, %add3A_88 : vector<16xi32>
    %max3A_91 = arith.constant 0 : i32
    %max3A_92 = vector.broadcast %max3A_91 : i32 to vector<16xi32>
    %max3A_93 = arith.maxsi %sub3A_90, %max3A_92 : vector<16xi32>
    %swap3A_94 = arith.constant 64 : index
    %swap3A_95 = tpu.vector_load %arg4[%swap3A_94] {strides = array<i32>} : memref<256xi32, #tpu.memory_space<vmem>>, vector<16xi32>,
    %swap3A_96 = vector.shape_cast %swap3A_95 : vector<16xi32> to vector<16xi32>
    %swap3A_97 = vector.shape_cast %max3A_93 : vector<16xi32> to vector<16xi32>
    tpu.vector_store %arg4[%swap3A_94], %swap3A_97 {strides = array<i32>} : memref<256xi32, #tpu.memory_space<vmem>>, vector<16xi32>,
    %add3A_98 = arith.constant 80 : i32
    %add3A_99 = vector.broadcast %add3A_98 : i32 to vector<16xi32>
    %add3A_100 = arith.addi %add3A_99, %iota3A : vector<16xi32>
    %sub3A_101 = vector.broadcast %sub3A_39 : i32 to vector<16xi32>
    %sub3A_102 = arith.subi %sub3A_101, %add3A_100 : vector<16xi32>
    %max3A_103 = arith.constant 0 : i32
    %max3A_104 = vector.broadcast %max3A_103 : i32 to vector<16xi32>
    %max3A_105 = arith.maxsi %sub3A_102, %max3A_104 : vector<16xi32>
    %swap3A_106 = arith.constant 80 : index
    %swap3A_107 = tpu.vector_load %arg4[%swap3A_106] {strides = array<i32>} : memref<256xi32, #tpu.memory_space<vmem>>, vector<16xi32>,
    %swap3A_108 = vector.shape_cast %swap3A_107 : vector<16xi32> to vector<16xi32>
    %swap3A_109 = vector.shape_cast %max3A_105 : vector<16xi32> to vector<16xi32>
    tpu.vector_store %arg4[%swap3A_106], %swap3A_109 {strides = array<i32>} : memref<256xi32, #tpu.memory_space<vmem>>, vector<16xi32>,
    %add3A_110 = arith.constant 96 : i32
    %add3A_111 = vector.broadcast %add3A_110 : i32 to vector<16xi32>
    %add3A_112 = arith.addi %add3A_111, %iota3A : vector<16xi32>
    %sub3A_113 = vector.broadcast %sub3A_39 : i32 to vector<16xi32>
    %sub3A_114 = arith.subi %sub3A_113, %add3A_112 : vector<16xi32>
    %max3A_115 = arith.constant 0 : i32
    %max3A_116 = vector.broadcast %max3A_115 : i32 to vector<16xi32>
    %max3A_117 = arith.maxsi %sub3A_114, %max3A_116 : vector<16xi32>
    %swap3A_118 = arith.constant 96 : index
    %swap3A_119 = tpu.vector_load %arg4[%swap3A_118] {strides = array<i32>} : memref<256xi32, #tpu.memory_space<vmem>>, vector<16xi32>,
    %swap3A_120 = vector.shape_cast %swap3A_119 : vector<16xi32> to vector<16xi32>
    %swap3A_121 = vector.shape_cast %max3A_117 : vector<16xi32> to vector<16xi32>
    tpu.vector_store %arg4[%swap3A_118], %swap3A_121 {strides = array<i32>} : memref<256xi32, #tpu.memory_space<vmem>>, vector<16xi32>,
    %add3A_122 = arith.constant 112 : i32
    %add3A_123 = vector.broadcast %add3A_122 : i32 to vector<16xi32>
    %add3A_124 = arith.addi %add3A_123, %iota3A : vector<16xi32>
    %sub3A_125 = vector.broadcast %sub3A_39 : i32 to vector<16xi32>
    %sub3A_126 = arith.subi %sub3A_125, %add3A_124 : vector<16xi32>
    %max3A_127 = arith.constant 0 : i32
    %max3A_128 = vector.broadcast %max3A_127 : i32 to vector<16xi32>
    %max3A_129 = arith.maxsi %sub3A_126, %max3A_128 : vector<16xi32>
    %swap3A_130 = arith.constant 112 : index
    %swap3A_131 = tpu.vector_load %arg4[%swap3A_130] {strides = array<i32>} : memref<256xi32, #tpu.memory_space<vmem>>, vector<16xi32>,
    %swap3A_132 = vector.shape_cast %swap3A_131 : vector<16xi32> to vector<16xi32>
    %swap3A_133 = vector.shape_cast %max3A_129 : vector<16xi32> to vector<16xi32>
    tpu.vector_store %arg4[%swap3A_130], %swap3A_133 {strides = array<i32>} : memref<256xi32, #tpu.memory_space<vmem>>, vector<16xi32>,
    %add3A_134 = arith.constant 128 : i32
    %add3A_135 = vector.broadcast %add3A_134 : i32 to vector<16xi32>
    %add3A_136 = arith.addi %add3A_135, %iota3A : vector<16xi32>
    %sub3A_137 = vector.broadcast %sub3A_39 : i32 to vector<16xi32>
    %sub3A_138 = arith.subi %sub3A_137, %add3A_136 : vector<16xi32>
    %max3A_139 = arith.constant 0 : i32
    %max3A_140 = vector.broadcast %max3A_139 : i32 to vector<16xi32>
    %max3A_141 = arith.maxsi %sub3A_138, %max3A_140 : vector<16xi32>
    %swap3A_142 = arith.constant 128 : index
    %swap3A_143 = tpu.vector_load %arg4[%swap3A_142] {strides = array<i32>} : memref<256xi32, #tpu.memory_space<vmem>>, vector<16xi32>,
    %swap3A_144 = vector.shape_cast %swap3A_143 : vector<16xi32> to vector<16xi32>
    %swap3A_145 = vector.shape_cast %max3A_141 : vector<16xi32> to vector<16xi32>
    tpu.vector_store %arg4[%swap3A_142], %swap3A_145 {strides = array<i32>} : memref<256xi32, #tpu.memory_space<vmem>>, vector<16xi32>,
    %add3A_146 = arith.constant 144 : i32
    %add3A_147 = vector.broadcast %add3A_146 : i32 to vector<16xi32>
    %add3A_148 = arith.addi %add3A_147, %iota3A : vector<16xi32>
    %sub3A_149 = vector.broadcast %sub3A_39 : i32 to vector<16xi32>
    %sub3A_150 = arith.subi %sub3A_149, %add3A_148 : vector<16xi32>
    %max3A_151 = arith.constant 0 : i32
    %max3A_152 = vector.broadcast %max3A_151 : i32 to vector<16xi32>
    %max3A_153 = arith.maxsi %sub3A_150, %max3A_152 : vector<16xi32>
    %swap3A_154 = arith.constant 144 : index
    %swap3A_155 = tpu.vector_load %arg4[%swap3A_154] {strides = array<i32>} : memref<256xi32, #tpu.memory_space<vmem>>, vector<16xi32>,
    %swap3A_156 = vector.shape_cast %swap3A_155 : vector<16xi32> to vector<16xi32>
    %swap3A_157 = vector.shape_cast %max3A_153 : vector<16xi32> to vector<16xi32>
    tpu.vector_store %arg4[%swap3A_154], %swap3A_157 {strides = array<i32>} : memref<256xi32, #tpu.memory_space<vmem>>, vector<16xi32>,
    %add3A_158 = arith.constant 160 : i32
    %add3A_159 = vector.broadcast %add3A_158 : i32 to vector<16xi32>
    %add3A_160 = arith.addi %add3A_159, %iota3A : vector<16xi32>
    %sub3A_161 = vector.broadcast %sub3A_39 : i32 to vector<16xi32>
    %sub3A_162 = arith.subi %sub3A_161, %add3A_160 : vector<16xi32>
    %max3A_163 = arith.constant 0 : i32
    %max3A_164 = vector.broadcast %max3A_163 : i32 to vector<16xi32>
    %max3A_165 = arith.maxsi %sub3A_162, %max3A_164 : vector<16xi32>
    %swap3A_166 = arith.constant 160 : index
    %swap3A_167 = tpu.vector_load %arg4[%swap3A_166] {strides = array<i32>} : memref<256xi32, #tpu.memory_space<vmem>>, vector<16xi32>,
    %swap3A_168 = vector.shape_cast %swap3A_167 : vector<16xi32> to vector<16xi32>
    %swap3A_169 = vector.shape_cast %max3A_165 : vector<16xi32> to vector<16xi32>
    tpu.vector_store %arg4[%swap3A_166], %swap3A_169 {strides = array<i32>} : memref<256xi32, #tpu.memory_space<vmem>>, vector<16xi32>,
    %add3A_170 = arith.constant 176 : i32
    %add3A_171 = vector.broadcast %add3A_170 : i32 to vector<16xi32>
    %add3A_172 = arith.addi %add3A_171, %iota3A : vector<16xi32>
    %sub3A_173 = vector.broadcast %sub3A_39 : i32 to vector<16xi32>
    %sub3A_174 = arith.subi %sub3A_173, %add3A_172 : vector<16xi32>
    %max3A_175 = arith.constant 0 : i32
    %max3A_176 = vector.broadcast %max3A_175 : i32 to vector<16xi32>
    %max3A_177 = arith.maxsi %sub3A_174, %max3A_176 : vector<16xi32>
    %swap3A_178 = arith.constant 176 : index
    %swap3A_179 = tpu.vector_load %arg4[%swap3A_178] {strides = array<i32>} : memref<256xi32, #tpu.memory_space<vmem>>, vector<16xi32>,
    %swap3A_180 = vector.shape_cast %swap3A_179 : vector<16xi32> to vector<16xi32>
    %swap3A_181 = vector.shape_cast %max3A_177 : vector<16xi32> to vector<16xi32>
    tpu.vector_store %arg4[%swap3A_178], %swap3A_181 {strides = array<i32>} : memref<256xi32, #tpu.memory_space<vmem>>, vector<16xi32>,
    %add3A_182 = arith.constant 192 : i32
    %add3A_183 = vector.broadcast %add3A_182 : i32 to vector<16xi32>
    %add3A_184 = arith.addi %add3A_183, %iota3A : vector<16xi32>
    %sub3A_185 = vector.broadcast %sub3A_39 : i32 to vector<16xi32>
    %sub3A_186 = arith.subi %sub3A_185, %add3A_184 : vector<16xi32>
    %max3A_187 = arith.constant 0 : i32
    %max3A_188 = vector.broadcast %max3A_187 : i32 to vector<16xi32>
    %max3A_189 = arith.maxsi %sub3A_186, %max3A_188 : vector<16xi32>
    %swap3A_190 = arith.constant 192 : index
    %swap3A_191 = tpu.vector_load %arg4[%swap3A_190] {strides = array<i32>} : memref<256xi32, #tpu.memory_space<vmem>>, vector<16xi32>,
    %swap3A_192 = vector.shape_cast %swap3A_191 : vector<16xi32> to vector<16xi32>
    %swap3A_193 = vector.shape_cast %max3A_189 : vector<16xi32> to vector<16xi32>
    tpu.vector_store %arg4[%swap3A_190], %swap3A_193 {strides = array<i32>} : memref<256xi32, #tpu.memory_space<vmem>>, vector<16xi32>,
    %add3A_194 = arith.constant 208 : i32
    %add3A_195 = vector.broadcast %add3A_194 : i32 to vector<16xi32>
    %add3A_196 = arith.addi %add3A_195, %iota3A : vector<16xi32>
    %sub3A_197 = vector.broadcast %sub3A_39 : i32 to vector<16xi32>
    %sub3A_198 = arith.subi %sub3A_197, %add3A_196 : vector<16xi32>
    %max3A_199 = arith.constant 0 : i32
    %max3A_200 = vector.broadcast %max3A_199 : i32 to vector<16xi32>
    %max3A_201 = arith.maxsi %sub3A_198, %max3A_200 : vector<16xi32>
    %swap3A_202 = arith.constant 208 : index
    %swap3A_203 = tpu.vector_load %arg4[%swap3A_202] {strides = array<i32>} : memref<256xi32, #tpu.memory_space<vmem>>, vector<16xi32>,
    %swap3A_204 = vector.shape_cast %swap3A_203 : vector<16xi32> to vector<16xi32>
    %swap3A_205 = vector.shape_cast %max3A_201 : vector<16xi32> to vector<16xi32>
    tpu.vector_store %arg4[%swap3A_202], %swap3A_205 {strides = array<i32>} : memref<256xi32, #tpu.memory_space<vmem>>, vector<16xi32>,
    %add3A_206 = arith.constant 224 : i32
    %add3A_207 = vector.broadcast %add3A_206 : i32 to vector<16xi32>
    %add3A_208 = arith.addi %add3A_207, %iota3A : vector<16xi32>
    %sub3A_209 = vector.broadcast %sub3A_39 : i32 to vector<16xi32>
    %sub3A_210 = arith.subi %sub3A_209, %add3A_208 : vector<16xi32>
    %max3A_211 = arith.constant 0 : i32
    %max3A_212 = vector.broadcast %max3A_211 : i32 to vector<16xi32>
    %max3A_213 = arith.maxsi %sub3A_210, %max3A_212 : vector<16xi32>
    %swap3A_214 = arith.constant 224 : index
    %swap3A_215 = tpu.vector_load %arg4[%swap3A_214] {strides = array<i32>} : memref<256xi32, #tpu.memory_space<vmem>>, vector<16xi32>,
    %swap3A_216 = vector.shape_cast %swap3A_215 : vector<16xi32> to vector<16xi32>
    %swap3A_217 = vector.shape_cast %max3A_213 : vector<16xi32> to vector<16xi32>
    tpu.vector_store %arg4[%swap3A_214], %swap3A_217 {strides = array<i32>} : memref<256xi32, #tpu.memory_space<vmem>>, vector<16xi32>,
    %add3A_218 = arith.constant 240 : i32
    %add3A_219 = vector.broadcast %add3A_218 : i32 to vector<16xi32>
    %add3A_220 = arith.addi %add3A_219, %iota3A : vector<16xi32>
    %sub3A_221 = vector.broadcast %sub3A_39 : i32 to vector<16xi32>
    %sub3A_222 = arith.subi %sub3A_221, %add3A_220 : vector<16xi32>
    %max3A_223 = arith.constant 0 : i32
    %max3A_224 = vector.broadcast %max3A_223 : i32 to vector<16xi32>
    %max3A_225 = arith.maxsi %sub3A_222, %max3A_224 : vector<16xi32>
    %swap3A_226 = arith.constant 240 : index
    %swap3A_227 = tpu.vector_load %arg4[%swap3A_226] {strides = array<i32>} : memref<256xi32, #tpu.memory_space<vmem>>, vector<16xi32>,
    %swap3A_228 = vector.shape_cast %swap3A_227 : vector<16xi32> to vector<16xi32>
    %swap3A_229 = vector.shape_cast %max3A_225 : vector<16xi32> to vector<16xi32>
    tpu.vector_store %arg4[%swap3A_226], %swap3A_229 {strides = array<i32>} : memref<256xi32, #tpu.memory_space<vmem>>, vector<16xi32>,
    %dma_start3A = arith.constant 0 : i32
    %dma_start3A_230 = arith.constant 0 : i32
    %dma_start3A_231 = tpu.memref_slice %arg5[%dma_start3A, %dma_start3A_230] : memref<256x256xf32, #tpu.memory_space<vmem>> -> memref<128x256xf32, #tpu.memory_space<vmem>>
    %dma_start3A_232 = arith.constant 0 : i32
    %dma_start3A_233 = tpu.memref_slice %arg4[%dma_start3A_232] : memref<256xi32, #tpu.memory_space<vmem>> -> memref<128xi32, #tpu.memory_space<vmem>>
    %dma_start3A_234 = arith.constant 0 : i32
    %dma_start3A_235 = arith.constant 0 : i32
    %dma_start3A_236 = tpu.memref_slice %arg2[%dma_start3A_234, %dma_start3A_235] : memref<1023x256xf32, #tpu.memory_space<hbm>> -> memref<1023x256xf32, #tpu.memory_space<hbm>>
    tpu.enqueue_indirect_dma source(%dma_start3A_236 : memref<1023x256xf32, #tpu.memory_space<hbm>>) target(%dma_start3A_231 : memref<128x256xf32, #tpu.memory_space<vmem>>) offsets(%dma_start3A_233 : memref<128xi32, #tpu.memory_space<vmem>>) semaphore(%arg6 : memref<!tpu.dma_semaphore, #tpu.memory_space<semaphore_mem>>)
    %dma_start3A_237 = arith.constant 128 : i32
    %dma_start3A_238 = arith.constant 0 : i32
    %dma_start3A_239 = tpu.memref_slice %arg5[%dma_start3A_237, %dma_start3A_238] : memref<256x256xf32, #tpu.memory_space<vmem>> -> memref<128x256xf32, #tpu.memory_space<vmem>>
    %dma_start3A_240 = arith.constant 128 : i32
    %dma_start3A_241 = tpu.memref_slice %arg4[%dma_start3A_240] : memref<256xi32, #tpu.memory_space<vmem>> -> memref<128xi32, #tpu.memory_space<vmem>>
    %dma_start3A_242 = arith.constant 0 : i32
    %dma_start3A_243 = arith.constant 0 : i32
    %dma_start3A_244 = tpu.memref_slice %arg2[%dma_start3A_242, %dma_start3A_243] : memref<1023x256xf32, #tpu.memory_space<hbm>> -> memref<1023x256xf32, #tpu.memory_space<hbm>>
    tpu.enqueue_indirect_dma source(%dma_start3A_244 : memref<1023x256xf32, #tpu.memory_space<hbm>>) target(%dma_start3A_239 : memref<128x256xf32, #tpu.memory_space<vmem>>) offsets(%dma_start3A_241 : memref<128xi32, #tpu.memory_space<vmem>>) semaphore(%arg6 : memref<!tpu.dma_semaphore, #tpu.memory_space<semaphore_mem>>)
    %dma_wait3A = arith.constant 0 : i32
    %dma_wait3A_245 = arith.constant 0 : i32
    %dma_wait3A_246 = tpu.memref_slice %arg5[%dma_wait3A, %dma_wait3A_245] : memref<256x256xf32, #tpu.memory_space<vmem>> -> memref<128x256xf32, #tpu.memory_space<vmem>>
    %dma_wait3A_247 = arith.constant 0 : i32
    %dma_wait3A_248 = tpu.memref_slice %arg4[%dma_wait3A_247] : memref<256xi32, #tpu.memory_space<vmem>> -> memref<128xi32, #tpu.memory_space<vmem>>
    %dma_wait3A_249 = arith.constant 0 : i32
    %dma_wait3A_250 = arith.constant 0 : i32
    %dma_wait3A_251 = tpu.memref_slice %arg2[%dma_wait3A_249, %dma_wait3A_250] : memref<1023x256xf32, #tpu.memory_space<hbm>> -> memref<1023x256xf32, #tpu.memory_space<hbm>>
    tpu.wait_indirect_dma semaphore(%arg6 : memref<!tpu.dma_semaphore, #tpu.memory_space<semaphore_mem>>) src(%dma_wait3A_251 : memref<1023x256xf32, #tpu.memory_space<hbm>>) dst(%dma_wait3A_246 : memref<128x256xf32, #tpu.memory_space<vmem>>)
    %dma_wait3A_252 = arith.constant 128 : i32
    %dma_wait3A_253 = arith.constant 0 : i32
    %dma_wait3A_254 = tpu.memref_slice %arg5[%dma_wait3A_252, %dma_wait3A_253] : memref<256x256xf32, #tpu.memory_space<vmem>> -> memref<128x256xf32, #tpu.memory_space<vmem>>
    %dma_wait3A_255 = arith.constant 128 : i32
    %dma_wait3A_256 = tpu.memref_slice %arg4[%dma_wait3A_255] : memref<256xi32, #tpu.memory_space<vmem>> -> memref<128xi32, #tpu.memory_space<vmem>>
    %dma_wait3A_257 = arith.constant 0 : i32
    %dma_wait3A_258 = arith.constant 0 : i32
    %dma_wait3A_259 = tpu.memref_slice %arg2[%dma_wait3A_257, %dma_wait3A_258] : memref<1023x256xf32, #tpu.memory_space<hbm>> -> memref<1023x256xf32, #tpu.memory_space<hbm>>
    tpu.wait_indirect_dma semaphore(%arg6 : memref<!tpu.dma_semaphore, #tpu.memory_space<semaphore_mem>>) src(%dma_wait3A_259 : memref<1023x256xf32, #tpu.memory_space<hbm>>) dst(%dma_wait3A_254 : memref<128x256xf32, #tpu.memory_space<vmem>>)
    %add3A_260 = arith.constant 0 : i32
    %add3A_261 = arith.addi %add3A_33, %add3A_260 : i32
    %dma_start3A_262 = arith.constant 120 : i32
    %dma_start3A_263 = arith.constant 0 : i32
    %dma_start3A_264 = tpu.memref_slice %arg5[%dma_start3A_262, %dma_start3A_263] : memref<256x256xf32, #tpu.memory_space<vmem>> -> memref<128x256xf32, #tpu.memory_space<vmem>>
    %dma_start3A_265 = arith.constant 0 : i32
    %dma_start3A_266 = arith.constant 0 : i32
    %dma_start3A_267 = tpu.memref_slice %arg3[%add3A_261, %dma_start3A_265, %dma_start3A_266] : memref<512x512x256xf32, #tpu.memory_space<hbm>> -> memref<1x128x256xf32, #tpu.memory_space<hbm>>
    %dma_start3A_268 = tpu.memref_squeeze %dma_start3A_267 : memref<1x128x256xf32, #tpu.memory_space<hbm>> -> memref<128x256xf32, #tpu.memory_space<hbm>>
    %dma_start3A_269 = arith.constant 0 : i32
    %dma_start3A_270 = arith.constant 0 : i32
    %dma_start3A_271 = tpu.memref_slice %arg3[%add3A_261, %dma_start3A_269, %dma_start3A_270] : memref<512x512x256xf32, #tpu.memory_space<hbm>> -> memref<1x128x256xf32, #tpu.memory_space<hbm>>
    %dma_start3A_272 = tpu.memref_squeeze %dma_start3A_271 : memref<1x128x256xf32, #tpu.memory_space<hbm>> -> memref<128x256xf32, #tpu.memory_space<hbm>>
    %dma_start3A_273 = arith.constant 120 : i32
    %dma_start3A_274 = arith.constant 0 : i32
    %dma_start3A_275 = tpu.memref_slice %arg5[%dma_start3A_273, %dma_start3A_274] : memref<256x256xf32, #tpu.memory_space<vmem>> -> memref<128x256xf32, #tpu.memory_space<vmem>>
    tpu.enqueue_dma source(%dma_start3A_275 : memref<128x256xf32, #tpu.memory_space<vmem>>) target(%dma_start3A_272 : memref<128x256xf32, #tpu.memory_space<hbm>>) target_semaphore(%arg7 : memref<!tpu.dma_semaphore, #tpu.memory_space<semaphore_mem>>)
    %add3A_276 = arith.constant 8 : i32
    %add3A_277 = arith.addi %add3A_33, %add3A_276 : i32
    %dma_start3A_278 = arith.constant 112 : i32
    %dma_start3A_279 = arith.constant 0 : i32
    %dma_start3A_280 = tpu.memref_slice %arg5[%dma_start3A_278, %dma_start3A_279] : memref<256x256xf32, #tpu.memory_space<vmem>> -> memref<128x256xf32, #tpu.memory_space<vmem>>
    %dma_start3A_281 = arith.constant 0 : i32
    %dma_start3A_282 = arith.constant 0 : i32
    %dma_start3A_283 = tpu.memref_slice %arg3[%add3A_277, %dma_start3A_281, %dma_start3A_282] : memref<512x512x256xf32, #tpu.memory_space<hbm>> -> memref<1x128x256xf32, #tpu.memory_space<hbm>>
    %dma_start3A_284 = tpu.memref_squeeze %dma_start3A_283 : memref<1x128x256xf32, #tpu.memory_space<hbm>> -> memref<128x256xf32, #tpu.memory_space<hbm>>
    %dma_start3A_285 = arith.constant 0 : i32
    %dma_start3A_286 = arith.constant 0 : i32
    %dma_start3A_287 = tpu.memref_slice %arg3[%add3A_277, %dma_start3A_285, %dma_start3A_286] : memref<512x512x256xf32, #tpu.memory_space<hbm>> -> memref<1x128x256xf32, #tpu.memory_space<hbm>>
    %dma_start3A_288 = tpu.memref_squeeze %dma_start3A_287 : memref<1x128x256xf32, #tpu.memory_space<hbm>> -> memref<128x256xf32, #tpu.memory_space<hbm>>
    %dma_start3A_289 = arith.constant 112 : i32
    %dma_start3A_290 = arith.constant 0 : i32
    %dma_start3A_291 = tpu.memref_slice %arg5[%dma_start3A_289, %dma_start3A_290] : memref<256x256xf32, #tpu.memory_space<vmem>> -> memref<128x256xf32, #tpu.memory_space<vmem>>
    tpu.enqueue_dma source(%dma_start3A_291 : memref<128x256xf32, #tpu.memory_space<vmem>>) target(%dma_start3A_288 : memref<128x256xf32, #tpu.memory_space<hbm>>) target_semaphore(%arg7 : memref<!tpu.dma_semaphore, #tpu.memory_space<semaphore_mem>>)
    %add3A_292 = arith.constant 16 : i32
    %add3A_293 = arith.addi %add3A_33, %add3A_292 : i32
    %dma_start3A_294 = arith.constant 104 : i32
    %dma_start3A_295 = arith.constant 0 : i32
    %dma_start3A_296 = tpu.memref_slice %arg5[%dma_start3A_294, %dma_start3A_295] : memref<256x256xf32, #tpu.memory_space<vmem>> -> memref<128x256xf32, #tpu.memory_space<vmem>>
    %dma_start3A_297 = arith.constant 0 : i32
    %dma_start3A_298 = arith.constant 0 : i32
    %dma_start3A_299 = tpu.memref_slice %arg3[%add3A_293, %dma_start3A_297, %dma_start3A_298] : memref<512x512x256xf32, #tpu.memory_space<hbm>> -> memref<1x128x256xf32, #tpu.memory_space<hbm>>
    %dma_start3A_300 = tpu.memref_squeeze %dma_start3A_299 : memref<1x128x256xf32, #tpu.memory_space<hbm>> -> memref<128x256xf32, #tpu.memory_space<hbm>>
    %dma_start3A_301 = arith.constant 0 : i32
    %dma_start3A_302 = arith.constant 0 : i32
    %dma_start3A_303 = tpu.memref_slice %arg3[%add3A_293, %dma_start3A_301, %dma_start3A_302] : memref<512x512x256xf32, #tpu.memory_space<hbm>> -> memref<1x128x256xf32, #tpu.memory_space<hbm>>
    %dma_start3A_304 = tpu.memref_squeeze %dma_start3A_303 : memref<1x128x256xf32, #tpu.memory_space<hbm>> -> memref<128x256xf32, #tpu.memory_space<hbm>>
    %dma_start3A_305 = arith.constant 104 : i32
    %dma_start3A_306 = arith.constant 0 : i32
    %dma_start3A_307 = tpu.memref_slice %arg5[%dma_start3A_305, %dma_start3A_306] : memref<256x256xf32, #tpu.memory_space<vmem>> -> memref<128x256xf32, #tpu.memory_space<vmem>>
    tpu.enqueue_dma source(%dma_start3A_307 : memref<128x256xf32, #tpu.memory_space<vmem>>) target(%dma_start3A_304 : memref<128x256xf32, #tpu.memory_space<hbm>>) target_semaphore(%arg7 : memref<!tpu.dma_semaphore, #tpu.memory_space<semaphore_mem>>)
    %add3A_308 = arith.constant 24 : i32
    %add3A_309 = arith.addi %add3A_33, %add3A_308 : i32
    %dma_start3A_310 = arith.constant 96 : i32
    %dma_start3A_311 = arith.constant 0 : i32
    %dma_start3A_312 = tpu.memref_slice %arg5[%dma_start3A_310, %dma_start3A_311] : memref<256x256xf32, #tpu.memory_space<vmem>> -> memref<128x256xf32, #tpu.memory_space<vmem>>
    %dma_start3A_313 = arith.constant 0 : i32
    %dma_start3A_314 = arith.constant 0 : i32
    %dma_start3A_315 = tpu.memref_slice %arg3[%add3A_309, %dma_start3A_313, %dma_start3A_314] : memref<512x512x256xf32, #tpu.memory_space<hbm>> -> memref<1x128x256xf32, #tpu.memory_space<hbm>>
    %dma_start3A_316 = tpu.memref_squeeze %dma_start3A_315 : memref<1x128x256xf32, #tpu.memory_space<hbm>> -> memref<128x256xf32, #tpu.memory_space<hbm>>
    %dma_start3A_317 = arith.constant 0 : i32
    %dma_start3A_318 = arith.constant 0 : i32
    %dma_start3A_319 = tpu.memref_slice %arg3[%add3A_309, %dma_start3A_317, %dma_start3A_318] : memref<512x512x256xf32, #tpu.memory_space<hbm>> -> memref<1x128x256xf32, #tpu.memory_space<hbm>>
    %dma_start3A_320 = tpu.memref_squeeze %dma_start3A_319 : memref<1x128x256xf32, #tpu.memory_space<hbm>> -> memref<128x256xf32, #tpu.memory_space<hbm>>
    %dma_start3A_321 = arith.constant 96 : i32
    %dma_start3A_322 = arith.constant 0 : i32
    %dma_start3A_323 = tpu.memref_slice %arg5[%dma_start3A_321, %dma_start3A_322] : memref<256x256xf32, #tpu.memory_space<vmem>> -> memref<128x256xf32, #tpu.memory_space<vmem>>
    tpu.enqueue_dma source(%dma_start3A_323 : memref<128x256xf32, #tpu.memory_space<vmem>>) target(%dma_start3A_320 : memref<128x256xf32, #tpu.memory_space<hbm>>) target_semaphore(%arg7 : memref<!tpu.dma_semaphore, #tpu.memory_space<semaphore_mem>>)
    %add3A_324 = arith.constant 32 : i32
    %add3A_325 = arith.addi %add3A_33, %add3A_324 : i32
    %dma_start3A_326 = arith.constant 88 : i32
    %dma_start3A_327 = arith.constant 0 : i32
    %dma_start3A_328 = tpu.memref_slice %arg5[%dma_start3A_326, %dma_start3A_327] : memref<256x256xf32, #tpu.memory_space<vmem>> -> memref<128x256xf32, #tpu.memory_space<vmem>>
    %dma_start3A_329 = arith.constant 0 : i32
    %dma_start3A_330 = arith.constant 0 : i32
    %dma_start3A_331 = tpu.memref_slice %arg3[%add3A_325, %dma_start3A_329, %dma_start3A_330] : memref<512x512x256xf32, #tpu.memory_space<hbm>> -> memref<1x128x256xf32, #tpu.memory_space<hbm>>
    %dma_start3A_332 = tpu.memref_squeeze %dma_start3A_331 : memref<1x128x256xf32, #tpu.memory_space<hbm>> -> memref<128x256xf32, #tpu.memory_space<hbm>>
    %dma_start3A_333 = arith.constant 0 : i32
    %dma_start3A_334 = arith.constant 0 : i32
    %dma_start3A_335 = tpu.memref_slice %arg3[%add3A_325, %dma_start3A_333, %dma_start3A_334] : memref<512x512x256xf32, #tpu.memory_space<hbm>> -> memref<1x128x256xf32, #tpu.memory_space<hbm>>
    %dma_start3A_336 = tpu.memref_squeeze %dma_start3A_335 : memref<1x128x256xf32, #tpu.memory_space<hbm>> -> memref<128x256xf32, #tpu.memory_space<hbm>>
    %dma_start3A_337 = arith.constant 88 : i32
    %dma_start3A_338 = arith.constant 0 : i32
    %dma_start3A_339 = tpu.memref_slice %arg5[%dma_start3A_337, %dma_start3A_338] : memref<256x256xf32, #tpu.memory_space<vmem>> -> memref<128x256xf32, #tpu.memory_space<vmem>>
    tpu.enqueue_dma source(%dma_start3A_339 : memref<128x256xf32, #tpu.memory_space<vmem>>) target(%dma_start3A_336 : memref<128x256xf32, #tpu.memory_space<hbm>>) target_semaphore(%arg7 : memref<!tpu.dma_semaphore, #tpu.memory_space<semaphore_mem>>)
    %add3A_340 = arith.constant 40 : i32
    %add3A_341 = arith.addi %add3A_33, %add3A_340 : i32
    %dma_start3A_342 = arith.constant 80 : i32
    %dma_start3A_343 = arith.constant 0 : i32
    %dma_start3A_344 = tpu.memref_slice %arg5[%dma_start3A_342, %dma_start3A_343] : memref<256x256xf32, #tpu.memory_space<vmem>> -> memref<128x256xf32, #tpu.memory_space<vmem>>
    %dma_start3A_345 = arith.constant 0 : i32
    %dma_start3A_346 = arith.constant 0 : i32
    %dma_start3A_347 = tpu.memref_slice %arg3[%add3A_341, %dma_start3A_345, %dma_start3A_346] : memref<512x512x256xf32, #tpu.memory_space<hbm>> -> memref<1x128x256xf32, #tpu.memory_space<hbm>>
    %dma_start3A_348 = tpu.memref_squeeze %dma_start3A_347 : memref<1x128x256xf32, #tpu.memory_space<hbm>> -> memref<128x256xf32, #tpu.memory_space<hbm>>
    %dma_start3A_349 = arith.constant 0 : i32
    %dma_start3A_350 = arith.constant 0 : i32
    %dma_start3A_351 = tpu.memref_slice %arg3[%add3A_341, %dma_start3A_349, %dma_start3A_350] : memref<512x512x256xf32, #tpu.memory_space<hbm>> -> memref<1x128x256xf32, #tpu.memory_space<hbm>>
    %dma_start3A_352 = tpu.memref_squeeze %dma_start3A_351 : memref<1x128x256xf32, #tpu.memory_space<hbm>> -> memref<128x256xf32, #tpu.memory_space<hbm>>
    %dma_start3A_353 = arith.constant 80 : i32
    %dma_start3A_354 = arith.constant 0 : i32
    %dma_start3A_355 = tpu.memref_slice %arg5[%dma_start3A_353, %dma_start3A_354] : memref<256x256xf32, #tpu.memory_space<vmem>> -> memref<128x256xf32, #tpu.memory_space<vmem>>
    tpu.enqueue_dma source(%dma_start3A_355 : memref<128x256xf32, #tpu.memory_space<vmem>>) target(%dma_start3A_352 : memref<128x256xf32, #tpu.memory_space<hbm>>) target_semaphore(%arg7 : memref<!tpu.dma_semaphore, #tpu.memory_space<semaphore_mem>>)
    %add3A_356 = arith.constant 48 : i32
    %add3A_357 = arith.addi %add3A_33, %add3A_356 : i32
    %dma_start3A_358 = arith.constant 72 : i32
    %dma_start3A_359 = arith.constant 0 : i32
    %dma_start3A_360 = tpu.memref_slice %arg5[%dma_start3A_358, %dma_start3A_359] : memref<256x256xf32, #tpu.memory_space<vmem>> -> memref<128x256xf32, #tpu.memory_space<vmem>>
    %dma_start3A_361 = arith.constant 0 : i32
    %dma_start3A_362 = arith.constant 0 : i32
    %dma_start3A_363 = tpu.memref_slice %arg3[%add3A_357, %dma_start3A_361, %dma_start3A_362] : memref<512x512x256xf32, #tpu.memory_space<hbm>> -> memref<1x128x256xf32, #tpu.memory_space<hbm>>
    %dma_start3A_364 = tpu.memref_squeeze %dma_start3A_363 : memref<1x128x256xf32, #tpu.memory_space<hbm>> -> memref<128x256xf32, #tpu.memory_space<hbm>>
    %dma_start3A_365 = arith.constant 0 : i32
    %dma_start3A_366 = arith.constant 0 : i32
    %dma_start3A_367 = tpu.memref_slice %arg3[%add3A_357, %dma_start3A_365, %dma_start3A_366] : memref<512x512x256xf32, #tpu.memory_space<hbm>> -> memref<1x128x256xf32, #tpu.memory_space<hbm>>
    %dma_start3A_368 = tpu.memref_squeeze %dma_start3A_367 : memref<1x128x256xf32, #tpu.memory_space<hbm>> -> memref<128x256xf32, #tpu.memory_space<hbm>>
    %dma_start3A_369 = arith.constant 72 : i32
    %dma_start3A_370 = arith.constant 0 : i32
    %dma_start3A_371 = tpu.memref_slice %arg5[%dma_start3A_369, %dma_start3A_370] : memref<256x256xf32, #tpu.memory_space<vmem>> -> memref<128x256xf32, #tpu.memory_space<vmem>>
    tpu.enqueue_dma source(%dma_start3A_371 : memref<128x256xf32, #tpu.memory_space<vmem>>) target(%dma_start3A_368 : memref<128x256xf32, #tpu.memory_space<hbm>>) target_semaphore(%arg7 : memref<!tpu.dma_semaphore, #tpu.memory_space<semaphore_mem>>)
    %add3A_372 = arith.constant 56 : i32
    %add3A_373 = arith.addi %add3A_33, %add3A_372 : i32
    %dma_start3A_374 = arith.constant 64 : i32
    %dma_start3A_375 = arith.constant 0 : i32
    %dma_start3A_376 = tpu.memref_slice %arg5[%dma_start3A_374, %dma_start3A_375] : memref<256x256xf32, #tpu.memory_space<vmem>> -> memref<128x256xf32, #tpu.memory_space<vmem>>
    %dma_start3A_377 = arith.constant 0 : i32
    %dma_start3A_378 = arith.constant 0 : i32
    %dma_start3A_379 = tpu.memref_slice %arg3[%add3A_373, %dma_start3A_377, %dma_start3A_378] : memref<512x512x256xf32, #tpu.memory_space<hbm>> -> memref<1x128x256xf32, #tpu.memory_space<hbm>>
    %dma_start3A_380 = tpu.memref_squeeze %dma_start3A_379 : memref<1x128x256xf32, #tpu.memory_space<hbm>> -> memref<128x256xf32, #tpu.memory_space<hbm>>
    %dma_start3A_381 = arith.constant 0 : i32
    %dma_start3A_382 = arith.constant 0 : i32
    %dma_start3A_383 = tpu.memref_slice %arg3[%add3A_373, %dma_start3A_381, %dma_start3A_382] : memref<512x512x256xf32, #tpu.memory_space<hbm>> -> memref<1x128x256xf32, #tpu.memory_space<hbm>>
    %dma_start3A_384 = tpu.memref_squeeze %dma_start3A_383 : memref<1x128x256xf32, #tpu.memory_space<hbm>> -> memref<128x256xf32, #tpu.memory_space<hbm>>
    %dma_start3A_385 = arith.constant 64 : i32
    %dma_start3A_386 = arith.constant 0 : i32
    %dma_start3A_387 = tpu.memref_slice %arg5[%dma_start3A_385, %dma_start3A_386] : memref<256x256xf32, #tpu.memory_space<vmem>> -> memref<128x256xf32, #tpu.memory_space<vmem>>
    tpu.enqueue_dma source(%dma_start3A_387 : memref<128x256xf32, #tpu.memory_space<vmem>>) target(%dma_start3A_384 : memref<128x256xf32, #tpu.memory_space<hbm>>) target_semaphore(%arg7 : memref<!tpu.dma_semaphore, #tpu.memory_space<semaphore_mem>>)
    %add3A_388 = arith.constant 64 : i32
    %add3A_389 = arith.addi %add3A_33, %add3A_388 : i32
    %dma_start3A_390 = arith.constant 56 : i32
    %dma_start3A_391 = arith.constant 0 : i32
    %dma_start3A_392 = tpu.memref_slice %arg5[%dma_start3A_390, %dma_start3A_391] : memref<256x256xf32, #tpu.memory_space<vmem>> -> memref<128x256xf32, #tpu.memory_space<vmem>>
    %dma_start3A_393 = arith.constant 0 : i32
    %dma_start3A_394 = arith.constant 0 : i32
    %dma_start3A_395 = tpu.memref_slice %arg3[%add3A_389, %dma_start3A_393, %dma_start3A_394] : memref<512x512x256xf32, #tpu.memory_space<hbm>> -> memref<1x128x256xf32, #tpu.memory_space<hbm>>
    %dma_start3A_396 = tpu.memref_squeeze %dma_start3A_395 : memref<1x128x256xf32, #tpu.memory_space<hbm>> -> memref<128x256xf32, #tpu.memory_space<hbm>>
    %dma_start3A_397 = arith.constant 0 : i32
    %dma_start3A_398 = arith.constant 0 : i32
    %dma_start3A_399 = tpu.memref_slice %arg3[%add3A_389, %dma_start3A_397, %dma_start3A_398] : memref<512x512x256xf32, #tpu.memory_space<hbm>> -> memref<1x128x256xf32, #tpu.memory_space<hbm>>
    %dma_start3A_400 = tpu.memref_squeeze %dma_start3A_399 : memref<1x128x256xf32, #tpu.memory_space<hbm>> -> memref<128x256xf32, #tpu.memory_space<hbm>>
    %dma_start3A_401 = arith.constant 56 : i32
    %dma_start3A_402 = arith.constant 0 : i32
    %dma_start3A_403 = tpu.memref_slice %arg5[%dma_start3A_401, %dma_start3A_402] : memref<256x256xf32, #tpu.memory_space<vmem>> -> memref<128x256xf32, #tpu.memory_space<vmem>>
    tpu.enqueue_dma source(%dma_start3A_403 : memref<128x256xf32, #tpu.memory_space<vmem>>) target(%dma_start3A_400 : memref<128x256xf32, #tpu.memory_space<hbm>>) target_semaphore(%arg7 : memref<!tpu.dma_semaphore, #tpu.memory_space<semaphore_mem>>)
    %add3A_404 = arith.constant 72 : i32
    %add3A_405 = arith.addi %add3A_33, %add3A_404 : i32
    %dma_start3A_406 = arith.constant 48 : i32
    %dma_start3A_407 = arith.constant 0 : i32
    %dma_start3A_408 = tpu.memref_slice %arg5[%dma_start3A_406, %dma_start3A_407] : memref<256x256xf32, #tpu.memory_space<vmem>> -> memref<128x256xf32, #tpu.memory_space<vmem>>
    %dma_start3A_409 = arith.constant 0 : i32
    %dma_start3A_410 = arith.constant 0 : i32
    %dma_start3A_411 = tpu.memref_slice %arg3[%add3A_405, %dma_start3A_409, %dma_start3A_410] : memref<512x512x256xf32, #tpu.memory_space<hbm>> -> memref<1x128x256xf32, #tpu.memory_space<hbm>>
    %dma_start3A_412 = tpu.memref_squeeze %dma_start3A_411 : memref<1x128x256xf32, #tpu.memory_space<hbm>> -> memref<128x256xf32, #tpu.memory_space<hbm>>
    %dma_start3A_413 = arith.constant 0 : i32
    %dma_start3A_414 = arith.constant 0 : i32
    %dma_start3A_415 = tpu.memref_slice %arg3[%add3A_405, %dma_start3A_413, %dma_start3A_414] : memref<512x512x256xf32, #tpu.memory_space<hbm>> -> memref<1x128x256xf32, #tpu.memory_space<hbm>>
    %dma_start3A_416 = tpu.memref_squeeze %dma_start3A_415 : memref<1x128x256xf32, #tpu.memory_space<hbm>> -> memref<128x256xf32, #tpu.memory_space<hbm>>
    %dma_start3A_417 = arith.constant 48 : i32
    %dma_start3A_418 = arith.constant 0 : i32
    %dma_start3A_419 = tpu.memref_slice %arg5[%dma_start3A_417, %dma_start3A_418] : memref<256x256xf32, #tpu.memory_space<vmem>> -> memref<128x256xf32, #tpu.memory_space<vmem>>
    tpu.enqueue_dma source(%dma_start3A_419 : memref<128x256xf32, #tpu.memory_space<vmem>>) target(%dma_start3A_416 : memref<128x256xf32, #tpu.memory_space<hbm>>) target_semaphore(%arg7 : memref<!tpu.dma_semaphore, #tpu.memory_space<semaphore_mem>>)
    %add3A_420 = arith.constant 80 : i32
    %add3A_421 = arith.addi %add3A_33, %add3A_420 : i32
    %dma_start3A_422 = arith.constant 40 : i32
    %dma_start3A_423 = arith.constant 0 : i32
    %dma_start3A_424 = tpu.memref_slice %arg5[%dma_start3A_422, %dma_start3A_423] : memref<256x256xf32, #tpu.memory_space<vmem>> -> memref<128x256xf32, #tpu.memory_space<vmem>>
    %dma_start3A_425 = arith.constant 0 : i32
    %dma_start3A_426 = arith.constant 0 : i32
    %dma_start3A_427 = tpu.memref_slice %arg3[%add3A_421, %dma_start3A_425, %dma_start3A_426] : memref<512x512x256xf32, #tpu.memory_space<hbm>> -> memref<1x128x256xf32, #tpu.memory_space<hbm>>
    %dma_start3A_428 = tpu.memref_squeeze %dma_start3A_427 : memref<1x128x256xf32, #tpu.memory_space<hbm>> -> memref<128x256xf32, #tpu.memory_space<hbm>>
    %dma_start3A_429 = arith.constant 0 : i32
    %dma_start3A_430 = arith.constant 0 : i32
    %dma_start3A_431 = tpu.memref_slice %arg3[%add3A_421, %dma_start3A_429, %dma_start3A_430] : memref<512x512x256xf32, #tpu.memory_space<hbm>> -> memref<1x128x256xf32, #tpu.memory_space<hbm>>
    %dma_start3A_432 = tpu.memref_squeeze %dma_start3A_431 : memref<1x128x256xf32, #tpu.memory_space<hbm>> -> memref<128x256xf32, #tpu.memory_space<hbm>>
    %dma_start3A_433 = arith.constant 40 : i32
    %dma_start3A_434 = arith.constant 0 : i32
    %dma_start3A_435 = tpu.memref_slice %arg5[%dma_start3A_433, %dma_start3A_434] : memref<256x256xf32, #tpu.memory_space<vmem>> -> memref<128x256xf32, #tpu.memory_space<vmem>>
    tpu.enqueue_dma source(%dma_start3A_435 : memref<128x256xf32, #tpu.memory_space<vmem>>) target(%dma_start3A_432 : memref<128x256xf32, #tpu.memory_space<hbm>>) target_semaphore(%arg7 : memref<!tpu.dma_semaphore, #tpu.memory_space<semaphore_mem>>)
    %add3A_436 = arith.constant 88 : i32
    %add3A_437 = arith.addi %add3A_33, %add3A_436 : i32
    %dma_start3A_438 = arith.constant 32 : i32
    %dma_start3A_439 = arith.constant 0 : i32
    %dma_start3A_440 = tpu.memref_slice %arg5[%dma_start3A_438, %dma_start3A_439] : memref<256x256xf32, #tpu.memory_space<vmem>> -> memref<128x256xf32, #tpu.memory_space<vmem>>
    %dma_start3A_441 = arith.constant 0 : i32
    %dma_start3A_442 = arith.constant 0 : i32
    %dma_start3A_443 = tpu.memref_slice %arg3[%add3A_437, %dma_start3A_441, %dma_start3A_442] : memref<512x512x256xf32, #tpu.memory_space<hbm>> -> memref<1x128x256xf32, #tpu.memory_space<hbm>>
    %dma_start3A_444 = tpu.memref_squeeze %dma_start3A_443 : memref<1x128x256xf32, #tpu.memory_space<hbm>> -> memref<128x256xf32, #tpu.memory_space<hbm>>
    %dma_start3A_445 = arith.constant 0 : i32
    %dma_start3A_446 = arith.constant 0 : i32
    %dma_start3A_447 = tpu.memref_slice %arg3[%add3A_437, %dma_start3A_445, %dma_start3A_446] : memref<512x512x256xf32, #tpu.memory_space<hbm>> -> memref<1x128x256xf32, #tpu.memory_space<hbm>>
    %dma_start3A_448 = tpu.memref_squeeze %dma_start3A_447 : memref<1x128x256xf32, #tpu.memory_space<hbm>> -> memref<128x256xf32, #tpu.memory_space<hbm>>
    %dma_start3A_449 = arith.constant 32 : i32
    %dma_start3A_450 = arith.constant 0 : i32
    %dma_start3A_451 = tpu.memref_slice %arg5[%dma_start3A_449, %dma_start3A_450] : memref<256x256xf32, #tpu.memory_space<vmem>> -> memref<128x256xf32, #tpu.memory_space<vmem>>
    tpu.enqueue_dma source(%dma_start3A_451 : memref<128x256xf32, #tpu.memory_space<vmem>>) target(%dma_start3A_448 : memref<128x256xf32, #tpu.memory_space<hbm>>) target_semaphore(%arg7 : memref<!tpu.dma_semaphore, #tpu.memory_space<semaphore_mem>>)
    %add3A_452 = arith.constant 96 : i32
    %add3A_453 = arith.addi %add3A_33, %add3A_452 : i32
    %dma_start3A_454 = arith.constant 24 : i32
    %dma_start3A_455 = arith.constant 0 : i32
    %dma_start3A_456 = tpu.memref_slice %arg5[%dma_start3A_454, %dma_start3A_455] : memref<256x256xf32, #tpu.memory_space<vmem>> -> memref<128x256xf32, #tpu.memory_space<vmem>>
    %dma_start3A_457 = arith.constant 0 : i32
    %dma_start3A_458 = arith.constant 0 : i32
    %dma_start3A_459 = tpu.memref_slice %arg3[%add3A_453, %dma_start3A_457, %dma_start3A_458] : memref<512x512x256xf32, #tpu.memory_space<hbm>> -> memref<1x128x256xf32, #tpu.memory_space<hbm>>
    %dma_start3A_460 = tpu.memref_squeeze %dma_start3A_459 : memref<1x128x256xf32, #tpu.memory_space<hbm>> -> memref<128x256xf32, #tpu.memory_space<hbm>>
    %dma_start3A_461 = arith.constant 0 : i32
    %dma_start3A_462 = arith.constant 0 : i32
    %dma_start3A_463 = tpu.memref_slice %arg3[%add3A_453, %dma_start3A_461, %dma_start3A_462] : memref<512x512x256xf32, #tpu.memory_space<hbm>> -> memref<1x128x256xf32, #tpu.memory_space<hbm>>
    %dma_start3A_464 = tpu.memref_squeeze %dma_start3A_463 : memref<1x128x256xf32, #tpu.memory_space<hbm>> -> memref<128x256xf32, #tpu.memory_space<hbm>>
    %dma_start3A_465 = arith.constant 24 : i32
    %dma_start3A_466 = arith.constant 0 : i32
    %dma_start3A_467 = tpu.memref_slice %arg5[%dma_start3A_465, %dma_start3A_466] : memref<256x256xf32, #tpu.memory_space<vmem>> -> memref<128x256xf32, #tpu.memory_space<vmem>>
    tpu.enqueue_dma source(%dma_start3A_467 : memref<128x256xf32, #tpu.memory_space<vmem>>) target(%dma_start3A_464 : memref<128x256xf32, #tpu.memory_space<hbm>>) target_semaphore(%arg7 : memref<!tpu.dma_semaphore, #tpu.memory_space<semaphore_mem>>)
    %add3A_468 = arith.constant 104 : i32
    %add3A_469 = arith.addi %add3A_33, %add3A_468 : i32
    %dma_start3A_470 = arith.constant 16 : i32
    %dma_start3A_471 = arith.constant 0 : i32
    %dma_start3A_472 = tpu.memref_slice %arg5[%dma_start3A_470, %dma_start3A_471] : memref<256x256xf32, #tpu.memory_space<vmem>> -> memref<128x256xf32, #tpu.memory_space<vmem>>
    %dma_start3A_473 = arith.constant 0 : i32
    %dma_start3A_474 = arith.constant 0 : i32
    %dma_start3A_475 = tpu.memref_slice %arg3[%add3A_469, %dma_start3A_473, %dma_start3A_474] : memref<512x512x256xf32, #tpu.memory_space<hbm>> -> memref<1x128x256xf32, #tpu.memory_space<hbm>>
    %dma_start3A_476 = tpu.memref_squeeze %dma_start3A_475 : memref<1x128x256xf32, #tpu.memory_space<hbm>> -> memref<128x256xf32, #tpu.memory_space<hbm>>
    %dma_start3A_477 = arith.constant 0 : i32
    %dma_start3A_478 = arith.constant 0 : i32
    %dma_start3A_479 = tpu.memref_slice %arg3[%add3A_469, %dma_start3A_477, %dma_start3A_478] : memref<512x512x256xf32, #tpu.memory_space<hbm>> -> memref<1x128x256xf32, #tpu.memory_space<hbm>>
    %dma_start3A_480 = tpu.memref_squeeze %dma_start3A_479 : memref<1x128x256xf32, #tpu.memory_space<hbm>> -> memref<128x256xf32, #tpu.memory_space<hbm>>
    %dma_start3A_481 = arith.constant 16 : i32
    %dma_start3A_482 = arith.constant 0 : i32
    %dma_start3A_483 = tpu.memref_slice %arg5[%dma_start3A_481, %dma_start3A_482] : memref<256x256xf32, #tpu.memory_space<vmem>> -> memref<128x256xf32, #tpu.memory_space<vmem>>
    tpu.enqueue_dma source(%dma_start3A_483 : memref<128x256xf32, #tpu.memory_space<vmem>>) target(%dma_start3A_480 : memref<128x256xf32, #tpu.memory_space<hbm>>) target_semaphore(%arg7 : memref<!tpu.dma_semaphore, #tpu.memory_space<semaphore_mem>>)
    %add3A_484 = arith.constant 112 : i32
    %add3A_485 = arith.addi %add3A_33, %add3A_484 : i32
    %dma_start3A_486 = arith.constant 8 : i32
    %dma_start3A_487 = arith.constant 0 : i32
    %dma_start3A_488 = tpu.memref_slice %arg5[%dma_start3A_486, %dma_start3A_487] : memref<256x256xf32, #tpu.memory_space<vmem>> -> memref<128x256xf32, #tpu.memory_space<vmem>>
    %dma_start3A_489 = arith.constant 0 : i32
    %dma_start3A_490 = arith.constant 0 : i32
    %dma_start3A_491 = tpu.memref_slice %arg3[%add3A_485, %dma_start3A_489, %dma_start3A_490] : memref<512x512x256xf32, #tpu.memory_space<hbm>> -> memref<1x128x256xf32, #tpu.memory_space<hbm>>
    %dma_start3A_492 = tpu.memref_squeeze %dma_start3A_491 : memref<1x128x256xf32, #tpu.memory_space<hbm>> -> memref<128x256xf32, #tpu.memory_space<hbm>>
    %dma_start3A_493 = arith.constant 0 : i32
    %dma_start3A_494 = arith.constant 0 : i32
    %dma_start3A_495 = tpu.memref_slice %arg3[%add3A_485, %dma_start3A_493, %dma_start3A_494] : memref<512x512x256xf32, #tpu.memory_space<hbm>> -> memref<1x128x256xf32, #tpu.memory_space<hbm>>
    %dma_start3A_496 = tpu.memref_squeeze %dma_start3A_495 : memref<1x128x256xf32, #tpu.memory_space<hbm>> -> memref<128x256xf32, #tpu.memory_space<hbm>>
    %dma_start3A_497 = arith.constant 8 : i32
    %dma_start3A_498 = arith.constant 0 : i32
    %dma_start3A_499 = tpu.memref_slice %arg5[%dma_start3A_497, %dma_start3A_498] : memref<256x256xf32, #tpu.memory_space<vmem>> -> memref<128x256xf32, #tpu.memory_space<vmem>>
    tpu.enqueue_dma source(%dma_start3A_499 : memref<128x256xf32, #tpu.memory_space<vmem>>) target(%dma_start3A_496 : memref<128x256xf32, #tpu.memory_space<hbm>>) target_semaphore(%arg7 : memref<!tpu.dma_semaphore, #tpu.memory_space<semaphore_mem>>)
    %add3A_500 = arith.constant 120 : i32
    %add3A_501 = arith.addi %add3A_33, %add3A_500 : i32
    %dma_start3A_502 = arith.constant 0 : i32
    %dma_start3A_503 = arith.constant 0 : i32
    %dma_start3A_504 = tpu.memref_slice %arg5[%dma_start3A_502, %dma_start3A_503] : memref<256x256xf32, #tpu.memory_space<vmem>> -> memref<128x256xf32, #tpu.memory_space<vmem>>
    %dma_start3A_505 = arith.constant 0 : i32
    %dma_start3A_506 = arith.constant 0 : i32
    %dma_start3A_507 = tpu.memref_slice %arg3[%add3A_501, %dma_start3A_505, %dma_start3A_506] : memref<512x512x256xf32, #tpu.memory_space<hbm>> -> memref<1x128x256xf32, #tpu.memory_space<hbm>>
    %dma_start3A_508 = tpu.memref_squeeze %dma_start3A_507 : memref<1x128x256xf32, #tpu.memory_space<hbm>> -> memref<128x256xf32, #tpu.memory_space<hbm>>
    %dma_start3A_509 = arith.constant 0 : i32
    %dma_start3A_510 = arith.constant 0 : i32
    %dma_start3A_511 = tpu.memref_slice %arg3[%add3A_501, %dma_start3A_509, %dma_start3A_510] : memref<512x512x256xf32, #tpu.memory_space<hbm>> -> memref<1x128x256xf32, #tpu.memory_space<hbm>>
    %dma_start3A_512 = tpu.memref_squeeze %dma_start3A_511 : memref<1x128x256xf32, #tpu.memory_space<hbm>> -> memref<128x256xf32, #tpu.memory_space<hbm>>
    %dma_start3A_513 = arith.constant 0 : i32
    %dma_start3A_514 = arith.constant 0 : i32
    %dma_start3A_515 = tpu.memref_slice %arg5[%dma_start3A_513, %dma_start3A_514] : memref<256x256xf32, #tpu.memory_space<vmem>> -> memref<128x256xf32, #tpu.memory_space<vmem>>
    tpu.enqueue_dma source(%dma_start3A_515 : memref<128x256xf32, #tpu.memory_space<vmem>>) target(%dma_start3A_512 : memref<128x256xf32, #tpu.memory_space<hbm>>) target_semaphore(%arg7 : memref<!tpu.dma_semaphore, #tpu.memory_space<semaphore_mem>>)
    %dma_wait3A_516 = arith.constant 120 : i32
    %dma_wait3A_517 = arith.constant 0 : i32
    %dma_wait3A_518 = tpu.memref_slice %arg5[%dma_wait3A_516, %dma_wait3A_517] : memref<256x256xf32, #tpu.memory_space<vmem>> -> memref<128x256xf32, #tpu.memory_space<vmem>>
    %dma_wait3A_519 = arith.constant 0 : i32
    %dma_wait3A_520 = arith.constant 0 : i32
    %dma_wait3A_521 = tpu.memref_slice %arg3[%add3A_261, %dma_wait3A_519, %dma_wait3A_520] : memref<512x512x256xf32, #tpu.memory_space<hbm>> -> memref<1x128x256xf32, #tpu.memory_space<hbm>>
    %dma_wait3A_522 = tpu.memref_squeeze %dma_wait3A_521 : memref<1x128x256xf32, #tpu.memory_space<hbm>> -> memref<128x256xf32, #tpu.memory_space<hbm>>
    %dma_wait3A_523 = arith.constant 0 : i32
    %dma_wait3A_524 = arith.constant 0 : i32
    %dma_wait3A_525 = tpu.memref_slice %arg3[%add3A_261, %dma_wait3A_523, %dma_wait3A_524] : memref<512x512x256xf32, #tpu.memory_space<hbm>> -> memref<1x128x256xf32, #tpu.memory_space<hbm>>
    %dma_wait3A_526 = tpu.memref_squeeze %dma_wait3A_525 : memref<1x128x256xf32, #tpu.memory_space<hbm>> -> memref<128x256xf32, #tpu.memory_space<hbm>>
    %dma_wait3A_527 = arith.constant 120 : i32
    %dma_wait3A_528 = arith.constant 0 : i32
    %dma_wait3A_529 = tpu.memref_slice %arg5[%dma_wait3A_527, %dma_wait3A_528] : memref<256x256xf32, #tpu.memory_space<vmem>> -> memref<128x256xf32, #tpu.memory_space<vmem>>
    tpu.wait_dma2 semaphore(%arg7 : memref<!tpu.dma_semaphore, #tpu.memory_space<semaphore_mem>>) src(%dma_wait3A_529 : memref<128x256xf32, #tpu.memory_space<vmem>>) dst(%dma_wait3A_526 : memref<128x256xf32, #tpu.memory_space<hbm>>)
    %dma_wait3A_530 = arith.constant 112 : i32
    %dma_wait3A_531 = arith.constant 0 : i32
    %dma_wait3A_532 = tpu.memref_slice %arg5[%dma_wait3A_530, %dma_wait3A_531] : memref<256x256xf32, #tpu.memory_space<vmem>> -> memref<128x256xf32, #tpu.memory_space<vmem>>
    %dma_wait3A_533 = arith.constant 0 : i32
    %dma_wait3A_534 = arith.constant 0 : i32
    %dma_wait3A_535 = tpu.memref_slice %arg3[%add3A_277, %dma_wait3A_533, %dma_wait3A_534] : memref<512x512x256xf32, #tpu.memory_space<hbm>> -> memref<1x128x256xf32, #tpu.memory_space<hbm>>
    %dma_wait3A_536 = tpu.memref_squeeze %dma_wait3A_535 : memref<1x128x256xf32, #tpu.memory_space<hbm>> -> memref<128x256xf32, #tpu.memory_space<hbm>>
    %dma_wait3A_537 = arith.constant 0 : i32
    %dma_wait3A_538 = arith.constant 0 : i32
    %dma_wait3A_539 = tpu.memref_slice %arg3[%add3A_277, %dma_wait3A_537, %dma_wait3A_538] : memref<512x512x256xf32, #tpu.memory_space<hbm>> -> memref<1x128x256xf32, #tpu.memory_space<hbm>>
    %dma_wait3A_540 = tpu.memref_squeeze %dma_wait3A_539 : memref<1x128x256xf32, #tpu.memory_space<hbm>> -> memref<128x256xf32, #tpu.memory_space<hbm>>
    %dma_wait3A_541 = arith.constant 112 : i32
    %dma_wait3A_542 = arith.constant 0 : i32
    %dma_wait3A_543 = tpu.memref_slice %arg5[%dma_wait3A_541, %dma_wait3A_542] : memref<256x256xf32, #tpu.memory_space<vmem>> -> memref<128x256xf32, #tpu.memory_space<vmem>>
    tpu.wait_dma2 semaphore(%arg7 : memref<!tpu.dma_semaphore, #tpu.memory_space<semaphore_mem>>) src(%dma_wait3A_543 : memref<128x256xf32, #tpu.memory_space<vmem>>) dst(%dma_wait3A_540 : memref<128x256xf32, #tpu.memory_space<hbm>>)
    %dma_wait3A_544 = arith.constant 104 : i32
    %dma_wait3A_545 = arith.constant 0 : i32
    %dma_wait3A_546 = tpu.memref_slice %arg5[%dma_wait3A_544, %dma_wait3A_545] : memref<256x256xf32, #tpu.memory_space<vmem>> -> memref<128x256xf32, #tpu.memory_space<vmem>>
    %dma_wait3A_547 = arith.constant 0 : i32
    %dma_wait3A_548 = arith.constant 0 : i32
    %dma_wait3A_549 = tpu.memref_slice %arg3[%add3A_293, %dma_wait3A_547, %dma_wait3A_548] : memref<512x512x256xf32, #tpu.memory_space<hbm>> -> memref<1x128x256xf32, #tpu.memory_space<hbm>>
    %dma_wait3A_550 = tpu.memref_squeeze %dma_wait3A_549 : memref<1x128x256xf32, #tpu.memory_space<hbm>> -> memref<128x256xf32, #tpu.memory_space<hbm>>
    %dma_wait3A_551 = arith.constant 0 : i32
    %dma_wait3A_552 = arith.constant 0 : i32
    %dma_wait3A_553 = tpu.memref_slice %arg3[%add3A_293, %dma_wait3A_551, %dma_wait3A_552] : memref<512x512x256xf32, #tpu.memory_space<hbm>> -> memref<1x128x256xf32, #tpu.memory_space<hbm>>
    %dma_wait3A_554 = tpu.memref_squeeze %dma_wait3A_553 : memref<1x128x256xf32, #tpu.memory_space<hbm>> -> memref<128x256xf32, #tpu.memory_space<hbm>>
    %dma_wait3A_555 = arith.constant 104 : i32
    %dma_wait3A_556 = arith.constant 0 : i32
    %dma_wait3A_557 = tpu.memref_slice %arg5[%dma_wait3A_555, %dma_wait3A_556] : memref<256x256xf32, #tpu.memory_space<vmem>> -> memref<128x256xf32, #tpu.memory_space<vmem>>
    tpu.wait_dma2 semaphore(%arg7 : memref<!tpu.dma_semaphore, #tpu.memory_space<semaphore_mem>>) src(%dma_wait3A_557 : memref<128x256xf32, #tpu.memory_space<vmem>>) dst(%dma_wait3A_554 : memref<128x256xf32, #tpu.memory_space<hbm>>)
    %dma_wait3A_558 = arith.constant 96 : i32
    %dma_wait3A_559 = arith.constant 0 : i32
    %dma_wait3A_560 = tpu.memref_slice %arg5[%dma_wait3A_558, %dma_wait3A_559] : memref<256x256xf32, #tpu.memory_space<vmem>> -> memref<128x256xf32, #tpu.memory_space<vmem>>
    %dma_wait3A_561 = arith.constant 0 : i32
    %dma_wait3A_562 = arith.constant 0 : i32
    %dma_wait3A_563 = tpu.memref_slice %arg3[%add3A_309, %dma_wait3A_561, %dma_wait3A_562] : memref<512x512x256xf32, #tpu.memory_space<hbm>> -> memref<1x128x256xf32, #tpu.memory_space<hbm>>
    %dma_wait3A_564 = tpu.memref_squeeze %dma_wait3A_563 : memref<1x128x256xf32, #tpu.memory_space<hbm>> -> memref<128x256xf32, #tpu.memory_space<hbm>>
    %dma_wait3A_565 = arith.constant 0 : i32
    %dma_wait3A_566 = arith.constant 0 : i32
    %dma_wait3A_567 = tpu.memref_slice %arg3[%add3A_309, %dma_wait3A_565, %dma_wait3A_566] : memref<512x512x256xf32, #tpu.memory_space<hbm>> -> memref<1x128x256xf32, #tpu.memory_space<hbm>>
    %dma_wait3A_568 = tpu.memref_squeeze %dma_wait3A_567 : memref<1x128x256xf32, #tpu.memory_space<hbm>> -> memref<128x256xf32, #tpu.memory_space<hbm>>
    %dma_wait3A_569 = arith.constant 96 : i32
    %dma_wait3A_570 = arith.constant 0 : i32
    %dma_wait3A_571 = tpu.memref_slice %arg5[%dma_wait3A_569, %dma_wait3A_570] : memref<256x256xf32, #tpu.memory_space<vmem>> -> memref<128x256xf32, #tpu.memory_space<vmem>>
    tpu.wait_dma2 semaphore(%arg7 : memref<!tpu.dma_semaphore, #tpu.memory_space<semaphore_mem>>) src(%dma_wait3A_571 : memref<128x256xf32, #tpu.memory_space<vmem>>) dst(%dma_wait3A_568 : memref<128x256xf32, #tpu.memory_space<hbm>>)
    %dma_wait3A_572 = arith.constant 88 : i32
    %dma_wait3A_573 = arith.constant 0 : i32
    %dma_wait3A_574 = tpu.memref_slice %arg5[%dma_wait3A_572, %dma_wait3A_573] : memref<256x256xf32, #tpu.memory_space<vmem>> -> memref<128x256xf32, #tpu.memory_space<vmem>>
    %dma_wait3A_575 = arith.constant 0 : i32
    %dma_wait3A_576 = arith.constant 0 : i32
    %dma_wait3A_577 = tpu.memref_slice %arg3[%add3A_325, %dma_wait3A_575, %dma_wait3A_576] : memref<512x512x256xf32, #tpu.memory_space<hbm>> -> memref<1x128x256xf32, #tpu.memory_space<hbm>>
    %dma_wait3A_578 = tpu.memref_squeeze %dma_wait3A_577 : memref<1x128x256xf32, #tpu.memory_space<hbm>> -> memref<128x256xf32, #tpu.memory_space<hbm>>
    %dma_wait3A_579 = arith.constant 0 : i32
    %dma_wait3A_580 = arith.constant 0 : i32
    %dma_wait3A_581 = tpu.memref_slice %arg3[%add3A_325, %dma_wait3A_579, %dma_wait3A_580] : memref<512x512x256xf32, #tpu.memory_space<hbm>> -> memref<1x128x256xf32, #tpu.memory_space<hbm>>
    %dma_wait3A_582 = tpu.memref_squeeze %dma_wait3A_581 : memref<1x128x256xf32, #tpu.memory_space<hbm>> -> memref<128x256xf32, #tpu.memory_space<hbm>>
    %dma_wait3A_583 = arith.constant 88 : i32
    %dma_wait3A_584 = arith.constant 0 : i32
    %dma_wait3A_585 = tpu.memref_slice %arg5[%dma_wait3A_583, %dma_wait3A_584] : memref<256x256xf32, #tpu.memory_space<vmem>> -> memref<128x256xf32, #tpu.memory_space<vmem>>
    tpu.wait_dma2 semaphore(%arg7 : memref<!tpu.dma_semaphore, #tpu.memory_space<semaphore_mem>>) src(%dma_wait3A_585 : memref<128x256xf32, #tpu.memory_space<vmem>>) dst(%dma_wait3A_582 : memref<128x256xf32, #tpu.memory_space<hbm>>)
    %dma_wait3A_586 = arith.constant 80 : i32
    %dma_wait3A_587 = arith.constant 0 : i32
    %dma_wait3A_588 = tpu.memref_slice %arg5[%dma_wait3A_586, %dma_wait3A_587] : memref<256x256xf32, #tpu.memory_space<vmem>> -> memref<128x256xf32, #tpu.memory_space<vmem>>
    %dma_wait3A_589 = arith.constant 0 : i32
    %dma_wait3A_590 = arith.constant 0 : i32
    %dma_wait3A_591 = tpu.memref_slice %arg3[%add3A_341, %dma_wait3A_589, %dma_wait3A_590] : memref<512x512x256xf32, #tpu.memory_space<hbm>> -> memref<1x128x256xf32, #tpu.memory_space<hbm>>
    %dma_wait3A_592 = tpu.memref_squeeze %dma_wait3A_591 : memref<1x128x256xf32, #tpu.memory_space<hbm>> -> memref<128x256xf32, #tpu.memory_space<hbm>>
    %dma_wait3A_593 = arith.constant 0 : i32
    %dma_wait3A_594 = arith.constant 0 : i32
    %dma_wait3A_595 = tpu.memref_slice %arg3[%add3A_341, %dma_wait3A_593, %dma_wait3A_594] : memref<512x512x256xf32, #tpu.memory_space<hbm>> -> memref<1x128x256xf32, #tpu.memory_space<hbm>>
    %dma_wait3A_596 = tpu.memref_squeeze %dma_wait3A_595 : memref<1x128x256xf32, #tpu.memory_space<hbm>> -> memref<128x256xf32, #tpu.memory_space<hbm>>
    %dma_wait3A_597 = arith.constant 80 : i32
    %dma_wait3A_598 = arith.constant 0 : i32
    %dma_wait3A_599 = tpu.memref_slice %arg5[%dma_wait3A_597, %dma_wait3A_598] : memref<256x256xf32, #tpu.memory_space<vmem>> -> memref<128x256xf32, #tpu.memory_space<vmem>>
    tpu.wait_dma2 semaphore(%arg7 : memref<!tpu.dma_semaphore, #tpu.memory_space<semaphore_mem>>) src(%dma_wait3A_599 : memref<128x256xf32, #tpu.memory_space<vmem>>) dst(%dma_wait3A_596 : memref<128x256xf32, #tpu.memory_space<hbm>>)
    %dma_wait3A_600 = arith.constant 72 : i32
    %dma_wait3A_601 = arith.constant 0 : i32
    %dma_wait3A_602 = tpu.memref_slice %arg5[%dma_wait3A_600, %dma_wait3A_601] : memref<256x256xf32, #tpu.memory_space<vmem>> -> memref<128x256xf32, #tpu.memory_space<vmem>>
    %dma_wait3A_603 = arith.constant 0 : i32
    %dma_wait3A_604 = arith.constant 0 : i32
    %dma_wait3A_605 = tpu.memref_slice %arg3[%add3A_357, %dma_wait3A_603, %dma_wait3A_604] : memref<512x512x256xf32, #tpu.memory_space<hbm>> -> memref<1x128x256xf32, #tpu.memory_space<hbm>>
    %dma_wait3A_606 = tpu.memref_squeeze %dma_wait3A_605 : memref<1x128x256xf32, #tpu.memory_space<hbm>> -> memref<128x256xf32, #tpu.memory_space<hbm>>
    %dma_wait3A_607 = arith.constant 0 : i32
    %dma_wait3A_608 = arith.constant 0 : i32
    %dma_wait3A_609 = tpu.memref_slice %arg3[%add3A_357, %dma_wait3A_607, %dma_wait3A_608] : memref<512x512x256xf32, #tpu.memory_space<hbm>> -> memref<1x128x256xf32, #tpu.memory_space<hbm>>
    %dma_wait3A_610 = tpu.memref_squeeze %dma_wait3A_609 : memref<1x128x256xf32, #tpu.memory_space<hbm>> -> memref<128x256xf32, #tpu.memory_space<hbm>>
    %dma_wait3A_611 = arith.constant 72 : i32
    %dma_wait3A_612 = arith.constant 0 : i32
    %dma_wait3A_613 = tpu.memref_slice %arg5[%dma_wait3A_611, %dma_wait3A_612] : memref<256x256xf32, #tpu.memory_space<vmem>> -> memref<128x256xf32, #tpu.memory_space<vmem>>
    tpu.wait_dma2 semaphore(%arg7 : memref<!tpu.dma_semaphore, #tpu.memory_space<semaphore_mem>>) src(%dma_wait3A_613 : memref<128x256xf32, #tpu.memory_space<vmem>>) dst(%dma_wait3A_610 : memref<128x256xf32, #tpu.memory_space<hbm>>)
    %dma_wait3A_614 = arith.constant 64 : i32
    %dma_wait3A_615 = arith.constant 0 : i32
    %dma_wait3A_616 = tpu.memref_slice %arg5[%dma_wait3A_614, %dma_wait3A_615] : memref<256x256xf32, #tpu.memory_space<vmem>> -> memref<128x256xf32, #tpu.memory_space<vmem>>
    %dma_wait3A_617 = arith.constant 0 : i32
    %dma_wait3A_618 = arith.constant 0 : i32
    %dma_wait3A_619 = tpu.memref_slice %arg3[%add3A_373, %dma_wait3A_617, %dma_wait3A_618] : memref<512x512x256xf32, #tpu.memory_space<hbm>> -> memref<1x128x256xf32, #tpu.memory_space<hbm>>
    %dma_wait3A_620 = tpu.memref_squeeze %dma_wait3A_619 : memref<1x128x256xf32, #tpu.memory_space<hbm>> -> memref<128x256xf32, #tpu.memory_space<hbm>>
    %dma_wait3A_621 = arith.constant 0 : i32
    %dma_wait3A_622 = arith.constant 0 : i32
    %dma_wait3A_623 = tpu.memref_slice %arg3[%add3A_373, %dma_wait3A_621, %dma_wait3A_622] : memref<512x512x256xf32, #tpu.memory_space<hbm>> -> memref<1x128x256xf32, #tpu.memory_space<hbm>>
    %dma_wait3A_624 = tpu.memref_squeeze %dma_wait3A_623 : memref<1x128x256xf32, #tpu.memory_space<hbm>> -> memref<128x256xf32, #tpu.memory_space<hbm>>
    %dma_wait3A_625 = arith.constant 64 : i32
    %dma_wait3A_626 = arith.constant 0 : i32
    %dma_wait3A_627 = tpu.memref_slice %arg5[%dma_wait3A_625, %dma_wait3A_626] : memref<256x256xf32, #tpu.memory_space<vmem>> -> memref<128x256xf32, #tpu.memory_space<vmem>>
    tpu.wait_dma2 semaphore(%arg7 : memref<!tpu.dma_semaphore, #tpu.memory_space<semaphore_mem>>) src(%dma_wait3A_627 : memref<128x256xf32, #tpu.memory_space<vmem>>) dst(%dma_wait3A_624 : memref<128x256xf32, #tpu.memory_space<hbm>>)
    %dma_wait3A_628 = arith.constant 56 : i32
    %dma_wait3A_629 = arith.constant 0 : i32
    %dma_wait3A_630 = tpu.memref_slice %arg5[%dma_wait3A_628, %dma_wait3A_629] : memref<256x256xf32, #tpu.memory_space<vmem>> -> memref<128x256xf32, #tpu.memory_space<vmem>>
    %dma_wait3A_631 = arith.constant 0 : i32
    %dma_wait3A_632 = arith.constant 0 : i32
    %dma_wait3A_633 = tpu.memref_slice %arg3[%add3A_389, %dma_wait3A_631, %dma_wait3A_632] : memref<512x512x256xf32, #tpu.memory_space<hbm>> -> memref<1x128x256xf32, #tpu.memory_space<hbm>>
    %dma_wait3A_634 = tpu.memref_squeeze %dma_wait3A_633 : memref<1x128x256xf32, #tpu.memory_space<hbm>> -> memref<128x256xf32, #tpu.memory_space<hbm>>
    %dma_wait3A_635 = arith.constant 0 : i32
    %dma_wait3A_636 = arith.constant 0 : i32
    %dma_wait3A_637 = tpu.memref_slice %arg3[%add3A_389, %dma_wait3A_635, %dma_wait3A_636] : memref<512x512x256xf32, #tpu.memory_space<hbm>> -> memref<1x128x256xf32, #tpu.memory_space<hbm>>
    %dma_wait3A_638 = tpu.memref_squeeze %dma_wait3A_637 : memref<1x128x256xf32, #tpu.memory_space<hbm>> -> memref<128x256xf32, #tpu.memory_space<hbm>>
    %dma_wait3A_639 = arith.constant 56 : i32
    %dma_wait3A_640 = arith.constant 0 : i32
    %dma_wait3A_641 = tpu.memref_slice %arg5[%dma_wait3A_639, %dma_wait3A_640] : memref<256x256xf32, #tpu.memory_space<vmem>> -> memref<128x256xf32, #tpu.memory_space<vmem>>
    tpu.wait_dma2 semaphore(%arg7 : memref<!tpu.dma_semaphore, #tpu.memory_space<semaphore_mem>>) src(%dma_wait3A_641 : memref<128x256xf32, #tpu.memory_space<vmem>>) dst(%dma_wait3A_638 : memref<128x256xf32, #tpu.memory_space<hbm>>)
    %dma_wait3A_642 = arith.constant 48 : i32
    %dma_wait3A_643 = arith.constant 0 : i32
    %dma_wait3A_644 = tpu.memref_slice %arg5[%dma_wait3A_642, %dma_wait3A_643] : memref<256x256xf32, #tpu.memory_space<vmem>> -> memref<128x256xf32, #tpu.memory_space<vmem>>
    %dma_wait3A_645 = arith.constant 0 : i32
    %dma_wait3A_646 = arith.constant 0 : i32
    %dma_wait3A_647 = tpu.memref_slice %arg3[%add3A_405, %dma_wait3A_645, %dma_wait3A_646] : memref<512x512x256xf32, #tpu.memory_space<hbm>> -> memref<1x128x256xf32, #tpu.memory_space<hbm>>
    %dma_wait3A_648 = tpu.memref_squeeze %dma_wait3A_647 : memref<1x128x256xf32, #tpu.memory_space<hbm>> -> memref<128x256xf32, #tpu.memory_space<hbm>>
    %dma_wait3A_649 = arith.constant 0 : i32
    %dma_wait3A_650 = arith.constant 0 : i32
    %dma_wait3A_651 = tpu.memref_slice %arg3[%add3A_405, %dma_wait3A_649, %dma_wait3A_650] : memref<512x512x256xf32, #tpu.memory_space<hbm>> -> memref<1x128x256xf32, #tpu.memory_space<hbm>>
    %dma_wait3A_652 = tpu.memref_squeeze %dma_wait3A_651 : memref<1x128x256xf32, #tpu.memory_space<hbm>> -> memref<128x256xf32, #tpu.memory_space<hbm>>
    %dma_wait3A_653 = arith.constant 48 : i32
    %dma_wait3A_654 = arith.constant 0 : i32
    %dma_wait3A_655 = tpu.memref_slice %arg5[%dma_wait3A_653, %dma_wait3A_654] : memref<256x256xf32, #tpu.memory_space<vmem>> -> memref<128x256xf32, #tpu.memory_space<vmem>>
    tpu.wait_dma2 semaphore(%arg7 : memref<!tpu.dma_semaphore, #tpu.memory_space<semaphore_mem>>) src(%dma_wait3A_655 : memref<128x256xf32, #tpu.memory_space<vmem>>) dst(%dma_wait3A_652 : memref<128x256xf32, #tpu.memory_space<hbm>>)
    %dma_wait3A_656 = arith.constant 40 : i32
    %dma_wait3A_657 = arith.constant 0 : i32
    %dma_wait3A_658 = tpu.memref_slice %arg5[%dma_wait3A_656, %dma_wait3A_657] : memref<256x256xf32, #tpu.memory_space<vmem>> -> memref<128x256xf32, #tpu.memory_space<vmem>>
    %dma_wait3A_659 = arith.constant 0 : i32
    %dma_wait3A_660 = arith.constant 0 : i32
    %dma_wait3A_661 = tpu.memref_slice %arg3[%add3A_421, %dma_wait3A_659, %dma_wait3A_660] : memref<512x512x256xf32, #tpu.memory_space<hbm>> -> memref<1x128x256xf32, #tpu.memory_space<hbm>>
    %dma_wait3A_662 = tpu.memref_squeeze %dma_wait3A_661 : memref<1x128x256xf32, #tpu.memory_space<hbm>> -> memref<128x256xf32, #tpu.memory_space<hbm>>
    %dma_wait3A_663 = arith.constant 0 : i32
    %dma_wait3A_664 = arith.constant 0 : i32
    %dma_wait3A_665 = tpu.memref_slice %arg3[%add3A_421, %dma_wait3A_663, %dma_wait3A_664] : memref<512x512x256xf32, #tpu.memory_space<hbm>> -> memref<1x128x256xf32, #tpu.memory_space<hbm>>
    %dma_wait3A_666 = tpu.memref_squeeze %dma_wait3A_665 : memref<1x128x256xf32, #tpu.memory_space<hbm>> -> memref<128x256xf32, #tpu.memory_space<hbm>>
    %dma_wait3A_667 = arith.constant 40 : i32
    %dma_wait3A_668 = arith.constant 0 : i32
    %dma_wait3A_669 = tpu.memref_slice %arg5[%dma_wait3A_667, %dma_wait3A_668] : memref<256x256xf32, #tpu.memory_space<vmem>> -> memref<128x256xf32, #tpu.memory_space<vmem>>
    tpu.wait_dma2 semaphore(%arg7 : memref<!tpu.dma_semaphore, #tpu.memory_space<semaphore_mem>>) src(%dma_wait3A_669 : memref<128x256xf32, #tpu.memory_space<vmem>>) dst(%dma_wait3A_666 : memref<128x256xf32, #tpu.memory_space<hbm>>)
    %dma_wait3A_670 = arith.constant 32 : i32
    %dma_wait3A_671 = arith.constant 0 : i32
    %dma_wait3A_672 = tpu.memref_slice %arg5[%dma_wait3A_670, %dma_wait3A_671] : memref<256x256xf32, #tpu.memory_space<vmem>> -> memref<128x256xf32, #tpu.memory_space<vmem>>
    %dma_wait3A_673 = arith.constant 0 : i32
    %dma_wait3A_674 = arith.constant 0 : i32
    %dma_wait3A_675 = tpu.memref_slice %arg3[%add3A_437, %dma_wait3A_673, %dma_wait3A_674] : memref<512x512x256xf32, #tpu.memory_space<hbm>> -> memref<1x128x256xf32, #tpu.memory_space<hbm>>
    %dma_wait3A_676 = tpu.memref_squeeze %dma_wait3A_675 : memref<1x128x256xf32, #tpu.memory_space<hbm>> -> memref<128x256xf32, #tpu.memory_space<hbm>>
    %dma_wait3A_677 = arith.constant 0 : i32
    %dma_wait3A_678 = arith.constant 0 : i32
    %dma_wait3A_679 = tpu.memref_slice %arg3[%add3A_437, %dma_wait3A_677, %dma_wait3A_678] : memref<512x512x256xf32, #tpu.memory_space<hbm>> -> memref<1x128x256xf32, #tpu.memory_space<hbm>>
    %dma_wait3A_680 = tpu.memref_squeeze %dma_wait3A_679 : memref<1x128x256xf32, #tpu.memory_space<hbm>> -> memref<128x256xf32, #tpu.memory_space<hbm>>
    %dma_wait3A_681 = arith.constant 32 : i32
    %dma_wait3A_682 = arith.constant 0 : i32
    %dma_wait3A_683 = tpu.memref_slice %arg5[%dma_wait3A_681, %dma_wait3A_682] : memref<256x256xf32, #tpu.memory_space<vmem>> -> memref<128x256xf32, #tpu.memory_space<vmem>>
    tpu.wait_dma2 semaphore(%arg7 : memref<!tpu.dma_semaphore, #tpu.memory_space<semaphore_mem>>) src(%dma_wait3A_683 : memref<128x256xf32, #tpu.memory_space<vmem>>) dst(%dma_wait3A_680 : memref<128x256xf32, #tpu.memory_space<hbm>>)
    %dma_wait3A_684 = arith.constant 24 : i32
    %dma_wait3A_685 = arith.constant 0 : i32
    %dma_wait3A_686 = tpu.memref_slice %arg5[%dma_wait3A_684, %dma_wait3A_685] : memref<256x256xf32, #tpu.memory_space<vmem>> -> memref<128x256xf32, #tpu.memory_space<vmem>>
    %dma_wait3A_687 = arith.constant 0 : i32
    %dma_wait3A_688 = arith.constant 0 : i32
    %dma_wait3A_689 = tpu.memref_slice %arg3[%add3A_453, %dma_wait3A_687, %dma_wait3A_688] : memref<512x512x256xf32, #tpu.memory_space<hbm>> -> memref<1x128x256xf32, #tpu.memory_space<hbm>>
    %dma_wait3A_690 = tpu.memref_squeeze %dma_wait3A_689 : memref<1x128x256xf32, #tpu.memory_space<hbm>> -> memref<128x256xf32, #tpu.memory_space<hbm>>
    %dma_wait3A_691 = arith.constant 0 : i32
    %dma_wait3A_692 = arith.constant 0 : i32
    %dma_wait3A_693 = tpu.memref_slice %arg3[%add3A_453, %dma_wait3A_691, %dma_wait3A_692] : memref<512x512x256xf32, #tpu.memory_space<hbm>> -> memref<1x128x256xf32, #tpu.memory_space<hbm>>
    %dma_wait3A_694 = tpu.memref_squeeze %dma_wait3A_693 : memref<1x128x256xf32, #tpu.memory_space<hbm>> -> memref<128x256xf32, #tpu.memory_space<hbm>>
    %dma_wait3A_695 = arith.constant 24 : i32
    %dma_wait3A_696 = arith.constant 0 : i32
    %dma_wait3A_697 = tpu.memref_slice %arg5[%dma_wait3A_695, %dma_wait3A_696] : memref<256x256xf32, #tpu.memory_space<vmem>> -> memref<128x256xf32, #tpu.memory_space<vmem>>
    tpu.wait_dma2 semaphore(%arg7 : memref<!tpu.dma_semaphore, #tpu.memory_space<semaphore_mem>>) src(%dma_wait3A_697 : memref<128x256xf32, #tpu.memory_space<vmem>>) dst(%dma_wait3A_694 : memref<128x256xf32, #tpu.memory_space<hbm>>)
    %dma_wait3A_698 = arith.constant 16 : i32
    %dma_wait3A_699 = arith.constant 0 : i32
    %dma_wait3A_700 = tpu.memref_slice %arg5[%dma_wait3A_698, %dma_wait3A_699] : memref<256x256xf32, #tpu.memory_space<vmem>> -> memref<128x256xf32, #tpu.memory_space<vmem>>
    %dma_wait3A_701 = arith.constant 0 : i32
    %dma_wait3A_702 = arith.constant 0 : i32
    %dma_wait3A_703 = tpu.memref_slice %arg3[%add3A_469, %dma_wait3A_701, %dma_wait3A_702] : memref<512x512x256xf32, #tpu.memory_space<hbm>> -> memref<1x128x256xf32, #tpu.memory_space<hbm>>
    %dma_wait3A_704 = tpu.memref_squeeze %dma_wait3A_703 : memref<1x128x256xf32, #tpu.memory_space<hbm>> -> memref<128x256xf32, #tpu.memory_space<hbm>>
    %dma_wait3A_705 = arith.constant 0 : i32
    %dma_wait3A_706 = arith.constant 0 : i32
    %dma_wait3A_707 = tpu.memref_slice %arg3[%add3A_469, %dma_wait3A_705, %dma_wait3A_706] : memref<512x512x256xf32, #tpu.memory_space<hbm>> -> memref<1x128x256xf32, #tpu.memory_space<hbm>>
    %dma_wait3A_708 = tpu.memref_squeeze %dma_wait3A_707 : memref<1x128x256xf32, #tpu.memory_space<hbm>> -> memref<128x256xf32, #tpu.memory_space<hbm>>
    %dma_wait3A_709 = arith.constant 16 : i32
    %dma_wait3A_710 = arith.constant 0 : i32
    %dma_wait3A_711 = tpu.memref_slice %arg5[%dma_wait3A_709, %dma_wait3A_710] : memref<256x256xf32, #tpu.memory_space<vmem>> -> memref<128x256xf32, #tpu.memory_space<vmem>>
    tpu.wait_dma2 semaphore(%arg7 : memref<!tpu.dma_semaphore, #tpu.memory_space<semaphore_mem>>) src(%dma_wait3A_711 : memref<128x256xf32, #tpu.memory_space<vmem>>) dst(%dma_wait3A_708 : memref<128x256xf32, #tpu.memory_space<hbm>>)
    %dma_wait3A_712 = arith.constant 8 : i32
    %dma_wait3A_713 = arith.constant 0 : i32
    %dma_wait3A_714 = tpu.memref_slice %arg5[%dma_wait3A_712, %dma_wait3A_713] : memref<256x256xf32, #tpu.memory_space<vmem>> -> memref<128x256xf32, #tpu.memory_space<vmem>>
    %dma_wait3A_715 = arith.constant 0 : i32
    %dma_wait3A_716 = arith.constant 0 : i32
    %dma_wait3A_717 = tpu.memref_slice %arg3[%add3A_485, %dma_wait3A_715, %dma_wait3A_716] : memref<512x512x256xf32, #tpu.memory_space<hbm>> -> memref<1x128x256xf32, #tpu.memory_space<hbm>>
    %dma_wait3A_718 = tpu.memref_squeeze %dma_wait3A_717 : memref<1x128x256xf32, #tpu.memory_space<hbm>> -> memref<128x256xf32, #tpu.memory_space<hbm>>
    %dma_wait3A_719 = arith.constant 0 : i32
    %dma_wait3A_720 = arith.constant 0 : i32
    %dma_wait3A_721 = tpu.memref_slice %arg3[%add3A_485, %dma_wait3A_719, %dma_wait3A_720] : memref<512x512x256xf32, #tpu.memory_space<hbm>> -> memref<1x128x256xf32, #tpu.memory_space<hbm>>
    %dma_wait3A_722 = tpu.memref_squeeze %dma_wait3A_721 : memref<1x128x256xf32, #tpu.memory_space<hbm>> -> memref<128x256xf32, #tpu.memory_space<hbm>>
    %dma_wait3A_723 = arith.constant 8 : i32
    %dma_wait3A_724 = arith.constant 0 : i32
    %dma_wait3A_725 = tpu.memref_slice %arg5[%dma_wait3A_723, %dma_wait3A_724] : memref<256x256xf32, #tpu.memory_space<vmem>> -> memref<128x256xf32, #tpu.memory_space<vmem>>
    tpu.wait_dma2 semaphore(%arg7 : memref<!tpu.dma_semaphore, #tpu.memory_space<semaphore_mem>>) src(%dma_wait3A_725 : memref<128x256xf32, #tpu.memory_space<vmem>>) dst(%dma_wait3A_722 : memref<128x256xf32, #tpu.memory_space<hbm>>)
    %dma_wait3A_726 = arith.constant 0 : i32
    %dma_wait3A_727 = arith.constant 0 : i32
    %dma_wait3A_728 = tpu.memref_slice %arg5[%dma_wait3A_726, %dma_wait3A_727] : memref<256x256xf32, #tpu.memory_space<vmem>> -> memref<128x256xf32, #tpu.memory_space<vmem>>
    %dma_wait3A_729 = arith.constant 0 : i32
    %dma_wait3A_730 = arith.constant 0 : i32
    %dma_wait3A_731 = tpu.memref_slice %arg3[%add3A_501, %dma_wait3A_729, %dma_wait3A_730] : memref<512x512x256xf32, #tpu.memory_space<hbm>> -> memref<1x128x256xf32, #tpu.memory_space<hbm>>
    %dma_wait3A_732 = tpu.memref_squeeze %dma_wait3A_731 : memref<1x128x256xf32, #tpu.memory_space<hbm>> -> memref<128x256xf32, #tpu.memory_space<hbm>>
    %dma_wait3A_733 = arith.constant 0 : i32
    %dma_wait3A_734 = arith.constant 0 : i32
    %dma_wait3A_735 = tpu.memref_slice %arg3[%add3A_501, %dma_wait3A_733, %dma_wait3A_734] : memref<512x512x256xf32, #tpu.memory_space<hbm>> -> memref<1x128x256xf32, #tpu.memory_space<hbm>>
    %dma_wait3A_736 = tpu.memref_squeeze %dma_wait3A_735 : memref<1x128x256xf32, #tpu.memory_space<hbm>> -> memref<128x256xf32, #tpu.memory_space<hbm>>
    %dma_wait3A_737 = arith.constant 0 : i32
    %dma_wait3A_738 = arith.constant 0 : i32
    %dma_wait3A_739 = tpu.memref_slice %arg5[%dma_wait3A_737, %dma_wait3A_738] : memref<256x256xf32, #tpu.memory_space<vmem>> -> memref<128x256xf32, #tpu.memory_space<vmem>>
    tpu.wait_dma2 semaphore(%arg7 : memref<!tpu.dma_semaphore, #tpu.memory_space<semaphore_mem>>) src(%dma_wait3A_739 : memref<128x256xf32, #tpu.memory_space<vmem>>) dst(%dma_wait3A_736 : memref<128x256xf32, #tpu.memory_space<hbm>>)
    %add3A_740 = arith.constant 120 : i32
    %add3A_741 = arith.addi %add3A_33, %add3A_740 : i32
    %add3A_742 = arith.constant 511 : i32
    %add3A_743 = arith.addi %add3A_741, %add3A_742 : i32
    %sub3A_744 = arith.constant 128 : i32
    %sub3A_745 = arith.subi %add3A_743, %sub3A_744 : i32
    %add3A_746 = arith.constant 0 : i32
    %add3A_747 = vector.broadcast %add3A_746 : i32 to vector<16xi32>
    %add3A_748 = arith.addi %add3A_747, %iota3A : vector<16xi32>
    %sub3A_749 = vector.broadcast %sub3A_745 : i32 to vector<16xi32>
    %sub3A_750 = arith.subi %sub3A_749, %add3A_748 : vector<16xi32>
    %max3A_751 = arith.constant 0 : i32
    %max3A_752 = vector.broadcast %max3A_751 : i32 to vector<16xi32>
    %max3A_753 = arith.maxsi %sub3A_750, %max3A_752 : vector<16xi32>
    %swap3A_754 = arith.constant 0 : index
    %swap3A_755 = tpu.vector_load %arg4[%swap3A_754] {strides = array<i32>} : memref<256xi32, #tpu.memory_space<vmem>>, vector<16xi32>,
    %swap3A_756 = vector.shape_cast %swap3A_755 : vector<16xi32> to vector<16xi32>
    %swap3A_757 = vector.shape_cast %max3A_753 : vector<16xi32> to vector<16xi32>
    tpu.vector_store %arg4[%swap3A_754], %swap3A_757 {strides = array<i32>} : memref<256xi32, #tpu.memory_space<vmem>>, vector<16xi32>,
    %add3A_758 = arith.constant 16 : i32
    %add3A_759 = vector.broadcast %add3A_758 : i32 to vector<16xi32>
    %add3A_760 = arith.addi %add3A_759, %iota3A : vector<16xi32>
    %sub3A_761 = vector.broadcast %sub3A_745 : i32 to vector<16xi32>
    %sub3A_762 = arith.subi %sub3A_761, %add3A_760 : vector<16xi32>
    %max3A_763 = arith.constant 0 : i32
    %max3A_764 = vector.broadcast %max3A_763 : i32 to vector<16xi32>
    %max3A_765 = arith.maxsi %sub3A_762, %max3A_764 : vector<16xi32>
    %swap3A_766 = arith.constant 16 : index
    %swap3A_767 = tpu.vector_load %arg4[%swap3A_766] {strides = array<i32>} : memref<256xi32, #tpu.memory_space<vmem>>, vector<16xi32>,
    %swap3A_768 = vector.shape_cast %swap3A_767 : vector<16xi32> to vector<16xi32>
    %swap3A_769 = vector.shape_cast %max3A_765 : vector<16xi32> to vector<16xi32>
    tpu.vector_store %arg4[%swap3A_766], %swap3A_769 {strides = array<i32>} : memref<256xi32, #tpu.memory_space<vmem>>, vector<16xi32>,
    %add3A_770 = arith.constant 32 : i32
    %add3A_771 = vector.broadcast %add3A_770 : i32 to vector<16xi32>
    %add3A_772 = arith.addi %add3A_771, %iota3A : vector<16xi32>
    %sub3A_773 = vector.broadcast %sub3A_745 : i32 to vector<16xi32>
    %sub3A_774 = arith.subi %sub3A_773, %add3A_772 : vector<16xi32>
    %max3A_775 = arith.constant 0 : i32
    %max3A_776 = vector.broadcast %max3A_775 : i32 to vector<16xi32>
    %max3A_777 = arith.maxsi %sub3A_774, %max3A_776 : vector<16xi32>
    %swap3A_778 = arith.constant 32 : index
    %swap3A_779 = tpu.vector_load %arg4[%swap3A_778] {strides = array<i32>} : memref<256xi32, #tpu.memory_space<vmem>>, vector<16xi32>,
    %swap3A_780 = vector.shape_cast %swap3A_779 : vector<16xi32> to vector<16xi32>
    %swap3A_781 = vector.shape_cast %max3A_777 : vector<16xi32> to vector<16xi32>
    tpu.vector_store %arg4[%swap3A_778], %swap3A_781 {strides = array<i32>} : memref<256xi32, #tpu.memory_space<vmem>>, vector<16xi32>,
    %add3A_782 = arith.constant 48 : i32
    %add3A_783 = vector.broadcast %add3A_782 : i32 to vector<16xi32>
    %add3A_784 = arith.addi %add3A_783, %iota3A : vector<16xi32>
    %sub3A_785 = vector.broadcast %sub3A_745 : i32 to vector<16xi32>
    %sub3A_786 = arith.subi %sub3A_785, %add3A_784 : vector<16xi32>
    %max3A_787 = arith.constant 0 : i32
    %max3A_788 = vector.broadcast %max3A_787 : i32 to vector<16xi32>
    %max3A_789 = arith.maxsi %sub3A_786, %max3A_788 : vector<16xi32>
    %swap3A_790 = arith.constant 48 : index
    %swap3A_791 = tpu.vector_load %arg4[%swap3A_790] {strides = array<i32>} : memref<256xi32, #tpu.memory_space<vmem>>, vector<16xi32>,
    %swap3A_792 = vector.shape_cast %swap3A_791 : vector<16xi32> to vector<16xi32>
    %swap3A_793 = vector.shape_cast %max3A_789 : vector<16xi32> to vector<16xi32>
    tpu.vector_store %arg4[%swap3A_790], %swap3A_793 {strides = array<i32>} : memref<256xi32, #tpu.memory_space<vmem>>, vector<16xi32>,
    %add3A_794 = arith.constant 64 : i32
    %add3A_795 = vector.broadcast %add3A_794 : i32 to vector<16xi32>
    %add3A_796 = arith.addi %add3A_795, %iota3A : vector<16xi32>
    %sub3A_797 = vector.broadcast %sub3A_745 : i32 to vector<16xi32>
    %sub3A_798 = arith.subi %sub3A_797, %add3A_796 : vector<16xi32>
    %max3A_799 = arith.constant 0 : i32
    %max3A_800 = vector.broadcast %max3A_799 : i32 to vector<16xi32>
    %max3A_801 = arith.maxsi %sub3A_798, %max3A_800 : vector<16xi32>
    %swap3A_802 = arith.constant 64 : index
    %swap3A_803 = tpu.vector_load %arg4[%swap3A_802] {strides = array<i32>} : memref<256xi32, #tpu.memory_space<vmem>>, vector<16xi32>,
    %swap3A_804 = vector.shape_cast %swap3A_803 : vector<16xi32> to vector<16xi32>
    %swap3A_805 = vector.shape_cast %max3A_801 : vector<16xi32> to vector<16xi32>
    tpu.vector_store %arg4[%swap3A_802], %swap3A_805 {strides = array<i32>} : memref<256xi32, #tpu.memory_space<vmem>>, vector<16xi32>,
    %add3A_806 = arith.constant 80 : i32
    %add3A_807 = vector.broadcast %add3A_806 : i32 to vector<16xi32>
    %add3A_808 = arith.addi %add3A_807, %iota3A : vector<16xi32>
    %sub3A_809 = vector.broadcast %sub3A_745 : i32 to vector<16xi32>
    %sub3A_810 = arith.subi %sub3A_809, %add3A_808 : vector<16xi32>
    %max3A_811 = arith.constant 0 : i32
    %max3A_812 = vector.broadcast %max3A_811 : i32 to vector<16xi32>
    %max3A_813 = arith.maxsi %sub3A_810, %max3A_812 : vector<16xi32>
    %swap3A_814 = arith.constant 80 : index
    %swap3A_815 = tpu.vector_load %arg4[%swap3A_814] {strides = array<i32>} : memref<256xi32, #tpu.memory_space<vmem>>, vector<16xi32>,
    %swap3A_816 = vector.shape_cast %swap3A_815 : vector<16xi32> to vector<16xi32>
    %swap3A_817 = vector.shape_cast %max3A_813 : vector<16xi32> to vector<16xi32>
    tpu.vector_store %arg4[%swap3A_814], %swap3A_817 {strides = array<i32>} : memref<256xi32, #tpu.memory_space<vmem>>, vector<16xi32>,
    %add3A_818 = arith.constant 96 : i32
    %add3A_819 = vector.broadcast %add3A_818 : i32 to vector<16xi32>
    %add3A_820 = arith.addi %add3A_819, %iota3A : vector<16xi32>
    %sub3A_821 = vector.broadcast %sub3A_745 : i32 to vector<16xi32>
    %sub3A_822 = arith.subi %sub3A_821, %add3A_820 : vector<16xi32>
    %max3A_823 = arith.constant 0 : i32
    %max3A_824 = vector.broadcast %max3A_823 : i32 to vector<16xi32>
    %max3A_825 = arith.maxsi %sub3A_822, %max3A_824 : vector<16xi32>
    %swap3A_826 = arith.constant 96 : index
    %swap3A_827 = tpu.vector_load %arg4[%swap3A_826] {strides = array<i32>} : memref<256xi32, #tpu.memory_space<vmem>>, vector<16xi32>,
    %swap3A_828 = vector.shape_cast %swap3A_827 : vector<16xi32> to vector<16xi32>
    %swap3A_829 = vector.shape_cast %max3A_825 : vector<16xi32> to vector<16xi32>
    tpu.vector_store %arg4[%swap3A_826], %swap3A_829 {strides = array<i32>} : memref<256xi32, #tpu.memory_space<vmem>>, vector<16xi32>,
    %add3A_830 = arith.constant 112 : i32
    %add3A_831 = vector.broadcast %add3A_830 : i32 to vector<16xi32>
    %add3A_832 = arith.addi %add3A_831, %iota3A : vector<16xi32>
    %sub3A_833 = vector.broadcast %sub3A_745 : i32 to vector<16xi32>
    %sub3A_834 = arith.subi %sub3A_833, %add3A_832 : vector<16xi32>
    %max3A_835 = arith.constant 0 : i32
    %max3A_836 = vector.broadcast %max3A_835 : i32 to vector<16xi32>
    %max3A_837 = arith.maxsi %sub3A_834, %max3A_836 : vector<16xi32>
    %swap3A_838 = arith.constant 112 : index
    %swap3A_839 = tpu.vector_load %arg4[%swap3A_838] {strides = array<i32>} : memref<256xi32, #tpu.memory_space<vmem>>, vector<16xi32>,
    %swap3A_840 = vector.shape_cast %swap3A_839 : vector<16xi32> to vector<16xi32>
    %swap3A_841 = vector.shape_cast %max3A_837 : vector<16xi32> to vector<16xi32>
    tpu.vector_store %arg4[%swap3A_838], %swap3A_841 {strides = array<i32>} : memref<256xi32, #tpu.memory_space<vmem>>, vector<16xi32>,
    %add3A_842 = arith.constant 128 : i32
    %add3A_843 = vector.broadcast %add3A_842 : i32 to vector<16xi32>
    %add3A_844 = arith.addi %add3A_843, %iota3A : vector<16xi32>
    %sub3A_845 = vector.broadcast %sub3A_745 : i32 to vector<16xi32>
    %sub3A_846 = arith.subi %sub3A_845, %add3A_844 : vector<16xi32>
    %max3A_847 = arith.constant 0 : i32
    %max3A_848 = vector.broadcast %max3A_847 : i32 to vector<16xi32>
    %max3A_849 = arith.maxsi %sub3A_846, %max3A_848 : vector<16xi32>
    %swap3A_850 = arith.constant 128 : index
    %swap3A_851 = tpu.vector_load %arg4[%swap3A_850] {strides = array<i32>} : memref<256xi32, #tpu.memory_space<vmem>>, vector<16xi32>,
    %swap3A_852 = vector.shape_cast %swap3A_851 : vector<16xi32> to vector<16xi32>
    %swap3A_853 = vector.shape_cast %max3A_849 : vector<16xi32> to vector<16xi32>
    tpu.vector_store %arg4[%swap3A_850], %swap3A_853 {strides = array<i32>} : memref<256xi32, #tpu.memory_space<vmem>>, vector<16xi32>,
    %add3A_854 = arith.constant 144 : i32
    %add3A_855 = vector.broadcast %add3A_854 : i32 to vector<16xi32>
    %add3A_856 = arith.addi %add3A_855, %iota3A : vector<16xi32>
    %sub3A_857 = vector.broadcast %sub3A_745 : i32 to vector<16xi32>
    %sub3A_858 = arith.subi %sub3A_857, %add3A_856 : vector<16xi32>
    %max3A_859 = arith.constant 0 : i32
    %max3A_860 = vector.broadcast %max3A_859 : i32 to vector<16xi32>
    %max3A_861 = arith.maxsi %sub3A_858, %max3A_860 : vector<16xi32>
    %swap3A_862 = arith.constant 144 : index
    %swap3A_863 = tpu.vector_load %arg4[%swap3A_862] {strides = array<i32>} : memref<256xi32, #tpu.memory_space<vmem>>, vector<16xi32>,
    %swap3A_864 = vector.shape_cast %swap3A_863 : vector<16xi32> to vector<16xi32>
    %swap3A_865 = vector.shape_cast %max3A_861 : vector<16xi32> to vector<16xi32>
    tpu.vector_store %arg4[%swap3A_862], %swap3A_865 {strides = array<i32>} : memref<256xi32, #tpu.memory_space<vmem>>, vector<16xi32>,
    %add3A_866 = arith.constant 160 : i32
    %add3A_867 = vector.broadcast %add3A_866 : i32 to vector<16xi32>
    %add3A_868 = arith.addi %add3A_867, %iota3A : vector<16xi32>
    %sub3A_869 = vector.broadcast %sub3A_745 : i32 to vector<16xi32>
    %sub3A_870 = arith.subi %sub3A_869, %add3A_868 : vector<16xi32>
    %max3A_871 = arith.constant 0 : i32
    %max3A_872 = vector.broadcast %max3A_871 : i32 to vector<16xi32>
    %max3A_873 = arith.maxsi %sub3A_870, %max3A_872 : vector<16xi32>
    %swap3A_874 = arith.constant 160 : index
    %swap3A_875 = tpu.vector_load %arg4[%swap3A_874] {strides = array<i32>} : memref<256xi32, #tpu.memory_space<vmem>>, vector<16xi32>,
    %swap3A_876 = vector.shape_cast %swap3A_875 : vector<16xi32> to vector<16xi32>
    %swap3A_877 = vector.shape_cast %max3A_873 : vector<16xi32> to vector<16xi32>
    tpu.vector_store %arg4[%swap3A_874], %swap3A_877 {strides = array<i32>} : memref<256xi32, #tpu.memory_space<vmem>>, vector<16xi32>,
    %add3A_878 = arith.constant 176 : i32
    %add3A_879 = vector.broadcast %add3A_878 : i32 to vector<16xi32>
    %add3A_880 = arith.addi %add3A_879, %iota3A : vector<16xi32>
    %sub3A_881 = vector.broadcast %sub3A_745 : i32 to vector<16xi32>
    %sub3A_882 = arith.subi %sub3A_881, %add3A_880 : vector<16xi32>
    %max3A_883 = arith.constant 0 : i32
    %max3A_884 = vector.broadcast %max3A_883 : i32 to vector<16xi32>
    %max3A_885 = arith.maxsi %sub3A_882, %max3A_884 : vector<16xi32>
    %swap3A_886 = arith.constant 176 : index
    %swap3A_887 = tpu.vector_load %arg4[%swap3A_886] {strides = array<i32>} : memref<256xi32, #tpu.memory_space<vmem>>, vector<16xi32>,
    %swap3A_888 = vector.shape_cast %swap3A_887 : vector<16xi32> to vector<16xi32>
    %swap3A_889 = vector.shape_cast %max3A_885 : vector<16xi32> to vector<16xi32>
    tpu.vector_store %arg4[%swap3A_886], %swap3A_889 {strides = array<i32>} : memref<256xi32, #tpu.memory_space<vmem>>, vector<16xi32>,
    %add3A_890 = arith.constant 192 : i32
    %add3A_891 = vector.broadcast %add3A_890 : i32 to vector<16xi32>
    %add3A_892 = arith.addi %add3A_891, %iota3A : vector<16xi32>
    %sub3A_893 = vector.broadcast %sub3A_745 : i32 to vector<16xi32>
    %sub3A_894 = arith.subi %sub3A_893, %add3A_892 : vector<16xi32>
    %max3A_895 = arith.constant 0 : i32
    %max3A_896 = vector.broadcast %max3A_895 : i32 to vector<16xi32>
    %max3A_897 = arith.maxsi %sub3A_894, %max3A_896 : vector<16xi32>
    %swap3A_898 = arith.constant 192 : index
    %swap3A_899 = tpu.vector_load %arg4[%swap3A_898] {strides = array<i32>} : memref<256xi32, #tpu.memory_space<vmem>>, vector<16xi32>,
    %swap3A_900 = vector.shape_cast %swap3A_899 : vector<16xi32> to vector<16xi32>
    %swap3A_901 = vector.shape_cast %max3A_897 : vector<16xi32> to vector<16xi32>
    tpu.vector_store %arg4[%swap3A_898], %swap3A_901 {strides = array<i32>} : memref<256xi32, #tpu.memory_space<vmem>>, vector<16xi32>,
    %add3A_902 = arith.constant 208 : i32
    %add3A_903 = vector.broadcast %add3A_902 : i32 to vector<16xi32>
    %add3A_904 = arith.addi %add3A_903, %iota3A : vector<16xi32>
    %sub3A_905 = vector.broadcast %sub3A_745 : i32 to vector<16xi32>
    %sub3A_906 = arith.subi %sub3A_905, %add3A_904 : vector<16xi32>
    %max3A_907 = arith.constant 0 : i32
    %max3A_908 = vector.broadcast %max3A_907 : i32 to vector<16xi32>
    %max3A_909 = arith.maxsi %sub3A_906, %max3A_908 : vector<16xi32>
    %swap3A_910 = arith.constant 208 : index
    %swap3A_911 = tpu.vector_load %arg4[%swap3A_910] {strides = array<i32>} : memref<256xi32, #tpu.memory_space<vmem>>, vector<16xi32>,
    %swap3A_912 = vector.shape_cast %swap3A_911 : vector<16xi32> to vector<16xi32>
    %swap3A_913 = vector.shape_cast %max3A_909 : vector<16xi32> to vector<16xi32>
    tpu.vector_store %arg4[%swap3A_910], %swap3A_913 {strides = array<i32>} : memref<256xi32, #tpu.memory_space<vmem>>, vector<16xi32>,
    %add3A_914 = arith.constant 224 : i32
    %add3A_915 = vector.broadcast %add3A_914 : i32 to vector<16xi32>
    %add3A_916 = arith.addi %add3A_915, %iota3A : vector<16xi32>
    %sub3A_917 = vector.broadcast %sub3A_745 : i32 to vector<16xi32>
    %sub3A_918 = arith.subi %sub3A_917, %add3A_916 : vector<16xi32>
    %max3A_919 = arith.constant 0 : i32
    %max3A_920 = vector.broadcast %max3A_919 : i32 to vector<16xi32>
    %max3A_921 = arith.maxsi %sub3A_918, %max3A_920 : vector<16xi32>
    %swap3A_922 = arith.constant 224 : index
    %swap3A_923 = tpu.vector_load %arg4[%swap3A_922] {strides = array<i32>} : memref<256xi32, #tpu.memory_space<vmem>>, vector<16xi32>,
    %swap3A_924 = vector.shape_cast %swap3A_923 : vector<16xi32> to vector<16xi32>
    %swap3A_925 = vector.shape_cast %max3A_921 : vector<16xi32> to vector<16xi32>
    tpu.vector_store %arg4[%swap3A_922], %swap3A_925 {strides = array<i32>} : memref<256xi32, #tpu.memory_space<vmem>>, vector<16xi32>,
    %add3A_926 = arith.constant 240 : i32
    %add3A_927 = vector.broadcast %add3A_926 : i32 to vector<16xi32>
    %add3A_928 = arith.addi %add3A_927, %iota3A : vector<16xi32>
    %sub3A_929 = vector.broadcast %sub3A_745 : i32 to vector<16xi32>
    %sub3A_930 = arith.subi %sub3A_929, %add3A_928 : vector<16xi32>
    %max3A_931 = arith.constant 0 : i32
    %max3A_932 = vector.broadcast %max3A_931 : i32 to vector<16xi32>
    %max3A_933 = arith.maxsi %sub3A_930, %max3A_932 : vector<16xi32>
    %swap3A_934 = arith.constant 240 : index
    %swap3A_935 = tpu.vector_load %arg4[%swap3A_934] {strides = array<i32>} : memref<256xi32, #tpu.memory_space<vmem>>, vector<16xi32>,
    %swap3A_936 = vector.shape_cast %swap3A_935 : vector<16xi32> to vector<16xi32>
    %swap3A_937 = vector.shape_cast %max3A_933 : vector<16xi32> to vector<16xi32>
    tpu.vector_store %arg4[%swap3A_934], %swap3A_937 {strides = array<i32>} : memref<256xi32, #tpu.memory_space<vmem>>, vector<16xi32>,
    %dma_start3A_938 = arith.constant 0 : i32
    %dma_start3A_939 = arith.constant 0 : i32
    %dma_start3A_940 = tpu.memref_slice %arg5[%dma_start3A_938, %dma_start3A_939] : memref<256x256xf32, #tpu.memory_space<vmem>> -> memref<128x256xf32, #tpu.memory_space<vmem>>
    %dma_start3A_941 = arith.constant 0 : i32
    %dma_start3A_942 = tpu.memref_slice %arg4[%dma_start3A_941] : memref<256xi32, #tpu.memory_space<vmem>> -> memref<128xi32, #tpu.memory_space<vmem>>
    %dma_start3A_943 = arith.constant 0 : i32
    %dma_start3A_944 = arith.constant 0 : i32
    %dma_start3A_945 = tpu.memref_slice %arg2[%dma_start3A_943, %dma_start3A_944] : memref<1023x256xf32, #tpu.memory_space<hbm>> -> memref<1023x256xf32, #tpu.memory_space<hbm>>
    tpu.enqueue_indirect_dma source(%dma_start3A_945 : memref<1023x256xf32, #tpu.memory_space<hbm>>) target(%dma_start3A_940 : memref<128x256xf32, #tpu.memory_space<vmem>>) offsets(%dma_start3A_942 : memref<128xi32, #tpu.memory_space<vmem>>) semaphore(%arg6 : memref<!tpu.dma_semaphore, #tpu.memory_space<semaphore_mem>>)
    %dma_start3A_946 = arith.constant 128 : i32
    %dma_start3A_947 = arith.constant 0 : i32
    %dma_start3A_948 = tpu.memref_slice %arg5[%dma_start3A_946, %dma_start3A_947] : memref<256x256xf32, #tpu.memory_space<vmem>> -> memref<128x256xf32, #tpu.memory_space<vmem>>
    %dma_start3A_949 = arith.constant 128 : i32
    %dma_start3A_950 = tpu.memref_slice %arg4[%dma_start3A_949] : memref<256xi32, #tpu.memory_space<vmem>> -> memref<128xi32, #tpu.memory_space<vmem>>
    %dma_start3A_951 = arith.constant 0 : i32
    %dma_start3A_952 = arith.constant 0 : i32
    %dma_start3A_953 = tpu.memref_slice %arg2[%dma_start3A_951, %dma_start3A_952] : memref<1023x256xf32, #tpu.memory_space<hbm>> -> memref<1023x256xf32, #tpu.memory_space<hbm>>
    tpu.enqueue_indirect_dma source(%dma_start3A_953 : memref<1023x256xf32, #tpu.memory_space<hbm>>) target(%dma_start3A_948 : memref<128x256xf32, #tpu.memory_space<vmem>>) offsets(%dma_start3A_950 : memref<128xi32, #tpu.memory_space<vmem>>) semaphore(%arg6 : memref<!tpu.dma_semaphore, #tpu.memory_space<semaphore_mem>>)
    %dma_wait3A_954 = arith.constant 0 : i32
    %dma_wait3A_955 = arith.constant 0 : i32
    %dma_wait3A_956 = tpu.memref_slice %arg5[%dma_wait3A_954, %dma_wait3A_955] : memref<256x256xf32, #tpu.memory_space<vmem>> -> memref<128x256xf32, #tpu.memory_space<vmem>>
    %dma_wait3A_957 = arith.constant 0 : i32
    %dma_wait3A_958 = tpu.memref_slice %arg4[%dma_wait3A_957] : memref<256xi32, #tpu.memory_space<vmem>> -> memref<128xi32, #tpu.memory_space<vmem>>
    %dma_wait3A_959 = arith.constant 0 : i32
    %dma_wait3A_960 = arith.constant 0 : i32
    %dma_wait3A_961 = tpu.memref_slice %arg2[%dma_wait3A_959, %dma_wait3A_960] : memref<1023x256xf32, #tpu.memory_space<hbm>> -> memref<1023x256xf32, #tpu.memory_space<hbm>>
    tpu.wait_indirect_dma semaphore(%arg6 : memref<!tpu.dma_semaphore, #tpu.memory_space<semaphore_mem>>) src(%dma_wait3A_961 : memref<1023x256xf32, #tpu.memory_space<hbm>>) dst(%dma_wait3A_956 : memref<128x256xf32, #tpu.memory_space<vmem>>)
    %dma_wait3A_962 = arith.constant 128 : i32
    %dma_wait3A_963 = arith.constant 0 : i32
    %dma_wait3A_964 = tpu.memref_slice %arg5[%dma_wait3A_962, %dma_wait3A_963] : memref<256x256xf32, #tpu.memory_space<vmem>> -> memref<128x256xf32, #tpu.memory_space<vmem>>
    %dma_wait3A_965 = arith.constant 128 : i32
    %dma_wait3A_966 = tpu.memref_slice %arg4[%dma_wait3A_965] : memref<256xi32, #tpu.memory_space<vmem>> -> memref<128xi32, #tpu.memory_space<vmem>>
    %dma_wait3A_967 = arith.constant 0 : i32
    %dma_wait3A_968 = arith.constant 0 : i32
    %dma_wait3A_969 = tpu.memref_slice %arg2[%dma_wait3A_967, %dma_wait3A_968] : memref<1023x256xf32, #tpu.memory_space<hbm>> -> memref<1023x256xf32, #tpu.memory_space<hbm>>
    tpu.wait_indirect_dma semaphore(%arg6 : memref<!tpu.dma_semaphore, #tpu.memory_space<semaphore_mem>>) src(%dma_wait3A_969 : memref<1023x256xf32, #tpu.memory_space<hbm>>) dst(%dma_wait3A_964 : memref<128x256xf32, #tpu.memory_space<vmem>>)
    %add3A_970 = arith.constant 0 : i32
    %add3A_971 = arith.addi %add3A_33, %add3A_970 : i32
    %dma_start3A_972 = arith.constant 120 : i32
    %dma_start3A_973 = arith.constant 0 : i32
    %dma_start3A_974 = tpu.memref_slice %arg5[%dma_start3A_972, %dma_start3A_973] : memref<256x256xf32, #tpu.memory_space<vmem>> -> memref<128x256xf32, #tpu.memory_space<vmem>>
    %dma_start3A_975 = arith.constant 128 : i32
    %dma_start3A_976 = arith.constant 0 : i32
    %dma_start3A_977 = tpu.memref_slice %arg3[%add3A_971, %dma_start3A_975, %dma_start3A_976] : memref<512x512x256xf32, #tpu.memory_space<hbm>> -> memref<1x128x256xf32, #tpu.memory_space<hbm>>
    %dma_start3A_978 = tpu.memref_squeeze %dma_start3A_977 : memref<1x128x256xf32, #tpu.memory_space<hbm>> -> memref<128x256xf32, #tpu.memory_space<hbm>>
    %dma_start3A_979 = arith.constant 128 : i32
    %dma_start3A_980 = arith.constant 0 : i32
    %dma_start3A_981 = tpu.memref_slice %arg3[%add3A_971, %dma_start3A_979, %dma_start3A_980] : memref<512x512x256xf32, #tpu.memory_space<hbm>> -> memref<1x128x256xf32, #tpu.memory_space<hbm>>
    %dma_start3A_982 = tpu.memref_squeeze %dma_start3A_981 : memref<1x128x256xf32, #tpu.memory_space<hbm>> -> memref<128x256xf32, #tpu.memory_space<hbm>>
    %dma_start3A_983 = arith.constant 120 : i32
    %dma_start3A_984 = arith.constant 0 : i32
    %dma_start3A_985 = tpu.memref_slice %arg5[%dma_start3A_983, %dma_start3A_984] : memref<256x256xf32, #tpu.memory_space<vmem>> -> memref<128x256xf32, #tpu.memory_space<vmem>>
    tpu.enqueue_dma source(%dma_start3A_985 : memref<128x256xf32, #tpu.memory_space<vmem>>) target(%dma_start3A_982 : memref<128x256xf32, #tpu.memory_space<hbm>>) target_semaphore(%arg7 : memref<!tpu.dma_semaphore, #tpu.memory_space<semaphore_mem>>)
    %add3A_986 = arith.constant 8 : i32
    %add3A_987 = arith.addi %add3A_33, %add3A_986 : i32
    %dma_start3A_988 = arith.constant 112 : i32
    %dma_start3A_989 = arith.constant 0 : i32
    %dma_start3A_990 = tpu.memref_slice %arg5[%dma_start3A_988, %dma_start3A_989] : memref<256x256xf32, #tpu.memory_space<vmem>> -> memref<128x256xf32, #tpu.memory_space<vmem>>
    %dma_start3A_991 = arith.constant 128 : i32
    %dma_start3A_992 = arith.constant 0 : i32
    %dma_start3A_993 = tpu.memref_slice %arg3[%add3A_987, %dma_start3A_991, %dma_start3A_992] : memref<512x512x256xf32, #tpu.memory_space<hbm>> -> memref<1x128x256xf32, #tpu.memory_space<hbm>>
    %dma_start3A_994 = tpu.memref_squeeze %dma_start3A_993 : memref<1x128x256xf32, #tpu.memory_space<hbm>> -> memref<128x256xf32, #tpu.memory_space<hbm>>
    %dma_start3A_995 = arith.constant 128 : i32
    %dma_start3A_996 = arith.constant 0 : i32
    %dma_start3A_997 = tpu.memref_slice %arg3[%add3A_987, %dma_start3A_995, %dma_start3A_996] : memref<512x512x256xf32, #tpu.memory_space<hbm>> -> memref<1x128x256xf32, #tpu.memory_space<hbm>>
    %dma_start3A_998 = tpu.memref_squeeze %dma_start3A_997 : memref<1x128x256xf32, #tpu.memory_space<hbm>> -> memref<128x256xf32, #tpu.memory_space<hbm>>
    %dma_start3A_999 = arith.constant 112 : i32
    %dma_start3A_1000 = arith.constant 0 : i32
    %dma_start3A_1001 = tpu.memref_slice %arg5[%dma_start3A_999, %dma_start3A_1000] : memref<256x256xf32, #tpu.memory_space<vmem>> -> memref<128x256xf32, #tpu.memory_space<vmem>>
    tpu.enqueue_dma source(%dma_start3A_1001 : memref<128x256xf32, #tpu.memory_space<vmem>>) target(%dma_start3A_998 : memref<128x256xf32, #tpu.memory_space<hbm>>) target_semaphore(%arg7 : memref<!tpu.dma_semaphore, #tpu.memory_space<semaphore_mem>>)
    %add3A_1002 = arith.constant 16 : i32
    %add3A_1003 = arith.addi %add3A_33, %add3A_1002 : i32
    %dma_start3A_1004 = arith.constant 104 : i32
    %dma_start3A_1005 = arith.constant 0 : i32
    %dma_start3A_1006 = tpu.memref_slice %arg5[%dma_start3A_1004, %dma_start3A_1005] : memref<256x256xf32, #tpu.memory_space<vmem>> -> memref<128x256xf32, #tpu.memory_space<vmem>>
    %dma_start3A_1007 = arith.constant 128 : i32
    %dma_start3A_1008 = arith.constant 0 : i32
    %dma_start3A_1009 = tpu.memref_slice %arg3[%add3A_1003, %dma_start3A_1007, %dma_start3A_1008] : memref<512x512x256xf32, #tpu.memory_space<hbm>> -> memref<1x128x256xf32, #tpu.memory_space<hbm>>
    %dma_start3A_1010 = tpu.memref_squeeze %dma_start3A_1009 : memref<1x128x256xf32, #tpu.memory_space<hbm>> -> memref<128x256xf32, #tpu.memory_space<hbm>>
    %dma_start3A_1011 = arith.constant 128 : i32
    %dma_start3A_1012 = arith.constant 0 : i32
    %dma_start3A_1013 = tpu.memref_slice %arg3[%add3A_1003, %dma_start3A_1011, %dma_start3A_1012] : memref<512x512x256xf32, #tpu.memory_space<hbm>> -> memref<1x128x256xf32, #tpu.memory_space<hbm>>
    %dma_start3A_1014 = tpu.memref_squeeze %dma_start3A_1013 : memref<1x128x256xf32, #tpu.memory_space<hbm>> -> memref<128x256xf32, #tpu.memory_space<hbm>>
    %dma_start3A_1015 = arith.constant 104 : i32
    %dma_start3A_1016 = arith.constant 0 : i32
    %dma_start3A_1017 = tpu.memref_slice %arg5[%dma_start3A_1015, %dma_start3A_1016] : memref<256x256xf32, #tpu.memory_space<vmem>> -> memref<128x256xf32, #tpu.memory_space<vmem>>
    tpu.enqueue_dma source(%dma_start3A_1017 : memref<128x256xf32, #tpu.memory_space<vmem>>) target(%dma_start3A_1014 : memref<128x256xf32, #tpu.memory_space<hbm>>) target_semaphore(%arg7 : memref<!tpu.dma_semaphore, #tpu.memory_space<semaphore_mem>>)
    %add3A_1018 = arith.constant 24 : i32
    %add3A_1019 = arith.addi %add3A_33, %add3A_1018 : i32
    %dma_start3A_1020 = arith.constant 96 : i32
    %dma_start3A_1021 = arith.constant 0 : i32
    %dma_start3A_1022 = tpu.memref_slice %arg5[%dma_start3A_1020, %dma_start3A_1021] : memref<256x256xf32, #tpu.memory_space<vmem>> -> memref<128x256xf32, #tpu.memory_space<vmem>>
    %dma_start3A_1023 = arith.constant 128 : i32
    %dma_start3A_1024 = arith.constant 0 : i32
    %dma_start3A_1025 = tpu.memref_slice %arg3[%add3A_1019, %dma_start3A_1023, %dma_start3A_1024] : memref<512x512x256xf32, #tpu.memory_space<hbm>> -> memref<1x128x256xf32, #tpu.memory_space<hbm>>
    %dma_start3A_1026 = tpu.memref_squeeze %dma_start3A_1025 : memref<1x128x256xf32, #tpu.memory_space<hbm>> -> memref<128x256xf32, #tpu.memory_space<hbm>>
    %dma_start3A_1027 = arith.constant 128 : i32
    %dma_start3A_1028 = arith.constant 0 : i32
    %dma_start3A_1029 = tpu.memref_slice %arg3[%add3A_1019, %dma_start3A_1027, %dma_start3A_1028] : memref<512x512x256xf32, #tpu.memory_space<hbm>> -> memref<1x128x256xf32, #tpu.memory_space<hbm>>
    %dma_start3A_1030 = tpu.memref_squeeze %dma_start3A_1029 : memref<1x128x256xf32, #tpu.memory_space<hbm>> -> memref<128x256xf32, #tpu.memory_space<hbm>>
    %dma_start3A_1031 = arith.constant 96 : i32
    %dma_start3A_1032 = arith.constant 0 : i32
    %dma_start3A_1033 = tpu.memref_slice %arg5[%dma_start3A_1031, %dma_start3A_1032] : memref<256x256xf32, #tpu.memory_space<vmem>> -> memref<128x256xf32, #tpu.memory_space<vmem>>
    tpu.enqueue_dma source(%dma_start3A_1033 : memref<128x256xf32, #tpu.memory_space<vmem>>) target(%dma_start3A_1030 : memref<128x256xf32, #tpu.memory_space<hbm>>) target_semaphore(%arg7 : memref<!tpu.dma_semaphore, #tpu.memory_space<semaphore_mem>>)
    %add3A_1034 = arith.constant 32 : i32
    %add3A_1035 = arith.addi %add3A_33, %add3A_1034 : i32
    %dma_start3A_1036 = arith.constant 88 : i32
    %dma_start3A_1037 = arith.constant 0 : i32
    %dma_start3A_1038 = tpu.memref_slice %arg5[%dma_start3A_1036, %dma_start3A_1037] : memref<256x256xf32, #tpu.memory_space<vmem>> -> memref<128x256xf32, #tpu.memory_space<vmem>>
    %dma_start3A_1039 = arith.constant 128 : i32
    %dma_start3A_1040 = arith.constant 0 : i32
    %dma_start3A_1041 = tpu.memref_slice %arg3[%add3A_1035, %dma_start3A_1039, %dma_start3A_1040] : memref<512x512x256xf32, #tpu.memory_space<hbm>> -> memref<1x128x256xf32, #tpu.memory_space<hbm>>
    %dma_start3A_1042 = tpu.memref_squeeze %dma_start3A_1041 : memref<1x128x256xf32, #tpu.memory_space<hbm>> -> memref<128x256xf32, #tpu.memory_space<hbm>>
    %dma_start3A_1043 = arith.constant 128 : i32
    %dma_start3A_1044 = arith.constant 0 : i32
    %dma_start3A_1045 = tpu.memref_slice %arg3[%add3A_1035, %dma_start3A_1043, %dma_start3A_1044] : memref<512x512x256xf32, #tpu.memory_space<hbm>> -> memref<1x128x256xf32, #tpu.memory_space<hbm>>
    %dma_start3A_1046 = tpu.memref_squeeze %dma_start3A_1045 : memref<1x128x256xf32, #tpu.memory_space<hbm>> -> memref<128x256xf32, #tpu.memory_space<hbm>>
    %dma_start3A_1047 = arith.constant 88 : i32
    %dma_start3A_1048 = arith.constant 0 : i32
    %dma_start3A_1049 = tpu.memref_slice %arg5[%dma_start3A_1047, %dma_start3A_1048] : memref<256x256xf32, #tpu.memory_space<vmem>> -> memref<128x256xf32, #tpu.memory_space<vmem>>
    tpu.enqueue_dma source(%dma_start3A_1049 : memref<128x256xf32, #tpu.memory_space<vmem>>) target(%dma_start3A_1046 : memref<128x256xf32, #tpu.memory_space<hbm>>) target_semaphore(%arg7 : memref<!tpu.dma_semaphore, #tpu.memory_space<semaphore_mem>>)
    %add3A_1050 = arith.constant 40 : i32
    %add3A_1051 = arith.addi %add3A_33, %add3A_1050 : i32
    %dma_start3A_1052 = arith.constant 80 : i32
    %dma_start3A_1053 = arith.constant 0 : i32
    %dma_start3A_1054 = tpu.memref_slice %arg5[%dma_start3A_1052, %dma_start3A_1053] : memref<256x256xf32, #tpu.memory_space<vmem>> -> memref<128x256xf32, #tpu.memory_space<vmem>>
    %dma_start3A_1055 = arith.constant 128 : i32
    %dma_start3A_1056 = arith.constant 0 : i32
    %dma_start3A_1057 = tpu.memref_slice %arg3[%add3A_1051, %dma_start3A_1055, %dma_start3A_1056] : memref<512x512x256xf32, #tpu.memory_space<hbm>> -> memref<1x128x256xf32, #tpu.memory_space<hbm>>
    %dma_start3A_1058 = tpu.memref_squeeze %dma_start3A_1057 : memref<1x128x256xf32, #tpu.memory_space<hbm>> -> memref<128x256xf32, #tpu.memory_space<hbm>>
    %dma_start3A_1059 = arith.constant 128 : i32
    %dma_start3A_1060 = arith.constant 0 : i32
    %dma_start3A_1061 = tpu.memref_slice %arg3[%add3A_1051, %dma_start3A_1059, %dma_start3A_1060] : memref<512x512x256xf32, #tpu.memory_space<hbm>> -> memref<1x128x256xf32, #tpu.memory_space<hbm>>
    %dma_start3A_1062 = tpu.memref_squeeze %dma_start3A_1061 : memref<1x128x256xf32, #tpu.memory_space<hbm>> -> memref<128x256xf32, #tpu.memory_space<hbm>>
    %dma_start3A_1063 = arith.constant 80 : i32
    %dma_start3A_1064 = arith.constant 0 : i32
    %dma_start3A_1065 = tpu.memref_slice %arg5[%dma_start3A_1063, %dma_start3A_1064] : memref<256x256xf32, #tpu.memory_space<vmem>> -> memref<128x256xf32, #tpu.memory_space<vmem>>
    tpu.enqueue_dma source(%dma_start3A_1065 : memref<128x256xf32, #tpu.memory_space<vmem>>) target(%dma_start3A_1062 : memref<128x256xf32, #tpu.memory_space<hbm>>) target_semaphore(%arg7 : memref<!tpu.dma_semaphore, #tpu.memory_space<semaphore_mem>>)
    %add3A_1066 = arith.constant 48 : i32
    %add3A_1067 = arith.addi %add3A_33, %add3A_1066 : i32
    %dma_start3A_1068 = arith.constant 72 : i32
    %dma_start3A_1069 = arith.constant 0 : i32
    %dma_start3A_1070 = tpu.memref_slice %arg5[%dma_start3A_1068, %dma_start3A_1069] : memref<256x256xf32, #tpu.memory_space<vmem>> -> memref<128x256xf32, #tpu.memory_space<vmem>>
    %dma_start3A_1071 = arith.constant 128 : i32
    %dma_start3A_1072 = arith.constant 0 : i32
    %dma_start3A_1073 = tpu.memref_slice %arg3[%add3A_1067, %dma_start3A_1071, %dma_start3A_1072] : memref<512x512x256xf32, #tpu.memory_space<hbm>> -> memref<1x128x256xf32, #tpu.memory_space<hbm>>
    %dma_start3A_1074 = tpu.memref_squeeze %dma_start3A_1073 : memref<1x128x256xf32, #tpu.memory_space<hbm>> -> memref<128x256xf32, #tpu.memory_space<hbm>>
    %dma_start3A_1075 = arith.constant 128 : i32
    %dma_start3A_1076 = arith.constant 0 : i32
    %dma_start3A_1077 = tpu.memref_slice %arg3[%add3A_1067, %dma_start3A_1075, %dma_start3A_1076] : memref<512x512x256xf32, #tpu.memory_space<hbm>> -> memref<1x128x256xf32, #tpu.memory_space<hbm>>
    %dma_start3A_1078 = tpu.memref_squeeze %dma_start3A_1077 : memref<1x128x256xf32, #tpu.memory_space<hbm>> -> memref<128x256xf32, #tpu.memory_space<hbm>>
    %dma_start3A_1079 = arith.constant 72 : i32
    %dma_start3A_1080 = arith.constant 0 : i32
    %dma_start3A_1081 = tpu.memref_slice %arg5[%dma_start3A_1079, %dma_start3A_1080] : memref<256x256xf32, #tpu.memory_space<vmem>> -> memref<128x256xf32, #tpu.memory_space<vmem>>
    tpu.enqueue_dma source(%dma_start3A_1081 : memref<128x256xf32, #tpu.memory_space<vmem>>) target(%dma_start3A_1078 : memref<128x256xf32, #tpu.memory_space<hbm>>) target_semaphore(%arg7 : memref<!tpu.dma_semaphore, #tpu.memory_space<semaphore_mem>>)
    %add3A_1082 = arith.constant 56 : i32
    %add3A_1083 = arith.addi %add3A_33, %add3A_1082 : i32
    %dma_start3A_1084 = arith.constant 64 : i32
    %dma_start3A_1085 = arith.constant 0 : i32
    %dma_start3A_1086 = tpu.memref_slice %arg5[%dma_start3A_1084, %dma_start3A_1085] : memref<256x256xf32, #tpu.memory_space<vmem>> -> memref<128x256xf32, #tpu.memory_space<vmem>>
    %dma_start3A_1087 = arith.constant 128 : i32
    %dma_start3A_1088 = arith.constant 0 : i32
    %dma_start3A_1089 = tpu.memref_slice %arg3[%add3A_1083, %dma_start3A_1087, %dma_start3A_1088] : memref<512x512x256xf32, #tpu.memory_space<hbm>> -> memref<1x128x256xf32, #tpu.memory_space<hbm>>
    %dma_start3A_1090 = tpu.memref_squeeze %dma_start3A_1089 : memref<1x128x256xf32, #tpu.memory_space<hbm>> -> memref<128x256xf32, #tpu.memory_space<hbm>>
    %dma_start3A_1091 = arith.constant 128 : i32
    %dma_start3A_1092 = arith.constant 0 : i32
    %dma_start3A_1093 = tpu.memref_slice %arg3[%add3A_1083, %dma_start3A_1091, %dma_start3A_1092] : memref<512x512x256xf32, #tpu.memory_space<hbm>> -> memref<1x128x256xf32, #tpu.memory_space<hbm>>
    %dma_start3A_1094 = tpu.memref_squeeze %dma_start3A_1093 : memref<1x128x256xf32, #tpu.memory_space<hbm>> -> memref<128x256xf32, #tpu.memory_space<hbm>>
    %dma_start3A_1095 = arith.constant 64 : i32
    %dma_start3A_1096 = arith.constant 0 : i32
    %dma_start3A_1097 = tpu.memref_slice %arg5[%dma_start3A_1095, %dma_start3A_1096] : memref<256x256xf32, #tpu.memory_space<vmem>> -> memref<128x256xf32, #tpu.memory_space<vmem>>
    tpu.enqueue_dma source(%dma_start3A_1097 : memref<128x256xf32, #tpu.memory_space<vmem>>) target(%dma_start3A_1094 : memref<128x256xf32, #tpu.memory_space<hbm>>) target_semaphore(%arg7 : memref<!tpu.dma_semaphore, #tpu.memory_space<semaphore_mem>>)
    %add3A_1098 = arith.constant 64 : i32
    %add3A_1099 = arith.addi %add3A_33, %add3A_1098 : i32
    %dma_start3A_1100 = arith.constant 56 : i32
    %dma_start3A_1101 = arith.constant 0 : i32
    %dma_start3A_1102 = tpu.memref_slice %arg5[%dma_start3A_1100, %dma_start3A_1101] : memref<256x256xf32, #tpu.memory_space<vmem>> -> memref<128x256xf32, #tpu.memory_space<vmem>>
    %dma_start3A_1103 = arith.constant 128 : i32
    %dma_start3A_1104 = arith.constant 0 : i32
    %dma_start3A_1105 = tpu.memref_slice %arg3[%add3A_1099, %dma_start3A_1103, %dma_start3A_1104] : memref<512x512x256xf32, #tpu.memory_space<hbm>> -> memref<1x128x256xf32, #tpu.memory_space<hbm>>
    %dma_start3A_1106 = tpu.memref_squeeze %dma_start3A_1105 : memref<1x128x256xf32, #tpu.memory_space<hbm>> -> memref<128x256xf32, #tpu.memory_space<hbm>>
    %dma_start3A_1107 = arith.constant 128 : i32
    %dma_start3A_1108 = arith.constant 0 : i32
    %dma_start3A_1109 = tpu.memref_slice %arg3[%add3A_1099, %dma_start3A_1107, %dma_start3A_1108] : memref<512x512x256xf32, #tpu.memory_space<hbm>> -> memref<1x128x256xf32, #tpu.memory_space<hbm>>
    %dma_start3A_1110 = tpu.memref_squeeze %dma_start3A_1109 : memref<1x128x256xf32, #tpu.memory_space<hbm>> -> memref<128x256xf32, #tpu.memory_space<hbm>>
    %dma_start3A_1111 = arith.constant 56 : i32
    %dma_start3A_1112 = arith.constant 0 : i32
    %dma_start3A_1113 = tpu.memref_slice %arg5[%dma_start3A_1111, %dma_start3A_1112] : memref<256x256xf32, #tpu.memory_space<vmem>> -> memref<128x256xf32, #tpu.memory_space<vmem>>
    tpu.enqueue_dma source(%dma_start3A_1113 : memref<128x256xf32, #tpu.memory_space<vmem>>) target(%dma_start3A_1110 : memref<128x256xf32, #tpu.memory_space<hbm>>) target_semaphore(%arg7 : memref<!tpu.dma_semaphore, #tpu.memory_space<semaphore_mem>>)
    %add3A_1114 = arith.constant 72 : i32
    %add3A_1115 = arith.addi %add3A_33, %add3A_1114 : i32
    %dma_start3A_1116 = arith.constant 48 : i32
    %dma_start3A_1117 = arith.constant 0 : i32
    %dma_start3A_1118 = tpu.memref_slice %arg5[%dma_start3A_1116, %dma_start3A_1117] : memref<256x256xf32, #tpu.memory_space<vmem>> -> memref<128x256xf32, #tpu.memory_space<vmem>>
    %dma_start3A_1119 = arith.constant 128 : i32
    %dma_start3A_1120 = arith.constant 0 : i32
    %dma_start3A_1121 = tpu.memref_slice %arg3[%add3A_1115, %dma_start3A_1119, %dma_start3A_1120] : memref<512x512x256xf32, #tpu.memory_space<hbm>> -> memref<1x128x256xf32, #tpu.memory_space<hbm>>
    %dma_start3A_1122 = tpu.memref_squeeze %dma_start3A_1121 : memref<1x128x256xf32, #tpu.memory_space<hbm>> -> memref<128x256xf32, #tpu.memory_space<hbm>>
    %dma_start3A_1123 = arith.constant 128 : i32
    %dma_start3A_1124 = arith.constant 0 : i32
    %dma_start3A_1125 = tpu.memref_slice %arg3[%add3A_1115, %dma_start3A_1123, %dma_start3A_1124] : memref<512x512x256xf32, #tpu.memory_space<hbm>> -> memref<1x128x256xf32, #tpu.memory_space<hbm>>
    %dma_start3A_1126 = tpu.memref_squeeze %dma_start3A_1125 : memref<1x128x256xf32, #tpu.memory_space<hbm>> -> memref<128x256xf32, #tpu.memory_space<hbm>>
    %dma_start3A_1127 = arith.constant 48 : i32
    %dma_start3A_1128 = arith.constant 0 : i32
    %dma_start3A_1129 = tpu.memref_slice %arg5[%dma_start3A_1127, %dma_start3A_1128] : memref<256x256xf32, #tpu.memory_space<vmem>> -> memref<128x256xf32, #tpu.memory_space<vmem>>
    tpu.enqueue_dma source(%dma_start3A_1129 : memref<128x256xf32, #tpu.memory_space<vmem>>) target(%dma_start3A_1126 : memref<128x256xf32, #tpu.memory_space<hbm>>) target_semaphore(%arg7 : memref<!tpu.dma_semaphore, #tpu.memory_space<semaphore_mem>>)
    %add3A_1130 = arith.constant 80 : i32
    %add3A_1131 = arith.addi %add3A_33, %add3A_1130 : i32
    %dma_start3A_1132 = arith.constant 40 : i32
    %dma_start3A_1133 = arith.constant 0 : i32
    %dma_start3A_1134 = tpu.memref_slice %arg5[%dma_start3A_1132, %dma_start3A_1133] : memref<256x256xf32, #tpu.memory_space<vmem>> -> memref<128x256xf32, #tpu.memory_space<vmem>>
    %dma_start3A_1135 = arith.constant 128 : i32
    %dma_start3A_1136 = arith.constant 0 : i32
    %dma_start3A_1137 = tpu.memref_slice %arg3[%add3A_1131, %dma_start3A_1135, %dma_start3A_1136] : memref<512x512x256xf32, #tpu.memory_space<hbm>> -> memref<1x128x256xf32, #tpu.memory_space<hbm>>
    %dma_start3A_1138 = tpu.memref_squeeze %dma_start3A_1137 : memref<1x128x256xf32, #tpu.memory_space<hbm>> -> memref<128x256xf32, #tpu.memory_space<hbm>>
    %dma_start3A_1139 = arith.constant 128 : i32
    %dma_start3A_1140 = arith.constant 0 : i32
    %dma_start3A_1141 = tpu.memref_slice %arg3[%add3A_1131, %dma_start3A_1139, %dma_start3A_1140] : memref<512x512x256xf32, #tpu.memory_space<hbm>> -> memref<1x128x256xf32, #tpu.memory_space<hbm>>
    %dma_start3A_1142 = tpu.memref_squeeze %dma_start3A_1141 : memref<1x128x256xf32, #tpu.memory_space<hbm>> -> memref<128x256xf32, #tpu.memory_space<hbm>>
    %dma_start3A_1143 = arith.constant 40 : i32
    %dma_start3A_1144 = arith.constant 0 : i32
    %dma_start3A_1145 = tpu.memref_slice %arg5[%dma_start3A_1143, %dma_start3A_1144] : memref<256x256xf32, #tpu.memory_space<vmem>> -> memref<128x256xf32, #tpu.memory_space<vmem>>
    tpu.enqueue_dma source(%dma_start3A_1145 : memref<128x256xf32, #tpu.memory_space<vmem>>) target(%dma_start3A_1142 : memref<128x256xf32, #tpu.memory_space<hbm>>) target_semaphore(%arg7 : memref<!tpu.dma_semaphore, #tpu.memory_space<semaphore_mem>>)
    %add3A_1146 = arith.constant 88 : i32
    %add3A_1147 = arith.addi %add3A_33, %add3A_1146 : i32
    %dma_start3A_1148 = arith.constant 32 : i32
    %dma_start3A_1149 = arith.constant 0 : i32
    %dma_start3A_1150 = tpu.memref_slice %arg5[%dma_start3A_1148, %dma_start3A_1149] : memref<256x256xf32, #tpu.memory_space<vmem>> -> memref<128x256xf32, #tpu.memory_space<vmem>>
    %dma_start3A_1151 = arith.constant 128 : i32
    %dma_start3A_1152 = arith.constant 0 : i32
    %dma_start3A_1153 = tpu.memref_slice %arg3[%add3A_1147, %dma_start3A_1151, %dma_start3A_1152] : memref<512x512x256xf32, #tpu.memory_space<hbm>> -> memref<1x128x256xf32, #tpu.memory_space<hbm>>
    %dma_start3A_1154 = tpu.memref_squeeze %dma_start3A_1153 : memref<1x128x256xf32, #tpu.memory_space<hbm>> -> memref<128x256xf32, #tpu.memory_space<hbm>>
    %dma_start3A_1155 = arith.constant 128 : i32
    %dma_start3A_1156 = arith.constant 0 : i32
    %dma_start3A_1157 = tpu.memref_slice %arg3[%add3A_1147, %dma_start3A_1155, %dma_start3A_1156] : memref<512x512x256xf32, #tpu.memory_space<hbm>> -> memref<1x128x256xf32, #tpu.memory_space<hbm>>
    %dma_start3A_1158 = tpu.memref_squeeze %dma_start3A_1157 : memref<1x128x256xf32, #tpu.memory_space<hbm>> -> memref<128x256xf32, #tpu.memory_space<hbm>>
    %dma_start3A_1159 = arith.constant 32 : i32
    %dma_start3A_1160 = arith.constant 0 : i32
    %dma_start3A_1161 = tpu.memref_slice %arg5[%dma_start3A_1159, %dma_start3A_1160] : memref<256x256xf32, #tpu.memory_space<vmem>> -> memref<128x256xf32, #tpu.memory_space<vmem>>
    tpu.enqueue_dma source(%dma_start3A_1161 : memref<128x256xf32, #tpu.memory_space<vmem>>) target(%dma_start3A_1158 : memref<128x256xf32, #tpu.memory_space<hbm>>) target_semaphore(%arg7 : memref<!tpu.dma_semaphore, #tpu.memory_space<semaphore_mem>>)
    %add3A_1162 = arith.constant 96 : i32
    %add3A_1163 = arith.addi %add3A_33, %add3A_1162 : i32
    %dma_start3A_1164 = arith.constant 24 : i32
    %dma_start3A_1165 = arith.constant 0 : i32
    %dma_start3A_1166 = tpu.memref_slice %arg5[%dma_start3A_1164, %dma_start3A_1165] : memref<256x256xf32, #tpu.memory_space<vmem>> -> memref<128x256xf32, #tpu.memory_space<vmem>>
    %dma_start3A_1167 = arith.constant 128 : i32
    %dma_start3A_1168 = arith.constant 0 : i32
    %dma_start3A_1169 = tpu.memref_slice %arg3[%add3A_1163, %dma_start3A_1167, %dma_start3A_1168] : memref<512x512x256xf32, #tpu.memory_space<hbm>> -> memref<1x128x256xf32, #tpu.memory_space<hbm>>
    %dma_start3A_1170 = tpu.memref_squeeze %dma_start3A_1169 : memref<1x128x256xf32, #tpu.memory_space<hbm>> -> memref<128x256xf32, #tpu.memory_space<hbm>>
    %dma_start3A_1171 = arith.constant 128 : i32
    %dma_start3A_1172 = arith.constant 0 : i32
    %dma_start3A_1173 = tpu.memref_slice %arg3[%add3A_1163, %dma_start3A_1171, %dma_start3A_1172] : memref<512x512x256xf32, #tpu.memory_space<hbm>> -> memref<1x128x256xf32, #tpu.memory_space<hbm>>
    %dma_start3A_1174 = tpu.memref_squeeze %dma_start3A_1173 : memref<1x128x256xf32, #tpu.memory_space<hbm>> -> memref<128x256xf32, #tpu.memory_space<hbm>>
    %dma_start3A_1175 = arith.constant 24 : i32
    %dma_start3A_1176 = arith.constant 0 : i32
    %dma_start3A_1177 = tpu.memref_slice %arg5[%dma_start3A_1175, %dma_start3A_1176] : memref<256x256xf32, #tpu.memory_space<vmem>> -> memref<128x256xf32, #tpu.memory_space<vmem>>
    tpu.enqueue_dma source(%dma_start3A_1177 : memref<128x256xf32, #tpu.memory_space<vmem>>) target(%dma_start3A_1174 : memref<128x256xf32, #tpu.memory_space<hbm>>) target_semaphore(%arg7 : memref<!tpu.dma_semaphore, #tpu.memory_space<semaphore_mem>>)
    %add3A_1178 = arith.constant 104 : i32
    %add3A_1179 = arith.addi %add3A_33, %add3A_1178 : i32
    %dma_start3A_1180 = arith.constant 16 : i32
    %dma_start3A_1181 = arith.constant 0 : i32
    %dma_start3A_1182 = tpu.memref_slice %arg5[%dma_start3A_1180, %dma_start3A_1181] : memref<256x256xf32, #tpu.memory_space<vmem>> -> memref<128x256xf32, #tpu.memory_space<vmem>>
    %dma_start3A_1183 = arith.constant 128 : i32
    %dma_start3A_1184 = arith.constant 0 : i32
    %dma_start3A_1185 = tpu.memref_slice %arg3[%add3A_1179, %dma_start3A_1183, %dma_start3A_1184] : memref<512x512x256xf32, #tpu.memory_space<hbm>> -> memref<1x128x256xf32, #tpu.memory_space<hbm>>
    %dma_start3A_1186 = tpu.memref_squeeze %dma_start3A_1185 : memref<1x128x256xf32, #tpu.memory_space<hbm>> -> memref<128x256xf32, #tpu.memory_space<hbm>>
    %dma_start3A_1187 = arith.constant 128 : i32
    %dma_start3A_1188 = arith.constant 0 : i32
    %dma_start3A_1189 = tpu.memref_slice %arg3[%add3A_1179, %dma_start3A_1187, %dma_start3A_1188] : memref<512x512x256xf32, #tpu.memory_space<hbm>> -> memref<1x128x256xf32, #tpu.memory_space<hbm>>
    %dma_start3A_1190 = tpu.memref_squeeze %dma_start3A_1189 : memref<1x128x256xf32, #tpu.memory_space<hbm>> -> memref<128x256xf32, #tpu.memory_space<hbm>>
    %dma_start3A_1191 = arith.constant 16 : i32
    %dma_start3A_1192 = arith.constant 0 : i32
    %dma_start3A_1193 = tpu.memref_slice %arg5[%dma_start3A_1191, %dma_start3A_1192] : memref<256x256xf32, #tpu.memory_space<vmem>> -> memref<128x256xf32, #tpu.memory_space<vmem>>
    tpu.enqueue_dma source(%dma_start3A_1193 : memref<128x256xf32, #tpu.memory_space<vmem>>) target(%dma_start3A_1190 : memref<128x256xf32, #tpu.memory_space<hbm>>) target_semaphore(%arg7 : memref<!tpu.dma_semaphore, #tpu.memory_space<semaphore_mem>>)
    %add3A_1194 = arith.constant 112 : i32
    %add3A_1195 = arith.addi %add3A_33, %add3A_1194 : i32
    %dma_start3A_1196 = arith.constant 8 : i32
    %dma_start3A_1197 = arith.constant 0 : i32
    %dma_start3A_1198 = tpu.memref_slice %arg5[%dma_start3A_1196, %dma_start3A_1197] : memref<256x256xf32, #tpu.memory_space<vmem>> -> memref<128x256xf32, #tpu.memory_space<vmem>>
    %dma_start3A_1199 = arith.constant 128 : i32
    %dma_start3A_1200 = arith.constant 0 : i32
    %dma_start3A_1201 = tpu.memref_slice %arg3[%add3A_1195, %dma_start3A_1199, %dma_start3A_1200] : memref<512x512x256xf32, #tpu.memory_space<hbm>> -> memref<1x128x256xf32, #tpu.memory_space<hbm>>
    %dma_start3A_1202 = tpu.memref_squeeze %dma_start3A_1201 : memref<1x128x256xf32, #tpu.memory_space<hbm>> -> memref<128x256xf32, #tpu.memory_space<hbm>>
    %dma_start3A_1203 = arith.constant 128 : i32
    %dma_start3A_1204 = arith.constant 0 : i32
    %dma_start3A_1205 = tpu.memref_slice %arg3[%add3A_1195, %dma_start3A_1203, %dma_start3A_1204] : memref<512x512x256xf32, #tpu.memory_space<hbm>> -> memref<1x128x256xf32, #tpu.memory_space<hbm>>
    %dma_start3A_1206 = tpu.memref_squeeze %dma_start3A_1205 : memref<1x128x256xf32, #tpu.memory_space<hbm>> -> memref<128x256xf32, #tpu.memory_space<hbm>>
    %dma_start3A_1207 = arith.constant 8 : i32
    %dma_start3A_1208 = arith.constant 0 : i32
    %dma_start3A_1209 = tpu.memref_slice %arg5[%dma_start3A_1207, %dma_start3A_1208] : memref<256x256xf32, #tpu.memory_space<vmem>> -> memref<128x256xf32, #tpu.memory_space<vmem>>
    tpu.enqueue_dma source(%dma_start3A_1209 : memref<128x256xf32, #tpu.memory_space<vmem>>) target(%dma_start3A_1206 : memref<128x256xf32, #tpu.memory_space<hbm>>) target_semaphore(%arg7 : memref<!tpu.dma_semaphore, #tpu.memory_space<semaphore_mem>>)
    %add3A_1210 = arith.constant 120 : i32
    %add3A_1211 = arith.addi %add3A_33, %add3A_1210 : i32
    %dma_start3A_1212 = arith.constant 0 : i32
    %dma_start3A_1213 = arith.constant 0 : i32
    %dma_start3A_1214 = tpu.memref_slice %arg5[%dma_start3A_1212, %dma_start3A_1213] : memref<256x256xf32, #tpu.memory_space<vmem>> -> memref<128x256xf32, #tpu.memory_space<vmem>>
    %dma_start3A_1215 = arith.constant 128 : i32
    %dma_start3A_1216 = arith.constant 0 : i32
    %dma_start3A_1217 = tpu.memref_slice %arg3[%add3A_1211, %dma_start3A_1215, %dma_start3A_1216] : memref<512x512x256xf32, #tpu.memory_space<hbm>> -> memref<1x128x256xf32, #tpu.memory_space<hbm>>
    %dma_start3A_1218 = tpu.memref_squeeze %dma_start3A_1217 : memref<1x128x256xf32, #tpu.memory_space<hbm>> -> memref<128x256xf32, #tpu.memory_space<hbm>>
    %dma_start3A_1219 = arith.constant 128 : i32
    %dma_start3A_1220 = arith.constant 0 : i32
    %dma_start3A_1221 = tpu.memref_slice %arg3[%add3A_1211, %dma_start3A_1219, %dma_start3A_1220] : memref<512x512x256xf32, #tpu.memory_space<hbm>> -> memref<1x128x256xf32, #tpu.memory_space<hbm>>
    %dma_start3A_1222 = tpu.memref_squeeze %dma_start3A_1221 : memref<1x128x256xf32, #tpu.memory_space<hbm>> -> memref<128x256xf32, #tpu.memory_space<hbm>>
    %dma_start3A_1223 = arith.constant 0 : i32
    %dma_start3A_1224 = arith.constant 0 : i32
    %dma_start3A_1225 = tpu.memref_slice %arg5[%dma_start3A_1223, %dma_start3A_1224] : memref<256x256xf32, #tpu.memory_space<vmem>> -> memref<128x256xf32, #tpu.memory_space<vmem>>
    tpu.enqueue_dma source(%dma_start3A_1225 : memref<128x256xf32, #tpu.memory_space<vmem>>) target(%dma_start3A_1222 : memref<128x256xf32, #tpu.memory_space<hbm>>) target_semaphore(%arg7 : memref<!tpu.dma_semaphore, #tpu.memory_space<semaphore_mem>>)
    %dma_wait3A_1226 = arith.constant 120 : i32
    %dma_wait3A_1227 = arith.constant 0 : i32
    %dma_wait3A_1228 = tpu.memref_slice %arg5[%dma_wait3A_1226, %dma_wait3A_1227] : memref<256x256xf32, #tpu.memory_space<vmem>> -> memref<128x256xf32, #tpu.memory_space<vmem>>
    %dma_wait3A_1229 = arith.constant 128 : i32
    %dma_wait3A_1230 = arith.constant 0 : i32
    %dma_wait3A_1231 = tpu.memref_slice %arg3[%add3A_971, %dma_wait3A_1229, %dma_wait3A_1230] : memref<512x512x256xf32, #tpu.memory_space<hbm>> -> memref<1x128x256xf32, #tpu.memory_space<hbm>>
    %dma_wait3A_1232 = tpu.memref_squeeze %dma_wait3A_1231 : memref<1x128x256xf32, #tpu.memory_space<hbm>> -> memref<128x256xf32, #tpu.memory_space<hbm>>
    %dma_wait3A_1233 = arith.constant 128 : i32
    %dma_wait3A_1234 = arith.constant 0 : i32
    %dma_wait3A_1235 = tpu.memref_slice %arg3[%add3A_971, %dma_wait3A_1233, %dma_wait3A_1234] : memref<512x512x256xf32, #tpu.memory_space<hbm>> -> memref<1x128x256xf32, #tpu.memory_space<hbm>>
    %dma_wait3A_1236 = tpu.memref_squeeze %dma_wait3A_1235 : memref<1x128x256xf32, #tpu.memory_space<hbm>> -> memref<128x256xf32, #tpu.memory_space<hbm>>
    %dma_wait3A_1237 = arith.constant 120 : i32
    %dma_wait3A_1238 = arith.constant 0 : i32
    %dma_wait3A_1239 = tpu.memref_slice %arg5[%dma_wait3A_1237, %dma_wait3A_1238] : memref<256x256xf32, #tpu.memory_space<vmem>> -> memref<128x256xf32, #tpu.memory_space<vmem>>
    tpu.wait_dma2 semaphore(%arg7 : memref<!tpu.dma_semaphore, #tpu.memory_space<semaphore_mem>>) src(%dma_wait3A_1239 : memref<128x256xf32, #tpu.memory_space<vmem>>) dst(%dma_wait3A_1236 : memref<128x256xf32, #tpu.memory_space<hbm>>)
    %dma_wait3A_1240 = arith.constant 112 : i32
    %dma_wait3A_1241 = arith.constant 0 : i32
    %dma_wait3A_1242 = tpu.memref_slice %arg5[%dma_wait3A_1240, %dma_wait3A_1241] : memref<256x256xf32, #tpu.memory_space<vmem>> -> memref<128x256xf32, #tpu.memory_space<vmem>>
    %dma_wait3A_1243 = arith.constant 128 : i32
    %dma_wait3A_1244 = arith.constant 0 : i32
    %dma_wait3A_1245 = tpu.memref_slice %arg3[%add3A_987, %dma_wait3A_1243, %dma_wait3A_1244] : memref<512x512x256xf32, #tpu.memory_space<hbm>> -> memref<1x128x256xf32, #tpu.memory_space<hbm>>
    %dma_wait3A_1246 = tpu.memref_squeeze %dma_wait3A_1245 : memref<1x128x256xf32, #tpu.memory_space<hbm>> -> memref<128x256xf32, #tpu.memory_space<hbm>>
    %dma_wait3A_1247 = arith.constant 128 : i32
    %dma_wait3A_1248 = arith.constant 0 : i32
    %dma_wait3A_1249 = tpu.memref_slice %arg3[%add3A_987, %dma_wait3A_1247, %dma_wait3A_1248] : memref<512x512x256xf32, #tpu.memory_space<hbm>> -> memref<1x128x256xf32, #tpu.memory_space<hbm>>
    %dma_wait3A_1250 = tpu.memref_squeeze %dma_wait3A_1249 : memref<1x128x256xf32, #tpu.memory_space<hbm>> -> memref<128x256xf32, #tpu.memory_space<hbm>>
    %dma_wait3A_1251 = arith.constant 112 : i32
    %dma_wait3A_1252 = arith.constant 0 : i32
    %dma_wait3A_1253 = tpu.memref_slice %arg5[%dma_wait3A_1251, %dma_wait3A_1252] : memref<256x256xf32, #tpu.memory_space<vmem>> -> memref<128x256xf32, #tpu.memory_space<vmem>>
    tpu.wait_dma2 semaphore(%arg7 : memref<!tpu.dma_semaphore, #tpu.memory_space<semaphore_mem>>) src(%dma_wait3A_1253 : memref<128x256xf32, #tpu.memory_space<vmem>>) dst(%dma_wait3A_1250 : memref<128x256xf32, #tpu.memory_space<hbm>>)
    %dma_wait3A_1254 = arith.constant 104 : i32
    %dma_wait3A_1255 = arith.constant 0 : i32
    %dma_wait3A_1256 = tpu.memref_slice %arg5[%dma_wait3A_1254, %dma_wait3A_1255] : memref<256x256xf32, #tpu.memory_space<vmem>> -> memref<128x256xf32, #tpu.memory_space<vmem>>
    %dma_wait3A_1257 = arith.constant 128 : i32
    %dma_wait3A_1258 = arith.constant 0 : i32
    %dma_wait3A_1259 = tpu.memref_slice %arg3[%add3A_1003, %dma_wait3A_1257, %dma_wait3A_1258] : memref<512x512x256xf32, #tpu.memory_space<hbm>> -> memref<1x128x256xf32, #tpu.memory_space<hbm>>
    %dma_wait3A_1260 = tpu.memref_squeeze %dma_wait3A_1259 : memref<1x128x256xf32, #tpu.memory_space<hbm>> -> memref<128x256xf32, #tpu.memory_space<hbm>>
    %dma_wait3A_1261 = arith.constant 128 : i32
    %dma_wait3A_1262 = arith.constant 0 : i32
    %dma_wait3A_1263 = tpu.memref_slice %arg3[%add3A_1003, %dma_wait3A_1261, %dma_wait3A_1262] : memref<512x512x256xf32, #tpu.memory_space<hbm>> -> memref<1x128x256xf32, #tpu.memory_space<hbm>>
    %dma_wait3A_1264 = tpu.memref_squeeze %dma_wait3A_1263 : memref<1x128x256xf32, #tpu.memory_space<hbm>> -> memref<128x256xf32, #tpu.memory_space<hbm>>
    %dma_wait3A_1265 = arith.constant 104 : i32
    %dma_wait3A_1266 = arith.constant 0 : i32
    %dma_wait3A_1267 = tpu.memref_slice %arg5[%dma_wait3A_1265, %dma_wait3A_1266] : memref<256x256xf32, #tpu.memory_space<vmem>> -> memref<128x256xf32, #tpu.memory_space<vmem>>
    tpu.wait_dma2 semaphore(%arg7 : memref<!tpu.dma_semaphore, #tpu.memory_space<semaphore_mem>>) src(%dma_wait3A_1267 : memref<128x256xf32, #tpu.memory_space<vmem>>) dst(%dma_wait3A_1264 : memref<128x256xf32, #tpu.memory_space<hbm>>)
    %dma_wait3A_1268 = arith.constant 96 : i32
    %dma_wait3A_1269 = arith.constant 0 : i32
    %dma_wait3A_1270 = tpu.memref_slice %arg5[%dma_wait3A_1268, %dma_wait3A_1269] : memref<256x256xf32, #tpu.memory_space<vmem>> -> memref<128x256xf32, #tpu.memory_space<vmem>>
    %dma_wait3A_1271 = arith.constant 128 : i32
    %dma_wait3A_1272 = arith.constant 0 : i32
    %dma_wait3A_1273 = tpu.memref_slice %arg3[%add3A_1019, %dma_wait3A_1271, %dma_wait3A_1272] : memref<512x512x256xf32, #tpu.memory_space<hbm>> -> memref<1x128x256xf32, #tpu.memory_space<hbm>>
    %dma_wait3A_1274 = tpu.memref_squeeze %dma_wait3A_1273 : memref<1x128x256xf32, #tpu.memory_space<hbm>> -> memref<128x256xf32, #tpu.memory_space<hbm>>
    %dma_wait3A_1275 = arith.constant 128 : i32
    %dma_wait3A_1276 = arith.constant 0 : i32
    %dma_wait3A_1277 = tpu.memref_slice %arg3[%add3A_1019, %dma_wait3A_1275, %dma_wait3A_1276] : memref<512x512x256xf32, #tpu.memory_space<hbm>> -> memref<1x128x256xf32, #tpu.memory_space<hbm>>
    %dma_wait3A_1278 = tpu.memref_squeeze %dma_wait3A_1277 : memref<1x128x256xf32, #tpu.memory_space<hbm>> -> memref<128x256xf32, #tpu.memory_space<hbm>>
    %dma_wait3A_1279 = arith.constant 96 : i32
    %dma_wait3A_1280 = arith.constant 0 : i32
    %dma_wait3A_1281 = tpu.memref_slice %arg5[%dma_wait3A_1279, %dma_wait3A_1280] : memref<256x256xf32, #tpu.memory_space<vmem>> -> memref<128x256xf32, #tpu.memory_space<vmem>>
    tpu.wait_dma2 semaphore(%arg7 : memref<!tpu.dma_semaphore, #tpu.memory_space<semaphore_mem>>) src(%dma_wait3A_1281 : memref<128x256xf32, #tpu.memory_space<vmem>>) dst(%dma_wait3A_1278 : memref<128x256xf32, #tpu.memory_space<hbm>>)
    %dma_wait3A_1282 = arith.constant 88 : i32
    %dma_wait3A_1283 = arith.constant 0 : i32
    %dma_wait3A_1284 = tpu.memref_slice %arg5[%dma_wait3A_1282, %dma_wait3A_1283] : memref<256x256xf32, #tpu.memory_space<vmem>> -> memref<128x256xf32, #tpu.memory_space<vmem>>
    %dma_wait3A_1285 = arith.constant 128 : i32
    %dma_wait3A_1286 = arith.constant 0 : i32
    %dma_wait3A_1287 = tpu.memref_slice %arg3[%add3A_1035, %dma_wait3A_1285, %dma_wait3A_1286] : memref<512x512x256xf32, #tpu.memory_space<hbm>> -> memref<1x128x256xf32, #tpu.memory_space<hbm>>
    %dma_wait3A_1288 = tpu.memref_squeeze %dma_wait3A_1287 : memref<1x128x256xf32, #tpu.memory_space<hbm>> -> memref<128x256xf32, #tpu.memory_space<hbm>>
    %dma_wait3A_1289 = arith.constant 128 : i32
    %dma_wait3A_1290 = arith.constant 0 : i32
    %dma_wait3A_1291 = tpu.memref_slice %arg3[%add3A_1035, %dma_wait3A_1289, %dma_wait3A_1290] : memref<512x512x256xf32, #tpu.memory_space<hbm>> -> memref<1x128x256xf32, #tpu.memory_space<hbm>>
    %dma_wait3A_1292 = tpu.memref_squeeze %dma_wait3A_1291 : memref<1x128x256xf32, #tpu.memory_space<hbm>> -> memref<128x256xf32, #tpu.memory_space<hbm>>
    %dma_wait3A_1293 = arith.constant 88 : i32
    %dma_wait3A_1294 = arith.constant 0 : i32
    %dma_wait3A_1295 = tpu.memref_slice %arg5[%dma_wait3A_1293, %dma_wait3A_1294] : memref<256x256xf32, #tpu.memory_space<vmem>> -> memref<128x256xf32, #tpu.memory_space<vmem>>
    tpu.wait_dma2 semaphore(%arg7 : memref<!tpu.dma_semaphore, #tpu.memory_space<semaphore_mem>>) src(%dma_wait3A_1295 : memref<128x256xf32, #tpu.memory_space<vmem>>) dst(%dma_wait3A_1292 : memref<128x256xf32, #tpu.memory_space<hbm>>)
    %dma_wait3A_1296 = arith.constant 80 : i32
    %dma_wait3A_1297 = arith.constant 0 : i32
    %dma_wait3A_1298 = tpu.memref_slice %arg5[%dma_wait3A_1296, %dma_wait3A_1297] : memref<256x256xf32, #tpu.memory_space<vmem>> -> memref<128x256xf32, #tpu.memory_space<vmem>>
    %dma_wait3A_1299 = arith.constant 128 : i32
    %dma_wait3A_1300 = arith.constant 0 : i32
    %dma_wait3A_1301 = tpu.memref_slice %arg3[%add3A_1051, %dma_wait3A_1299, %dma_wait3A_1300] : memref<512x512x256xf32, #tpu.memory_space<hbm>> -> memref<1x128x256xf32, #tpu.memory_space<hbm>>
    %dma_wait3A_1302 = tpu.memref_squeeze %dma_wait3A_1301 : memref<1x128x256xf32, #tpu.memory_space<hbm>> -> memref<128x256xf32, #tpu.memory_space<hbm>>
    %dma_wait3A_1303 = arith.constant 128 : i32
    %dma_wait3A_1304 = arith.constant 0 : i32
    %dma_wait3A_1305 = tpu.memref_slice %arg3[%add3A_1051, %dma_wait3A_1303, %dma_wait3A_1304] : memref<512x512x256xf32, #tpu.memory_space<hbm>> -> memref<1x128x256xf32, #tpu.memory_space<hbm>>
    %dma_wait3A_1306 = tpu.memref_squeeze %dma_wait3A_1305 : memref<1x128x256xf32, #tpu.memory_space<hbm>> -> memref<128x256xf32, #tpu.memory_space<hbm>>
    %dma_wait3A_1307 = arith.constant 80 : i32
    %dma_wait3A_1308 = arith.constant 0 : i32
    %dma_wait3A_1309 = tpu.memref_slice %arg5[%dma_wait3A_1307, %dma_wait3A_1308] : memref<256x256xf32, #tpu.memory_space<vmem>> -> memref<128x256xf32, #tpu.memory_space<vmem>>
    tpu.wait_dma2 semaphore(%arg7 : memref<!tpu.dma_semaphore, #tpu.memory_space<semaphore_mem>>) src(%dma_wait3A_1309 : memref<128x256xf32, #tpu.memory_space<vmem>>) dst(%dma_wait3A_1306 : memref<128x256xf32, #tpu.memory_space<hbm>>)
    %dma_wait3A_1310 = arith.constant 72 : i32
    %dma_wait3A_1311 = arith.constant 0 : i32
    %dma_wait3A_1312 = tpu.memref_slice %arg5[%dma_wait3A_1310, %dma_wait3A_1311] : memref<256x256xf32, #tpu.memory_space<vmem>> -> memref<128x256xf32, #tpu.memory_space<vmem>>
    %dma_wait3A_1313 = arith.constant 128 : i32
    %dma_wait3A_1314 = arith.constant 0 : i32
    %dma_wait3A_1315 = tpu.memref_slice %arg3[%add3A_1067, %dma_wait3A_1313, %dma_wait3A_1314] : memref<512x512x256xf32, #tpu.memory_space<hbm>> -> memref<1x128x256xf32, #tpu.memory_space<hbm>>
    %dma_wait3A_1316 = tpu.memref_squeeze %dma_wait3A_1315 : memref<1x128x256xf32, #tpu.memory_space<hbm>> -> memref<128x256xf32, #tpu.memory_space<hbm>>
    %dma_wait3A_1317 = arith.constant 128 : i32
    %dma_wait3A_1318 = arith.constant 0 : i32
    %dma_wait3A_1319 = tpu.memref_slice %arg3[%add3A_1067, %dma_wait3A_1317, %dma_wait3A_1318] : memref<512x512x256xf32, #tpu.memory_space<hbm>> -> memref<1x128x256xf32, #tpu.memory_space<hbm>>
    %dma_wait3A_1320 = tpu.memref_squeeze %dma_wait3A_1319 : memref<1x128x256xf32, #tpu.memory_space<hbm>> -> memref<128x256xf32, #tpu.memory_space<hbm>>
    %dma_wait3A_1321 = arith.constant 72 : i32
    %dma_wait3A_1322 = arith.constant 0 : i32
    %dma_wait3A_1323 = tpu.memref_slice %arg5[%dma_wait3A_1321, %dma_wait3A_1322] : memref<256x256xf32, #tpu.memory_space<vmem>> -> memref<128x256xf32, #tpu.memory_space<vmem>>
    tpu.wait_dma2 semaphore(%arg7 : memref<!tpu.dma_semaphore, #tpu.memory_space<semaphore_mem>>) src(%dma_wait3A_1323 : memref<128x256xf32, #tpu.memory_space<vmem>>) dst(%dma_wait3A_1320 : memref<128x256xf32, #tpu.memory_space<hbm>>)
    %dma_wait3A_1324 = arith.constant 64 : i32
    %dma_wait3A_1325 = arith.constant 0 : i32
    %dma_wait3A_1326 = tpu.memref_slice %arg5[%dma_wait3A_1324, %dma_wait3A_1325] : memref<256x256xf32, #tpu.memory_space<vmem>> -> memref<128x256xf32, #tpu.memory_space<vmem>>
    %dma_wait3A_1327 = arith.constant 128 : i32
    %dma_wait3A_1328 = arith.constant 0 : i32
    %dma_wait3A_1329 = tpu.memref_slice %arg3[%add3A_1083, %dma_wait3A_1327, %dma_wait3A_1328] : memref<512x512x256xf32, #tpu.memory_space<hbm>> -> memref<1x128x256xf32, #tpu.memory_space<hbm>>
    %dma_wait3A_1330 = tpu.memref_squeeze %dma_wait3A_1329 : memref<1x128x256xf32, #tpu.memory_space<hbm>> -> memref<128x256xf32, #tpu.memory_space<hbm>>
    %dma_wait3A_1331 = arith.constant 128 : i32
    %dma_wait3A_1332 = arith.constant 0 : i32
    %dma_wait3A_1333 = tpu.memref_slice %arg3[%add3A_1083, %dma_wait3A_1331, %dma_wait3A_1332] : memref<512x512x256xf32, #tpu.memory_space<hbm>> -> memref<1x128x256xf32, #tpu.memory_space<hbm>>
    %dma_wait3A_1334 = tpu.memref_squeeze %dma_wait3A_1333 : memref<1x128x256xf32, #tpu.memory_space<hbm>> -> memref<128x256xf32, #tpu.memory_space<hbm>>
    %dma_wait3A_1335 = arith.constant 64 : i32
    %dma_wait3A_1336 = arith.constant 0 : i32
    %dma_wait3A_1337 = tpu.memref_slice %arg5[%dma_wait3A_1335, %dma_wait3A_1336] : memref<256x256xf32, #tpu.memory_space<vmem>> -> memref<128x256xf32, #tpu.memory_space<vmem>>
    tpu.wait_dma2 semaphore(%arg7 : memref<!tpu.dma_semaphore, #tpu.memory_space<semaphore_mem>>) src(%dma_wait3A_1337 : memref<128x256xf32, #tpu.memory_space<vmem>>) dst(%dma_wait3A_1334 : memref<128x256xf32, #tpu.memory_space<hbm>>)
    %dma_wait3A_1338 = arith.constant 56 : i32
    %dma_wait3A_1339 = arith.constant 0 : i32
    %dma_wait3A_1340 = tpu.memref_slice %arg5[%dma_wait3A_1338, %dma_wait3A_1339] : memref<256x256xf32, #tpu.memory_space<vmem>> -> memref<128x256xf32, #tpu.memory_space<vmem>>
    %dma_wait3A_1341 = arith.constant 128 : i32
    %dma_wait3A_1342 = arith.constant 0 : i32
    %dma_wait3A_1343 = tpu.memref_slice %arg3[%add3A_1099, %dma_wait3A_1341, %dma_wait3A_1342] : memref<512x512x256xf32, #tpu.memory_space<hbm>> -> memref<1x128x256xf32, #tpu.memory_space<hbm>>
    %dma_wait3A_1344 = tpu.memref_squeeze %dma_wait3A_1343 : memref<1x128x256xf32, #tpu.memory_space<hbm>> -> memref<128x256xf32, #tpu.memory_space<hbm>>
    %dma_wait3A_1345 = arith.constant 128 : i32
    %dma_wait3A_1346 = arith.constant 0 : i32
    %dma_wait3A_1347 = tpu.memref_slice %arg3[%add3A_1099, %dma_wait3A_1345, %dma_wait3A_1346] : memref<512x512x256xf32, #tpu.memory_space<hbm>> -> memref<1x128x256xf32, #tpu.memory_space<hbm>>
    %dma_wait3A_1348 = tpu.memref_squeeze %dma_wait3A_1347 : memref<1x128x256xf32, #tpu.memory_space<hbm>> -> memref<128x256xf32, #tpu.memory_space<hbm>>
    %dma_wait3A_1349 = arith.constant 56 : i32
    %dma_wait3A_1350 = arith.constant 0 : i32
    %dma_wait3A_1351 = tpu.memref_slice %arg5[%dma_wait3A_1349, %dma_wait3A_1350] : memref<256x256xf32, #tpu.memory_space<vmem>> -> memref<128x256xf32, #tpu.memory_space<vmem>>
    tpu.wait_dma2 semaphore(%arg7 : memref<!tpu.dma_semaphore, #tpu.memory_space<semaphore_mem>>) src(%dma_wait3A_1351 : memref<128x256xf32, #tpu.memory_space<vmem>>) dst(%dma_wait3A_1348 : memref<128x256xf32, #tpu.memory_space<hbm>>)
    %dma_wait3A_1352 = arith.constant 48 : i32
    %dma_wait3A_1353 = arith.constant 0 : i32
    %dma_wait3A_1354 = tpu.memref_slice %arg5[%dma_wait3A_1352, %dma_wait3A_1353] : memref<256x256xf32, #tpu.memory_space<vmem>> -> memref<128x256xf32, #tpu.memory_space<vmem>>
    %dma_wait3A_1355 = arith.constant 128 : i32
    %dma_wait3A_1356 = arith.constant 0 : i32
    %dma_wait3A_1357 = tpu.memref_slice %arg3[%add3A_1115, %dma_wait3A_1355, %dma_wait3A_1356] : memref<512x512x256xf32, #tpu.memory_space<hbm>> -> memref<1x128x256xf32, #tpu.memory_space<hbm>>
    %dma_wait3A_1358 = tpu.memref_squeeze %dma_wait3A_1357 : memref<1x128x256xf32, #tpu.memory_space<hbm>> -> memref<128x256xf32, #tpu.memory_space<hbm>>
    %dma_wait3A_1359 = arith.constant 128 : i32
    %dma_wait3A_1360 = arith.constant 0 : i32
    %dma_wait3A_1361 = tpu.memref_slice %arg3[%add3A_1115, %dma_wait3A_1359, %dma_wait3A_1360] : memref<512x512x256xf32, #tpu.memory_space<hbm>> -> memref<1x128x256xf32, #tpu.memory_space<hbm>>
    %dma_wait3A_1362 = tpu.memref_squeeze %dma_wait3A_1361 : memref<1x128x256xf32, #tpu.memory_space<hbm>> -> memref<128x256xf32, #tpu.memory_space<hbm>>
    %dma_wait3A_1363 = arith.constant 48 : i32
    %dma_wait3A_1364 = arith.constant 0 : i32
    %dma_wait3A_1365 = tpu.memref_slice %arg5[%dma_wait3A_1363, %dma_wait3A_1364] : memref<256x256xf32, #tpu.memory_space<vmem>> -> memref<128x256xf32, #tpu.memory_space<vmem>>
    tpu.wait_dma2 semaphore(%arg7 : memref<!tpu.dma_semaphore, #tpu.memory_space<semaphore_mem>>) src(%dma_wait3A_1365 : memref<128x256xf32, #tpu.memory_space<vmem>>) dst(%dma_wait3A_1362 : memref<128x256xf32, #tpu.memory_space<hbm>>)
    %dma_wait3A_1366 = arith.constant 40 : i32
    %dma_wait3A_1367 = arith.constant 0 : i32
    %dma_wait3A_1368 = tpu.memref_slice %arg5[%dma_wait3A_1366, %dma_wait3A_1367] : memref<256x256xf32, #tpu.memory_space<vmem>> -> memref<128x256xf32, #tpu.memory_space<vmem>>
    %dma_wait3A_1369 = arith.constant 128 : i32
    %dma_wait3A_1370 = arith.constant 0 : i32
    %dma_wait3A_1371 = tpu.memref_slice %arg3[%add3A_1131, %dma_wait3A_1369, %dma_wait3A_1370] : memref<512x512x256xf32, #tpu.memory_space<hbm>> -> memref<1x128x256xf32, #tpu.memory_space<hbm>>
    %dma_wait3A_1372 = tpu.memref_squeeze %dma_wait3A_1371 : memref<1x128x256xf32, #tpu.memory_space<hbm>> -> memref<128x256xf32, #tpu.memory_space<hbm>>
    %dma_wait3A_1373 = arith.constant 128 : i32
    %dma_wait3A_1374 = arith.constant 0 : i32
    %dma_wait3A_1375 = tpu.memref_slice %arg3[%add3A_1131, %dma_wait3A_1373, %dma_wait3A_1374] : memref<512x512x256xf32, #tpu.memory_space<hbm>> -> memref<1x128x256xf32, #tpu.memory_space<hbm>>
    %dma_wait3A_1376 = tpu.memref_squeeze %dma_wait3A_1375 : memref<1x128x256xf32, #tpu.memory_space<hbm>> -> memref<128x256xf32, #tpu.memory_space<hbm>>
    %dma_wait3A_1377 = arith.constant 40 : i32
    %dma_wait3A_1378 = arith.constant 0 : i32
    %dma_wait3A_1379 = tpu.memref_slice %arg5[%dma_wait3A_1377, %dma_wait3A_1378] : memref<256x256xf32, #tpu.memory_space<vmem>> -> memref<128x256xf32, #tpu.memory_space<vmem>>
    tpu.wait_dma2 semaphore(%arg7 : memref<!tpu.dma_semaphore, #tpu.memory_space<semaphore_mem>>) src(%dma_wait3A_1379 : memref<128x256xf32, #tpu.memory_space<vmem>>) dst(%dma_wait3A_1376 : memref<128x256xf32, #tpu.memory_space<hbm>>)
    %dma_wait3A_1380 = arith.constant 32 : i32
    %dma_wait3A_1381 = arith.constant 0 : i32
    %dma_wait3A_1382 = tpu.memref_slice %arg5[%dma_wait3A_1380, %dma_wait3A_1381] : memref<256x256xf32, #tpu.memory_space<vmem>> -> memref<128x256xf32, #tpu.memory_space<vmem>>
    %dma_wait3A_1383 = arith.constant 128 : i32
    %dma_wait3A_1384 = arith.constant 0 : i32
    %dma_wait3A_1385 = tpu.memref_slice %arg3[%add3A_1147, %dma_wait3A_1383, %dma_wait3A_1384] : memref<512x512x256xf32, #tpu.memory_space<hbm>> -> memref<1x128x256xf32, #tpu.memory_space<hbm>>
    %dma_wait3A_1386 = tpu.memref_squeeze %dma_wait3A_1385 : memref<1x128x256xf32, #tpu.memory_space<hbm>> -> memref<128x256xf32, #tpu.memory_space<hbm>>
    %dma_wait3A_1387 = arith.constant 128 : i32
    %dma_wait3A_1388 = arith.constant 0 : i32
    %dma_wait3A_1389 = tpu.memref_slice %arg3[%add3A_1147, %dma_wait3A_1387, %dma_wait3A_1388] : memref<512x512x256xf32, #tpu.memory_space<hbm>> -> memref<1x128x256xf32, #tpu.memory_space<hbm>>
    %dma_wait3A_1390 = tpu.memref_squeeze %dma_wait3A_1389 : memref<1x128x256xf32, #tpu.memory_space<hbm>> -> memref<128x256xf32, #tpu.memory_space<hbm>>
    %dma_wait3A_1391 = arith.constant 32 : i32
    %dma_wait3A_1392 = arith.constant 0 : i32
    %dma_wait3A_1393 = tpu.memref_slice %arg5[%dma_wait3A_1391, %dma_wait3A_1392] : memref<256x256xf32, #tpu.memory_space<vmem>> -> memref<128x256xf32, #tpu.memory_space<vmem>>
    tpu.wait_dma2 semaphore(%arg7 : memref<!tpu.dma_semaphore, #tpu.memory_space<semaphore_mem>>) src(%dma_wait3A_1393 : memref<128x256xf32, #tpu.memory_space<vmem>>) dst(%dma_wait3A_1390 : memref<128x256xf32, #tpu.memory_space<hbm>>)
    %dma_wait3A_1394 = arith.constant 24 : i32
    %dma_wait3A_1395 = arith.constant 0 : i32
    %dma_wait3A_1396 = tpu.memref_slice %arg5[%dma_wait3A_1394, %dma_wait3A_1395] : memref<256x256xf32, #tpu.memory_space<vmem>> -> memref<128x256xf32, #tpu.memory_space<vmem>>
    %dma_wait3A_1397 = arith.constant 128 : i32
    %dma_wait3A_1398 = arith.constant 0 : i32
    %dma_wait3A_1399 = tpu.memref_slice %arg3[%add3A_1163, %dma_wait3A_1397, %dma_wait3A_1398] : memref<512x512x256xf32, #tpu.memory_space<hbm>> -> memref<1x128x256xf32, #tpu.memory_space<hbm>>
    %dma_wait3A_1400 = tpu.memref_squeeze %dma_wait3A_1399 : memref<1x128x256xf32, #tpu.memory_space<hbm>> -> memref<128x256xf32, #tpu.memory_space<hbm>>
    %dma_wait3A_1401 = arith.constant 128 : i32
    %dma_wait3A_1402 = arith.constant 0 : i32
    %dma_wait3A_1403 = tpu.memref_slice %arg3[%add3A_1163, %dma_wait3A_1401, %dma_wait3A_1402] : memref<512x512x256xf32, #tpu.memory_space<hbm>> -> memref<1x128x256xf32, #tpu.memory_space<hbm>>
    %dma_wait3A_1404 = tpu.memref_squeeze %dma_wait3A_1403 : memref<1x128x256xf32, #tpu.memory_space<hbm>> -> memref<128x256xf32, #tpu.memory_space<hbm>>
    %dma_wait3A_1405 = arith.constant 24 : i32
    %dma_wait3A_1406 = arith.constant 0 : i32
    %dma_wait3A_1407 = tpu.memref_slice %arg5[%dma_wait3A_1405, %dma_wait3A_1406] : memref<256x256xf32, #tpu.memory_space<vmem>> -> memref<128x256xf32, #tpu.memory_space<vmem>>
    tpu.wait_dma2 semaphore(%arg7 : memref<!tpu.dma_semaphore, #tpu.memory_space<semaphore_mem>>) src(%dma_wait3A_1407 : memref<128x256xf32, #tpu.memory_space<vmem>>) dst(%dma_wait3A_1404 : memref<128x256xf32, #tpu.memory_space<hbm>>)
    %dma_wait3A_1408 = arith.constant 16 : i32
    %dma_wait3A_1409 = arith.constant 0 : i32
    %dma_wait3A_1410 = tpu.memref_slice %arg5[%dma_wait3A_1408, %dma_wait3A_1409] : memref<256x256xf32, #tpu.memory_space<vmem>> -> memref<128x256xf32, #tpu.memory_space<vmem>>
    %dma_wait3A_1411 = arith.constant 128 : i32
    %dma_wait3A_1412 = arith.constant 0 : i32
    %dma_wait3A_1413 = tpu.memref_slice %arg3[%add3A_1179, %dma_wait3A_1411, %dma_wait3A_1412] : memref<512x512x256xf32, #tpu.memory_space<hbm>> -> memref<1x128x256xf32, #tpu.memory_space<hbm>>
    %dma_wait3A_1414 = tpu.memref_squeeze %dma_wait3A_1413 : memref<1x128x256xf32, #tpu.memory_space<hbm>> -> memref<128x256xf32, #tpu.memory_space<hbm>>
    %dma_wait3A_1415 = arith.constant 128 : i32
    %dma_wait3A_1416 = arith.constant 0 : i32
    %dma_wait3A_1417 = tpu.memref_slice %arg3[%add3A_1179, %dma_wait3A_1415, %dma_wait3A_1416] : memref<512x512x256xf32, #tpu.memory_space<hbm>> -> memref<1x128x256xf32, #tpu.memory_space<hbm>>
    %dma_wait3A_1418 = tpu.memref_squeeze %dma_wait3A_1417 : memref<1x128x256xf32, #tpu.memory_space<hbm>> -> memref<128x256xf32, #tpu.memory_space<hbm>>
    %dma_wait3A_1419 = arith.constant 16 : i32
    %dma_wait3A_1420 = arith.constant 0 : i32
    %dma_wait3A_1421 = tpu.memref_slice %arg5[%dma_wait3A_1419, %dma_wait3A_1420] : memref<256x256xf32, #tpu.memory_space<vmem>> -> memref<128x256xf32, #tpu.memory_space<vmem>>
    tpu.wait_dma2 semaphore(%arg7 : memref<!tpu.dma_semaphore, #tpu.memory_space<semaphore_mem>>) src(%dma_wait3A_1421 : memref<128x256xf32, #tpu.memory_space<vmem>>) dst(%dma_wait3A_1418 : memref<128x256xf32, #tpu.memory_space<hbm>>)
    %dma_wait3A_1422 = arith.constant 8 : i32
    %dma_wait3A_1423 = arith.constant 0 : i32
    %dma_wait3A_1424 = tpu.memref_slice %arg5[%dma_wait3A_1422, %dma_wait3A_1423] : memref<256x256xf32, #tpu.memory_space<vmem>> -> memref<128x256xf32, #tpu.memory_space<vmem>>
    %dma_wait3A_1425 = arith.constant 128 : i32
    %dma_wait3A_1426 = arith.constant 0 : i32
    %dma_wait3A_1427 = tpu.memref_slice %arg3[%add3A_1195, %dma_wait3A_1425, %dma_wait3A_1426] : memref<512x512x256xf32, #tpu.memory_space<hbm>> -> memref<1x128x256xf32, #tpu.memory_space<hbm>>
    %dma_wait3A_1428 = tpu.memref_squeeze %dma_wait3A_1427 : memref<1x128x256xf32, #tpu.memory_space<hbm>> -> memref<128x256xf32, #tpu.memory_space<hbm>>
    %dma_wait3A_1429 = arith.constant 128 : i32
    %dma_wait3A_1430 = arith.constant 0 : i32
    %dma_wait3A_1431 = tpu.memref_slice %arg3[%add3A_1195, %dma_wait3A_1429, %dma_wait3A_1430] : memref<512x512x256xf32, #tpu.memory_space<hbm>> -> memref<1x128x256xf32, #tpu.memory_space<hbm>>
    %dma_wait3A_1432 = tpu.memref_squeeze %dma_wait3A_1431 : memref<1x128x256xf32, #tpu.memory_space<hbm>> -> memref<128x256xf32, #tpu.memory_space<hbm>>
    %dma_wait3A_1433 = arith.constant 8 : i32
    %dma_wait3A_1434 = arith.constant 0 : i32
    %dma_wait3A_1435 = tpu.memref_slice %arg5[%dma_wait3A_1433, %dma_wait3A_1434] : memref<256x256xf32, #tpu.memory_space<vmem>> -> memref<128x256xf32, #tpu.memory_space<vmem>>
    tpu.wait_dma2 semaphore(%arg7 : memref<!tpu.dma_semaphore, #tpu.memory_space<semaphore_mem>>) src(%dma_wait3A_1435 : memref<128x256xf32, #tpu.memory_space<vmem>>) dst(%dma_wait3A_1432 : memref<128x256xf32, #tpu.memory_space<hbm>>)
    %dma_wait3A_1436 = arith.constant 0 : i32
    %dma_wait3A_1437 = arith.constant 0 : i32
    %dma_wait3A_1438 = tpu.memref_slice %arg5[%dma_wait3A_1436, %dma_wait3A_1437] : memref<256x256xf32, #tpu.memory_space<vmem>> -> memref<128x256xf32, #tpu.memory_space<vmem>>
    %dma_wait3A_1439 = arith.constant 128 : i32
    %dma_wait3A_1440 = arith.constant 0 : i32
    %dma_wait3A_1441 = tpu.memref_slice %arg3[%add3A_1211, %dma_wait3A_1439, %dma_wait3A_1440] : memref<512x512x256xf32, #tpu.memory_space<hbm>> -> memref<1x128x256xf32, #tpu.memory_space<hbm>>
    %dma_wait3A_1442 = tpu.memref_squeeze %dma_wait3A_1441 : memref<1x128x256xf32, #tpu.memory_space<hbm>> -> memref<128x256xf32, #tpu.memory_space<hbm>>
    %dma_wait3A_1443 = arith.constant 128 : i32
    %dma_wait3A_1444 = arith.constant 0 : i32
    %dma_wait3A_1445 = tpu.memref_slice %arg3[%add3A_1211, %dma_wait3A_1443, %dma_wait3A_1444] : memref<512x512x256xf32, #tpu.memory_space<hbm>> -> memref<1x128x256xf32, #tpu.memory_space<hbm>>
    %dma_wait3A_1446 = tpu.memref_squeeze %dma_wait3A_1445 : memref<1x128x256xf32, #tpu.memory_space<hbm>> -> memref<128x256xf32, #tpu.memory_space<hbm>>
    %dma_wait3A_1447 = arith.constant 0 : i32
    %dma_wait3A_1448 = arith.constant 0 : i32
    %dma_wait3A_1449 = tpu.memref_slice %arg5[%dma_wait3A_1447, %dma_wait3A_1448] : memref<256x256xf32, #tpu.memory_space<vmem>> -> memref<128x256xf32, #tpu.memory_space<vmem>>
    tpu.wait_dma2 semaphore(%arg7 : memref<!tpu.dma_semaphore, #tpu.memory_space<semaphore_mem>>) src(%dma_wait3A_1449 : memref<128x256xf32, #tpu.memory_space<vmem>>) dst(%dma_wait3A_1446 : memref<128x256xf32, #tpu.memory_space<hbm>>)
    %add3A_1450 = arith.constant 120 : i32
    %add3A_1451 = arith.addi %add3A_33, %add3A_1450 : i32
    %add3A_1452 = arith.constant 511 : i32
    %add3A_1453 = arith.addi %add3A_1451, %add3A_1452 : i32
    %sub3A_1454 = arith.constant 256 : i32
    %sub3A_1455 = arith.subi %add3A_1453, %sub3A_1454 : i32
    %add3A_1456 = arith.constant 0 : i32
    %add3A_1457 = vector.broadcast %add3A_1456 : i32 to vector<16xi32>
    %add3A_1458 = arith.addi %add3A_1457, %iota3A : vector<16xi32>
    %sub3A_1459 = vector.broadcast %sub3A_1455 : i32 to vector<16xi32>
    %sub3A_1460 = arith.subi %sub3A_1459, %add3A_1458 : vector<16xi32>
    %max3A_1461 = arith.constant 0 : i32
    %max3A_1462 = vector.broadcast %max3A_1461 : i32 to vector<16xi32>
    %max3A_1463 = arith.maxsi %sub3A_1460, %max3A_1462 : vector<16xi32>
    %swap3A_1464 = arith.constant 0 : index
    %swap3A_1465 = tpu.vector_load %arg4[%swap3A_1464] {strides = array<i32>} : memref<256xi32, #tpu.memory_space<vmem>>, vector<16xi32>,
    %swap3A_1466 = vector.shape_cast %swap3A_1465 : vector<16xi32> to vector<16xi32>
    %swap3A_1467 = vector.shape_cast %max3A_1463 : vector<16xi32> to vector<16xi32>
    tpu.vector_store %arg4[%swap3A_1464], %swap3A_1467 {strides = array<i32>} : memref<256xi32, #tpu.memory_space<vmem>>, vector<16xi32>,
    %add3A_1468 = arith.constant 16 : i32
    %add3A_1469 = vector.broadcast %add3A_1468 : i32 to vector<16xi32>
    %add3A_1470 = arith.addi %add3A_1469, %iota3A : vector<16xi32>
    %sub3A_1471 = vector.broadcast %sub3A_1455 : i32 to vector<16xi32>
    %sub3A_1472 = arith.subi %sub3A_1471, %add3A_1470 : vector<16xi32>
    %max3A_1473 = arith.constant 0 : i32
    %max3A_1474 = vector.broadcast %max3A_1473 : i32 to vector<16xi32>
    %max3A_1475 = arith.maxsi %sub3A_1472, %max3A_1474 : vector<16xi32>
    %swap3A_1476 = arith.constant 16 : index
    %swap3A_1477 = tpu.vector_load %arg4[%swap3A_1476] {strides = array<i32>} : memref<256xi32, #tpu.memory_space<vmem>>, vector<16xi32>,
    %swap3A_1478 = vector.shape_cast %swap3A_1477 : vector<16xi32> to vector<16xi32>
    %swap3A_1479 = vector.shape_cast %max3A_1475 : vector<16xi32> to vector<16xi32>
    tpu.vector_store %arg4[%swap3A_1476], %swap3A_1479 {strides = array<i32>} : memref<256xi32, #tpu.memory_space<vmem>>, vector<16xi32>,
    %add3A_1480 = arith.constant 32 : i32
    %add3A_1481 = vector.broadcast %add3A_1480 : i32 to vector<16xi32>
    %add3A_1482 = arith.addi %add3A_1481, %iota3A : vector<16xi32>
    %sub3A_1483 = vector.broadcast %sub3A_1455 : i32 to vector<16xi32>
    %sub3A_1484 = arith.subi %sub3A_1483, %add3A_1482 : vector<16xi32>
    %max3A_1485 = arith.constant 0 : i32
    %max3A_1486 = vector.broadcast %max3A_1485 : i32 to vector<16xi32>
    %max3A_1487 = arith.maxsi %sub3A_1484, %max3A_1486 : vector<16xi32>
    %swap3A_1488 = arith.constant 32 : index
    %swap3A_1489 = tpu.vector_load %arg4[%swap3A_1488] {strides = array<i32>} : memref<256xi32, #tpu.memory_space<vmem>>, vector<16xi32>,
    %swap3A_1490 = vector.shape_cast %swap3A_1489 : vector<16xi32> to vector<16xi32>
    %swap3A_1491 = vector.shape_cast %max3A_1487 : vector<16xi32> to vector<16xi32>
    tpu.vector_store %arg4[%swap3A_1488], %swap3A_1491 {strides = array<i32>} : memref<256xi32, #tpu.memory_space<vmem>>, vector<16xi32>,
    %add3A_1492 = arith.constant 48 : i32
    %add3A_1493 = vector.broadcast %add3A_1492 : i32 to vector<16xi32>
    %add3A_1494 = arith.addi %add3A_1493, %iota3A : vector<16xi32>
    %sub3A_1495 = vector.broadcast %sub3A_1455 : i32 to vector<16xi32>
    %sub3A_1496 = arith.subi %sub3A_1495, %add3A_1494 : vector<16xi32>
    %max3A_1497 = arith.constant 0 : i32
    %max3A_1498 = vector.broadcast %max3A_1497 : i32 to vector<16xi32>
    %max3A_1499 = arith.maxsi %sub3A_1496, %max3A_1498 : vector<16xi32>
    %swap3A_1500 = arith.constant 48 : index
    %swap3A_1501 = tpu.vector_load %arg4[%swap3A_1500] {strides = array<i32>} : memref<256xi32, #tpu.memory_space<vmem>>, vector<16xi32>,
    %swap3A_1502 = vector.shape_cast %swap3A_1501 : vector<16xi32> to vector<16xi32>
    %swap3A_1503 = vector.shape_cast %max3A_1499 : vector<16xi32> to vector<16xi32>
    tpu.vector_store %arg4[%swap3A_1500], %swap3A_1503 {strides = array<i32>} : memref<256xi32, #tpu.memory_space<vmem>>, vector<16xi32>,
    %add3A_1504 = arith.constant 64 : i32
    %add3A_1505 = vector.broadcast %add3A_1504 : i32 to vector<16xi32>
    %add3A_1506 = arith.addi %add3A_1505, %iota3A : vector<16xi32>
    %sub3A_1507 = vector.broadcast %sub3A_1455 : i32 to vector<16xi32>
    %sub3A_1508 = arith.subi %sub3A_1507, %add3A_1506 : vector<16xi32>
    %max3A_1509 = arith.constant 0 : i32
    %max3A_1510 = vector.broadcast %max3A_1509 : i32 to vector<16xi32>
    %max3A_1511 = arith.maxsi %sub3A_1508, %max3A_1510 : vector<16xi32>
    %swap3A_1512 = arith.constant 64 : index
    %swap3A_1513 = tpu.vector_load %arg4[%swap3A_1512] {strides = array<i32>} : memref<256xi32, #tpu.memory_space<vmem>>, vector<16xi32>,
    %swap3A_1514 = vector.shape_cast %swap3A_1513 : vector<16xi32> to vector<16xi32>
    %swap3A_1515 = vector.shape_cast %max3A_1511 : vector<16xi32> to vector<16xi32>
    tpu.vector_store %arg4[%swap3A_1512], %swap3A_1515 {strides = array<i32>} : memref<256xi32, #tpu.memory_space<vmem>>, vector<16xi32>,
    %add3A_1516 = arith.constant 80 : i32
    %add3A_1517 = vector.broadcast %add3A_1516 : i32 to vector<16xi32>
    %add3A_1518 = arith.addi %add3A_1517, %iota3A : vector<16xi32>
    %sub3A_1519 = vector.broadcast %sub3A_1455 : i32 to vector<16xi32>
    %sub3A_1520 = arith.subi %sub3A_1519, %add3A_1518 : vector<16xi32>
    %max3A_1521 = arith.constant 0 : i32
    %max3A_1522 = vector.broadcast %max3A_1521 : i32 to vector<16xi32>
    %max3A_1523 = arith.maxsi %sub3A_1520, %max3A_1522 : vector<16xi32>
    %swap3A_1524 = arith.constant 80 : index
    %swap3A_1525 = tpu.vector_load %arg4[%swap3A_1524] {strides = array<i32>} : memref<256xi32, #tpu.memory_space<vmem>>, vector<16xi32>,
    %swap3A_1526 = vector.shape_cast %swap3A_1525 : vector<16xi32> to vector<16xi32>
    %swap3A_1527 = vector.shape_cast %max3A_1523 : vector<16xi32> to vector<16xi32>
    tpu.vector_store %arg4[%swap3A_1524], %swap3A_1527 {strides = array<i32>} : memref<256xi32, #tpu.memory_space<vmem>>, vector<16xi32>,
    %add3A_1528 = arith.constant 96 : i32
    %add3A_1529 = vector.broadcast %add3A_1528 : i32 to vector<16xi32>
    %add3A_1530 = arith.addi %add3A_1529, %iota3A : vector<16xi32>
    %sub3A_1531 = vector.broadcast %sub3A_1455 : i32 to vector<16xi32>
    %sub3A_1532 = arith.subi %sub3A_1531, %add3A_1530 : vector<16xi32>
    %max3A_1533 = arith.constant 0 : i32
    %max3A_1534 = vector.broadcast %max3A_1533 : i32 to vector<16xi32>
    %max3A_1535 = arith.maxsi %sub3A_1532, %max3A_1534 : vector<16xi32>
    %swap3A_1536 = arith.constant 96 : index
    %swap3A_1537 = tpu.vector_load %arg4[%swap3A_1536] {strides = array<i32>} : memref<256xi32, #tpu.memory_space<vmem>>, vector<16xi32>,
    %swap3A_1538 = vector.shape_cast %swap3A_1537 : vector<16xi32> to vector<16xi32>
    %swap3A_1539 = vector.shape_cast %max3A_1535 : vector<16xi32> to vector<16xi32>
    tpu.vector_store %arg4[%swap3A_1536], %swap3A_1539 {strides = array<i32>} : memref<256xi32, #tpu.memory_space<vmem>>, vector<16xi32>,
    %add3A_1540 = arith.constant 112 : i32
    %add3A_1541 = vector.broadcast %add3A_1540 : i32 to vector<16xi32>
    %add3A_1542 = arith.addi %add3A_1541, %iota3A : vector<16xi32>
    %sub3A_1543 = vector.broadcast %sub3A_1455 : i32 to vector<16xi32>
    %sub3A_1544 = arith.subi %sub3A_1543, %add3A_1542 : vector<16xi32>
    %max3A_1545 = arith.constant 0 : i32
    %max3A_1546 = vector.broadcast %max3A_1545 : i32 to vector<16xi32>
    %max3A_1547 = arith.maxsi %sub3A_1544, %max3A_1546 : vector<16xi32>
    %swap3A_1548 = arith.constant 112 : index
    %swap3A_1549 = tpu.vector_load %arg4[%swap3A_1548] {strides = array<i32>} : memref<256xi32, #tpu.memory_space<vmem>>, vector<16xi32>,
    %swap3A_1550 = vector.shape_cast %swap3A_1549 : vector<16xi32> to vector<16xi32>
    %swap3A_1551 = vector.shape_cast %max3A_1547 : vector<16xi32> to vector<16xi32>
    tpu.vector_store %arg4[%swap3A_1548], %swap3A_1551 {strides = array<i32>} : memref<256xi32, #tpu.memory_space<vmem>>, vector<16xi32>,
    %add3A_1552 = arith.constant 128 : i32
    %add3A_1553 = vector.broadcast %add3A_1552 : i32 to vector<16xi32>
    %add3A_1554 = arith.addi %add3A_1553, %iota3A : vector<16xi32>
    %sub3A_1555 = vector.broadcast %sub3A_1455 : i32 to vector<16xi32>
    %sub3A_1556 = arith.subi %sub3A_1555, %add3A_1554 : vector<16xi32>
    %max3A_1557 = arith.constant 0 : i32
    %max3A_1558 = vector.broadcast %max3A_1557 : i32 to vector<16xi32>
    %max3A_1559 = arith.maxsi %sub3A_1556, %max3A_1558 : vector<16xi32>
    %swap3A_1560 = arith.constant 128 : index
    %swap3A_1561 = tpu.vector_load %arg4[%swap3A_1560] {strides = array<i32>} : memref<256xi32, #tpu.memory_space<vmem>>, vector<16xi32>,
    %swap3A_1562 = vector.shape_cast %swap3A_1561 : vector<16xi32> to vector<16xi32>
    %swap3A_1563 = vector.shape_cast %max3A_1559 : vector<16xi32> to vector<16xi32>
    tpu.vector_store %arg4[%swap3A_1560], %swap3A_1563 {strides = array<i32>} : memref<256xi32, #tpu.memory_space<vmem>>, vector<16xi32>,
    %add3A_1564 = arith.constant 144 : i32
    %add3A_1565 = vector.broadcast %add3A_1564 : i32 to vector<16xi32>
    %add3A_1566 = arith.addi %add3A_1565, %iota3A : vector<16xi32>
    %sub3A_1567 = vector.broadcast %sub3A_1455 : i32 to vector<16xi32>
    %sub3A_1568 = arith.subi %sub3A_1567, %add3A_1566 : vector<16xi32>
    %max3A_1569 = arith.constant 0 : i32
    %max3A_1570 = vector.broadcast %max3A_1569 : i32 to vector<16xi32>
    %max3A_1571 = arith.maxsi %sub3A_1568, %max3A_1570 : vector<16xi32>
    %swap3A_1572 = arith.constant 144 : index
    %swap3A_1573 = tpu.vector_load %arg4[%swap3A_1572] {strides = array<i32>} : memref<256xi32, #tpu.memory_space<vmem>>, vector<16xi32>,
    %swap3A_1574 = vector.shape_cast %swap3A_1573 : vector<16xi32> to vector<16xi32>
    %swap3A_1575 = vector.shape_cast %max3A_1571 : vector<16xi32> to vector<16xi32>
    tpu.vector_store %arg4[%swap3A_1572], %swap3A_1575 {strides = array<i32>} : memref<256xi32, #tpu.memory_space<vmem>>, vector<16xi32>,
    %add3A_1576 = arith.constant 160 : i32
    %add3A_1577 = vector.broadcast %add3A_1576 : i32 to vector<16xi32>
    %add3A_1578 = arith.addi %add3A_1577, %iota3A : vector<16xi32>
    %sub3A_1579 = vector.broadcast %sub3A_1455 : i32 to vector<16xi32>
    %sub3A_1580 = arith.subi %sub3A_1579, %add3A_1578 : vector<16xi32>
    %max3A_1581 = arith.constant 0 : i32
    %max3A_1582 = vector.broadcast %max3A_1581 : i32 to vector<16xi32>
    %max3A_1583 = arith.maxsi %sub3A_1580, %max3A_1582 : vector<16xi32>
    %swap3A_1584 = arith.constant 160 : index
    %swap3A_1585 = tpu.vector_load %arg4[%swap3A_1584] {strides = array<i32>} : memref<256xi32, #tpu.memory_space<vmem>>, vector<16xi32>,
    %swap3A_1586 = vector.shape_cast %swap3A_1585 : vector<16xi32> to vector<16xi32>
    %swap3A_1587 = vector.shape_cast %max3A_1583 : vector<16xi32> to vector<16xi32>
    tpu.vector_store %arg4[%swap3A_1584], %swap3A_1587 {strides = array<i32>} : memref<256xi32, #tpu.memory_space<vmem>>, vector<16xi32>,
    %add3A_1588 = arith.constant 176 : i32
    %add3A_1589 = vector.broadcast %add3A_1588 : i32 to vector<16xi32>
    %add3A_1590 = arith.addi %add3A_1589, %iota3A : vector<16xi32>
    %sub3A_1591 = vector.broadcast %sub3A_1455 : i32 to vector<16xi32>
    %sub3A_1592 = arith.subi %sub3A_1591, %add3A_1590 : vector<16xi32>
    %max3A_1593 = arith.constant 0 : i32
    %max3A_1594 = vector.broadcast %max3A_1593 : i32 to vector<16xi32>
    %max3A_1595 = arith.maxsi %sub3A_1592, %max3A_1594 : vector<16xi32>
    %swap3A_1596 = arith.constant 176 : index
    %swap3A_1597 = tpu.vector_load %arg4[%swap3A_1596] {strides = array<i32>} : memref<256xi32, #tpu.memory_space<vmem>>, vector<16xi32>,
    %swap3A_1598 = vector.shape_cast %swap3A_1597 : vector<16xi32> to vector<16xi32>
    %swap3A_1599 = vector.shape_cast %max3A_1595 : vector<16xi32> to vector<16xi32>
    tpu.vector_store %arg4[%swap3A_1596], %swap3A_1599 {strides = array<i32>} : memref<256xi32, #tpu.memory_space<vmem>>, vector<16xi32>,
    %add3A_1600 = arith.constant 192 : i32
    %add3A_1601 = vector.broadcast %add3A_1600 : i32 to vector<16xi32>
    %add3A_1602 = arith.addi %add3A_1601, %iota3A : vector<16xi32>
    %sub3A_1603 = vector.broadcast %sub3A_1455 : i32 to vector<16xi32>
    %sub3A_1604 = arith.subi %sub3A_1603, %add3A_1602 : vector<16xi32>
    %max3A_1605 = arith.constant 0 : i32
    %max3A_1606 = vector.broadcast %max3A_1605 : i32 to vector<16xi32>
    %max3A_1607 = arith.maxsi %sub3A_1604, %max3A_1606 : vector<16xi32>
    %swap3A_1608 = arith.constant 192 : index
    %swap3A_1609 = tpu.vector_load %arg4[%swap3A_1608] {strides = array<i32>} : memref<256xi32, #tpu.memory_space<vmem>>, vector<16xi32>,
    %swap3A_1610 = vector.shape_cast %swap3A_1609 : vector<16xi32> to vector<16xi32>
    %swap3A_1611 = vector.shape_cast %max3A_1607 : vector<16xi32> to vector<16xi32>
    tpu.vector_store %arg4[%swap3A_1608], %swap3A_1611 {strides = array<i32>} : memref<256xi32, #tpu.memory_space<vmem>>, vector<16xi32>,
    %add3A_1612 = arith.constant 208 : i32
    %add3A_1613 = vector.broadcast %add3A_1612 : i32 to vector<16xi32>
    %add3A_1614 = arith.addi %add3A_1613, %iota3A : vector<16xi32>
    %sub3A_1615 = vector.broadcast %sub3A_1455 : i32 to vector<16xi32>
    %sub3A_1616 = arith.subi %sub3A_1615, %add3A_1614 : vector<16xi32>
    %max3A_1617 = arith.constant 0 : i32
    %max3A_1618 = vector.broadcast %max3A_1617 : i32 to vector<16xi32>
    %max3A_1619 = arith.maxsi %sub3A_1616, %max3A_1618 : vector<16xi32>
    %swap3A_1620 = arith.constant 208 : index
    %swap3A_1621 = tpu.vector_load %arg4[%swap3A_1620] {strides = array<i32>} : memref<256xi32, #tpu.memory_space<vmem>>, vector<16xi32>,
    %swap3A_1622 = vector.shape_cast %swap3A_1621 : vector<16xi32> to vector<16xi32>
    %swap3A_1623 = vector.shape_cast %max3A_1619 : vector<16xi32> to vector<16xi32>
    tpu.vector_store %arg4[%swap3A_1620], %swap3A_1623 {strides = array<i32>} : memref<256xi32, #tpu.memory_space<vmem>>, vector<16xi32>,
    %add3A_1624 = arith.constant 224 : i32
    %add3A_1625 = vector.broadcast %add3A_1624 : i32 to vector<16xi32>
    %add3A_1626 = arith.addi %add3A_1625, %iota3A : vector<16xi32>
    %sub3A_1627 = vector.broadcast %sub3A_1455 : i32 to vector<16xi32>
    %sub3A_1628 = arith.subi %sub3A_1627, %add3A_1626 : vector<16xi32>
    %max3A_1629 = arith.constant 0 : i32
    %max3A_1630 = vector.broadcast %max3A_1629 : i32 to vector<16xi32>
    %max3A_1631 = arith.maxsi %sub3A_1628, %max3A_1630 : vector<16xi32>
    %swap3A_1632 = arith.constant 224 : index
    %swap3A_1633 = tpu.vector_load %arg4[%swap3A_1632] {strides = array<i32>} : memref<256xi32, #tpu.memory_space<vmem>>, vector<16xi32>,
    %swap3A_1634 = vector.shape_cast %swap3A_1633 : vector<16xi32> to vector<16xi32>
    %swap3A_1635 = vector.shape_cast %max3A_1631 : vector<16xi32> to vector<16xi32>
    tpu.vector_store %arg4[%swap3A_1632], %swap3A_1635 {strides = array<i32>} : memref<256xi32, #tpu.memory_space<vmem>>, vector<16xi32>,
    %add3A_1636 = arith.constant 240 : i32
    %add3A_1637 = vector.broadcast %add3A_1636 : i32 to vector<16xi32>
    %add3A_1638 = arith.addi %add3A_1637, %iota3A : vector<16xi32>
    %sub3A_1639 = vector.broadcast %sub3A_1455 : i32 to vector<16xi32>
    %sub3A_1640 = arith.subi %sub3A_1639, %add3A_1638 : vector<16xi32>
    %max3A_1641 = arith.constant 0 : i32
    %max3A_1642 = vector.broadcast %max3A_1641 : i32 to vector<16xi32>
    %max3A_1643 = arith.maxsi %sub3A_1640, %max3A_1642 : vector<16xi32>
    %swap3A_1644 = arith.constant 240 : index
    %swap3A_1645 = tpu.vector_load %arg4[%swap3A_1644] {strides = array<i32>} : memref<256xi32, #tpu.memory_space<vmem>>, vector<16xi32>,
    %swap3A_1646 = vector.shape_cast %swap3A_1645 : vector<16xi32> to vector<16xi32>
    %swap3A_1647 = vector.shape_cast %max3A_1643 : vector<16xi32> to vector<16xi32>
    tpu.vector_store %arg4[%swap3A_1644], %swap3A_1647 {strides = array<i32>} : memref<256xi32, #tpu.memory_space<vmem>>, vector<16xi32>,
    %dma_start3A_1648 = arith.constant 0 : i32
    %dma_start3A_1649 = arith.constant 0 : i32
    %dma_start3A_1650 = tpu.memref_slice %arg5[%dma_start3A_1648, %dma_start3A_1649] : memref<256x256xf32, #tpu.memory_space<vmem>> -> memref<128x256xf32, #tpu.memory_space<vmem>>
    %dma_start3A_1651 = arith.constant 0 : i32
    %dma_start3A_1652 = tpu.memref_slice %arg4[%dma_start3A_1651] : memref<256xi32, #tpu.memory_space<vmem>> -> memref<128xi32, #tpu.memory_space<vmem>>
    %dma_start3A_1653 = arith.constant 0 : i32
    %dma_start3A_1654 = arith.constant 0 : i32
    %dma_start3A_1655 = tpu.memref_slice %arg2[%dma_start3A_1653, %dma_start3A_1654] : memref<1023x256xf32, #tpu.memory_space<hbm>> -> memref<1023x256xf32, #tpu.memory_space<hbm>>
    tpu.enqueue_indirect_dma source(%dma_start3A_1655 : memref<1023x256xf32, #tpu.memory_space<hbm>>) target(%dma_start3A_1650 : memref<128x256xf32, #tpu.memory_space<vmem>>) offsets(%dma_start3A_1652 : memref<128xi32, #tpu.memory_space<vmem>>) semaphore(%arg6 : memref<!tpu.dma_semaphore, #tpu.memory_space<semaphore_mem>>)
    %dma_start3A_1656 = arith.constant 128 : i32
    %dma_start3A_1657 = arith.constant 0 : i32
    %dma_start3A_1658 = tpu.memref_slice %arg5[%dma_start3A_1656, %dma_start3A_1657] : memref<256x256xf32, #tpu.memory_space<vmem>> -> memref<128x256xf32, #tpu.memory_space<vmem>>
    %dma_start3A_1659 = arith.constant 128 : i32
    %dma_start3A_1660 = tpu.memref_slice %arg4[%dma_start3A_1659] : memref<256xi32, #tpu.memory_space<vmem>> -> memref<128xi32, #tpu.memory_space<vmem>>
    %dma_start3A_1661 = arith.constant 0 : i32
    %dma_start3A_1662 = arith.constant 0 : i32
    %dma_start3A_1663 = tpu.memref_slice %arg2[%dma_start3A_1661, %dma_start3A_1662] : memref<1023x256xf32, #tpu.memory_space<hbm>> -> memref<1023x256xf32, #tpu.memory_space<hbm>>
    tpu.enqueue_indirect_dma source(%dma_start3A_1663 : memref<1023x256xf32, #tpu.memory_space<hbm>>) target(%dma_start3A_1658 : memref<128x256xf32, #tpu.memory_space<vmem>>) offsets(%dma_start3A_1660 : memref<128xi32, #tpu.memory_space<vmem>>) semaphore(%arg6 : memref<!tpu.dma_semaphore, #tpu.memory_space<semaphore_mem>>)
    %dma_wait3A_1664 = arith.constant 0 : i32
    %dma_wait3A_1665 = arith.constant 0 : i32
    %dma_wait3A_1666 = tpu.memref_slice %arg5[%dma_wait3A_1664, %dma_wait3A_1665] : memref<256x256xf32, #tpu.memory_space<vmem>> -> memref<128x256xf32, #tpu.memory_space<vmem>>
    %dma_wait3A_1667 = arith.constant 0 : i32
    %dma_wait3A_1668 = tpu.memref_slice %arg4[%dma_wait3A_1667] : memref<256xi32, #tpu.memory_space<vmem>> -> memref<128xi32, #tpu.memory_space<vmem>>
    %dma_wait3A_1669 = arith.constant 0 : i32
    %dma_wait3A_1670 = arith.constant 0 : i32
    %dma_wait3A_1671 = tpu.memref_slice %arg2[%dma_wait3A_1669, %dma_wait3A_1670] : memref<1023x256xf32, #tpu.memory_space<hbm>> -> memref<1023x256xf32, #tpu.memory_space<hbm>>
    tpu.wait_indirect_dma semaphore(%arg6 : memref<!tpu.dma_semaphore, #tpu.memory_space<semaphore_mem>>) src(%dma_wait3A_1671 : memref<1023x256xf32, #tpu.memory_space<hbm>>) dst(%dma_wait3A_1666 : memref<128x256xf32, #tpu.memory_space<vmem>>)
    %dma_wait3A_1672 = arith.constant 128 : i32
    %dma_wait3A_1673 = arith.constant 0 : i32
    %dma_wait3A_1674 = tpu.memref_slice %arg5[%dma_wait3A_1672, %dma_wait3A_1673] : memref<256x256xf32, #tpu.memory_space<vmem>> -> memref<128x256xf32, #tpu.memory_space<vmem>>
    %dma_wait3A_1675 = arith.constant 128 : i32
    %dma_wait3A_1676 = tpu.memref_slice %arg4[%dma_wait3A_1675] : memref<256xi32, #tpu.memory_space<vmem>> -> memref<128xi32, #tpu.memory_space<vmem>>
    %dma_wait3A_1677 = arith.constant 0 : i32
    %dma_wait3A_1678 = arith.constant 0 : i32
    %dma_wait3A_1679 = tpu.memref_slice %arg2[%dma_wait3A_1677, %dma_wait3A_1678] : memref<1023x256xf32, #tpu.memory_space<hbm>> -> memref<1023x256xf32, #tpu.memory_space<hbm>>
    tpu.wait_indirect_dma semaphore(%arg6 : memref<!tpu.dma_semaphore, #tpu.memory_space<semaphore_mem>>) src(%dma_wait3A_1679 : memref<1023x256xf32, #tpu.memory_space<hbm>>) dst(%dma_wait3A_1674 : memref<128x256xf32, #tpu.memory_space<vmem>>)
    %add3A_1680 = arith.constant 0 : i32
    %add3A_1681 = arith.addi %add3A_33, %add3A_1680 : i32
    %dma_start3A_1682 = arith.constant 120 : i32
    %dma_start3A_1683 = arith.constant 0 : i32
    %dma_start3A_1684 = tpu.memref_slice %arg5[%dma_start3A_1682, %dma_start3A_1683] : memref<256x256xf32, #tpu.memory_space<vmem>> -> memref<128x256xf32, #tpu.memory_space<vmem>>
    %dma_start3A_1685 = arith.constant 256 : i32
    %dma_start3A_1686 = arith.constant 0 : i32
    %dma_start3A_1687 = tpu.memref_slice %arg3[%add3A_1681, %dma_start3A_1685, %dma_start3A_1686] : memref<512x512x256xf32, #tpu.memory_space<hbm>> -> memref<1x128x256xf32, #tpu.memory_space<hbm>>
    %dma_start3A_1688 = tpu.memref_squeeze %dma_start3A_1687 : memref<1x128x256xf32, #tpu.memory_space<hbm>> -> memref<128x256xf32, #tpu.memory_space<hbm>>
    %dma_start3A_1689 = arith.constant 256 : i32
    %dma_start3A_1690 = arith.constant 0 : i32
    %dma_start3A_1691 = tpu.memref_slice %arg3[%add3A_1681, %dma_start3A_1689, %dma_start3A_1690] : memref<512x512x256xf32, #tpu.memory_space<hbm>> -> memref<1x128x256xf32, #tpu.memory_space<hbm>>
    %dma_start3A_1692 = tpu.memref_squeeze %dma_start3A_1691 : memref<1x128x256xf32, #tpu.memory_space<hbm>> -> memref<128x256xf32, #tpu.memory_space<hbm>>
    %dma_start3A_1693 = arith.constant 120 : i32
    %dma_start3A_1694 = arith.constant 0 : i32
    %dma_start3A_1695 = tpu.memref_slice %arg5[%dma_start3A_1693, %dma_start3A_1694] : memref<256x256xf32, #tpu.memory_space<vmem>> -> memref<128x256xf32, #tpu.memory_space<vmem>>
    tpu.enqueue_dma source(%dma_start3A_1695 : memref<128x256xf32, #tpu.memory_space<vmem>>) target(%dma_start3A_1692 : memref<128x256xf32, #tpu.memory_space<hbm>>) target_semaphore(%arg7 : memref<!tpu.dma_semaphore, #tpu.memory_space<semaphore_mem>>)
    %add3A_1696 = arith.constant 8 : i32
    %add3A_1697 = arith.addi %add3A_33, %add3A_1696 : i32
    %dma_start3A_1698 = arith.constant 112 : i32
    %dma_start3A_1699 = arith.constant 0 : i32
    %dma_start3A_1700 = tpu.memref_slice %arg5[%dma_start3A_1698, %dma_start3A_1699] : memref<256x256xf32, #tpu.memory_space<vmem>> -> memref<128x256xf32, #tpu.memory_space<vmem>>
    %dma_start3A_1701 = arith.constant 256 : i32
    %dma_start3A_1702 = arith.constant 0 : i32
    %dma_start3A_1703 = tpu.memref_slice %arg3[%add3A_1697, %dma_start3A_1701, %dma_start3A_1702] : memref<512x512x256xf32, #tpu.memory_space<hbm>> -> memref<1x128x256xf32, #tpu.memory_space<hbm>>
    %dma_start3A_1704 = tpu.memref_squeeze %dma_start3A_1703 : memref<1x128x256xf32, #tpu.memory_space<hbm>> -> memref<128x256xf32, #tpu.memory_space<hbm>>
    %dma_start3A_1705 = arith.constant 256 : i32
    %dma_start3A_1706 = arith.constant 0 : i32
    %dma_start3A_1707 = tpu.memref_slice %arg3[%add3A_1697, %dma_start3A_1705, %dma_start3A_1706] : memref<512x512x256xf32, #tpu.memory_space<hbm>> -> memref<1x128x256xf32, #tpu.memory_space<hbm>>
    %dma_start3A_1708 = tpu.memref_squeeze %dma_start3A_1707 : memref<1x128x256xf32, #tpu.memory_space<hbm>> -> memref<128x256xf32, #tpu.memory_space<hbm>>
    %dma_start3A_1709 = arith.constant 112 : i32
    %dma_start3A_1710 = arith.constant 0 : i32
    %dma_start3A_1711 = tpu.memref_slice %arg5[%dma_start3A_1709, %dma_start3A_1710] : memref<256x256xf32, #tpu.memory_space<vmem>> -> memref<128x256xf32, #tpu.memory_space<vmem>>
    tpu.enqueue_dma source(%dma_start3A_1711 : memref<128x256xf32, #tpu.memory_space<vmem>>) target(%dma_start3A_1708 : memref<128x256xf32, #tpu.memory_space<hbm>>) target_semaphore(%arg7 : memref<!tpu.dma_semaphore, #tpu.memory_space<semaphore_mem>>)
    %add3A_1712 = arith.constant 16 : i32
    %add3A_1713 = arith.addi %add3A_33, %add3A_1712 : i32
    %dma_start3A_1714 = arith.constant 104 : i32
    %dma_start3A_1715 = arith.constant 0 : i32
    %dma_start3A_1716 = tpu.memref_slice %arg5[%dma_start3A_1714, %dma_start3A_1715] : memref<256x256xf32, #tpu.memory_space<vmem>> -> memref<128x256xf32, #tpu.memory_space<vmem>>
    %dma_start3A_1717 = arith.constant 256 : i32
    %dma_start3A_1718 = arith.constant 0 : i32
    %dma_start3A_1719 = tpu.memref_slice %arg3[%add3A_1713, %dma_start3A_1717, %dma_start3A_1718] : memref<512x512x256xf32, #tpu.memory_space<hbm>> -> memref<1x128x256xf32, #tpu.memory_space<hbm>>
    %dma_start3A_1720 = tpu.memref_squeeze %dma_start3A_1719 : memref<1x128x256xf32, #tpu.memory_space<hbm>> -> memref<128x256xf32, #tpu.memory_space<hbm>>
    %dma_start3A_1721 = arith.constant 256 : i32
    %dma_start3A_1722 = arith.constant 0 : i32
    %dma_start3A_1723 = tpu.memref_slice %arg3[%add3A_1713, %dma_start3A_1721, %dma_start3A_1722] : memref<512x512x256xf32, #tpu.memory_space<hbm>> -> memref<1x128x256xf32, #tpu.memory_space<hbm>>
    %dma_start3A_1724 = tpu.memref_squeeze %dma_start3A_1723 : memref<1x128x256xf32, #tpu.memory_space<hbm>> -> memref<128x256xf32, #tpu.memory_space<hbm>>
    %dma_start3A_1725 = arith.constant 104 : i32
    %dma_start3A_1726 = arith.constant 0 : i32
    %dma_start3A_1727 = tpu.memref_slice %arg5[%dma_start3A_1725, %dma_start3A_1726] : memref<256x256xf32, #tpu.memory_space<vmem>> -> memref<128x256xf32, #tpu.memory_space<vmem>>
    tpu.enqueue_dma source(%dma_start3A_1727 : memref<128x256xf32, #tpu.memory_space<vmem>>) target(%dma_start3A_1724 : memref<128x256xf32, #tpu.memory_space<hbm>>) target_semaphore(%arg7 : memref<!tpu.dma_semaphore, #tpu.memory_space<semaphore_mem>>)
    %add3A_1728 = arith.constant 24 : i32
    %add3A_1729 = arith.addi %add3A_33, %add3A_1728 : i32
    %dma_start3A_1730 = arith.constant 96 : i32
    %dma_start3A_1731 = arith.constant 0 : i32
    %dma_start3A_1732 = tpu.memref_slice %arg5[%dma_start3A_1730, %dma_start3A_1731] : memref<256x256xf32, #tpu.memory_space<vmem>> -> memref<128x256xf32, #tpu.memory_space<vmem>>
    %dma_start3A_1733 = arith.constant 256 : i32
    %dma_start3A_1734 = arith.constant 0 : i32
    %dma_start3A_1735 = tpu.memref_slice %arg3[%add3A_1729, %dma_start3A_1733, %dma_start3A_1734] : memref<512x512x256xf32, #tpu.memory_space<hbm>> -> memref<1x128x256xf32, #tpu.memory_space<hbm>>
    %dma_start3A_1736 = tpu.memref_squeeze %dma_start3A_1735 : memref<1x128x256xf32, #tpu.memory_space<hbm>> -> memref<128x256xf32, #tpu.memory_space<hbm>>
    %dma_start3A_1737 = arith.constant 256 : i32
    %dma_start3A_1738 = arith.constant 0 : i32
    %dma_start3A_1739 = tpu.memref_slice %arg3[%add3A_1729, %dma_start3A_1737, %dma_start3A_1738] : memref<512x512x256xf32, #tpu.memory_space<hbm>> -> memref<1x128x256xf32, #tpu.memory_space<hbm>>
    %dma_start3A_1740 = tpu.memref_squeeze %dma_start3A_1739 : memref<1x128x256xf32, #tpu.memory_space<hbm>> -> memref<128x256xf32, #tpu.memory_space<hbm>>
    %dma_start3A_1741 = arith.constant 96 : i32
    %dma_start3A_1742 = arith.constant 0 : i32
    %dma_start3A_1743 = tpu.memref_slice %arg5[%dma_start3A_1741, %dma_start3A_1742] : memref<256x256xf32, #tpu.memory_space<vmem>> -> memref<128x256xf32, #tpu.memory_space<vmem>>
    tpu.enqueue_dma source(%dma_start3A_1743 : memref<128x256xf32, #tpu.memory_space<vmem>>) target(%dma_start3A_1740 : memref<128x256xf32, #tpu.memory_space<hbm>>) target_semaphore(%arg7 : memref<!tpu.dma_semaphore, #tpu.memory_space<semaphore_mem>>)
    %add3A_1744 = arith.constant 32 : i32
    %add3A_1745 = arith.addi %add3A_33, %add3A_1744 : i32
    %dma_start3A_1746 = arith.constant 88 : i32
    %dma_start3A_1747 = arith.constant 0 : i32
    %dma_start3A_1748 = tpu.memref_slice %arg5[%dma_start3A_1746, %dma_start3A_1747] : memref<256x256xf32, #tpu.memory_space<vmem>> -> memref<128x256xf32, #tpu.memory_space<vmem>>
    %dma_start3A_1749 = arith.constant 256 : i32
    %dma_start3A_1750 = arith.constant 0 : i32
    %dma_start3A_1751 = tpu.memref_slice %arg3[%add3A_1745, %dma_start3A_1749, %dma_start3A_1750] : memref<512x512x256xf32, #tpu.memory_space<hbm>> -> memref<1x128x256xf32, #tpu.memory_space<hbm>>
    %dma_start3A_1752 = tpu.memref_squeeze %dma_start3A_1751 : memref<1x128x256xf32, #tpu.memory_space<hbm>> -> memref<128x256xf32, #tpu.memory_space<hbm>>
    %dma_start3A_1753 = arith.constant 256 : i32
    %dma_start3A_1754 = arith.constant 0 : i32
    %dma_start3A_1755 = tpu.memref_slice %arg3[%add3A_1745, %dma_start3A_1753, %dma_start3A_1754] : memref<512x512x256xf32, #tpu.memory_space<hbm>> -> memref<1x128x256xf32, #tpu.memory_space<hbm>>
    %dma_start3A_1756 = tpu.memref_squeeze %dma_start3A_1755 : memref<1x128x256xf32, #tpu.memory_space<hbm>> -> memref<128x256xf32, #tpu.memory_space<hbm>>
    %dma_start3A_1757 = arith.constant 88 : i32
    %dma_start3A_1758 = arith.constant 0 : i32
    %dma_start3A_1759 = tpu.memref_slice %arg5[%dma_start3A_1757, %dma_start3A_1758] : memref<256x256xf32, #tpu.memory_space<vmem>> -> memref<128x256xf32, #tpu.memory_space<vmem>>
    tpu.enqueue_dma source(%dma_start3A_1759 : memref<128x256xf32, #tpu.memory_space<vmem>>) target(%dma_start3A_1756 : memref<128x256xf32, #tpu.memory_space<hbm>>) target_semaphore(%arg7 : memref<!tpu.dma_semaphore, #tpu.memory_space<semaphore_mem>>)
    %add3A_1760 = arith.constant 40 : i32
    %add3A_1761 = arith.addi %add3A_33, %add3A_1760 : i32
    %dma_start3A_1762 = arith.constant 80 : i32
    %dma_start3A_1763 = arith.constant 0 : i32
    %dma_start3A_1764 = tpu.memref_slice %arg5[%dma_start3A_1762, %dma_start3A_1763] : memref<256x256xf32, #tpu.memory_space<vmem>> -> memref<128x256xf32, #tpu.memory_space<vmem>>
    %dma_start3A_1765 = arith.constant 256 : i32
    %dma_start3A_1766 = arith.constant 0 : i32
    %dma_start3A_1767 = tpu.memref_slice %arg3[%add3A_1761, %dma_start3A_1765, %dma_start3A_1766] : memref<512x512x256xf32, #tpu.memory_space<hbm>> -> memref<1x128x256xf32, #tpu.memory_space<hbm>>
    %dma_start3A_1768 = tpu.memref_squeeze %dma_start3A_1767 : memref<1x128x256xf32, #tpu.memory_space<hbm>> -> memref<128x256xf32, #tpu.memory_space<hbm>>
    %dma_start3A_1769 = arith.constant 256 : i32
    %dma_start3A_1770 = arith.constant 0 : i32
    %dma_start3A_1771 = tpu.memref_slice %arg3[%add3A_1761, %dma_start3A_1769, %dma_start3A_1770] : memref<512x512x256xf32, #tpu.memory_space<hbm>> -> memref<1x128x256xf32, #tpu.memory_space<hbm>>
    %dma_start3A_1772 = tpu.memref_squeeze %dma_start3A_1771 : memref<1x128x256xf32, #tpu.memory_space<hbm>> -> memref<128x256xf32, #tpu.memory_space<hbm>>
    %dma_start3A_1773 = arith.constant 80 : i32
    %dma_start3A_1774 = arith.constant 0 : i32
    %dma_start3A_1775 = tpu.memref_slice %arg5[%dma_start3A_1773, %dma_start3A_1774] : memref<256x256xf32, #tpu.memory_space<vmem>> -> memref<128x256xf32, #tpu.memory_space<vmem>>
    tpu.enqueue_dma source(%dma_start3A_1775 : memref<128x256xf32, #tpu.memory_space<vmem>>) target(%dma_start3A_1772 : memref<128x256xf32, #tpu.memory_space<hbm>>) target_semaphore(%arg7 : memref<!tpu.dma_semaphore, #tpu.memory_space<semaphore_mem>>)
    %add3A_1776 = arith.constant 48 : i32
    %add3A_1777 = arith.addi %add3A_33, %add3A_1776 : i32
    %dma_start3A_1778 = arith.constant 72 : i32
    %dma_start3A_1779 = arith.constant 0 : i32
    %dma_start3A_1780 = tpu.memref_slice %arg5[%dma_start3A_1778, %dma_start3A_1779] : memref<256x256xf32, #tpu.memory_space<vmem>> -> memref<128x256xf32, #tpu.memory_space<vmem>>
    %dma_start3A_1781 = arith.constant 256 : i32
    %dma_start3A_1782 = arith.constant 0 : i32
    %dma_start3A_1783 = tpu.memref_slice %arg3[%add3A_1777, %dma_start3A_1781, %dma_start3A_1782] : memref<512x512x256xf32, #tpu.memory_space<hbm>> -> memref<1x128x256xf32, #tpu.memory_space<hbm>>
    %dma_start3A_1784 = tpu.memref_squeeze %dma_start3A_1783 : memref<1x128x256xf32, #tpu.memory_space<hbm>> -> memref<128x256xf32, #tpu.memory_space<hbm>>
    %dma_start3A_1785 = arith.constant 256 : i32
    %dma_start3A_1786 = arith.constant 0 : i32
    %dma_start3A_1787 = tpu.memref_slice %arg3[%add3A_1777, %dma_start3A_1785, %dma_start3A_1786] : memref<512x512x256xf32, #tpu.memory_space<hbm>> -> memref<1x128x256xf32, #tpu.memory_space<hbm>>
    %dma_start3A_1788 = tpu.memref_squeeze %dma_start3A_1787 : memref<1x128x256xf32, #tpu.memory_space<hbm>> -> memref<128x256xf32, #tpu.memory_space<hbm>>
    %dma_start3A_1789 = arith.constant 72 : i32
    %dma_start3A_1790 = arith.constant 0 : i32
    %dma_start3A_1791 = tpu.memref_slice %arg5[%dma_start3A_1789, %dma_start3A_1790] : memref<256x256xf32, #tpu.memory_space<vmem>> -> memref<128x256xf32, #tpu.memory_space<vmem>>
    tpu.enqueue_dma source(%dma_start3A_1791 : memref<128x256xf32, #tpu.memory_space<vmem>>) target(%dma_start3A_1788 : memref<128x256xf32, #tpu.memory_space<hbm>>) target_semaphore(%arg7 : memref<!tpu.dma_semaphore, #tpu.memory_space<semaphore_mem>>)
    %add3A_1792 = arith.constant 56 : i32
    %add3A_1793 = arith.addi %add3A_33, %add3A_1792 : i32
    %dma_start3A_1794 = arith.constant 64 : i32
    %dma_start3A_1795 = arith.constant 0 : i32
    %dma_start3A_1796 = tpu.memref_slice %arg5[%dma_start3A_1794, %dma_start3A_1795] : memref<256x256xf32, #tpu.memory_space<vmem>> -> memref<128x256xf32, #tpu.memory_space<vmem>>
    %dma_start3A_1797 = arith.constant 256 : i32
    %dma_start3A_1798 = arith.constant 0 : i32
    %dma_start3A_1799 = tpu.memref_slice %arg3[%add3A_1793, %dma_start3A_1797, %dma_start3A_1798] : memref<512x512x256xf32, #tpu.memory_space<hbm>> -> memref<1x128x256xf32, #tpu.memory_space<hbm>>
    %dma_start3A_1800 = tpu.memref_squeeze %dma_start3A_1799 : memref<1x128x256xf32, #tpu.memory_space<hbm>> -> memref<128x256xf32, #tpu.memory_space<hbm>>
    %dma_start3A_1801 = arith.constant 256 : i32
    %dma_start3A_1802 = arith.constant 0 : i32
    %dma_start3A_1803 = tpu.memref_slice %arg3[%add3A_1793, %dma_start3A_1801, %dma_start3A_1802] : memref<512x512x256xf32, #tpu.memory_space<hbm>> -> memref<1x128x256xf32, #tpu.memory_space<hbm>>
    %dma_start3A_1804 = tpu.memref_squeeze %dma_start3A_1803 : memref<1x128x256xf32, #tpu.memory_space<hbm>> -> memref<128x256xf32, #tpu.memory_space<hbm>>
    %dma_start3A_1805 = arith.constant 64 : i32
    %dma_start3A_1806 = arith.constant 0 : i32
    %dma_start3A_1807 = tpu.memref_slice %arg5[%dma_start3A_1805, %dma_start3A_1806] : memref<256x256xf32, #tpu.memory_space<vmem>> -> memref<128x256xf32, #tpu.memory_space<vmem>>
    tpu.enqueue_dma source(%dma_start3A_1807 : memref<128x256xf32, #tpu.memory_space<vmem>>) target(%dma_start3A_1804 : memref<128x256xf32, #tpu.memory_space<hbm>>) target_semaphore(%arg7 : memref<!tpu.dma_semaphore, #tpu.memory_space<semaphore_mem>>)
    %add3A_1808 = arith.constant 64 : i32
    %add3A_1809 = arith.addi %add3A_33, %add3A_1808 : i32
    %dma_start3A_1810 = arith.constant 56 : i32
    %dma_start3A_1811 = arith.constant 0 : i32
    %dma_start3A_1812 = tpu.memref_slice %arg5[%dma_start3A_1810, %dma_start3A_1811] : memref<256x256xf32, #tpu.memory_space<vmem>> -> memref<128x256xf32, #tpu.memory_space<vmem>>
    %dma_start3A_1813 = arith.constant 256 : i32
    %dma_start3A_1814 = arith.constant 0 : i32
    %dma_start3A_1815 = tpu.memref_slice %arg3[%add3A_1809, %dma_start3A_1813, %dma_start3A_1814] : memref<512x512x256xf32, #tpu.memory_space<hbm>> -> memref<1x128x256xf32, #tpu.memory_space<hbm>>
    %dma_start3A_1816 = tpu.memref_squeeze %dma_start3A_1815 : memref<1x128x256xf32, #tpu.memory_space<hbm>> -> memref<128x256xf32, #tpu.memory_space<hbm>>
    %dma_start3A_1817 = arith.constant 256 : i32
    %dma_start3A_1818 = arith.constant 0 : i32
    %dma_start3A_1819 = tpu.memref_slice %arg3[%add3A_1809, %dma_start3A_1817, %dma_start3A_1818] : memref<512x512x256xf32, #tpu.memory_space<hbm>> -> memref<1x128x256xf32, #tpu.memory_space<hbm>>
    %dma_start3A_1820 = tpu.memref_squeeze %dma_start3A_1819 : memref<1x128x256xf32, #tpu.memory_space<hbm>> -> memref<128x256xf32, #tpu.memory_space<hbm>>
    %dma_start3A_1821 = arith.constant 56 : i32
    %dma_start3A_1822 = arith.constant 0 : i32
    %dma_start3A_1823 = tpu.memref_slice %arg5[%dma_start3A_1821, %dma_start3A_1822] : memref<256x256xf32, #tpu.memory_space<vmem>> -> memref<128x256xf32, #tpu.memory_space<vmem>>
    tpu.enqueue_dma source(%dma_start3A_1823 : memref<128x256xf32, #tpu.memory_space<vmem>>) target(%dma_start3A_1820 : memref<128x256xf32, #tpu.memory_space<hbm>>) target_semaphore(%arg7 : memref<!tpu.dma_semaphore, #tpu.memory_space<semaphore_mem>>)
    %add3A_1824 = arith.constant 72 : i32
    %add3A_1825 = arith.addi %add3A_33, %add3A_1824 : i32
    %dma_start3A_1826 = arith.constant 48 : i32
    %dma_start3A_1827 = arith.constant 0 : i32
    %dma_start3A_1828 = tpu.memref_slice %arg5[%dma_start3A_1826, %dma_start3A_1827] : memref<256x256xf32, #tpu.memory_space<vmem>> -> memref<128x256xf32, #tpu.memory_space<vmem>>
    %dma_start3A_1829 = arith.constant 256 : i32
    %dma_start3A_1830 = arith.constant 0 : i32
    %dma_start3A_1831 = tpu.memref_slice %arg3[%add3A_1825, %dma_start3A_1829, %dma_start3A_1830] : memref<512x512x256xf32, #tpu.memory_space<hbm>> -> memref<1x128x256xf32, #tpu.memory_space<hbm>>
    %dma_start3A_1832 = tpu.memref_squeeze %dma_start3A_1831 : memref<1x128x256xf32, #tpu.memory_space<hbm>> -> memref<128x256xf32, #tpu.memory_space<hbm>>
    %dma_start3A_1833 = arith.constant 256 : i32
    %dma_start3A_1834 = arith.constant 0 : i32
    %dma_start3A_1835 = tpu.memref_slice %arg3[%add3A_1825, %dma_start3A_1833, %dma_start3A_1834] : memref<512x512x256xf32, #tpu.memory_space<hbm>> -> memref<1x128x256xf32, #tpu.memory_space<hbm>>
    %dma_start3A_1836 = tpu.memref_squeeze %dma_start3A_1835 : memref<1x128x256xf32, #tpu.memory_space<hbm>> -> memref<128x256xf32, #tpu.memory_space<hbm>>
    %dma_start3A_1837 = arith.constant 48 : i32
    %dma_start3A_1838 = arith.constant 0 : i32
    %dma_start3A_1839 = tpu.memref_slice %arg5[%dma_start3A_1837, %dma_start3A_1838] : memref<256x256xf32, #tpu.memory_space<vmem>> -> memref<128x256xf32, #tpu.memory_space<vmem>>
    tpu.enqueue_dma source(%dma_start3A_1839 : memref<128x256xf32, #tpu.memory_space<vmem>>) target(%dma_start3A_1836 : memref<128x256xf32, #tpu.memory_space<hbm>>) target_semaphore(%arg7 : memref<!tpu.dma_semaphore, #tpu.memory_space<semaphore_mem>>)
    %add3A_1840 = arith.constant 80 : i32
    %add3A_1841 = arith.addi %add3A_33, %add3A_1840 : i32
    %dma_start3A_1842 = arith.constant 40 : i32
    %dma_start3A_1843 = arith.constant 0 : i32
    %dma_start3A_1844 = tpu.memref_slice %arg5[%dma_start3A_1842, %dma_start3A_1843] : memref<256x256xf32, #tpu.memory_space<vmem>> -> memref<128x256xf32, #tpu.memory_space<vmem>>
    %dma_start3A_1845 = arith.constant 256 : i32
    %dma_start3A_1846 = arith.constant 0 : i32
    %dma_start3A_1847 = tpu.memref_slice %arg3[%add3A_1841, %dma_start3A_1845, %dma_start3A_1846] : memref<512x512x256xf32, #tpu.memory_space<hbm>> -> memref<1x128x256xf32, #tpu.memory_space<hbm>>
    %dma_start3A_1848 = tpu.memref_squeeze %dma_start3A_1847 : memref<1x128x256xf32, #tpu.memory_space<hbm>> -> memref<128x256xf32, #tpu.memory_space<hbm>>
    %dma_start3A_1849 = arith.constant 256 : i32
    %dma_start3A_1850 = arith.constant 0 : i32
    %dma_start3A_1851 = tpu.memref_slice %arg3[%add3A_1841, %dma_start3A_1849, %dma_start3A_1850] : memref<512x512x256xf32, #tpu.memory_space<hbm>> -> memref<1x128x256xf32, #tpu.memory_space<hbm>>
    %dma_start3A_1852 = tpu.memref_squeeze %dma_start3A_1851 : memref<1x128x256xf32, #tpu.memory_space<hbm>> -> memref<128x256xf32, #tpu.memory_space<hbm>>
    %dma_start3A_1853 = arith.constant 40 : i32
    %dma_start3A_1854 = arith.constant 0 : i32
    %dma_start3A_1855 = tpu.memref_slice %arg5[%dma_start3A_1853, %dma_start3A_1854] : memref<256x256xf32, #tpu.memory_space<vmem>> -> memref<128x256xf32, #tpu.memory_space<vmem>>
    tpu.enqueue_dma source(%dma_start3A_1855 : memref<128x256xf32, #tpu.memory_space<vmem>>) target(%dma_start3A_1852 : memref<128x256xf32, #tpu.memory_space<hbm>>) target_semaphore(%arg7 : memref<!tpu.dma_semaphore, #tpu.memory_space<semaphore_mem>>)
    %add3A_1856 = arith.constant 88 : i32
    %add3A_1857 = arith.addi %add3A_33, %add3A_1856 : i32
    %dma_start3A_1858 = arith.constant 32 : i32
    %dma_start3A_1859 = arith.constant 0 : i32
    %dma_start3A_1860 = tpu.memref_slice %arg5[%dma_start3A_1858, %dma_start3A_1859] : memref<256x256xf32, #tpu.memory_space<vmem>> -> memref<128x256xf32, #tpu.memory_space<vmem>>
    %dma_start3A_1861 = arith.constant 256 : i32
    %dma_start3A_1862 = arith.constant 0 : i32
    %dma_start3A_1863 = tpu.memref_slice %arg3[%add3A_1857, %dma_start3A_1861, %dma_start3A_1862] : memref<512x512x256xf32, #tpu.memory_space<hbm>> -> memref<1x128x256xf32, #tpu.memory_space<hbm>>
    %dma_start3A_1864 = tpu.memref_squeeze %dma_start3A_1863 : memref<1x128x256xf32, #tpu.memory_space<hbm>> -> memref<128x256xf32, #tpu.memory_space<hbm>>
    %dma_start3A_1865 = arith.constant 256 : i32
    %dma_start3A_1866 = arith.constant 0 : i32
    %dma_start3A_1867 = tpu.memref_slice %arg3[%add3A_1857, %dma_start3A_1865, %dma_start3A_1866] : memref<512x512x256xf32, #tpu.memory_space<hbm>> -> memref<1x128x256xf32, #tpu.memory_space<hbm>>
    %dma_start3A_1868 = tpu.memref_squeeze %dma_start3A_1867 : memref<1x128x256xf32, #tpu.memory_space<hbm>> -> memref<128x256xf32, #tpu.memory_space<hbm>>
    %dma_start3A_1869 = arith.constant 32 : i32
    %dma_start3A_1870 = arith.constant 0 : i32
    %dma_start3A_1871 = tpu.memref_slice %arg5[%dma_start3A_1869, %dma_start3A_1870] : memref<256x256xf32, #tpu.memory_space<vmem>> -> memref<128x256xf32, #tpu.memory_space<vmem>>
    tpu.enqueue_dma source(%dma_start3A_1871 : memref<128x256xf32, #tpu.memory_space<vmem>>) target(%dma_start3A_1868 : memref<128x256xf32, #tpu.memory_space<hbm>>) target_semaphore(%arg7 : memref<!tpu.dma_semaphore, #tpu.memory_space<semaphore_mem>>)
    %add3A_1872 = arith.constant 96 : i32
    %add3A_1873 = arith.addi %add3A_33, %add3A_1872 : i32
    %dma_start3A_1874 = arith.constant 24 : i32
    %dma_start3A_1875 = arith.constant 0 : i32
    %dma_start3A_1876 = tpu.memref_slice %arg5[%dma_start3A_1874, %dma_start3A_1875] : memref<256x256xf32, #tpu.memory_space<vmem>> -> memref<128x256xf32, #tpu.memory_space<vmem>>
    %dma_start3A_1877 = arith.constant 256 : i32
    %dma_start3A_1878 = arith.constant 0 : i32
    %dma_start3A_1879 = tpu.memref_slice %arg3[%add3A_1873, %dma_start3A_1877, %dma_start3A_1878] : memref<512x512x256xf32, #tpu.memory_space<hbm>> -> memref<1x128x256xf32, #tpu.memory_space<hbm>>
    %dma_start3A_1880 = tpu.memref_squeeze %dma_start3A_1879 : memref<1x128x256xf32, #tpu.memory_space<hbm>> -> memref<128x256xf32, #tpu.memory_space<hbm>>
    %dma_start3A_1881 = arith.constant 256 : i32
    %dma_start3A_1882 = arith.constant 0 : i32
    %dma_start3A_1883 = tpu.memref_slice %arg3[%add3A_1873, %dma_start3A_1881, %dma_start3A_1882] : memref<512x512x256xf32, #tpu.memory_space<hbm>> -> memref<1x128x256xf32, #tpu.memory_space<hbm>>
    %dma_start3A_1884 = tpu.memref_squeeze %dma_start3A_1883 : memref<1x128x256xf32, #tpu.memory_space<hbm>> -> memref<128x256xf32, #tpu.memory_space<hbm>>
    %dma_start3A_1885 = arith.constant 24 : i32
    %dma_start3A_1886 = arith.constant 0 : i32
    %dma_start3A_1887 = tpu.memref_slice %arg5[%dma_start3A_1885, %dma_start3A_1886] : memref<256x256xf32, #tpu.memory_space<vmem>> -> memref<128x256xf32, #tpu.memory_space<vmem>>
    tpu.enqueue_dma source(%dma_start3A_1887 : memref<128x256xf32, #tpu.memory_space<vmem>>) target(%dma_start3A_1884 : memref<128x256xf32, #tpu.memory_space<hbm>>) target_semaphore(%arg7 : memref<!tpu.dma_semaphore, #tpu.memory_space<semaphore_mem>>)
    %add3A_1888 = arith.constant 104 : i32
    %add3A_1889 = arith.addi %add3A_33, %add3A_1888 : i32
    %dma_start3A_1890 = arith.constant 16 : i32
    %dma_start3A_1891 = arith.constant 0 : i32
    %dma_start3A_1892 = tpu.memref_slice %arg5[%dma_start3A_1890, %dma_start3A_1891] : memref<256x256xf32, #tpu.memory_space<vmem>> -> memref<128x256xf32, #tpu.memory_space<vmem>>
    %dma_start3A_1893 = arith.constant 256 : i32
    %dma_start3A_1894 = arith.constant 0 : i32
    %dma_start3A_1895 = tpu.memref_slice %arg3[%add3A_1889, %dma_start3A_1893, %dma_start3A_1894] : memref<512x512x256xf32, #tpu.memory_space<hbm>> -> memref<1x128x256xf32, #tpu.memory_space<hbm>>
    %dma_start3A_1896 = tpu.memref_squeeze %dma_start3A_1895 : memref<1x128x256xf32, #tpu.memory_space<hbm>> -> memref<128x256xf32, #tpu.memory_space<hbm>>
    %dma_start3A_1897 = arith.constant 256 : i32
    %dma_start3A_1898 = arith.constant 0 : i32
    %dma_start3A_1899 = tpu.memref_slice %arg3[%add3A_1889, %dma_start3A_1897, %dma_start3A_1898] : memref<512x512x256xf32, #tpu.memory_space<hbm>> -> memref<1x128x256xf32, #tpu.memory_space<hbm>>
    %dma_start3A_1900 = tpu.memref_squeeze %dma_start3A_1899 : memref<1x128x256xf32, #tpu.memory_space<hbm>> -> memref<128x256xf32, #tpu.memory_space<hbm>>
    %dma_start3A_1901 = arith.constant 16 : i32
    %dma_start3A_1902 = arith.constant 0 : i32
    %dma_start3A_1903 = tpu.memref_slice %arg5[%dma_start3A_1901, %dma_start3A_1902] : memref<256x256xf32, #tpu.memory_space<vmem>> -> memref<128x256xf32, #tpu.memory_space<vmem>>
    tpu.enqueue_dma source(%dma_start3A_1903 : memref<128x256xf32, #tpu.memory_space<vmem>>) target(%dma_start3A_1900 : memref<128x256xf32, #tpu.memory_space<hbm>>) target_semaphore(%arg7 : memref<!tpu.dma_semaphore, #tpu.memory_space<semaphore_mem>>)
    %add3A_1904 = arith.constant 112 : i32
    %add3A_1905 = arith.addi %add3A_33, %add3A_1904 : i32
    %dma_start3A_1906 = arith.constant 8 : i32
    %dma_start3A_1907 = arith.constant 0 : i32
    %dma_start3A_1908 = tpu.memref_slice %arg5[%dma_start3A_1906, %dma_start3A_1907] : memref<256x256xf32, #tpu.memory_space<vmem>> -> memref<128x256xf32, #tpu.memory_space<vmem>>
    %dma_start3A_1909 = arith.constant 256 : i32
    %dma_start3A_1910 = arith.constant 0 : i32
    %dma_start3A_1911 = tpu.memref_slice %arg3[%add3A_1905, %dma_start3A_1909, %dma_start3A_1910] : memref<512x512x256xf32, #tpu.memory_space<hbm>> -> memref<1x128x256xf32, #tpu.memory_space<hbm>>
    %dma_start3A_1912 = tpu.memref_squeeze %dma_start3A_1911 : memref<1x128x256xf32, #tpu.memory_space<hbm>> -> memref<128x256xf32, #tpu.memory_space<hbm>>
    %dma_start3A_1913 = arith.constant 256 : i32
    %dma_start3A_1914 = arith.constant 0 : i32
    %dma_start3A_1915 = tpu.memref_slice %arg3[%add3A_1905, %dma_start3A_1913, %dma_start3A_1914] : memref<512x512x256xf32, #tpu.memory_space<hbm>> -> memref<1x128x256xf32, #tpu.memory_space<hbm>>
    %dma_start3A_1916 = tpu.memref_squeeze %dma_start3A_1915 : memref<1x128x256xf32, #tpu.memory_space<hbm>> -> memref<128x256xf32, #tpu.memory_space<hbm>>
    %dma_start3A_1917 = arith.constant 8 : i32
    %dma_start3A_1918 = arith.constant 0 : i32
    %dma_start3A_1919 = tpu.memref_slice %arg5[%dma_start3A_1917, %dma_start3A_1918] : memref<256x256xf32, #tpu.memory_space<vmem>> -> memref<128x256xf32, #tpu.memory_space<vmem>>
    tpu.enqueue_dma source(%dma_start3A_1919 : memref<128x256xf32, #tpu.memory_space<vmem>>) target(%dma_start3A_1916 : memref<128x256xf32, #tpu.memory_space<hbm>>) target_semaphore(%arg7 : memref<!tpu.dma_semaphore, #tpu.memory_space<semaphore_mem>>)
    %add3A_1920 = arith.constant 120 : i32
    %add3A_1921 = arith.addi %add3A_33, %add3A_1920 : i32
    %dma_start3A_1922 = arith.constant 0 : i32
    %dma_start3A_1923 = arith.constant 0 : i32
    %dma_start3A_1924 = tpu.memref_slice %arg5[%dma_start3A_1922, %dma_start3A_1923] : memref<256x256xf32, #tpu.memory_space<vmem>> -> memref<128x256xf32, #tpu.memory_space<vmem>>
    %dma_start3A_1925 = arith.constant 256 : i32
    %dma_start3A_1926 = arith.constant 0 : i32
    %dma_start3A_1927 = tpu.memref_slice %arg3[%add3A_1921, %dma_start3A_1925, %dma_start3A_1926] : memref<512x512x256xf32, #tpu.memory_space<hbm>> -> memref<1x128x256xf32, #tpu.memory_space<hbm>>
    %dma_start3A_1928 = tpu.memref_squeeze %dma_start3A_1927 : memref<1x128x256xf32, #tpu.memory_space<hbm>> -> memref<128x256xf32, #tpu.memory_space<hbm>>
    %dma_start3A_1929 = arith.constant 256 : i32
    %dma_start3A_1930 = arith.constant 0 : i32
    %dma_start3A_1931 = tpu.memref_slice %arg3[%add3A_1921, %dma_start3A_1929, %dma_start3A_1930] : memref<512x512x256xf32, #tpu.memory_space<hbm>> -> memref<1x128x256xf32, #tpu.memory_space<hbm>>
    %dma_start3A_1932 = tpu.memref_squeeze %dma_start3A_1931 : memref<1x128x256xf32, #tpu.memory_space<hbm>> -> memref<128x256xf32, #tpu.memory_space<hbm>>
    %dma_start3A_1933 = arith.constant 0 : i32
    %dma_start3A_1934 = arith.constant 0 : i32
    %dma_start3A_1935 = tpu.memref_slice %arg5[%dma_start3A_1933, %dma_start3A_1934] : memref<256x256xf32, #tpu.memory_space<vmem>> -> memref<128x256xf32, #tpu.memory_space<vmem>>
    tpu.enqueue_dma source(%dma_start3A_1935 : memref<128x256xf32, #tpu.memory_space<vmem>>) target(%dma_start3A_1932 : memref<128x256xf32, #tpu.memory_space<hbm>>) target_semaphore(%arg7 : memref<!tpu.dma_semaphore, #tpu.memory_space<semaphore_mem>>)
    %dma_wait3A_1936 = arith.constant 120 : i32
    %dma_wait3A_1937 = arith.constant 0 : i32
    %dma_wait3A_1938 = tpu.memref_slice %arg5[%dma_wait3A_1936, %dma_wait3A_1937] : memref<256x256xf32, #tpu.memory_space<vmem>> -> memref<128x256xf32, #tpu.memory_space<vmem>>
    %dma_wait3A_1939 = arith.constant 256 : i32
    %dma_wait3A_1940 = arith.constant 0 : i32
    %dma_wait3A_1941 = tpu.memref_slice %arg3[%add3A_1681, %dma_wait3A_1939, %dma_wait3A_1940] : memref<512x512x256xf32, #tpu.memory_space<hbm>> -> memref<1x128x256xf32, #tpu.memory_space<hbm>>
    %dma_wait3A_1942 = tpu.memref_squeeze %dma_wait3A_1941 : memref<1x128x256xf32, #tpu.memory_space<hbm>> -> memref<128x256xf32, #tpu.memory_space<hbm>>
    %dma_wait3A_1943 = arith.constant 256 : i32
    %dma_wait3A_1944 = arith.constant 0 : i32
    %dma_wait3A_1945 = tpu.memref_slice %arg3[%add3A_1681, %dma_wait3A_1943, %dma_wait3A_1944] : memref<512x512x256xf32, #tpu.memory_space<hbm>> -> memref<1x128x256xf32, #tpu.memory_space<hbm>>
    %dma_wait3A_1946 = tpu.memref_squeeze %dma_wait3A_1945 : memref<1x128x256xf32, #tpu.memory_space<hbm>> -> memref<128x256xf32, #tpu.memory_space<hbm>>
    %dma_wait3A_1947 = arith.constant 120 : i32
    %dma_wait3A_1948 = arith.constant 0 : i32
    %dma_wait3A_1949 = tpu.memref_slice %arg5[%dma_wait3A_1947, %dma_wait3A_1948] : memref<256x256xf32, #tpu.memory_space<vmem>> -> memref<128x256xf32, #tpu.memory_space<vmem>>
    tpu.wait_dma2 semaphore(%arg7 : memref<!tpu.dma_semaphore, #tpu.memory_space<semaphore_mem>>) src(%dma_wait3A_1949 : memref<128x256xf32, #tpu.memory_space<vmem>>) dst(%dma_wait3A_1946 : memref<128x256xf32, #tpu.memory_space<hbm>>)
    %dma_wait3A_1950 = arith.constant 112 : i32
    %dma_wait3A_1951 = arith.constant 0 : i32
    %dma_wait3A_1952 = tpu.memref_slice %arg5[%dma_wait3A_1950, %dma_wait3A_1951] : memref<256x256xf32, #tpu.memory_space<vmem>> -> memref<128x256xf32, #tpu.memory_space<vmem>>
    %dma_wait3A_1953 = arith.constant 256 : i32
    %dma_wait3A_1954 = arith.constant 0 : i32
    %dma_wait3A_1955 = tpu.memref_slice %arg3[%add3A_1697, %dma_wait3A_1953, %dma_wait3A_1954] : memref<512x512x256xf32, #tpu.memory_space<hbm>> -> memref<1x128x256xf32, #tpu.memory_space<hbm>>
    %dma_wait3A_1956 = tpu.memref_squeeze %dma_wait3A_1955 : memref<1x128x256xf32, #tpu.memory_space<hbm>> -> memref<128x256xf32, #tpu.memory_space<hbm>>
    %dma_wait3A_1957 = arith.constant 256 : i32
    %dma_wait3A_1958 = arith.constant 0 : i32
    %dma_wait3A_1959 = tpu.memref_slice %arg3[%add3A_1697, %dma_wait3A_1957, %dma_wait3A_1958] : memref<512x512x256xf32, #tpu.memory_space<hbm>> -> memref<1x128x256xf32, #tpu.memory_space<hbm>>
    %dma_wait3A_1960 = tpu.memref_squeeze %dma_wait3A_1959 : memref<1x128x256xf32, #tpu.memory_space<hbm>> -> memref<128x256xf32, #tpu.memory_space<hbm>>
    %dma_wait3A_1961 = arith.constant 112 : i32
    %dma_wait3A_1962 = arith.constant 0 : i32
    %dma_wait3A_1963 = tpu.memref_slice %arg5[%dma_wait3A_1961, %dma_wait3A_1962] : memref<256x256xf32, #tpu.memory_space<vmem>> -> memref<128x256xf32, #tpu.memory_space<vmem>>
    tpu.wait_dma2 semaphore(%arg7 : memref<!tpu.dma_semaphore, #tpu.memory_space<semaphore_mem>>) src(%dma_wait3A_1963 : memref<128x256xf32, #tpu.memory_space<vmem>>) dst(%dma_wait3A_1960 : memref<128x256xf32, #tpu.memory_space<hbm>>)
    %dma_wait3A_1964 = arith.constant 104 : i32
    %dma_wait3A_1965 = arith.constant 0 : i32
    %dma_wait3A_1966 = tpu.memref_slice %arg5[%dma_wait3A_1964, %dma_wait3A_1965] : memref<256x256xf32, #tpu.memory_space<vmem>> -> memref<128x256xf32, #tpu.memory_space<vmem>>
    %dma_wait3A_1967 = arith.constant 256 : i32
    %dma_wait3A_1968 = arith.constant 0 : i32
    %dma_wait3A_1969 = tpu.memref_slice %arg3[%add3A_1713, %dma_wait3A_1967, %dma_wait3A_1968] : memref<512x512x256xf32, #tpu.memory_space<hbm>> -> memref<1x128x256xf32, #tpu.memory_space<hbm>>
    %dma_wait3A_1970 = tpu.memref_squeeze %dma_wait3A_1969 : memref<1x128x256xf32, #tpu.memory_space<hbm>> -> memref<128x256xf32, #tpu.memory_space<hbm>>
    %dma_wait3A_1971 = arith.constant 256 : i32
    %dma_wait3A_1972 = arith.constant 0 : i32
    %dma_wait3A_1973 = tpu.memref_slice %arg3[%add3A_1713, %dma_wait3A_1971, %dma_wait3A_1972] : memref<512x512x256xf32, #tpu.memory_space<hbm>> -> memref<1x128x256xf32, #tpu.memory_space<hbm>>
    %dma_wait3A_1974 = tpu.memref_squeeze %dma_wait3A_1973 : memref<1x128x256xf32, #tpu.memory_space<hbm>> -> memref<128x256xf32, #tpu.memory_space<hbm>>
    %dma_wait3A_1975 = arith.constant 104 : i32
    %dma_wait3A_1976 = arith.constant 0 : i32
    %dma_wait3A_1977 = tpu.memref_slice %arg5[%dma_wait3A_1975, %dma_wait3A_1976] : memref<256x256xf32, #tpu.memory_space<vmem>> -> memref<128x256xf32, #tpu.memory_space<vmem>>
    tpu.wait_dma2 semaphore(%arg7 : memref<!tpu.dma_semaphore, #tpu.memory_space<semaphore_mem>>) src(%dma_wait3A_1977 : memref<128x256xf32, #tpu.memory_space<vmem>>) dst(%dma_wait3A_1974 : memref<128x256xf32, #tpu.memory_space<hbm>>)
    %dma_wait3A_1978 = arith.constant 96 : i32
    %dma_wait3A_1979 = arith.constant 0 : i32
    %dma_wait3A_1980 = tpu.memref_slice %arg5[%dma_wait3A_1978, %dma_wait3A_1979] : memref<256x256xf32, #tpu.memory_space<vmem>> -> memref<128x256xf32, #tpu.memory_space<vmem>>
    %dma_wait3A_1981 = arith.constant 256 : i32
    %dma_wait3A_1982 = arith.constant 0 : i32
    %dma_wait3A_1983 = tpu.memref_slice %arg3[%add3A_1729, %dma_wait3A_1981, %dma_wait3A_1982] : memref<512x512x256xf32, #tpu.memory_space<hbm>> -> memref<1x128x256xf32, #tpu.memory_space<hbm>>
    %dma_wait3A_1984 = tpu.memref_squeeze %dma_wait3A_1983 : memref<1x128x256xf32, #tpu.memory_space<hbm>> -> memref<128x256xf32, #tpu.memory_space<hbm>>
    %dma_wait3A_1985 = arith.constant 256 : i32
    %dma_wait3A_1986 = arith.constant 0 : i32
    %dma_wait3A_1987 = tpu.memref_slice %arg3[%add3A_1729, %dma_wait3A_1985, %dma_wait3A_1986] : memref<512x512x256xf32, #tpu.memory_space<hbm>> -> memref<1x128x256xf32, #tpu.memory_space<hbm>>
    %dma_wait3A_1988 = tpu.memref_squeeze %dma_wait3A_1987 : memref<1x128x256xf32, #tpu.memory_space<hbm>> -> memref<128x256xf32, #tpu.memory_space<hbm>>
    %dma_wait3A_1989 = arith.constant 96 : i32
    %dma_wait3A_1990 = arith.constant 0 : i32
    %dma_wait3A_1991 = tpu.memref_slice %arg5[%dma_wait3A_1989, %dma_wait3A_1990] : memref<256x256xf32, #tpu.memory_space<vmem>> -> memref<128x256xf32, #tpu.memory_space<vmem>>
    tpu.wait_dma2 semaphore(%arg7 : memref<!tpu.dma_semaphore, #tpu.memory_space<semaphore_mem>>) src(%dma_wait3A_1991 : memref<128x256xf32, #tpu.memory_space<vmem>>) dst(%dma_wait3A_1988 : memref<128x256xf32, #tpu.memory_space<hbm>>)
    %dma_wait3A_1992 = arith.constant 88 : i32
    %dma_wait3A_1993 = arith.constant 0 : i32
    %dma_wait3A_1994 = tpu.memref_slice %arg5[%dma_wait3A_1992, %dma_wait3A_1993] : memref<256x256xf32, #tpu.memory_space<vmem>> -> memref<128x256xf32, #tpu.memory_space<vmem>>
    %dma_wait3A_1995 = arith.constant 256 : i32
    %dma_wait3A_1996 = arith.constant 0 : i32
    %dma_wait3A_1997 = tpu.memref_slice %arg3[%add3A_1745, %dma_wait3A_1995, %dma_wait3A_1996] : memref<512x512x256xf32, #tpu.memory_space<hbm>> -> memref<1x128x256xf32, #tpu.memory_space<hbm>>
    %dma_wait3A_1998 = tpu.memref_squeeze %dma_wait3A_1997 : memref<1x128x256xf32, #tpu.memory_space<hbm>> -> memref<128x256xf32, #tpu.memory_space<hbm>>
    %dma_wait3A_1999 = arith.constant 256 : i32
    %dma_wait3A_2000 = arith.constant 0 : i32
    %dma_wait3A_2001 = tpu.memref_slice %arg3[%add3A_1745, %dma_wait3A_1999, %dma_wait3A_2000] : memref<512x512x256xf32, #tpu.memory_space<hbm>> -> memref<1x128x256xf32, #tpu.memory_space<hbm>>
    %dma_wait3A_2002 = tpu.memref_squeeze %dma_wait3A_2001 : memref<1x128x256xf32, #tpu.memory_space<hbm>> -> memref<128x256xf32, #tpu.memory_space<hbm>>
    %dma_wait3A_2003 = arith.constant 88 : i32
    %dma_wait3A_2004 = arith.constant 0 : i32
    %dma_wait3A_2005 = tpu.memref_slice %arg5[%dma_wait3A_2003, %dma_wait3A_2004] : memref<256x256xf32, #tpu.memory_space<vmem>> -> memref<128x256xf32, #tpu.memory_space<vmem>>
    tpu.wait_dma2 semaphore(%arg7 : memref<!tpu.dma_semaphore, #tpu.memory_space<semaphore_mem>>) src(%dma_wait3A_2005 : memref<128x256xf32, #tpu.memory_space<vmem>>) dst(%dma_wait3A_2002 : memref<128x256xf32, #tpu.memory_space<hbm>>)
    %dma_wait3A_2006 = arith.constant 80 : i32
    %dma_wait3A_2007 = arith.constant 0 : i32
    %dma_wait3A_2008 = tpu.memref_slice %arg5[%dma_wait3A_2006, %dma_wait3A_2007] : memref<256x256xf32, #tpu.memory_space<vmem>> -> memref<128x256xf32, #tpu.memory_space<vmem>>
    %dma_wait3A_2009 = arith.constant 256 : i32
    %dma_wait3A_2010 = arith.constant 0 : i32
    %dma_wait3A_2011 = tpu.memref_slice %arg3[%add3A_1761, %dma_wait3A_2009, %dma_wait3A_2010] : memref<512x512x256xf32, #tpu.memory_space<hbm>> -> memref<1x128x256xf32, #tpu.memory_space<hbm>>
    %dma_wait3A_2012 = tpu.memref_squeeze %dma_wait3A_2011 : memref<1x128x256xf32, #tpu.memory_space<hbm>> -> memref<128x256xf32, #tpu.memory_space<hbm>>
    %dma_wait3A_2013 = arith.constant 256 : i32
    %dma_wait3A_2014 = arith.constant 0 : i32
    %dma_wait3A_2015 = tpu.memref_slice %arg3[%add3A_1761, %dma_wait3A_2013, %dma_wait3A_2014] : memref<512x512x256xf32, #tpu.memory_space<hbm>> -> memref<1x128x256xf32, #tpu.memory_space<hbm>>
    %dma_wait3A_2016 = tpu.memref_squeeze %dma_wait3A_2015 : memref<1x128x256xf32, #tpu.memory_space<hbm>> -> memref<128x256xf32, #tpu.memory_space<hbm>>
    %dma_wait3A_2017 = arith.constant 80 : i32
    %dma_wait3A_2018 = arith.constant 0 : i32
    %dma_wait3A_2019 = tpu.memref_slice %arg5[%dma_wait3A_2017, %dma_wait3A_2018] : memref<256x256xf32, #tpu.memory_space<vmem>> -> memref<128x256xf32, #tpu.memory_space<vmem>>
    tpu.wait_dma2 semaphore(%arg7 : memref<!tpu.dma_semaphore, #tpu.memory_space<semaphore_mem>>) src(%dma_wait3A_2019 : memref<128x256xf32, #tpu.memory_space<vmem>>) dst(%dma_wait3A_2016 : memref<128x256xf32, #tpu.memory_space<hbm>>)
    %dma_wait3A_2020 = arith.constant 72 : i32
    %dma_wait3A_2021 = arith.constant 0 : i32
    %dma_wait3A_2022 = tpu.memref_slice %arg5[%dma_wait3A_2020, %dma_wait3A_2021] : memref<256x256xf32, #tpu.memory_space<vmem>> -> memref<128x256xf32, #tpu.memory_space<vmem>>
    %dma_wait3A_2023 = arith.constant 256 : i32
    %dma_wait3A_2024 = arith.constant 0 : i32
    %dma_wait3A_2025 = tpu.memref_slice %arg3[%add3A_1777, %dma_wait3A_2023, %dma_wait3A_2024] : memref<512x512x256xf32, #tpu.memory_space<hbm>> -> memref<1x128x256xf32, #tpu.memory_space<hbm>>
    %dma_wait3A_2026 = tpu.memref_squeeze %dma_wait3A_2025 : memref<1x128x256xf32, #tpu.memory_space<hbm>> -> memref<128x256xf32, #tpu.memory_space<hbm>>
    %dma_wait3A_2027 = arith.constant 256 : i32
    %dma_wait3A_2028 = arith.constant 0 : i32
    %dma_wait3A_2029 = tpu.memref_slice %arg3[%add3A_1777, %dma_wait3A_2027, %dma_wait3A_2028] : memref<512x512x256xf32, #tpu.memory_space<hbm>> -> memref<1x128x256xf32, #tpu.memory_space<hbm>>
    %dma_wait3A_2030 = tpu.memref_squeeze %dma_wait3A_2029 : memref<1x128x256xf32, #tpu.memory_space<hbm>> -> memref<128x256xf32, #tpu.memory_space<hbm>>
    %dma_wait3A_2031 = arith.constant 72 : i32
    %dma_wait3A_2032 = arith.constant 0 : i32
    %dma_wait3A_2033 = tpu.memref_slice %arg5[%dma_wait3A_2031, %dma_wait3A_2032] : memref<256x256xf32, #tpu.memory_space<vmem>> -> memref<128x256xf32, #tpu.memory_space<vmem>>
    tpu.wait_dma2 semaphore(%arg7 : memref<!tpu.dma_semaphore, #tpu.memory_space<semaphore_mem>>) src(%dma_wait3A_2033 : memref<128x256xf32, #tpu.memory_space<vmem>>) dst(%dma_wait3A_2030 : memref<128x256xf32, #tpu.memory_space<hbm>>)
    %dma_wait3A_2034 = arith.constant 64 : i32
    %dma_wait3A_2035 = arith.constant 0 : i32
    %dma_wait3A_2036 = tpu.memref_slice %arg5[%dma_wait3A_2034, %dma_wait3A_2035] : memref<256x256xf32, #tpu.memory_space<vmem>> -> memref<128x256xf32, #tpu.memory_space<vmem>>
    %dma_wait3A_2037 = arith.constant 256 : i32
    %dma_wait3A_2038 = arith.constant 0 : i32
    %dma_wait3A_2039 = tpu.memref_slice %arg3[%add3A_1793, %dma_wait3A_2037, %dma_wait3A_2038] : memref<512x512x256xf32, #tpu.memory_space<hbm>> -> memref<1x128x256xf32, #tpu.memory_space<hbm>>
    %dma_wait3A_2040 = tpu.memref_squeeze %dma_wait3A_2039 : memref<1x128x256xf32, #tpu.memory_space<hbm>> -> memref<128x256xf32, #tpu.memory_space<hbm>>
    %dma_wait3A_2041 = arith.constant 256 : i32
    %dma_wait3A_2042 = arith.constant 0 : i32
    %dma_wait3A_2043 = tpu.memref_slice %arg3[%add3A_1793, %dma_wait3A_2041, %dma_wait3A_2042] : memref<512x512x256xf32, #tpu.memory_space<hbm>> -> memref<1x128x256xf32, #tpu.memory_space<hbm>>
    %dma_wait3A_2044 = tpu.memref_squeeze %dma_wait3A_2043 : memref<1x128x256xf32, #tpu.memory_space<hbm>> -> memref<128x256xf32, #tpu.memory_space<hbm>>
    %dma_wait3A_2045 = arith.constant 64 : i32
    %dma_wait3A_2046 = arith.constant 0 : i32
    %dma_wait3A_2047 = tpu.memref_slice %arg5[%dma_wait3A_2045, %dma_wait3A_2046] : memref<256x256xf32, #tpu.memory_space<vmem>> -> memref<128x256xf32, #tpu.memory_space<vmem>>
    tpu.wait_dma2 semaphore(%arg7 : memref<!tpu.dma_semaphore, #tpu.memory_space<semaphore_mem>>) src(%dma_wait3A_2047 : memref<128x256xf32, #tpu.memory_space<vmem>>) dst(%dma_wait3A_2044 : memref<128x256xf32, #tpu.memory_space<hbm>>)
    %dma_wait3A_2048 = arith.constant 56 : i32
    %dma_wait3A_2049 = arith.constant 0 : i32
    %dma_wait3A_2050 = tpu.memref_slice %arg5[%dma_wait3A_2048, %dma_wait3A_2049] : memref<256x256xf32, #tpu.memory_space<vmem>> -> memref<128x256xf32, #tpu.memory_space<vmem>>
    %dma_wait3A_2051 = arith.constant 256 : i32
    %dma_wait3A_2052 = arith.constant 0 : i32
    %dma_wait3A_2053 = tpu.memref_slice %arg3[%add3A_1809, %dma_wait3A_2051, %dma_wait3A_2052] : memref<512x512x256xf32, #tpu.memory_space<hbm>> -> memref<1x128x256xf32, #tpu.memory_space<hbm>>
    %dma_wait3A_2054 = tpu.memref_squeeze %dma_wait3A_2053 : memref<1x128x256xf32, #tpu.memory_space<hbm>> -> memref<128x256xf32, #tpu.memory_space<hbm>>
    %dma_wait3A_2055 = arith.constant 256 : i32
    %dma_wait3A_2056 = arith.constant 0 : i32
    %dma_wait3A_2057 = tpu.memref_slice %arg3[%add3A_1809, %dma_wait3A_2055, %dma_wait3A_2056] : memref<512x512x256xf32, #tpu.memory_space<hbm>> -> memref<1x128x256xf32, #tpu.memory_space<hbm>>
    %dma_wait3A_2058 = tpu.memref_squeeze %dma_wait3A_2057 : memref<1x128x256xf32, #tpu.memory_space<hbm>> -> memref<128x256xf32, #tpu.memory_space<hbm>>
    %dma_wait3A_2059 = arith.constant 56 : i32
    %dma_wait3A_2060 = arith.constant 0 : i32
    %dma_wait3A_2061 = tpu.memref_slice %arg5[%dma_wait3A_2059, %dma_wait3A_2060] : memref<256x256xf32, #tpu.memory_space<vmem>> -> memref<128x256xf32, #tpu.memory_space<vmem>>
    tpu.wait_dma2 semaphore(%arg7 : memref<!tpu.dma_semaphore, #tpu.memory_space<semaphore_mem>>) src(%dma_wait3A_2061 : memref<128x256xf32, #tpu.memory_space<vmem>>) dst(%dma_wait3A_2058 : memref<128x256xf32, #tpu.memory_space<hbm>>)
    %dma_wait3A_2062 = arith.constant 48 : i32
    %dma_wait3A_2063 = arith.constant 0 : i32
    %dma_wait3A_2064 = tpu.memref_slice %arg5[%dma_wait3A_2062, %dma_wait3A_2063] : memref<256x256xf32, #tpu.memory_space<vmem>> -> memref<128x256xf32, #tpu.memory_space<vmem>>
    %dma_wait3A_2065 = arith.constant 256 : i32
    %dma_wait3A_2066 = arith.constant 0 : i32
    %dma_wait3A_2067 = tpu.memref_slice %arg3[%add3A_1825, %dma_wait3A_2065, %dma_wait3A_2066] : memref<512x512x256xf32, #tpu.memory_space<hbm>> -> memref<1x128x256xf32, #tpu.memory_space<hbm>>
    %dma_wait3A_2068 = tpu.memref_squeeze %dma_wait3A_2067 : memref<1x128x256xf32, #tpu.memory_space<hbm>> -> memref<128x256xf32, #tpu.memory_space<hbm>>
    %dma_wait3A_2069 = arith.constant 256 : i32
    %dma_wait3A_2070 = arith.constant 0 : i32
    %dma_wait3A_2071 = tpu.memref_slice %arg3[%add3A_1825, %dma_wait3A_2069, %dma_wait3A_2070] : memref<512x512x256xf32, #tpu.memory_space<hbm>> -> memref<1x128x256xf32, #tpu.memory_space<hbm>>
    %dma_wait3A_2072 = tpu.memref_squeeze %dma_wait3A_2071 : memref<1x128x256xf32, #tpu.memory_space<hbm>> -> memref<128x256xf32, #tpu.memory_space<hbm>>
    %dma_wait3A_2073 = arith.constant 48 : i32
    %dma_wait3A_2074 = arith.constant 0 : i32
    %dma_wait3A_2075 = tpu.memref_slice %arg5[%dma_wait3A_2073, %dma_wait3A_2074] : memref<256x256xf32, #tpu.memory_space<vmem>> -> memref<128x256xf32, #tpu.memory_space<vmem>>
    tpu.wait_dma2 semaphore(%arg7 : memref<!tpu.dma_semaphore, #tpu.memory_space<semaphore_mem>>) src(%dma_wait3A_2075 : memref<128x256xf32, #tpu.memory_space<vmem>>) dst(%dma_wait3A_2072 : memref<128x256xf32, #tpu.memory_space<hbm>>)
    %dma_wait3A_2076 = arith.constant 40 : i32
    %dma_wait3A_2077 = arith.constant 0 : i32
    %dma_wait3A_2078 = tpu.memref_slice %arg5[%dma_wait3A_2076, %dma_wait3A_2077] : memref<256x256xf32, #tpu.memory_space<vmem>> -> memref<128x256xf32, #tpu.memory_space<vmem>>
    %dma_wait3A_2079 = arith.constant 256 : i32
    %dma_wait3A_2080 = arith.constant 0 : i32
    %dma_wait3A_2081 = tpu.memref_slice %arg3[%add3A_1841, %dma_wait3A_2079, %dma_wait3A_2080] : memref<512x512x256xf32, #tpu.memory_space<hbm>> -> memref<1x128x256xf32, #tpu.memory_space<hbm>>
    %dma_wait3A_2082 = tpu.memref_squeeze %dma_wait3A_2081 : memref<1x128x256xf32, #tpu.memory_space<hbm>> -> memref<128x256xf32, #tpu.memory_space<hbm>>
    %dma_wait3A_2083 = arith.constant 256 : i32
    %dma_wait3A_2084 = arith.constant 0 : i32
    %dma_wait3A_2085 = tpu.memref_slice %arg3[%add3A_1841, %dma_wait3A_2083, %dma_wait3A_2084] : memref<512x512x256xf32, #tpu.memory_space<hbm>> -> memref<1x128x256xf32, #tpu.memory_space<hbm>>
    %dma_wait3A_2086 = tpu.memref_squeeze %dma_wait3A_2085 : memref<1x128x256xf32, #tpu.memory_space<hbm>> -> memref<128x256xf32, #tpu.memory_space<hbm>>
    %dma_wait3A_2087 = arith.constant 40 : i32
    %dma_wait3A_2088 = arith.constant 0 : i32
    %dma_wait3A_2089 = tpu.memref_slice %arg5[%dma_wait3A_2087, %dma_wait3A_2088] : memref<256x256xf32, #tpu.memory_space<vmem>> -> memref<128x256xf32, #tpu.memory_space<vmem>>
    tpu.wait_dma2 semaphore(%arg7 : memref<!tpu.dma_semaphore, #tpu.memory_space<semaphore_mem>>) src(%dma_wait3A_2089 : memref<128x256xf32, #tpu.memory_space<vmem>>) dst(%dma_wait3A_2086 : memref<128x256xf32, #tpu.memory_space<hbm>>)
    %dma_wait3A_2090 = arith.constant 32 : i32
    %dma_wait3A_2091 = arith.constant 0 : i32
    %dma_wait3A_2092 = tpu.memref_slice %arg5[%dma_wait3A_2090, %dma_wait3A_2091] : memref<256x256xf32, #tpu.memory_space<vmem>> -> memref<128x256xf32, #tpu.memory_space<vmem>>
    %dma_wait3A_2093 = arith.constant 256 : i32
    %dma_wait3A_2094 = arith.constant 0 : i32
    %dma_wait3A_2095 = tpu.memref_slice %arg3[%add3A_1857, %dma_wait3A_2093, %dma_wait3A_2094] : memref<512x512x256xf32, #tpu.memory_space<hbm>> -> memref<1x128x256xf32, #tpu.memory_space<hbm>>
    %dma_wait3A_2096 = tpu.memref_squeeze %dma_wait3A_2095 : memref<1x128x256xf32, #tpu.memory_space<hbm>> -> memref<128x256xf32, #tpu.memory_space<hbm>>
    %dma_wait3A_2097 = arith.constant 256 : i32
    %dma_wait3A_2098 = arith.constant 0 : i32
    %dma_wait3A_2099 = tpu.memref_slice %arg3[%add3A_1857, %dma_wait3A_2097, %dma_wait3A_2098] : memref<512x512x256xf32, #tpu.memory_space<hbm>> -> memref<1x128x256xf32, #tpu.memory_space<hbm>>
    %dma_wait3A_2100 = tpu.memref_squeeze %dma_wait3A_2099 : memref<1x128x256xf32, #tpu.memory_space<hbm>> -> memref<128x256xf32, #tpu.memory_space<hbm>>
    %dma_wait3A_2101 = arith.constant 32 : i32
    %dma_wait3A_2102 = arith.constant 0 : i32
    %dma_wait3A_2103 = tpu.memref_slice %arg5[%dma_wait3A_2101, %dma_wait3A_2102] : memref<256x256xf32, #tpu.memory_space<vmem>> -> memref<128x256xf32, #tpu.memory_space<vmem>>
    tpu.wait_dma2 semaphore(%arg7 : memref<!tpu.dma_semaphore, #tpu.memory_space<semaphore_mem>>) src(%dma_wait3A_2103 : memref<128x256xf32, #tpu.memory_space<vmem>>) dst(%dma_wait3A_2100 : memref<128x256xf32, #tpu.memory_space<hbm>>)
    %dma_wait3A_2104 = arith.constant 24 : i32
    %dma_wait3A_2105 = arith.constant 0 : i32
    %dma_wait3A_2106 = tpu.memref_slice %arg5[%dma_wait3A_2104, %dma_wait3A_2105] : memref<256x256xf32, #tpu.memory_space<vmem>> -> memref<128x256xf32, #tpu.memory_space<vmem>>
    %dma_wait3A_2107 = arith.constant 256 : i32
    %dma_wait3A_2108 = arith.constant 0 : i32
    %dma_wait3A_2109 = tpu.memref_slice %arg3[%add3A_1873, %dma_wait3A_2107, %dma_wait3A_2108] : memref<512x512x256xf32, #tpu.memory_space<hbm>> -> memref<1x128x256xf32, #tpu.memory_space<hbm>>
    %dma_wait3A_2110 = tpu.memref_squeeze %dma_wait3A_2109 : memref<1x128x256xf32, #tpu.memory_space<hbm>> -> memref<128x256xf32, #tpu.memory_space<hbm>>
    %dma_wait3A_2111 = arith.constant 256 : i32
    %dma_wait3A_2112 = arith.constant 0 : i32
    %dma_wait3A_2113 = tpu.memref_slice %arg3[%add3A_1873, %dma_wait3A_2111, %dma_wait3A_2112] : memref<512x512x256xf32, #tpu.memory_space<hbm>> -> memref<1x128x256xf32, #tpu.memory_space<hbm>>
    %dma_wait3A_2114 = tpu.memref_squeeze %dma_wait3A_2113 : memref<1x128x256xf32, #tpu.memory_space<hbm>> -> memref<128x256xf32, #tpu.memory_space<hbm>>
    %dma_wait3A_2115 = arith.constant 24 : i32
    %dma_wait3A_2116 = arith.constant 0 : i32
    %dma_wait3A_2117 = tpu.memref_slice %arg5[%dma_wait3A_2115, %dma_wait3A_2116] : memref<256x256xf32, #tpu.memory_space<vmem>> -> memref<128x256xf32, #tpu.memory_space<vmem>>
    tpu.wait_dma2 semaphore(%arg7 : memref<!tpu.dma_semaphore, #tpu.memory_space<semaphore_mem>>) src(%dma_wait3A_2117 : memref<128x256xf32, #tpu.memory_space<vmem>>) dst(%dma_wait3A_2114 : memref<128x256xf32, #tpu.memory_space<hbm>>)
    %dma_wait3A_2118 = arith.constant 16 : i32
    %dma_wait3A_2119 = arith.constant 0 : i32
    %dma_wait3A_2120 = tpu.memref_slice %arg5[%dma_wait3A_2118, %dma_wait3A_2119] : memref<256x256xf32, #tpu.memory_space<vmem>> -> memref<128x256xf32, #tpu.memory_space<vmem>>
    %dma_wait3A_2121 = arith.constant 256 : i32
    %dma_wait3A_2122 = arith.constant 0 : i32
    %dma_wait3A_2123 = tpu.memref_slice %arg3[%add3A_1889, %dma_wait3A_2121, %dma_wait3A_2122] : memref<512x512x256xf32, #tpu.memory_space<hbm>> -> memref<1x128x256xf32, #tpu.memory_space<hbm>>
    %dma_wait3A_2124 = tpu.memref_squeeze %dma_wait3A_2123 : memref<1x128x256xf32, #tpu.memory_space<hbm>> -> memref<128x256xf32, #tpu.memory_space<hbm>>
    %dma_wait3A_2125 = arith.constant 256 : i32
    %dma_wait3A_2126 = arith.constant 0 : i32
    %dma_wait3A_2127 = tpu.memref_slice %arg3[%add3A_1889, %dma_wait3A_2125, %dma_wait3A_2126] : memref<512x512x256xf32, #tpu.memory_space<hbm>> -> memref<1x128x256xf32, #tpu.memory_space<hbm>>
    %dma_wait3A_2128 = tpu.memref_squeeze %dma_wait3A_2127 : memref<1x128x256xf32, #tpu.memory_space<hbm>> -> memref<128x256xf32, #tpu.memory_space<hbm>>
    %dma_wait3A_2129 = arith.constant 16 : i32
    %dma_wait3A_2130 = arith.constant 0 : i32
    %dma_wait3A_2131 = tpu.memref_slice %arg5[%dma_wait3A_2129, %dma_wait3A_2130] : memref<256x256xf32, #tpu.memory_space<vmem>> -> memref<128x256xf32, #tpu.memory_space<vmem>>
    tpu.wait_dma2 semaphore(%arg7 : memref<!tpu.dma_semaphore, #tpu.memory_space<semaphore_mem>>) src(%dma_wait3A_2131 : memref<128x256xf32, #tpu.memory_space<vmem>>) dst(%dma_wait3A_2128 : memref<128x256xf32, #tpu.memory_space<hbm>>)
    %dma_wait3A_2132 = arith.constant 8 : i32
    %dma_wait3A_2133 = arith.constant 0 : i32
    %dma_wait3A_2134 = tpu.memref_slice %arg5[%dma_wait3A_2132, %dma_wait3A_2133] : memref<256x256xf32, #tpu.memory_space<vmem>> -> memref<128x256xf32, #tpu.memory_space<vmem>>
    %dma_wait3A_2135 = arith.constant 256 : i32
    %dma_wait3A_2136 = arith.constant 0 : i32
    %dma_wait3A_2137 = tpu.memref_slice %arg3[%add3A_1905, %dma_wait3A_2135, %dma_wait3A_2136] : memref<512x512x256xf32, #tpu.memory_space<hbm>> -> memref<1x128x256xf32, #tpu.memory_space<hbm>>
    %dma_wait3A_2138 = tpu.memref_squeeze %dma_wait3A_2137 : memref<1x128x256xf32, #tpu.memory_space<hbm>> -> memref<128x256xf32, #tpu.memory_space<hbm>>
    %dma_wait3A_2139 = arith.constant 256 : i32
    %dma_wait3A_2140 = arith.constant 0 : i32
    %dma_wait3A_2141 = tpu.memref_slice %arg3[%add3A_1905, %dma_wait3A_2139, %dma_wait3A_2140] : memref<512x512x256xf32, #tpu.memory_space<hbm>> -> memref<1x128x256xf32, #tpu.memory_space<hbm>>
    %dma_wait3A_2142 = tpu.memref_squeeze %dma_wait3A_2141 : memref<1x128x256xf32, #tpu.memory_space<hbm>> -> memref<128x256xf32, #tpu.memory_space<hbm>>
    %dma_wait3A_2143 = arith.constant 8 : i32
    %dma_wait3A_2144 = arith.constant 0 : i32
    %dma_wait3A_2145 = tpu.memref_slice %arg5[%dma_wait3A_2143, %dma_wait3A_2144] : memref<256x256xf32, #tpu.memory_space<vmem>> -> memref<128x256xf32, #tpu.memory_space<vmem>>
    tpu.wait_dma2 semaphore(%arg7 : memref<!tpu.dma_semaphore, #tpu.memory_space<semaphore_mem>>) src(%dma_wait3A_2145 : memref<128x256xf32, #tpu.memory_space<vmem>>) dst(%dma_wait3A_2142 : memref<128x256xf32, #tpu.memory_space<hbm>>)
    %dma_wait3A_2146 = arith.constant 0 : i32
    %dma_wait3A_2147 = arith.constant 0 : i32
    %dma_wait3A_2148 = tpu.memref_slice %arg5[%dma_wait3A_2146, %dma_wait3A_2147] : memref<256x256xf32, #tpu.memory_space<vmem>> -> memref<128x256xf32, #tpu.memory_space<vmem>>
    %dma_wait3A_2149 = arith.constant 256 : i32
    %dma_wait3A_2150 = arith.constant 0 : i32
    %dma_wait3A_2151 = tpu.memref_slice %arg3[%add3A_1921, %dma_wait3A_2149, %dma_wait3A_2150] : memref<512x512x256xf32, #tpu.memory_space<hbm>> -> memref<1x128x256xf32, #tpu.memory_space<hbm>>
    %dma_wait3A_2152 = tpu.memref_squeeze %dma_wait3A_2151 : memref<1x128x256xf32, #tpu.memory_space<hbm>> -> memref<128x256xf32, #tpu.memory_space<hbm>>
    %dma_wait3A_2153 = arith.constant 256 : i32
    %dma_wait3A_2154 = arith.constant 0 : i32
    %dma_wait3A_2155 = tpu.memref_slice %arg3[%add3A_1921, %dma_wait3A_2153, %dma_wait3A_2154] : memref<512x512x256xf32, #tpu.memory_space<hbm>> -> memref<1x128x256xf32, #tpu.memory_space<hbm>>
    %dma_wait3A_2156 = tpu.memref_squeeze %dma_wait3A_2155 : memref<1x128x256xf32, #tpu.memory_space<hbm>> -> memref<128x256xf32, #tpu.memory_space<hbm>>
    %dma_wait3A_2157 = arith.constant 0 : i32
    %dma_wait3A_2158 = arith.constant 0 : i32
    %dma_wait3A_2159 = tpu.memref_slice %arg5[%dma_wait3A_2157, %dma_wait3A_2158] : memref<256x256xf32, #tpu.memory_space<vmem>> -> memref<128x256xf32, #tpu.memory_space<vmem>>
    tpu.wait_dma2 semaphore(%arg7 : memref<!tpu.dma_semaphore, #tpu.memory_space<semaphore_mem>>) src(%dma_wait3A_2159 : memref<128x256xf32, #tpu.memory_space<vmem>>) dst(%dma_wait3A_2156 : memref<128x256xf32, #tpu.memory_space<hbm>>)
    %add3A_2160 = arith.constant 120 : i32
    %add3A_2161 = arith.addi %add3A_33, %add3A_2160 : i32
    %add3A_2162 = arith.constant 511 : i32
    %add3A_2163 = arith.addi %add3A_2161, %add3A_2162 : i32
    %sub3A_2164 = arith.constant 384 : i32
    %sub3A_2165 = arith.subi %add3A_2163, %sub3A_2164 : i32
    %add3A_2166 = arith.constant 0 : i32
    %add3A_2167 = vector.broadcast %add3A_2166 : i32 to vector<16xi32>
    %add3A_2168 = arith.addi %add3A_2167, %iota3A : vector<16xi32>
    %sub3A_2169 = vector.broadcast %sub3A_2165 : i32 to vector<16xi32>
    %sub3A_2170 = arith.subi %sub3A_2169, %add3A_2168 : vector<16xi32>
    %max3A_2171 = arith.constant 0 : i32
    %max3A_2172 = vector.broadcast %max3A_2171 : i32 to vector<16xi32>
    %max3A_2173 = arith.maxsi %sub3A_2170, %max3A_2172 : vector<16xi32>
    %swap3A_2174 = arith.constant 0 : index
    %swap3A_2175 = tpu.vector_load %arg4[%swap3A_2174] {strides = array<i32>} : memref<256xi32, #tpu.memory_space<vmem>>, vector<16xi32>,
    %swap3A_2176 = vector.shape_cast %swap3A_2175 : vector<16xi32> to vector<16xi32>
    %swap3A_2177 = vector.shape_cast %max3A_2173 : vector<16xi32> to vector<16xi32>
    tpu.vector_store %arg4[%swap3A_2174], %swap3A_2177 {strides = array<i32>} : memref<256xi32, #tpu.memory_space<vmem>>, vector<16xi32>,
    %add3A_2178 = arith.constant 16 : i32
    %add3A_2179 = vector.broadcast %add3A_2178 : i32 to vector<16xi32>
    %add3A_2180 = arith.addi %add3A_2179, %iota3A : vector<16xi32>
    %sub3A_2181 = vector.broadcast %sub3A_2165 : i32 to vector<16xi32>
    %sub3A_2182 = arith.subi %sub3A_2181, %add3A_2180 : vector<16xi32>
    %max3A_2183 = arith.constant 0 : i32
    %max3A_2184 = vector.broadcast %max3A_2183 : i32 to vector<16xi32>
    %max3A_2185 = arith.maxsi %sub3A_2182, %max3A_2184 : vector<16xi32>
    %swap3A_2186 = arith.constant 16 : index
    %swap3A_2187 = tpu.vector_load %arg4[%swap3A_2186] {strides = array<i32>} : memref<256xi32, #tpu.memory_space<vmem>>, vector<16xi32>,
    %swap3A_2188 = vector.shape_cast %swap3A_2187 : vector<16xi32> to vector<16xi32>
    %swap3A_2189 = vector.shape_cast %max3A_2185 : vector<16xi32> to vector<16xi32>
    tpu.vector_store %arg4[%swap3A_2186], %swap3A_2189 {strides = array<i32>} : memref<256xi32, #tpu.memory_space<vmem>>, vector<16xi32>,
    %add3A_2190 = arith.constant 32 : i32
    %add3A_2191 = vector.broadcast %add3A_2190 : i32 to vector<16xi32>
    %add3A_2192 = arith.addi %add3A_2191, %iota3A : vector<16xi32>
    %sub3A_2193 = vector.broadcast %sub3A_2165 : i32 to vector<16xi32>
    %sub3A_2194 = arith.subi %sub3A_2193, %add3A_2192 : vector<16xi32>
    %max3A_2195 = arith.constant 0 : i32
    %max3A_2196 = vector.broadcast %max3A_2195 : i32 to vector<16xi32>
    %max3A_2197 = arith.maxsi %sub3A_2194, %max3A_2196 : vector<16xi32>
    %swap3A_2198 = arith.constant 32 : index
    %swap3A_2199 = tpu.vector_load %arg4[%swap3A_2198] {strides = array<i32>} : memref<256xi32, #tpu.memory_space<vmem>>, vector<16xi32>,
    %swap3A_2200 = vector.shape_cast %swap3A_2199 : vector<16xi32> to vector<16xi32>
    %swap3A_2201 = vector.shape_cast %max3A_2197 : vector<16xi32> to vector<16xi32>
    tpu.vector_store %arg4[%swap3A_2198], %swap3A_2201 {strides = array<i32>} : memref<256xi32, #tpu.memory_space<vmem>>, vector<16xi32>,
    %add3A_2202 = arith.constant 48 : i32
    %add3A_2203 = vector.broadcast %add3A_2202 : i32 to vector<16xi32>
    %add3A_2204 = arith.addi %add3A_2203, %iota3A : vector<16xi32>
    %sub3A_2205 = vector.broadcast %sub3A_2165 : i32 to vector<16xi32>
    %sub3A_2206 = arith.subi %sub3A_2205, %add3A_2204 : vector<16xi32>
    %max3A_2207 = arith.constant 0 : i32
    %max3A_2208 = vector.broadcast %max3A_2207 : i32 to vector<16xi32>
    %max3A_2209 = arith.maxsi %sub3A_2206, %max3A_2208 : vector<16xi32>
    %swap3A_2210 = arith.constant 48 : index
    %swap3A_2211 = tpu.vector_load %arg4[%swap3A_2210] {strides = array<i32>} : memref<256xi32, #tpu.memory_space<vmem>>, vector<16xi32>,
    %swap3A_2212 = vector.shape_cast %swap3A_2211 : vector<16xi32> to vector<16xi32>
    %swap3A_2213 = vector.shape_cast %max3A_2209 : vector<16xi32> to vector<16xi32>
    tpu.vector_store %arg4[%swap3A_2210], %swap3A_2213 {strides = array<i32>} : memref<256xi32, #tpu.memory_space<vmem>>, vector<16xi32>,
    %add3A_2214 = arith.constant 64 : i32
    %add3A_2215 = vector.broadcast %add3A_2214 : i32 to vector<16xi32>
    %add3A_2216 = arith.addi %add3A_2215, %iota3A : vector<16xi32>
    %sub3A_2217 = vector.broadcast %sub3A_2165 : i32 to vector<16xi32>
    %sub3A_2218 = arith.subi %sub3A_2217, %add3A_2216 : vector<16xi32>
    %max3A_2219 = arith.constant 0 : i32
    %max3A_2220 = vector.broadcast %max3A_2219 : i32 to vector<16xi32>
    %max3A_2221 = arith.maxsi %sub3A_2218, %max3A_2220 : vector<16xi32>
    %swap3A_2222 = arith.constant 64 : index
    %swap3A_2223 = tpu.vector_load %arg4[%swap3A_2222] {strides = array<i32>} : memref<256xi32, #tpu.memory_space<vmem>>, vector<16xi32>,
    %swap3A_2224 = vector.shape_cast %swap3A_2223 : vector<16xi32> to vector<16xi32>
    %swap3A_2225 = vector.shape_cast %max3A_2221 : vector<16xi32> to vector<16xi32>
    tpu.vector_store %arg4[%swap3A_2222], %swap3A_2225 {strides = array<i32>} : memref<256xi32, #tpu.memory_space<vmem>>, vector<16xi32>,
    %add3A_2226 = arith.constant 80 : i32
    %add3A_2227 = vector.broadcast %add3A_2226 : i32 to vector<16xi32>
    %add3A_2228 = arith.addi %add3A_2227, %iota3A : vector<16xi32>
    %sub3A_2229 = vector.broadcast %sub3A_2165 : i32 to vector<16xi32>
    %sub3A_2230 = arith.subi %sub3A_2229, %add3A_2228 : vector<16xi32>
    %max3A_2231 = arith.constant 0 : i32
    %max3A_2232 = vector.broadcast %max3A_2231 : i32 to vector<16xi32>
    %max3A_2233 = arith.maxsi %sub3A_2230, %max3A_2232 : vector<16xi32>
    %swap3A_2234 = arith.constant 80 : index
    %swap3A_2235 = tpu.vector_load %arg4[%swap3A_2234] {strides = array<i32>} : memref<256xi32, #tpu.memory_space<vmem>>, vector<16xi32>,
    %swap3A_2236 = vector.shape_cast %swap3A_2235 : vector<16xi32> to vector<16xi32>
    %swap3A_2237 = vector.shape_cast %max3A_2233 : vector<16xi32> to vector<16xi32>
    tpu.vector_store %arg4[%swap3A_2234], %swap3A_2237 {strides = array<i32>} : memref<256xi32, #tpu.memory_space<vmem>>, vector<16xi32>,
    %add3A_2238 = arith.constant 96 : i32
    %add3A_2239 = vector.broadcast %add3A_2238 : i32 to vector<16xi32>
    %add3A_2240 = arith.addi %add3A_2239, %iota3A : vector<16xi32>
    %sub3A_2241 = vector.broadcast %sub3A_2165 : i32 to vector<16xi32>
    %sub3A_2242 = arith.subi %sub3A_2241, %add3A_2240 : vector<16xi32>
    %max3A_2243 = arith.constant 0 : i32
    %max3A_2244 = vector.broadcast %max3A_2243 : i32 to vector<16xi32>
    %max3A_2245 = arith.maxsi %sub3A_2242, %max3A_2244 : vector<16xi32>
    %swap3A_2246 = arith.constant 96 : index
    %swap3A_2247 = tpu.vector_load %arg4[%swap3A_2246] {strides = array<i32>} : memref<256xi32, #tpu.memory_space<vmem>>, vector<16xi32>,
    %swap3A_2248 = vector.shape_cast %swap3A_2247 : vector<16xi32> to vector<16xi32>
    %swap3A_2249 = vector.shape_cast %max3A_2245 : vector<16xi32> to vector<16xi32>
    tpu.vector_store %arg4[%swap3A_2246], %swap3A_2249 {strides = array<i32>} : memref<256xi32, #tpu.memory_space<vmem>>, vector<16xi32>,
    %add3A_2250 = arith.constant 112 : i32
    %add3A_2251 = vector.broadcast %add3A_2250 : i32 to vector<16xi32>
    %add3A_2252 = arith.addi %add3A_2251, %iota3A : vector<16xi32>
    %sub3A_2253 = vector.broadcast %sub3A_2165 : i32 to vector<16xi32>
    %sub3A_2254 = arith.subi %sub3A_2253, %add3A_2252 : vector<16xi32>
    %max3A_2255 = arith.constant 0 : i32
    %max3A_2256 = vector.broadcast %max3A_2255 : i32 to vector<16xi32>
    %max3A_2257 = arith.maxsi %sub3A_2254, %max3A_2256 : vector<16xi32>
    %swap3A_2258 = arith.constant 112 : index
    %swap3A_2259 = tpu.vector_load %arg4[%swap3A_2258] {strides = array<i32>} : memref<256xi32, #tpu.memory_space<vmem>>, vector<16xi32>,
    %swap3A_2260 = vector.shape_cast %swap3A_2259 : vector<16xi32> to vector<16xi32>
    %swap3A_2261 = vector.shape_cast %max3A_2257 : vector<16xi32> to vector<16xi32>
    tpu.vector_store %arg4[%swap3A_2258], %swap3A_2261 {strides = array<i32>} : memref<256xi32, #tpu.memory_space<vmem>>, vector<16xi32>,
    %add3A_2262 = arith.constant 128 : i32
    %add3A_2263 = vector.broadcast %add3A_2262 : i32 to vector<16xi32>
    %add3A_2264 = arith.addi %add3A_2263, %iota3A : vector<16xi32>
    %sub3A_2265 = vector.broadcast %sub3A_2165 : i32 to vector<16xi32>
    %sub3A_2266 = arith.subi %sub3A_2265, %add3A_2264 : vector<16xi32>
    %max3A_2267 = arith.constant 0 : i32
    %max3A_2268 = vector.broadcast %max3A_2267 : i32 to vector<16xi32>
    %max3A_2269 = arith.maxsi %sub3A_2266, %max3A_2268 : vector<16xi32>
    %swap3A_2270 = arith.constant 128 : index
    %swap3A_2271 = tpu.vector_load %arg4[%swap3A_2270] {strides = array<i32>} : memref<256xi32, #tpu.memory_space<vmem>>, vector<16xi32>,
    %swap3A_2272 = vector.shape_cast %swap3A_2271 : vector<16xi32> to vector<16xi32>
    %swap3A_2273 = vector.shape_cast %max3A_2269 : vector<16xi32> to vector<16xi32>
    tpu.vector_store %arg4[%swap3A_2270], %swap3A_2273 {strides = array<i32>} : memref<256xi32, #tpu.memory_space<vmem>>, vector<16xi32>,
    %add3A_2274 = arith.constant 144 : i32
    %add3A_2275 = vector.broadcast %add3A_2274 : i32 to vector<16xi32>
    %add3A_2276 = arith.addi %add3A_2275, %iota3A : vector<16xi32>
    %sub3A_2277 = vector.broadcast %sub3A_2165 : i32 to vector<16xi32>
    %sub3A_2278 = arith.subi %sub3A_2277, %add3A_2276 : vector<16xi32>
    %max3A_2279 = arith.constant 0 : i32
    %max3A_2280 = vector.broadcast %max3A_2279 : i32 to vector<16xi32>
    %max3A_2281 = arith.maxsi %sub3A_2278, %max3A_2280 : vector<16xi32>
    %swap3A_2282 = arith.constant 144 : index
    %swap3A_2283 = tpu.vector_load %arg4[%swap3A_2282] {strides = array<i32>} : memref<256xi32, #tpu.memory_space<vmem>>, vector<16xi32>,
    %swap3A_2284 = vector.shape_cast %swap3A_2283 : vector<16xi32> to vector<16xi32>
    %swap3A_2285 = vector.shape_cast %max3A_2281 : vector<16xi32> to vector<16xi32>
    tpu.vector_store %arg4[%swap3A_2282], %swap3A_2285 {strides = array<i32>} : memref<256xi32, #tpu.memory_space<vmem>>, vector<16xi32>,
    %add3A_2286 = arith.constant 160 : i32
    %add3A_2287 = vector.broadcast %add3A_2286 : i32 to vector<16xi32>
    %add3A_2288 = arith.addi %add3A_2287, %iota3A : vector<16xi32>
    %sub3A_2289 = vector.broadcast %sub3A_2165 : i32 to vector<16xi32>
    %sub3A_2290 = arith.subi %sub3A_2289, %add3A_2288 : vector<16xi32>
    %max3A_2291 = arith.constant 0 : i32
    %max3A_2292 = vector.broadcast %max3A_2291 : i32 to vector<16xi32>
    %max3A_2293 = arith.maxsi %sub3A_2290, %max3A_2292 : vector<16xi32>
    %swap3A_2294 = arith.constant 160 : index
    %swap3A_2295 = tpu.vector_load %arg4[%swap3A_2294] {strides = array<i32>} : memref<256xi32, #tpu.memory_space<vmem>>, vector<16xi32>,
    %swap3A_2296 = vector.shape_cast %swap3A_2295 : vector<16xi32> to vector<16xi32>
    %swap3A_2297 = vector.shape_cast %max3A_2293 : vector<16xi32> to vector<16xi32>
    tpu.vector_store %arg4[%swap3A_2294], %swap3A_2297 {strides = array<i32>} : memref<256xi32, #tpu.memory_space<vmem>>, vector<16xi32>,
    %add3A_2298 = arith.constant 176 : i32
    %add3A_2299 = vector.broadcast %add3A_2298 : i32 to vector<16xi32>
    %add3A_2300 = arith.addi %add3A_2299, %iota3A : vector<16xi32>
    %sub3A_2301 = vector.broadcast %sub3A_2165 : i32 to vector<16xi32>
    %sub3A_2302 = arith.subi %sub3A_2301, %add3A_2300 : vector<16xi32>
    %max3A_2303 = arith.constant 0 : i32
    %max3A_2304 = vector.broadcast %max3A_2303 : i32 to vector<16xi32>
    %max3A_2305 = arith.maxsi %sub3A_2302, %max3A_2304 : vector<16xi32>
    %swap3A_2306 = arith.constant 176 : index
    %swap3A_2307 = tpu.vector_load %arg4[%swap3A_2306] {strides = array<i32>} : memref<256xi32, #tpu.memory_space<vmem>>, vector<16xi32>,
    %swap3A_2308 = vector.shape_cast %swap3A_2307 : vector<16xi32> to vector<16xi32>
    %swap3A_2309 = vector.shape_cast %max3A_2305 : vector<16xi32> to vector<16xi32>
    tpu.vector_store %arg4[%swap3A_2306], %swap3A_2309 {strides = array<i32>} : memref<256xi32, #tpu.memory_space<vmem>>, vector<16xi32>,
    %add3A_2310 = arith.constant 192 : i32
    %add3A_2311 = vector.broadcast %add3A_2310 : i32 to vector<16xi32>
    %add3A_2312 = arith.addi %add3A_2311, %iota3A : vector<16xi32>
    %sub3A_2313 = vector.broadcast %sub3A_2165 : i32 to vector<16xi32>
    %sub3A_2314 = arith.subi %sub3A_2313, %add3A_2312 : vector<16xi32>
    %max3A_2315 = arith.constant 0 : i32
    %max3A_2316 = vector.broadcast %max3A_2315 : i32 to vector<16xi32>
    %max3A_2317 = arith.maxsi %sub3A_2314, %max3A_2316 : vector<16xi32>
    %swap3A_2318 = arith.constant 192 : index
    %swap3A_2319 = tpu.vector_load %arg4[%swap3A_2318] {strides = array<i32>} : memref<256xi32, #tpu.memory_space<vmem>>, vector<16xi32>,
    %swap3A_2320 = vector.shape_cast %swap3A_2319 : vector<16xi32> to vector<16xi32>
    %swap3A_2321 = vector.shape_cast %max3A_2317 : vector<16xi32> to vector<16xi32>
    tpu.vector_store %arg4[%swap3A_2318], %swap3A_2321 {strides = array<i32>} : memref<256xi32, #tpu.memory_space<vmem>>, vector<16xi32>,
    %add3A_2322 = arith.constant 208 : i32
    %add3A_2323 = vector.broadcast %add3A_2322 : i32 to vector<16xi32>
    %add3A_2324 = arith.addi %add3A_2323, %iota3A : vector<16xi32>
    %sub3A_2325 = vector.broadcast %sub3A_2165 : i32 to vector<16xi32>
    %sub3A_2326 = arith.subi %sub3A_2325, %add3A_2324 : vector<16xi32>
    %max3A_2327 = arith.constant 0 : i32
    %max3A_2328 = vector.broadcast %max3A_2327 : i32 to vector<16xi32>
    %max3A_2329 = arith.maxsi %sub3A_2326, %max3A_2328 : vector<16xi32>
    %swap3A_2330 = arith.constant 208 : index
    %swap3A_2331 = tpu.vector_load %arg4[%swap3A_2330] {strides = array<i32>} : memref<256xi32, #tpu.memory_space<vmem>>, vector<16xi32>,
    %swap3A_2332 = vector.shape_cast %swap3A_2331 : vector<16xi32> to vector<16xi32>
    %swap3A_2333 = vector.shape_cast %max3A_2329 : vector<16xi32> to vector<16xi32>
    tpu.vector_store %arg4[%swap3A_2330], %swap3A_2333 {strides = array<i32>} : memref<256xi32, #tpu.memory_space<vmem>>, vector<16xi32>,
    %add3A_2334 = arith.constant 224 : i32
    %add3A_2335 = vector.broadcast %add3A_2334 : i32 to vector<16xi32>
    %add3A_2336 = arith.addi %add3A_2335, %iota3A : vector<16xi32>
    %sub3A_2337 = vector.broadcast %sub3A_2165 : i32 to vector<16xi32>
    %sub3A_2338 = arith.subi %sub3A_2337, %add3A_2336 : vector<16xi32>
    %max3A_2339 = arith.constant 0 : i32
    %max3A_2340 = vector.broadcast %max3A_2339 : i32 to vector<16xi32>
    %max3A_2341 = arith.maxsi %sub3A_2338, %max3A_2340 : vector<16xi32>
    %swap3A_2342 = arith.constant 224 : index
    %swap3A_2343 = tpu.vector_load %arg4[%swap3A_2342] {strides = array<i32>} : memref<256xi32, #tpu.memory_space<vmem>>, vector<16xi32>,
    %swap3A_2344 = vector.shape_cast %swap3A_2343 : vector<16xi32> to vector<16xi32>
    %swap3A_2345 = vector.shape_cast %max3A_2341 : vector<16xi32> to vector<16xi32>
    tpu.vector_store %arg4[%swap3A_2342], %swap3A_2345 {strides = array<i32>} : memref<256xi32, #tpu.memory_space<vmem>>, vector<16xi32>,
    %add3A_2346 = arith.constant 240 : i32
    %add3A_2347 = vector.broadcast %add3A_2346 : i32 to vector<16xi32>
    %add3A_2348 = arith.addi %add3A_2347, %iota3A : vector<16xi32>
    %sub3A_2349 = vector.broadcast %sub3A_2165 : i32 to vector<16xi32>
    %sub3A_2350 = arith.subi %sub3A_2349, %add3A_2348 : vector<16xi32>
    %max3A_2351 = arith.constant 0 : i32
    %max3A_2352 = vector.broadcast %max3A_2351 : i32 to vector<16xi32>
    %max3A_2353 = arith.maxsi %sub3A_2350, %max3A_2352 : vector<16xi32>
    %swap3A_2354 = arith.constant 240 : index
    %swap3A_2355 = tpu.vector_load %arg4[%swap3A_2354] {strides = array<i32>} : memref<256xi32, #tpu.memory_space<vmem>>, vector<16xi32>,
    %swap3A_2356 = vector.shape_cast %swap3A_2355 : vector<16xi32> to vector<16xi32>
    %swap3A_2357 = vector.shape_cast %max3A_2353 : vector<16xi32> to vector<16xi32>
    tpu.vector_store %arg4[%swap3A_2354], %swap3A_2357 {strides = array<i32>} : memref<256xi32, #tpu.memory_space<vmem>>, vector<16xi32>,
    %dma_start3A_2358 = arith.constant 0 : i32
    %dma_start3A_2359 = arith.constant 0 : i32
    %dma_start3A_2360 = tpu.memref_slice %arg5[%dma_start3A_2358, %dma_start3A_2359] : memref<256x256xf32, #tpu.memory_space<vmem>> -> memref<128x256xf32, #tpu.memory_space<vmem>>
    %dma_start3A_2361 = arith.constant 0 : i32
    %dma_start3A_2362 = tpu.memref_slice %arg4[%dma_start3A_2361] : memref<256xi32, #tpu.memory_space<vmem>> -> memref<128xi32, #tpu.memory_space<vmem>>
    %dma_start3A_2363 = arith.constant 0 : i32
    %dma_start3A_2364 = arith.constant 0 : i32
    %dma_start3A_2365 = tpu.memref_slice %arg2[%dma_start3A_2363, %dma_start3A_2364] : memref<1023x256xf32, #tpu.memory_space<hbm>> -> memref<1023x256xf32, #tpu.memory_space<hbm>>
    tpu.enqueue_indirect_dma source(%dma_start3A_2365 : memref<1023x256xf32, #tpu.memory_space<hbm>>) target(%dma_start3A_2360 : memref<128x256xf32, #tpu.memory_space<vmem>>) offsets(%dma_start3A_2362 : memref<128xi32, #tpu.memory_space<vmem>>) semaphore(%arg6 : memref<!tpu.dma_semaphore, #tpu.memory_space<semaphore_mem>>)
    %dma_start3A_2366 = arith.constant 128 : i32
    %dma_start3A_2367 = arith.constant 0 : i32
    %dma_start3A_2368 = tpu.memref_slice %arg5[%dma_start3A_2366, %dma_start3A_2367] : memref<256x256xf32, #tpu.memory_space<vmem>> -> memref<128x256xf32, #tpu.memory_space<vmem>>
    %dma_start3A_2369 = arith.constant 128 : i32
    %dma_start3A_2370 = tpu.memref_slice %arg4[%dma_start3A_2369] : memref<256xi32, #tpu.memory_space<vmem>> -> memref<128xi32, #tpu.memory_space<vmem>>
    %dma_start3A_2371 = arith.constant 0 : i32
    %dma_start3A_2372 = arith.constant 0 : i32
    %dma_start3A_2373 = tpu.memref_slice %arg2[%dma_start3A_2371, %dma_start3A_2372] : memref<1023x256xf32, #tpu.memory_space<hbm>> -> memref<1023x256xf32, #tpu.memory_space<hbm>>
    tpu.enqueue_indirect_dma source(%dma_start3A_2373 : memref<1023x256xf32, #tpu.memory_space<hbm>>) target(%dma_start3A_2368 : memref<128x256xf32, #tpu.memory_space<vmem>>) offsets(%dma_start3A_2370 : memref<128xi32, #tpu.memory_space<vmem>>) semaphore(%arg6 : memref<!tpu.dma_semaphore, #tpu.memory_space<semaphore_mem>>)
    %dma_wait3A_2374 = arith.constant 0 : i32
    %dma_wait3A_2375 = arith.constant 0 : i32
    %dma_wait3A_2376 = tpu.memref_slice %arg5[%dma_wait3A_2374, %dma_wait3A_2375] : memref<256x256xf32, #tpu.memory_space<vmem>> -> memref<128x256xf32, #tpu.memory_space<vmem>>
    %dma_wait3A_2377 = arith.constant 0 : i32
    %dma_wait3A_2378 = tpu.memref_slice %arg4[%dma_wait3A_2377] : memref<256xi32, #tpu.memory_space<vmem>> -> memref<128xi32, #tpu.memory_space<vmem>>
    %dma_wait3A_2379 = arith.constant 0 : i32
    %dma_wait3A_2380 = arith.constant 0 : i32
    %dma_wait3A_2381 = tpu.memref_slice %arg2[%dma_wait3A_2379, %dma_wait3A_2380] : memref<1023x256xf32, #tpu.memory_space<hbm>> -> memref<1023x256xf32, #tpu.memory_space<hbm>>
    tpu.wait_indirect_dma semaphore(%arg6 : memref<!tpu.dma_semaphore, #tpu.memory_space<semaphore_mem>>) src(%dma_wait3A_2381 : memref<1023x256xf32, #tpu.memory_space<hbm>>) dst(%dma_wait3A_2376 : memref<128x256xf32, #tpu.memory_space<vmem>>)
    %dma_wait3A_2382 = arith.constant 128 : i32
    %dma_wait3A_2383 = arith.constant 0 : i32
    %dma_wait3A_2384 = tpu.memref_slice %arg5[%dma_wait3A_2382, %dma_wait3A_2383] : memref<256x256xf32, #tpu.memory_space<vmem>> -> memref<128x256xf32, #tpu.memory_space<vmem>>
    %dma_wait3A_2385 = arith.constant 128 : i32
    %dma_wait3A_2386 = tpu.memref_slice %arg4[%dma_wait3A_2385] : memref<256xi32, #tpu.memory_space<vmem>> -> memref<128xi32, #tpu.memory_space<vmem>>
    %dma_wait3A_2387 = arith.constant 0 : i32
    %dma_wait3A_2388 = arith.constant 0 : i32
    %dma_wait3A_2389 = tpu.memref_slice %arg2[%dma_wait3A_2387, %dma_wait3A_2388] : memref<1023x256xf32, #tpu.memory_space<hbm>> -> memref<1023x256xf32, #tpu.memory_space<hbm>>
    tpu.wait_indirect_dma semaphore(%arg6 : memref<!tpu.dma_semaphore, #tpu.memory_space<semaphore_mem>>) src(%dma_wait3A_2389 : memref<1023x256xf32, #tpu.memory_space<hbm>>) dst(%dma_wait3A_2384 : memref<128x256xf32, #tpu.memory_space<vmem>>)
    %add3A_2390 = arith.constant 0 : i32
    %add3A_2391 = arith.addi %add3A_33, %add3A_2390 : i32
    %dma_start3A_2392 = arith.constant 120 : i32
    %dma_start3A_2393 = arith.constant 0 : i32
    %dma_start3A_2394 = tpu.memref_slice %arg5[%dma_start3A_2392, %dma_start3A_2393] : memref<256x256xf32, #tpu.memory_space<vmem>> -> memref<128x256xf32, #tpu.memory_space<vmem>>
    %dma_start3A_2395 = arith.constant 384 : i32
    %dma_start3A_2396 = arith.constant 0 : i32
    %dma_start3A_2397 = tpu.memref_slice %arg3[%add3A_2391, %dma_start3A_2395, %dma_start3A_2396] : memref<512x512x256xf32, #tpu.memory_space<hbm>> -> memref<1x128x256xf32, #tpu.memory_space<hbm>>
    %dma_start3A_2398 = tpu.memref_squeeze %dma_start3A_2397 : memref<1x128x256xf32, #tpu.memory_space<hbm>> -> memref<128x256xf32, #tpu.memory_space<hbm>>
    %dma_start3A_2399 = arith.constant 384 : i32
    %dma_start3A_2400 = arith.constant 0 : i32
    %dma_start3A_2401 = tpu.memref_slice %arg3[%add3A_2391, %dma_start3A_2399, %dma_start3A_2400] : memref<512x512x256xf32, #tpu.memory_space<hbm>> -> memref<1x128x256xf32, #tpu.memory_space<hbm>>
    %dma_start3A_2402 = tpu.memref_squeeze %dma_start3A_2401 : memref<1x128x256xf32, #tpu.memory_space<hbm>> -> memref<128x256xf32, #tpu.memory_space<hbm>>
    %dma_start3A_2403 = arith.constant 120 : i32
    %dma_start3A_2404 = arith.constant 0 : i32
    %dma_start3A_2405 = tpu.memref_slice %arg5[%dma_start3A_2403, %dma_start3A_2404] : memref<256x256xf32, #tpu.memory_space<vmem>> -> memref<128x256xf32, #tpu.memory_space<vmem>>
    tpu.enqueue_dma source(%dma_start3A_2405 : memref<128x256xf32, #tpu.memory_space<vmem>>) target(%dma_start3A_2402 : memref<128x256xf32, #tpu.memory_space<hbm>>) target_semaphore(%arg7 : memref<!tpu.dma_semaphore, #tpu.memory_space<semaphore_mem>>)
    %add3A_2406 = arith.constant 8 : i32
    %add3A_2407 = arith.addi %add3A_33, %add3A_2406 : i32
    %dma_start3A_2408 = arith.constant 112 : i32
    %dma_start3A_2409 = arith.constant 0 : i32
    %dma_start3A_2410 = tpu.memref_slice %arg5[%dma_start3A_2408, %dma_start3A_2409] : memref<256x256xf32, #tpu.memory_space<vmem>> -> memref<128x256xf32, #tpu.memory_space<vmem>>
    %dma_start3A_2411 = arith.constant 384 : i32
    %dma_start3A_2412 = arith.constant 0 : i32
    %dma_start3A_2413 = tpu.memref_slice %arg3[%add3A_2407, %dma_start3A_2411, %dma_start3A_2412] : memref<512x512x256xf32, #tpu.memory_space<hbm>> -> memref<1x128x256xf32, #tpu.memory_space<hbm>>
    %dma_start3A_2414 = tpu.memref_squeeze %dma_start3A_2413 : memref<1x128x256xf32, #tpu.memory_space<hbm>> -> memref<128x256xf32, #tpu.memory_space<hbm>>
    %dma_start3A_2415 = arith.constant 384 : i32
    %dma_start3A_2416 = arith.constant 0 : i32
    %dma_start3A_2417 = tpu.memref_slice %arg3[%add3A_2407, %dma_start3A_2415, %dma_start3A_2416] : memref<512x512x256xf32, #tpu.memory_space<hbm>> -> memref<1x128x256xf32, #tpu.memory_space<hbm>>
    %dma_start3A_2418 = tpu.memref_squeeze %dma_start3A_2417 : memref<1x128x256xf32, #tpu.memory_space<hbm>> -> memref<128x256xf32, #tpu.memory_space<hbm>>
    %dma_start3A_2419 = arith.constant 112 : i32
    %dma_start3A_2420 = arith.constant 0 : i32
    %dma_start3A_2421 = tpu.memref_slice %arg5[%dma_start3A_2419, %dma_start3A_2420] : memref<256x256xf32, #tpu.memory_space<vmem>> -> memref<128x256xf32, #tpu.memory_space<vmem>>
    tpu.enqueue_dma source(%dma_start3A_2421 : memref<128x256xf32, #tpu.memory_space<vmem>>) target(%dma_start3A_2418 : memref<128x256xf32, #tpu.memory_space<hbm>>) target_semaphore(%arg7 : memref<!tpu.dma_semaphore, #tpu.memory_space<semaphore_mem>>)
    %add3A_2422 = arith.constant 16 : i32
    %add3A_2423 = arith.addi %add3A_33, %add3A_2422 : i32
    %dma_start3A_2424 = arith.constant 104 : i32
    %dma_start3A_2425 = arith.constant 0 : i32
    %dma_start3A_2426 = tpu.memref_slice %arg5[%dma_start3A_2424, %dma_start3A_2425] : memref<256x256xf32, #tpu.memory_space<vmem>> -> memref<128x256xf32, #tpu.memory_space<vmem>>
    %dma_start3A_2427 = arith.constant 384 : i32
    %dma_start3A_2428 = arith.constant 0 : i32
    %dma_start3A_2429 = tpu.memref_slice %arg3[%add3A_2423, %dma_start3A_2427, %dma_start3A_2428] : memref<512x512x256xf32, #tpu.memory_space<hbm>> -> memref<1x128x256xf32, #tpu.memory_space<hbm>>
    %dma_start3A_2430 = tpu.memref_squeeze %dma_start3A_2429 : memref<1x128x256xf32, #tpu.memory_space<hbm>> -> memref<128x256xf32, #tpu.memory_space<hbm>>
    %dma_start3A_2431 = arith.constant 384 : i32
    %dma_start3A_2432 = arith.constant 0 : i32
    %dma_start3A_2433 = tpu.memref_slice %arg3[%add3A_2423, %dma_start3A_2431, %dma_start3A_2432] : memref<512x512x256xf32, #tpu.memory_space<hbm>> -> memref<1x128x256xf32, #tpu.memory_space<hbm>>
    %dma_start3A_2434 = tpu.memref_squeeze %dma_start3A_2433 : memref<1x128x256xf32, #tpu.memory_space<hbm>> -> memref<128x256xf32, #tpu.memory_space<hbm>>
    %dma_start3A_2435 = arith.constant 104 : i32
    %dma_start3A_2436 = arith.constant 0 : i32
    %dma_start3A_2437 = tpu.memref_slice %arg5[%dma_start3A_2435, %dma_start3A_2436] : memref<256x256xf32, #tpu.memory_space<vmem>> -> memref<128x256xf32, #tpu.memory_space<vmem>>
    tpu.enqueue_dma source(%dma_start3A_2437 : memref<128x256xf32, #tpu.memory_space<vmem>>) target(%dma_start3A_2434 : memref<128x256xf32, #tpu.memory_space<hbm>>) target_semaphore(%arg7 : memref<!tpu.dma_semaphore, #tpu.memory_space<semaphore_mem>>)
    %add3A_2438 = arith.constant 24 : i32
    %add3A_2439 = arith.addi %add3A_33, %add3A_2438 : i32
    %dma_start3A_2440 = arith.constant 96 : i32
    %dma_start3A_2441 = arith.constant 0 : i32
    %dma_start3A_2442 = tpu.memref_slice %arg5[%dma_start3A_2440, %dma_start3A_2441] : memref<256x256xf32, #tpu.memory_space<vmem>> -> memref<128x256xf32, #tpu.memory_space<vmem>>
    %dma_start3A_2443 = arith.constant 384 : i32
    %dma_start3A_2444 = arith.constant 0 : i32
    %dma_start3A_2445 = tpu.memref_slice %arg3[%add3A_2439, %dma_start3A_2443, %dma_start3A_2444] : memref<512x512x256xf32, #tpu.memory_space<hbm>> -> memref<1x128x256xf32, #tpu.memory_space<hbm>>
    %dma_start3A_2446 = tpu.memref_squeeze %dma_start3A_2445 : memref<1x128x256xf32, #tpu.memory_space<hbm>> -> memref<128x256xf32, #tpu.memory_space<hbm>>
    %dma_start3A_2447 = arith.constant 384 : i32
    %dma_start3A_2448 = arith.constant 0 : i32
    %dma_start3A_2449 = tpu.memref_slice %arg3[%add3A_2439, %dma_start3A_2447, %dma_start3A_2448] : memref<512x512x256xf32, #tpu.memory_space<hbm>> -> memref<1x128x256xf32, #tpu.memory_space<hbm>>
    %dma_start3A_2450 = tpu.memref_squeeze %dma_start3A_2449 : memref<1x128x256xf32, #tpu.memory_space<hbm>> -> memref<128x256xf32, #tpu.memory_space<hbm>>
    %dma_start3A_2451 = arith.constant 96 : i32
    %dma_start3A_2452 = arith.constant 0 : i32
    %dma_start3A_2453 = tpu.memref_slice %arg5[%dma_start3A_2451, %dma_start3A_2452] : memref<256x256xf32, #tpu.memory_space<vmem>> -> memref<128x256xf32, #tpu.memory_space<vmem>>
    tpu.enqueue_dma source(%dma_start3A_2453 : memref<128x256xf32, #tpu.memory_space<vmem>>) target(%dma_start3A_2450 : memref<128x256xf32, #tpu.memory_space<hbm>>) target_semaphore(%arg7 : memref<!tpu.dma_semaphore, #tpu.memory_space<semaphore_mem>>)
    %add3A_2454 = arith.constant 32 : i32
    %add3A_2455 = arith.addi %add3A_33, %add3A_2454 : i32
    %dma_start3A_2456 = arith.constant 88 : i32
    %dma_start3A_2457 = arith.constant 0 : i32
    %dma_start3A_2458 = tpu.memref_slice %arg5[%dma_start3A_2456, %dma_start3A_2457] : memref<256x256xf32, #tpu.memory_space<vmem>> -> memref<128x256xf32, #tpu.memory_space<vmem>>
    %dma_start3A_2459 = arith.constant 384 : i32
    %dma_start3A_2460 = arith.constant 0 : i32
    %dma_start3A_2461 = tpu.memref_slice %arg3[%add3A_2455, %dma_start3A_2459, %dma_start3A_2460] : memref<512x512x256xf32, #tpu.memory_space<hbm>> -> memref<1x128x256xf32, #tpu.memory_space<hbm>>
    %dma_start3A_2462 = tpu.memref_squeeze %dma_start3A_2461 : memref<1x128x256xf32, #tpu.memory_space<hbm>> -> memref<128x256xf32, #tpu.memory_space<hbm>>
    %dma_start3A_2463 = arith.constant 384 : i32
    %dma_start3A_2464 = arith.constant 0 : i32
    %dma_start3A_2465 = tpu.memref_slice %arg3[%add3A_2455, %dma_start3A_2463, %dma_start3A_2464] : memref<512x512x256xf32, #tpu.memory_space<hbm>> -> memref<1x128x256xf32, #tpu.memory_space<hbm>>
    %dma_start3A_2466 = tpu.memref_squeeze %dma_start3A_2465 : memref<1x128x256xf32, #tpu.memory_space<hbm>> -> memref<128x256xf32, #tpu.memory_space<hbm>>
    %dma_start3A_2467 = arith.constant 88 : i32
    %dma_start3A_2468 = arith.constant 0 : i32
    %dma_start3A_2469 = tpu.memref_slice %arg5[%dma_start3A_2467, %dma_start3A_2468] : memref<256x256xf32, #tpu.memory_space<vmem>> -> memref<128x256xf32, #tpu.memory_space<vmem>>
    tpu.enqueue_dma source(%dma_start3A_2469 : memref<128x256xf32, #tpu.memory_space<vmem>>) target(%dma_start3A_2466 : memref<128x256xf32, #tpu.memory_space<hbm>>) target_semaphore(%arg7 : memref<!tpu.dma_semaphore, #tpu.memory_space<semaphore_mem>>)
    %add3A_2470 = arith.constant 40 : i32
    %add3A_2471 = arith.addi %add3A_33, %add3A_2470 : i32
    %dma_start3A_2472 = arith.constant 80 : i32
    %dma_start3A_2473 = arith.constant 0 : i32
    %dma_start3A_2474 = tpu.memref_slice %arg5[%dma_start3A_2472, %dma_start3A_2473] : memref<256x256xf32, #tpu.memory_space<vmem>> -> memref<128x256xf32, #tpu.memory_space<vmem>>
    %dma_start3A_2475 = arith.constant 384 : i32
    %dma_start3A_2476 = arith.constant 0 : i32
    %dma_start3A_2477 = tpu.memref_slice %arg3[%add3A_2471, %dma_start3A_2475, %dma_start3A_2476] : memref<512x512x256xf32, #tpu.memory_space<hbm>> -> memref<1x128x256xf32, #tpu.memory_space<hbm>>
    %dma_start3A_2478 = tpu.memref_squeeze %dma_start3A_2477 : memref<1x128x256xf32, #tpu.memory_space<hbm>> -> memref<128x256xf32, #tpu.memory_space<hbm>>
    %dma_start3A_2479 = arith.constant 384 : i32
    %dma_start3A_2480 = arith.constant 0 : i32
    %dma_start3A_2481 = tpu.memref_slice %arg3[%add3A_2471, %dma_start3A_2479, %dma_start3A_2480] : memref<512x512x256xf32, #tpu.memory_space<hbm>> -> memref<1x128x256xf32, #tpu.memory_space<hbm>>
    %dma_start3A_2482 = tpu.memref_squeeze %dma_start3A_2481 : memref<1x128x256xf32, #tpu.memory_space<hbm>> -> memref<128x256xf32, #tpu.memory_space<hbm>>
    %dma_start3A_2483 = arith.constant 80 : i32
    %dma_start3A_2484 = arith.constant 0 : i32
    %dma_start3A_2485 = tpu.memref_slice %arg5[%dma_start3A_2483, %dma_start3A_2484] : memref<256x256xf32, #tpu.memory_space<vmem>> -> memref<128x256xf32, #tpu.memory_space<vmem>>
    tpu.enqueue_dma source(%dma_start3A_2485 : memref<128x256xf32, #tpu.memory_space<vmem>>) target(%dma_start3A_2482 : memref<128x256xf32, #tpu.memory_space<hbm>>) target_semaphore(%arg7 : memref<!tpu.dma_semaphore, #tpu.memory_space<semaphore_mem>>)
    %add3A_2486 = arith.constant 48 : i32
    %add3A_2487 = arith.addi %add3A_33, %add3A_2486 : i32
    %dma_start3A_2488 = arith.constant 72 : i32
    %dma_start3A_2489 = arith.constant 0 : i32
    %dma_start3A_2490 = tpu.memref_slice %arg5[%dma_start3A_2488, %dma_start3A_2489] : memref<256x256xf32, #tpu.memory_space<vmem>> -> memref<128x256xf32, #tpu.memory_space<vmem>>
    %dma_start3A_2491 = arith.constant 384 : i32
    %dma_start3A_2492 = arith.constant 0 : i32
    %dma_start3A_2493 = tpu.memref_slice %arg3[%add3A_2487, %dma_start3A_2491, %dma_start3A_2492] : memref<512x512x256xf32, #tpu.memory_space<hbm>> -> memref<1x128x256xf32, #tpu.memory_space<hbm>>
    %dma_start3A_2494 = tpu.memref_squeeze %dma_start3A_2493 : memref<1x128x256xf32, #tpu.memory_space<hbm>> -> memref<128x256xf32, #tpu.memory_space<hbm>>
    %dma_start3A_2495 = arith.constant 384 : i32
    %dma_start3A_2496 = arith.constant 0 : i32
    %dma_start3A_2497 = tpu.memref_slice %arg3[%add3A_2487, %dma_start3A_2495, %dma_start3A_2496] : memref<512x512x256xf32, #tpu.memory_space<hbm>> -> memref<1x128x256xf32, #tpu.memory_space<hbm>>
    %dma_start3A_2498 = tpu.memref_squeeze %dma_start3A_2497 : memref<1x128x256xf32, #tpu.memory_space<hbm>> -> memref<128x256xf32, #tpu.memory_space<hbm>>
    %dma_start3A_2499 = arith.constant 72 : i32
    %dma_start3A_2500 = arith.constant 0 : i32
    %dma_start3A_2501 = tpu.memref_slice %arg5[%dma_start3A_2499, %dma_start3A_2500] : memref<256x256xf32, #tpu.memory_space<vmem>> -> memref<128x256xf32, #tpu.memory_space<vmem>>
    tpu.enqueue_dma source(%dma_start3A_2501 : memref<128x256xf32, #tpu.memory_space<vmem>>) target(%dma_start3A_2498 : memref<128x256xf32, #tpu.memory_space<hbm>>) target_semaphore(%arg7 : memref<!tpu.dma_semaphore, #tpu.memory_space<semaphore_mem>>)
    %add3A_2502 = arith.constant 56 : i32
    %add3A_2503 = arith.addi %add3A_33, %add3A_2502 : i32
    %dma_start3A_2504 = arith.constant 64 : i32
    %dma_start3A_2505 = arith.constant 0 : i32
    %dma_start3A_2506 = tpu.memref_slice %arg5[%dma_start3A_2504, %dma_start3A_2505] : memref<256x256xf32, #tpu.memory_space<vmem>> -> memref<128x256xf32, #tpu.memory_space<vmem>>
    %dma_start3A_2507 = arith.constant 384 : i32
    %dma_start3A_2508 = arith.constant 0 : i32
    %dma_start3A_2509 = tpu.memref_slice %arg3[%add3A_2503, %dma_start3A_2507, %dma_start3A_2508] : memref<512x512x256xf32, #tpu.memory_space<hbm>> -> memref<1x128x256xf32, #tpu.memory_space<hbm>>
    %dma_start3A_2510 = tpu.memref_squeeze %dma_start3A_2509 : memref<1x128x256xf32, #tpu.memory_space<hbm>> -> memref<128x256xf32, #tpu.memory_space<hbm>>
    %dma_start3A_2511 = arith.constant 384 : i32
    %dma_start3A_2512 = arith.constant 0 : i32
    %dma_start3A_2513 = tpu.memref_slice %arg3[%add3A_2503, %dma_start3A_2511, %dma_start3A_2512] : memref<512x512x256xf32, #tpu.memory_space<hbm>> -> memref<1x128x256xf32, #tpu.memory_space<hbm>>
    %dma_start3A_2514 = tpu.memref_squeeze %dma_start3A_2513 : memref<1x128x256xf32, #tpu.memory_space<hbm>> -> memref<128x256xf32, #tpu.memory_space<hbm>>
    %dma_start3A_2515 = arith.constant 64 : i32
    %dma_start3A_2516 = arith.constant 0 : i32
    %dma_start3A_2517 = tpu.memref_slice %arg5[%dma_start3A_2515, %dma_start3A_2516] : memref<256x256xf32, #tpu.memory_space<vmem>> -> memref<128x256xf32, #tpu.memory_space<vmem>>
    tpu.enqueue_dma source(%dma_start3A_2517 : memref<128x256xf32, #tpu.memory_space<vmem>>) target(%dma_start3A_2514 : memref<128x256xf32, #tpu.memory_space<hbm>>) target_semaphore(%arg7 : memref<!tpu.dma_semaphore, #tpu.memory_space<semaphore_mem>>)
    %add3A_2518 = arith.constant 64 : i32
    %add3A_2519 = arith.addi %add3A_33, %add3A_2518 : i32
    %dma_start3A_2520 = arith.constant 56 : i32
    %dma_start3A_2521 = arith.constant 0 : i32
    %dma_start3A_2522 = tpu.memref_slice %arg5[%dma_start3A_2520, %dma_start3A_2521] : memref<256x256xf32, #tpu.memory_space<vmem>> -> memref<128x256xf32, #tpu.memory_space<vmem>>
    %dma_start3A_2523 = arith.constant 384 : i32
    %dma_start3A_2524 = arith.constant 0 : i32
    %dma_start3A_2525 = tpu.memref_slice %arg3[%add3A_2519, %dma_start3A_2523, %dma_start3A_2524] : memref<512x512x256xf32, #tpu.memory_space<hbm>> -> memref<1x128x256xf32, #tpu.memory_space<hbm>>
    %dma_start3A_2526 = tpu.memref_squeeze %dma_start3A_2525 : memref<1x128x256xf32, #tpu.memory_space<hbm>> -> memref<128x256xf32, #tpu.memory_space<hbm>>
    %dma_start3A_2527 = arith.constant 384 : i32
    %dma_start3A_2528 = arith.constant 0 : i32
    %dma_start3A_2529 = tpu.memref_slice %arg3[%add3A_2519, %dma_start3A_2527, %dma_start3A_2528] : memref<512x512x256xf32, #tpu.memory_space<hbm>> -> memref<1x128x256xf32, #tpu.memory_space<hbm>>
    %dma_start3A_2530 = tpu.memref_squeeze %dma_start3A_2529 : memref<1x128x256xf32, #tpu.memory_space<hbm>> -> memref<128x256xf32, #tpu.memory_space<hbm>>
    %dma_start3A_2531 = arith.constant 56 : i32
    %dma_start3A_2532 = arith.constant 0 : i32
    %dma_start3A_2533 = tpu.memref_slice %arg5[%dma_start3A_2531, %dma_start3A_2532] : memref<256x256xf32, #tpu.memory_space<vmem>> -> memref<128x256xf32, #tpu.memory_space<vmem>>
    tpu.enqueue_dma source(%dma_start3A_2533 : memref<128x256xf32, #tpu.memory_space<vmem>>) target(%dma_start3A_2530 : memref<128x256xf32, #tpu.memory_space<hbm>>) target_semaphore(%arg7 : memref<!tpu.dma_semaphore, #tpu.memory_space<semaphore_mem>>)
    %add3A_2534 = arith.constant 72 : i32
    %add3A_2535 = arith.addi %add3A_33, %add3A_2534 : i32
    %dma_start3A_2536 = arith.constant 48 : i32
    %dma_start3A_2537 = arith.constant 0 : i32
    %dma_start3A_2538 = tpu.memref_slice %arg5[%dma_start3A_2536, %dma_start3A_2537] : memref<256x256xf32, #tpu.memory_space<vmem>> -> memref<128x256xf32, #tpu.memory_space<vmem>>
    %dma_start3A_2539 = arith.constant 384 : i32
    %dma_start3A_2540 = arith.constant 0 : i32
    %dma_start3A_2541 = tpu.memref_slice %arg3[%add3A_2535, %dma_start3A_2539, %dma_start3A_2540] : memref<512x512x256xf32, #tpu.memory_space<hbm>> -> memref<1x128x256xf32, #tpu.memory_space<hbm>>
    %dma_start3A_2542 = tpu.memref_squeeze %dma_start3A_2541 : memref<1x128x256xf32, #tpu.memory_space<hbm>> -> memref<128x256xf32, #tpu.memory_space<hbm>>
    %dma_start3A_2543 = arith.constant 384 : i32
    %dma_start3A_2544 = arith.constant 0 : i32
    %dma_start3A_2545 = tpu.memref_slice %arg3[%add3A_2535, %dma_start3A_2543, %dma_start3A_2544] : memref<512x512x256xf32, #tpu.memory_space<hbm>> -> memref<1x128x256xf32, #tpu.memory_space<hbm>>
    %dma_start3A_2546 = tpu.memref_squeeze %dma_start3A_2545 : memref<1x128x256xf32, #tpu.memory_space<hbm>> -> memref<128x256xf32, #tpu.memory_space<hbm>>
    %dma_start3A_2547 = arith.constant 48 : i32
    %dma_start3A_2548 = arith.constant 0 : i32
    %dma_start3A_2549 = tpu.memref_slice %arg5[%dma_start3A_2547, %dma_start3A_2548] : memref<256x256xf32, #tpu.memory_space<vmem>> -> memref<128x256xf32, #tpu.memory_space<vmem>>
    tpu.enqueue_dma source(%dma_start3A_2549 : memref<128x256xf32, #tpu.memory_space<vmem>>) target(%dma_start3A_2546 : memref<128x256xf32, #tpu.memory_space<hbm>>) target_semaphore(%arg7 : memref<!tpu.dma_semaphore, #tpu.memory_space<semaphore_mem>>)
    %add3A_2550 = arith.constant 80 : i32
    %add3A_2551 = arith.addi %add3A_33, %add3A_2550 : i32
    %dma_start3A_2552 = arith.constant 40 : i32
    %dma_start3A_2553 = arith.constant 0 : i32
    %dma_start3A_2554 = tpu.memref_slice %arg5[%dma_start3A_2552, %dma_start3A_2553] : memref<256x256xf32, #tpu.memory_space<vmem>> -> memref<128x256xf32, #tpu.memory_space<vmem>>
    %dma_start3A_2555 = arith.constant 384 : i32
    %dma_start3A_2556 = arith.constant 0 : i32
    %dma_start3A_2557 = tpu.memref_slice %arg3[%add3A_2551, %dma_start3A_2555, %dma_start3A_2556] : memref<512x512x256xf32, #tpu.memory_space<hbm>> -> memref<1x128x256xf32, #tpu.memory_space<hbm>>
    %dma_start3A_2558 = tpu.memref_squeeze %dma_start3A_2557 : memref<1x128x256xf32, #tpu.memory_space<hbm>> -> memref<128x256xf32, #tpu.memory_space<hbm>>
    %dma_start3A_2559 = arith.constant 384 : i32
    %dma_start3A_2560 = arith.constant 0 : i32
    %dma_start3A_2561 = tpu.memref_slice %arg3[%add3A_2551, %dma_start3A_2559, %dma_start3A_2560] : memref<512x512x256xf32, #tpu.memory_space<hbm>> -> memref<1x128x256xf32, #tpu.memory_space<hbm>>
    %dma_start3A_2562 = tpu.memref_squeeze %dma_start3A_2561 : memref<1x128x256xf32, #tpu.memory_space<hbm>> -> memref<128x256xf32, #tpu.memory_space<hbm>>
    %dma_start3A_2563 = arith.constant 40 : i32
    %dma_start3A_2564 = arith.constant 0 : i32
    %dma_start3A_2565 = tpu.memref_slice %arg5[%dma_start3A_2563, %dma_start3A_2564] : memref<256x256xf32, #tpu.memory_space<vmem>> -> memref<128x256xf32, #tpu.memory_space<vmem>>
    tpu.enqueue_dma source(%dma_start3A_2565 : memref<128x256xf32, #tpu.memory_space<vmem>>) target(%dma_start3A_2562 : memref<128x256xf32, #tpu.memory_space<hbm>>) target_semaphore(%arg7 : memref<!tpu.dma_semaphore, #tpu.memory_space<semaphore_mem>>)
    %add3A_2566 = arith.constant 88 : i32
    %add3A_2567 = arith.addi %add3A_33, %add3A_2566 : i32
    %dma_start3A_2568 = arith.constant 32 : i32
    %dma_start3A_2569 = arith.constant 0 : i32
    %dma_start3A_2570 = tpu.memref_slice %arg5[%dma_start3A_2568, %dma_start3A_2569] : memref<256x256xf32, #tpu.memory_space<vmem>> -> memref<128x256xf32, #tpu.memory_space<vmem>>
    %dma_start3A_2571 = arith.constant 384 : i32
    %dma_start3A_2572 = arith.constant 0 : i32
    %dma_start3A_2573 = tpu.memref_slice %arg3[%add3A_2567, %dma_start3A_2571, %dma_start3A_2572] : memref<512x512x256xf32, #tpu.memory_space<hbm>> -> memref<1x128x256xf32, #tpu.memory_space<hbm>>
    %dma_start3A_2574 = tpu.memref_squeeze %dma_start3A_2573 : memref<1x128x256xf32, #tpu.memory_space<hbm>> -> memref<128x256xf32, #tpu.memory_space<hbm>>
    %dma_start3A_2575 = arith.constant 384 : i32
    %dma_start3A_2576 = arith.constant 0 : i32
    %dma_start3A_2577 = tpu.memref_slice %arg3[%add3A_2567, %dma_start3A_2575, %dma_start3A_2576] : memref<512x512x256xf32, #tpu.memory_space<hbm>> -> memref<1x128x256xf32, #tpu.memory_space<hbm>>
    %dma_start3A_2578 = tpu.memref_squeeze %dma_start3A_2577 : memref<1x128x256xf32, #tpu.memory_space<hbm>> -> memref<128x256xf32, #tpu.memory_space<hbm>>
    %dma_start3A_2579 = arith.constant 32 : i32
    %dma_start3A_2580 = arith.constant 0 : i32
    %dma_start3A_2581 = tpu.memref_slice %arg5[%dma_start3A_2579, %dma_start3A_2580] : memref<256x256xf32, #tpu.memory_space<vmem>> -> memref<128x256xf32, #tpu.memory_space<vmem>>
    tpu.enqueue_dma source(%dma_start3A_2581 : memref<128x256xf32, #tpu.memory_space<vmem>>) target(%dma_start3A_2578 : memref<128x256xf32, #tpu.memory_space<hbm>>) target_semaphore(%arg7 : memref<!tpu.dma_semaphore, #tpu.memory_space<semaphore_mem>>)
    %add3A_2582 = arith.constant 96 : i32
    %add3A_2583 = arith.addi %add3A_33, %add3A_2582 : i32
    %dma_start3A_2584 = arith.constant 24 : i32
    %dma_start3A_2585 = arith.constant 0 : i32
    %dma_start3A_2586 = tpu.memref_slice %arg5[%dma_start3A_2584, %dma_start3A_2585] : memref<256x256xf32, #tpu.memory_space<vmem>> -> memref<128x256xf32, #tpu.memory_space<vmem>>
    %dma_start3A_2587 = arith.constant 384 : i32
    %dma_start3A_2588 = arith.constant 0 : i32
    %dma_start3A_2589 = tpu.memref_slice %arg3[%add3A_2583, %dma_start3A_2587, %dma_start3A_2588] : memref<512x512x256xf32, #tpu.memory_space<hbm>> -> memref<1x128x256xf32, #tpu.memory_space<hbm>>
    %dma_start3A_2590 = tpu.memref_squeeze %dma_start3A_2589 : memref<1x128x256xf32, #tpu.memory_space<hbm>> -> memref<128x256xf32, #tpu.memory_space<hbm>>
    %dma_start3A_2591 = arith.constant 384 : i32
    %dma_start3A_2592 = arith.constant 0 : i32
    %dma_start3A_2593 = tpu.memref_slice %arg3[%add3A_2583, %dma_start3A_2591, %dma_start3A_2592] : memref<512x512x256xf32, #tpu.memory_space<hbm>> -> memref<1x128x256xf32, #tpu.memory_space<hbm>>
    %dma_start3A_2594 = tpu.memref_squeeze %dma_start3A_2593 : memref<1x128x256xf32, #tpu.memory_space<hbm>> -> memref<128x256xf32, #tpu.memory_space<hbm>>
    %dma_start3A_2595 = arith.constant 24 : i32
    %dma_start3A_2596 = arith.constant 0 : i32
    %dma_start3A_2597 = tpu.memref_slice %arg5[%dma_start3A_2595, %dma_start3A_2596] : memref<256x256xf32, #tpu.memory_space<vmem>> -> memref<128x256xf32, #tpu.memory_space<vmem>>
    tpu.enqueue_dma source(%dma_start3A_2597 : memref<128x256xf32, #tpu.memory_space<vmem>>) target(%dma_start3A_2594 : memref<128x256xf32, #tpu.memory_space<hbm>>) target_semaphore(%arg7 : memref<!tpu.dma_semaphore, #tpu.memory_space<semaphore_mem>>)
    %add3A_2598 = arith.constant 104 : i32
    %add3A_2599 = arith.addi %add3A_33, %add3A_2598 : i32
    %dma_start3A_2600 = arith.constant 16 : i32
    %dma_start3A_2601 = arith.constant 0 : i32
    %dma_start3A_2602 = tpu.memref_slice %arg5[%dma_start3A_2600, %dma_start3A_2601] : memref<256x256xf32, #tpu.memory_space<vmem>> -> memref<128x256xf32, #tpu.memory_space<vmem>>
    %dma_start3A_2603 = arith.constant 384 : i32
    %dma_start3A_2604 = arith.constant 0 : i32
    %dma_start3A_2605 = tpu.memref_slice %arg3[%add3A_2599, %dma_start3A_2603, %dma_start3A_2604] : memref<512x512x256xf32, #tpu.memory_space<hbm>> -> memref<1x128x256xf32, #tpu.memory_space<hbm>>
    %dma_start3A_2606 = tpu.memref_squeeze %dma_start3A_2605 : memref<1x128x256xf32, #tpu.memory_space<hbm>> -> memref<128x256xf32, #tpu.memory_space<hbm>>
    %dma_start3A_2607 = arith.constant 384 : i32
    %dma_start3A_2608 = arith.constant 0 : i32
    %dma_start3A_2609 = tpu.memref_slice %arg3[%add3A_2599, %dma_start3A_2607, %dma_start3A_2608] : memref<512x512x256xf32, #tpu.memory_space<hbm>> -> memref<1x128x256xf32, #tpu.memory_space<hbm>>
    %dma_start3A_2610 = tpu.memref_squeeze %dma_start3A_2609 : memref<1x128x256xf32, #tpu.memory_space<hbm>> -> memref<128x256xf32, #tpu.memory_space<hbm>>
    %dma_start3A_2611 = arith.constant 16 : i32
    %dma_start3A_2612 = arith.constant 0 : i32
    %dma_start3A_2613 = tpu.memref_slice %arg5[%dma_start3A_2611, %dma_start3A_2612] : memref<256x256xf32, #tpu.memory_space<vmem>> -> memref<128x256xf32, #tpu.memory_space<vmem>>
    tpu.enqueue_dma source(%dma_start3A_2613 : memref<128x256xf32, #tpu.memory_space<vmem>>) target(%dma_start3A_2610 : memref<128x256xf32, #tpu.memory_space<hbm>>) target_semaphore(%arg7 : memref<!tpu.dma_semaphore, #tpu.memory_space<semaphore_mem>>)
    %add3A_2614 = arith.constant 112 : i32
    %add3A_2615 = arith.addi %add3A_33, %add3A_2614 : i32
    %dma_start3A_2616 = arith.constant 8 : i32
    %dma_start3A_2617 = arith.constant 0 : i32
    %dma_start3A_2618 = tpu.memref_slice %arg5[%dma_start3A_2616, %dma_start3A_2617] : memref<256x256xf32, #tpu.memory_space<vmem>> -> memref<128x256xf32, #tpu.memory_space<vmem>>
    %dma_start3A_2619 = arith.constant 384 : i32
    %dma_start3A_2620 = arith.constant 0 : i32
    %dma_start3A_2621 = tpu.memref_slice %arg3[%add3A_2615, %dma_start3A_2619, %dma_start3A_2620] : memref<512x512x256xf32, #tpu.memory_space<hbm>> -> memref<1x128x256xf32, #tpu.memory_space<hbm>>
    %dma_start3A_2622 = tpu.memref_squeeze %dma_start3A_2621 : memref<1x128x256xf32, #tpu.memory_space<hbm>> -> memref<128x256xf32, #tpu.memory_space<hbm>>
    %dma_start3A_2623 = arith.constant 384 : i32
    %dma_start3A_2624 = arith.constant 0 : i32
    %dma_start3A_2625 = tpu.memref_slice %arg3[%add3A_2615, %dma_start3A_2623, %dma_start3A_2624] : memref<512x512x256xf32, #tpu.memory_space<hbm>> -> memref<1x128x256xf32, #tpu.memory_space<hbm>>
    %dma_start3A_2626 = tpu.memref_squeeze %dma_start3A_2625 : memref<1x128x256xf32, #tpu.memory_space<hbm>> -> memref<128x256xf32, #tpu.memory_space<hbm>>
    %dma_start3A_2627 = arith.constant 8 : i32
    %dma_start3A_2628 = arith.constant 0 : i32
    %dma_start3A_2629 = tpu.memref_slice %arg5[%dma_start3A_2627, %dma_start3A_2628] : memref<256x256xf32, #tpu.memory_space<vmem>> -> memref<128x256xf32, #tpu.memory_space<vmem>>
    tpu.enqueue_dma source(%dma_start3A_2629 : memref<128x256xf32, #tpu.memory_space<vmem>>) target(%dma_start3A_2626 : memref<128x256xf32, #tpu.memory_space<hbm>>) target_semaphore(%arg7 : memref<!tpu.dma_semaphore, #tpu.memory_space<semaphore_mem>>)
    %add3A_2630 = arith.constant 120 : i32
    %add3A_2631 = arith.addi %add3A_33, %add3A_2630 : i32
    %dma_start3A_2632 = arith.constant 0 : i32
    %dma_start3A_2633 = arith.constant 0 : i32
    %dma_start3A_2634 = tpu.memref_slice %arg5[%dma_start3A_2632, %dma_start3A_2633] : memref<256x256xf32, #tpu.memory_space<vmem>> -> memref<128x256xf32, #tpu.memory_space<vmem>>
    %dma_start3A_2635 = arith.constant 384 : i32
    %dma_start3A_2636 = arith.constant 0 : i32
    %dma_start3A_2637 = tpu.memref_slice %arg3[%add3A_2631, %dma_start3A_2635, %dma_start3A_2636] : memref<512x512x256xf32, #tpu.memory_space<hbm>> -> memref<1x128x256xf32, #tpu.memory_space<hbm>>
    %dma_start3A_2638 = tpu.memref_squeeze %dma_start3A_2637 : memref<1x128x256xf32, #tpu.memory_space<hbm>> -> memref<128x256xf32, #tpu.memory_space<hbm>>
    %dma_start3A_2639 = arith.constant 384 : i32
    %dma_start3A_2640 = arith.constant 0 : i32
    %dma_start3A_2641 = tpu.memref_slice %arg3[%add3A_2631, %dma_start3A_2639, %dma_start3A_2640] : memref<512x512x256xf32, #tpu.memory_space<hbm>> -> memref<1x128x256xf32, #tpu.memory_space<hbm>>
    %dma_start3A_2642 = tpu.memref_squeeze %dma_start3A_2641 : memref<1x128x256xf32, #tpu.memory_space<hbm>> -> memref<128x256xf32, #tpu.memory_space<hbm>>
    %dma_start3A_2643 = arith.constant 0 : i32
    %dma_start3A_2644 = arith.constant 0 : i32
    %dma_start3A_2645 = tpu.memref_slice %arg5[%dma_start3A_2643, %dma_start3A_2644] : memref<256x256xf32, #tpu.memory_space<vmem>> -> memref<128x256xf32, #tpu.memory_space<vmem>>
    tpu.enqueue_dma source(%dma_start3A_2645 : memref<128x256xf32, #tpu.memory_space<vmem>>) target(%dma_start3A_2642 : memref<128x256xf32, #tpu.memory_space<hbm>>) target_semaphore(%arg7 : memref<!tpu.dma_semaphore, #tpu.memory_space<semaphore_mem>>)
    %dma_wait3A_2646 = arith.constant 120 : i32
    %dma_wait3A_2647 = arith.constant 0 : i32
    %dma_wait3A_2648 = tpu.memref_slice %arg5[%dma_wait3A_2646, %dma_wait3A_2647] : memref<256x256xf32, #tpu.memory_space<vmem>> -> memref<128x256xf32, #tpu.memory_space<vmem>>
    %dma_wait3A_2649 = arith.constant 384 : i32
    %dma_wait3A_2650 = arith.constant 0 : i32
    %dma_wait3A_2651 = tpu.memref_slice %arg3[%add3A_2391, %dma_wait3A_2649, %dma_wait3A_2650] : memref<512x512x256xf32, #tpu.memory_space<hbm>> -> memref<1x128x256xf32, #tpu.memory_space<hbm>>
    %dma_wait3A_2652 = tpu.memref_squeeze %dma_wait3A_2651 : memref<1x128x256xf32, #tpu.memory_space<hbm>> -> memref<128x256xf32, #tpu.memory_space<hbm>>
    %dma_wait3A_2653 = arith.constant 384 : i32
    %dma_wait3A_2654 = arith.constant 0 : i32
    %dma_wait3A_2655 = tpu.memref_slice %arg3[%add3A_2391, %dma_wait3A_2653, %dma_wait3A_2654] : memref<512x512x256xf32, #tpu.memory_space<hbm>> -> memref<1x128x256xf32, #tpu.memory_space<hbm>>
    %dma_wait3A_2656 = tpu.memref_squeeze %dma_wait3A_2655 : memref<1x128x256xf32, #tpu.memory_space<hbm>> -> memref<128x256xf32, #tpu.memory_space<hbm>>
    %dma_wait3A_2657 = arith.constant 120 : i32
    %dma_wait3A_2658 = arith.constant 0 : i32
    %dma_wait3A_2659 = tpu.memref_slice %arg5[%dma_wait3A_2657, %dma_wait3A_2658] : memref<256x256xf32, #tpu.memory_space<vmem>> -> memref<128x256xf32, #tpu.memory_space<vmem>>
    tpu.wait_dma2 semaphore(%arg7 : memref<!tpu.dma_semaphore, #tpu.memory_space<semaphore_mem>>) src(%dma_wait3A_2659 : memref<128x256xf32, #tpu.memory_space<vmem>>) dst(%dma_wait3A_2656 : memref<128x256xf32, #tpu.memory_space<hbm>>)
    %dma_wait3A_2660 = arith.constant 112 : i32
    %dma_wait3A_2661 = arith.constant 0 : i32
    %dma_wait3A_2662 = tpu.memref_slice %arg5[%dma_wait3A_2660, %dma_wait3A_2661] : memref<256x256xf32, #tpu.memory_space<vmem>> -> memref<128x256xf32, #tpu.memory_space<vmem>>
    %dma_wait3A_2663 = arith.constant 384 : i32
    %dma_wait3A_2664 = arith.constant 0 : i32
    %dma_wait3A_2665 = tpu.memref_slice %arg3[%add3A_2407, %dma_wait3A_2663, %dma_wait3A_2664] : memref<512x512x256xf32, #tpu.memory_space<hbm>> -> memref<1x128x256xf32, #tpu.memory_space<hbm>>
    %dma_wait3A_2666 = tpu.memref_squeeze %dma_wait3A_2665 : memref<1x128x256xf32, #tpu.memory_space<hbm>> -> memref<128x256xf32, #tpu.memory_space<hbm>>
    %dma_wait3A_2667 = arith.constant 384 : i32
    %dma_wait3A_2668 = arith.constant 0 : i32
    %dma_wait3A_2669 = tpu.memref_slice %arg3[%add3A_2407, %dma_wait3A_2667, %dma_wait3A_2668] : memref<512x512x256xf32, #tpu.memory_space<hbm>> -> memref<1x128x256xf32, #tpu.memory_space<hbm>>
    %dma_wait3A_2670 = tpu.memref_squeeze %dma_wait3A_2669 : memref<1x128x256xf32, #tpu.memory_space<hbm>> -> memref<128x256xf32, #tpu.memory_space<hbm>>
    %dma_wait3A_2671 = arith.constant 112 : i32
    %dma_wait3A_2672 = arith.constant 0 : i32
    %dma_wait3A_2673 = tpu.memref_slice %arg5[%dma_wait3A_2671, %dma_wait3A_2672] : memref<256x256xf32, #tpu.memory_space<vmem>> -> memref<128x256xf32, #tpu.memory_space<vmem>>
    tpu.wait_dma2 semaphore(%arg7 : memref<!tpu.dma_semaphore, #tpu.memory_space<semaphore_mem>>) src(%dma_wait3A_2673 : memref<128x256xf32, #tpu.memory_space<vmem>>) dst(%dma_wait3A_2670 : memref<128x256xf32, #tpu.memory_space<hbm>>)
    %dma_wait3A_2674 = arith.constant 104 : i32
    %dma_wait3A_2675 = arith.constant 0 : i32
    %dma_wait3A_2676 = tpu.memref_slice %arg5[%dma_wait3A_2674, %dma_wait3A_2675] : memref<256x256xf32, #tpu.memory_space<vmem>> -> memref<128x256xf32, #tpu.memory_space<vmem>>
    %dma_wait3A_2677 = arith.constant 384 : i32
    %dma_wait3A_2678 = arith.constant 0 : i32
    %dma_wait3A_2679 = tpu.memref_slice %arg3[%add3A_2423, %dma_wait3A_2677, %dma_wait3A_2678] : memref<512x512x256xf32, #tpu.memory_space<hbm>> -> memref<1x128x256xf32, #tpu.memory_space<hbm>>
    %dma_wait3A_2680 = tpu.memref_squeeze %dma_wait3A_2679 : memref<1x128x256xf32, #tpu.memory_space<hbm>> -> memref<128x256xf32, #tpu.memory_space<hbm>>
    %dma_wait3A_2681 = arith.constant 384 : i32
    %dma_wait3A_2682 = arith.constant 0 : i32
    %dma_wait3A_2683 = tpu.memref_slice %arg3[%add3A_2423, %dma_wait3A_2681, %dma_wait3A_2682] : memref<512x512x256xf32, #tpu.memory_space<hbm>> -> memref<1x128x256xf32, #tpu.memory_space<hbm>>
    %dma_wait3A_2684 = tpu.memref_squeeze %dma_wait3A_2683 : memref<1x128x256xf32, #tpu.memory_space<hbm>> -> memref<128x256xf32, #tpu.memory_space<hbm>>
    %dma_wait3A_2685 = arith.constant 104 : i32
    %dma_wait3A_2686 = arith.constant 0 : i32
    %dma_wait3A_2687 = tpu.memref_slice %arg5[%dma_wait3A_2685, %dma_wait3A_2686] : memref<256x256xf32, #tpu.memory_space<vmem>> -> memref<128x256xf32, #tpu.memory_space<vmem>>
    tpu.wait_dma2 semaphore(%arg7 : memref<!tpu.dma_semaphore, #tpu.memory_space<semaphore_mem>>) src(%dma_wait3A_2687 : memref<128x256xf32, #tpu.memory_space<vmem>>) dst(%dma_wait3A_2684 : memref<128x256xf32, #tpu.memory_space<hbm>>)
    %dma_wait3A_2688 = arith.constant 96 : i32
    %dma_wait3A_2689 = arith.constant 0 : i32
    %dma_wait3A_2690 = tpu.memref_slice %arg5[%dma_wait3A_2688, %dma_wait3A_2689] : memref<256x256xf32, #tpu.memory_space<vmem>> -> memref<128x256xf32, #tpu.memory_space<vmem>>
    %dma_wait3A_2691 = arith.constant 384 : i32
    %dma_wait3A_2692 = arith.constant 0 : i32
    %dma_wait3A_2693 = tpu.memref_slice %arg3[%add3A_2439, %dma_wait3A_2691, %dma_wait3A_2692] : memref<512x512x256xf32, #tpu.memory_space<hbm>> -> memref<1x128x256xf32, #tpu.memory_space<hbm>>
    %dma_wait3A_2694 = tpu.memref_squeeze %dma_wait3A_2693 : memref<1x128x256xf32, #tpu.memory_space<hbm>> -> memref<128x256xf32, #tpu.memory_space<hbm>>
    %dma_wait3A_2695 = arith.constant 384 : i32
    %dma_wait3A_2696 = arith.constant 0 : i32
    %dma_wait3A_2697 = tpu.memref_slice %arg3[%add3A_2439, %dma_wait3A_2695, %dma_wait3A_2696] : memref<512x512x256xf32, #tpu.memory_space<hbm>> -> memref<1x128x256xf32, #tpu.memory_space<hbm>>
    %dma_wait3A_2698 = tpu.memref_squeeze %dma_wait3A_2697 : memref<1x128x256xf32, #tpu.memory_space<hbm>> -> memref<128x256xf32, #tpu.memory_space<hbm>>
    %dma_wait3A_2699 = arith.constant 96 : i32
    %dma_wait3A_2700 = arith.constant 0 : i32
    %dma_wait3A_2701 = tpu.memref_slice %arg5[%dma_wait3A_2699, %dma_wait3A_2700] : memref<256x256xf32, #tpu.memory_space<vmem>> -> memref<128x256xf32, #tpu.memory_space<vmem>>
    tpu.wait_dma2 semaphore(%arg7 : memref<!tpu.dma_semaphore, #tpu.memory_space<semaphore_mem>>) src(%dma_wait3A_2701 : memref<128x256xf32, #tpu.memory_space<vmem>>) dst(%dma_wait3A_2698 : memref<128x256xf32, #tpu.memory_space<hbm>>)
    %dma_wait3A_2702 = arith.constant 88 : i32
    %dma_wait3A_2703 = arith.constant 0 : i32
    %dma_wait3A_2704 = tpu.memref_slice %arg5[%dma_wait3A_2702, %dma_wait3A_2703] : memref<256x256xf32, #tpu.memory_space<vmem>> -> memref<128x256xf32, #tpu.memory_space<vmem>>
    %dma_wait3A_2705 = arith.constant 384 : i32
    %dma_wait3A_2706 = arith.constant 0 : i32
    %dma_wait3A_2707 = tpu.memref_slice %arg3[%add3A_2455, %dma_wait3A_2705, %dma_wait3A_2706] : memref<512x512x256xf32, #tpu.memory_space<hbm>> -> memref<1x128x256xf32, #tpu.memory_space<hbm>>
    %dma_wait3A_2708 = tpu.memref_squeeze %dma_wait3A_2707 : memref<1x128x256xf32, #tpu.memory_space<hbm>> -> memref<128x256xf32, #tpu.memory_space<hbm>>
    %dma_wait3A_2709 = arith.constant 384 : i32
    %dma_wait3A_2710 = arith.constant 0 : i32
    %dma_wait3A_2711 = tpu.memref_slice %arg3[%add3A_2455, %dma_wait3A_2709, %dma_wait3A_2710] : memref<512x512x256xf32, #tpu.memory_space<hbm>> -> memref<1x128x256xf32, #tpu.memory_space<hbm>>
    %dma_wait3A_2712 = tpu.memref_squeeze %dma_wait3A_2711 : memref<1x128x256xf32, #tpu.memory_space<hbm>> -> memref<128x256xf32, #tpu.memory_space<hbm>>
    %dma_wait3A_2713 = arith.constant 88 : i32
    %dma_wait3A_2714 = arith.constant 0 : i32
    %dma_wait3A_2715 = tpu.memref_slice %arg5[%dma_wait3A_2713, %dma_wait3A_2714] : memref<256x256xf32, #tpu.memory_space<vmem>> -> memref<128x256xf32, #tpu.memory_space<vmem>>
    tpu.wait_dma2 semaphore(%arg7 : memref<!tpu.dma_semaphore, #tpu.memory_space<semaphore_mem>>) src(%dma_wait3A_2715 : memref<128x256xf32, #tpu.memory_space<vmem>>) dst(%dma_wait3A_2712 : memref<128x256xf32, #tpu.memory_space<hbm>>)
    %dma_wait3A_2716 = arith.constant 80 : i32
    %dma_wait3A_2717 = arith.constant 0 : i32
    %dma_wait3A_2718 = tpu.memref_slice %arg5[%dma_wait3A_2716, %dma_wait3A_2717] : memref<256x256xf32, #tpu.memory_space<vmem>> -> memref<128x256xf32, #tpu.memory_space<vmem>>
    %dma_wait3A_2719 = arith.constant 384 : i32
    %dma_wait3A_2720 = arith.constant 0 : i32
    %dma_wait3A_2721 = tpu.memref_slice %arg3[%add3A_2471, %dma_wait3A_2719, %dma_wait3A_2720] : memref<512x512x256xf32, #tpu.memory_space<hbm>> -> memref<1x128x256xf32, #tpu.memory_space<hbm>>
    %dma_wait3A_2722 = tpu.memref_squeeze %dma_wait3A_2721 : memref<1x128x256xf32, #tpu.memory_space<hbm>> -> memref<128x256xf32, #tpu.memory_space<hbm>>
    %dma_wait3A_2723 = arith.constant 384 : i32
    %dma_wait3A_2724 = arith.constant 0 : i32
    %dma_wait3A_2725 = tpu.memref_slice %arg3[%add3A_2471, %dma_wait3A_2723, %dma_wait3A_2724] : memref<512x512x256xf32, #tpu.memory_space<hbm>> -> memref<1x128x256xf32, #tpu.memory_space<hbm>>
    %dma_wait3A_2726 = tpu.memref_squeeze %dma_wait3A_2725 : memref<1x128x256xf32, #tpu.memory_space<hbm>> -> memref<128x256xf32, #tpu.memory_space<hbm>>
    %dma_wait3A_2727 = arith.constant 80 : i32
    %dma_wait3A_2728 = arith.constant 0 : i32
    %dma_wait3A_2729 = tpu.memref_slice %arg5[%dma_wait3A_2727, %dma_wait3A_2728] : memref<256x256xf32, #tpu.memory_space<vmem>> -> memref<128x256xf32, #tpu.memory_space<vmem>>
    tpu.wait_dma2 semaphore(%arg7 : memref<!tpu.dma_semaphore, #tpu.memory_space<semaphore_mem>>) src(%dma_wait3A_2729 : memref<128x256xf32, #tpu.memory_space<vmem>>) dst(%dma_wait3A_2726 : memref<128x256xf32, #tpu.memory_space<hbm>>)
    %dma_wait3A_2730 = arith.constant 72 : i32
    %dma_wait3A_2731 = arith.constant 0 : i32
    %dma_wait3A_2732 = tpu.memref_slice %arg5[%dma_wait3A_2730, %dma_wait3A_2731] : memref<256x256xf32, #tpu.memory_space<vmem>> -> memref<128x256xf32, #tpu.memory_space<vmem>>
    %dma_wait3A_2733 = arith.constant 384 : i32
    %dma_wait3A_2734 = arith.constant 0 : i32
    %dma_wait3A_2735 = tpu.memref_slice %arg3[%add3A_2487, %dma_wait3A_2733, %dma_wait3A_2734] : memref<512x512x256xf32, #tpu.memory_space<hbm>> -> memref<1x128x256xf32, #tpu.memory_space<hbm>>
    %dma_wait3A_2736 = tpu.memref_squeeze %dma_wait3A_2735 : memref<1x128x256xf32, #tpu.memory_space<hbm>> -> memref<128x256xf32, #tpu.memory_space<hbm>>
    %dma_wait3A_2737 = arith.constant 384 : i32
    %dma_wait3A_2738 = arith.constant 0 : i32
    %dma_wait3A_2739 = tpu.memref_slice %arg3[%add3A_2487, %dma_wait3A_2737, %dma_wait3A_2738] : memref<512x512x256xf32, #tpu.memory_space<hbm>> -> memref<1x128x256xf32, #tpu.memory_space<hbm>>
    %dma_wait3A_2740 = tpu.memref_squeeze %dma_wait3A_2739 : memref<1x128x256xf32, #tpu.memory_space<hbm>> -> memref<128x256xf32, #tpu.memory_space<hbm>>
    %dma_wait3A_2741 = arith.constant 72 : i32
    %dma_wait3A_2742 = arith.constant 0 : i32
    %dma_wait3A_2743 = tpu.memref_slice %arg5[%dma_wait3A_2741, %dma_wait3A_2742] : memref<256x256xf32, #tpu.memory_space<vmem>> -> memref<128x256xf32, #tpu.memory_space<vmem>>
    tpu.wait_dma2 semaphore(%arg7 : memref<!tpu.dma_semaphore, #tpu.memory_space<semaphore_mem>>) src(%dma_wait3A_2743 : memref<128x256xf32, #tpu.memory_space<vmem>>) dst(%dma_wait3A_2740 : memref<128x256xf32, #tpu.memory_space<hbm>>)
    %dma_wait3A_2744 = arith.constant 64 : i32
    %dma_wait3A_2745 = arith.constant 0 : i32
    %dma_wait3A_2746 = tpu.memref_slice %arg5[%dma_wait3A_2744, %dma_wait3A_2745] : memref<256x256xf32, #tpu.memory_space<vmem>> -> memref<128x256xf32, #tpu.memory_space<vmem>>
    %dma_wait3A_2747 = arith.constant 384 : i32
    %dma_wait3A_2748 = arith.constant 0 : i32
    %dma_wait3A_2749 = tpu.memref_slice %arg3[%add3A_2503, %dma_wait3A_2747, %dma_wait3A_2748] : memref<512x512x256xf32, #tpu.memory_space<hbm>> -> memref<1x128x256xf32, #tpu.memory_space<hbm>>
    %dma_wait3A_2750 = tpu.memref_squeeze %dma_wait3A_2749 : memref<1x128x256xf32, #tpu.memory_space<hbm>> -> memref<128x256xf32, #tpu.memory_space<hbm>>
    %dma_wait3A_2751 = arith.constant 384 : i32
    %dma_wait3A_2752 = arith.constant 0 : i32
    %dma_wait3A_2753 = tpu.memref_slice %arg3[%add3A_2503, %dma_wait3A_2751, %dma_wait3A_2752] : memref<512x512x256xf32, #tpu.memory_space<hbm>> -> memref<1x128x256xf32, #tpu.memory_space<hbm>>
    %dma_wait3A_2754 = tpu.memref_squeeze %dma_wait3A_2753 : memref<1x128x256xf32, #tpu.memory_space<hbm>> -> memref<128x256xf32, #tpu.memory_space<hbm>>
    %dma_wait3A_2755 = arith.constant 64 : i32
    %dma_wait3A_2756 = arith.constant 0 : i32
    %dma_wait3A_2757 = tpu.memref_slice %arg5[%dma_wait3A_2755, %dma_wait3A_2756] : memref<256x256xf32, #tpu.memory_space<vmem>> -> memref<128x256xf32, #tpu.memory_space<vmem>>
    tpu.wait_dma2 semaphore(%arg7 : memref<!tpu.dma_semaphore, #tpu.memory_space<semaphore_mem>>) src(%dma_wait3A_2757 : memref<128x256xf32, #tpu.memory_space<vmem>>) dst(%dma_wait3A_2754 : memref<128x256xf32, #tpu.memory_space<hbm>>)
    %dma_wait3A_2758 = arith.constant 56 : i32
    %dma_wait3A_2759 = arith.constant 0 : i32
    %dma_wait3A_2760 = tpu.memref_slice %arg5[%dma_wait3A_2758, %dma_wait3A_2759] : memref<256x256xf32, #tpu.memory_space<vmem>> -> memref<128x256xf32, #tpu.memory_space<vmem>>
    %dma_wait3A_2761 = arith.constant 384 : i32
    %dma_wait3A_2762 = arith.constant 0 : i32
    %dma_wait3A_2763 = tpu.memref_slice %arg3[%add3A_2519, %dma_wait3A_2761, %dma_wait3A_2762] : memref<512x512x256xf32, #tpu.memory_space<hbm>> -> memref<1x128x256xf32, #tpu.memory_space<hbm>>
    %dma_wait3A_2764 = tpu.memref_squeeze %dma_wait3A_2763 : memref<1x128x256xf32, #tpu.memory_space<hbm>> -> memref<128x256xf32, #tpu.memory_space<hbm>>
    %dma_wait3A_2765 = arith.constant 384 : i32
    %dma_wait3A_2766 = arith.constant 0 : i32
    %dma_wait3A_2767 = tpu.memref_slice %arg3[%add3A_2519, %dma_wait3A_2765, %dma_wait3A_2766] : memref<512x512x256xf32, #tpu.memory_space<hbm>> -> memref<1x128x256xf32, #tpu.memory_space<hbm>>
    %dma_wait3A_2768 = tpu.memref_squeeze %dma_wait3A_2767 : memref<1x128x256xf32, #tpu.memory_space<hbm>> -> memref<128x256xf32, #tpu.memory_space<hbm>>
    %dma_wait3A_2769 = arith.constant 56 : i32
    %dma_wait3A_2770 = arith.constant 0 : i32
    %dma_wait3A_2771 = tpu.memref_slice %arg5[%dma_wait3A_2769, %dma_wait3A_2770] : memref<256x256xf32, #tpu.memory_space<vmem>> -> memref<128x256xf32, #tpu.memory_space<vmem>>
    tpu.wait_dma2 semaphore(%arg7 : memref<!tpu.dma_semaphore, #tpu.memory_space<semaphore_mem>>) src(%dma_wait3A_2771 : memref<128x256xf32, #tpu.memory_space<vmem>>) dst(%dma_wait3A_2768 : memref<128x256xf32, #tpu.memory_space<hbm>>)
    %dma_wait3A_2772 = arith.constant 48 : i32
    %dma_wait3A_2773 = arith.constant 0 : i32
    %dma_wait3A_2774 = tpu.memref_slice %arg5[%dma_wait3A_2772, %dma_wait3A_2773] : memref<256x256xf32, #tpu.memory_space<vmem>> -> memref<128x256xf32, #tpu.memory_space<vmem>>
    %dma_wait3A_2775 = arith.constant 384 : i32
    %dma_wait3A_2776 = arith.constant 0 : i32
    %dma_wait3A_2777 = tpu.memref_slice %arg3[%add3A_2535, %dma_wait3A_2775, %dma_wait3A_2776] : memref<512x512x256xf32, #tpu.memory_space<hbm>> -> memref<1x128x256xf32, #tpu.memory_space<hbm>>
    %dma_wait3A_2778 = tpu.memref_squeeze %dma_wait3A_2777 : memref<1x128x256xf32, #tpu.memory_space<hbm>> -> memref<128x256xf32, #tpu.memory_space<hbm>>
    %dma_wait3A_2779 = arith.constant 384 : i32
    %dma_wait3A_2780 = arith.constant 0 : i32
    %dma_wait3A_2781 = tpu.memref_slice %arg3[%add3A_2535, %dma_wait3A_2779, %dma_wait3A_2780] : memref<512x512x256xf32, #tpu.memory_space<hbm>> -> memref<1x128x256xf32, #tpu.memory_space<hbm>>
    %dma_wait3A_2782 = tpu.memref_squeeze %dma_wait3A_2781 : memref<1x128x256xf32, #tpu.memory_space<hbm>> -> memref<128x256xf32, #tpu.memory_space<hbm>>
    %dma_wait3A_2783 = arith.constant 48 : i32
    %dma_wait3A_2784 = arith.constant 0 : i32
    %dma_wait3A_2785 = tpu.memref_slice %arg5[%dma_wait3A_2783, %dma_wait3A_2784] : memref<256x256xf32, #tpu.memory_space<vmem>> -> memref<128x256xf32, #tpu.memory_space<vmem>>
    tpu.wait_dma2 semaphore(%arg7 : memref<!tpu.dma_semaphore, #tpu.memory_space<semaphore_mem>>) src(%dma_wait3A_2785 : memref<128x256xf32, #tpu.memory_space<vmem>>) dst(%dma_wait3A_2782 : memref<128x256xf32, #tpu.memory_space<hbm>>)
    %dma_wait3A_2786 = arith.constant 40 : i32
    %dma_wait3A_2787 = arith.constant 0 : i32
    %dma_wait3A_2788 = tpu.memref_slice %arg5[%dma_wait3A_2786, %dma_wait3A_2787] : memref<256x256xf32, #tpu.memory_space<vmem>> -> memref<128x256xf32, #tpu.memory_space<vmem>>
    %dma_wait3A_2789 = arith.constant 384 : i32
    %dma_wait3A_2790 = arith.constant 0 : i32
    %dma_wait3A_2791 = tpu.memref_slice %arg3[%add3A_2551, %dma_wait3A_2789, %dma_wait3A_2790] : memref<512x512x256xf32, #tpu.memory_space<hbm>> -> memref<1x128x256xf32, #tpu.memory_space<hbm>>
    %dma_wait3A_2792 = tpu.memref_squeeze %dma_wait3A_2791 : memref<1x128x256xf32, #tpu.memory_space<hbm>> -> memref<128x256xf32, #tpu.memory_space<hbm>>
    %dma_wait3A_2793 = arith.constant 384 : i32
    %dma_wait3A_2794 = arith.constant 0 : i32
    %dma_wait3A_2795 = tpu.memref_slice %arg3[%add3A_2551, %dma_wait3A_2793, %dma_wait3A_2794] : memref<512x512x256xf32, #tpu.memory_space<hbm>> -> memref<1x128x256xf32, #tpu.memory_space<hbm>>
    %dma_wait3A_2796 = tpu.memref_squeeze %dma_wait3A_2795 : memref<1x128x256xf32, #tpu.memory_space<hbm>> -> memref<128x256xf32, #tpu.memory_space<hbm>>
    %dma_wait3A_2797 = arith.constant 40 : i32
    %dma_wait3A_2798 = arith.constant 0 : i32
    %dma_wait3A_2799 = tpu.memref_slice %arg5[%dma_wait3A_2797, %dma_wait3A_2798] : memref<256x256xf32, #tpu.memory_space<vmem>> -> memref<128x256xf32, #tpu.memory_space<vmem>>
    tpu.wait_dma2 semaphore(%arg7 : memref<!tpu.dma_semaphore, #tpu.memory_space<semaphore_mem>>) src(%dma_wait3A_2799 : memref<128x256xf32, #tpu.memory_space<vmem>>) dst(%dma_wait3A_2796 : memref<128x256xf32, #tpu.memory_space<hbm>>)
    %dma_wait3A_2800 = arith.constant 32 : i32
    %dma_wait3A_2801 = arith.constant 0 : i32
    %dma_wait3A_2802 = tpu.memref_slice %arg5[%dma_wait3A_2800, %dma_wait3A_2801] : memref<256x256xf32, #tpu.memory_space<vmem>> -> memref<128x256xf32, #tpu.memory_space<vmem>>
    %dma_wait3A_2803 = arith.constant 384 : i32
    %dma_wait3A_2804 = arith.constant 0 : i32
    %dma_wait3A_2805 = tpu.memref_slice %arg3[%add3A_2567, %dma_wait3A_2803, %dma_wait3A_2804] : memref<512x512x256xf32, #tpu.memory_space<hbm>> -> memref<1x128x256xf32, #tpu.memory_space<hbm>>
    %dma_wait3A_2806 = tpu.memref_squeeze %dma_wait3A_2805 : memref<1x128x256xf32, #tpu.memory_space<hbm>> -> memref<128x256xf32, #tpu.memory_space<hbm>>
    %dma_wait3A_2807 = arith.constant 384 : i32
    %dma_wait3A_2808 = arith.constant 0 : i32
    %dma_wait3A_2809 = tpu.memref_slice %arg3[%add3A_2567, %dma_wait3A_2807, %dma_wait3A_2808] : memref<512x512x256xf32, #tpu.memory_space<hbm>> -> memref<1x128x256xf32, #tpu.memory_space<hbm>>
    %dma_wait3A_2810 = tpu.memref_squeeze %dma_wait3A_2809 : memref<1x128x256xf32, #tpu.memory_space<hbm>> -> memref<128x256xf32, #tpu.memory_space<hbm>>
    %dma_wait3A_2811 = arith.constant 32 : i32
    %dma_wait3A_2812 = arith.constant 0 : i32
    %dma_wait3A_2813 = tpu.memref_slice %arg5[%dma_wait3A_2811, %dma_wait3A_2812] : memref<256x256xf32, #tpu.memory_space<vmem>> -> memref<128x256xf32, #tpu.memory_space<vmem>>
    tpu.wait_dma2 semaphore(%arg7 : memref<!tpu.dma_semaphore, #tpu.memory_space<semaphore_mem>>) src(%dma_wait3A_2813 : memref<128x256xf32, #tpu.memory_space<vmem>>) dst(%dma_wait3A_2810 : memref<128x256xf32, #tpu.memory_space<hbm>>)
    %dma_wait3A_2814 = arith.constant 24 : i32
    %dma_wait3A_2815 = arith.constant 0 : i32
    %dma_wait3A_2816 = tpu.memref_slice %arg5[%dma_wait3A_2814, %dma_wait3A_2815] : memref<256x256xf32, #tpu.memory_space<vmem>> -> memref<128x256xf32, #tpu.memory_space<vmem>>
    %dma_wait3A_2817 = arith.constant 384 : i32
    %dma_wait3A_2818 = arith.constant 0 : i32
    %dma_wait3A_2819 = tpu.memref_slice %arg3[%add3A_2583, %dma_wait3A_2817, %dma_wait3A_2818] : memref<512x512x256xf32, #tpu.memory_space<hbm>> -> memref<1x128x256xf32, #tpu.memory_space<hbm>>
    %dma_wait3A_2820 = tpu.memref_squeeze %dma_wait3A_2819 : memref<1x128x256xf32, #tpu.memory_space<hbm>> -> memref<128x256xf32, #tpu.memory_space<hbm>>
    %dma_wait3A_2821 = arith.constant 384 : i32
    %dma_wait3A_2822 = arith.constant 0 : i32
    %dma_wait3A_2823 = tpu.memref_slice %arg3[%add3A_2583, %dma_wait3A_2821, %dma_wait3A_2822] : memref<512x512x256xf32, #tpu.memory_space<hbm>> -> memref<1x128x256xf32, #tpu.memory_space<hbm>>
    %dma_wait3A_2824 = tpu.memref_squeeze %dma_wait3A_2823 : memref<1x128x256xf32, #tpu.memory_space<hbm>> -> memref<128x256xf32, #tpu.memory_space<hbm>>
    %dma_wait3A_2825 = arith.constant 24 : i32
    %dma_wait3A_2826 = arith.constant 0 : i32
    %dma_wait3A_2827 = tpu.memref_slice %arg5[%dma_wait3A_2825, %dma_wait3A_2826] : memref<256x256xf32, #tpu.memory_space<vmem>> -> memref<128x256xf32, #tpu.memory_space<vmem>>
    tpu.wait_dma2 semaphore(%arg7 : memref<!tpu.dma_semaphore, #tpu.memory_space<semaphore_mem>>) src(%dma_wait3A_2827 : memref<128x256xf32, #tpu.memory_space<vmem>>) dst(%dma_wait3A_2824 : memref<128x256xf32, #tpu.memory_space<hbm>>)
    %dma_wait3A_2828 = arith.constant 16 : i32
    %dma_wait3A_2829 = arith.constant 0 : i32
    %dma_wait3A_2830 = tpu.memref_slice %arg5[%dma_wait3A_2828, %dma_wait3A_2829] : memref<256x256xf32, #tpu.memory_space<vmem>> -> memref<128x256xf32, #tpu.memory_space<vmem>>
    %dma_wait3A_2831 = arith.constant 384 : i32
    %dma_wait3A_2832 = arith.constant 0 : i32
    %dma_wait3A_2833 = tpu.memref_slice %arg3[%add3A_2599, %dma_wait3A_2831, %dma_wait3A_2832] : memref<512x512x256xf32, #tpu.memory_space<hbm>> -> memref<1x128x256xf32, #tpu.memory_space<hbm>>
    %dma_wait3A_2834 = tpu.memref_squeeze %dma_wait3A_2833 : memref<1x128x256xf32, #tpu.memory_space<hbm>> -> memref<128x256xf32, #tpu.memory_space<hbm>>
    %dma_wait3A_2835 = arith.constant 384 : i32
    %dma_wait3A_2836 = arith.constant 0 : i32
    %dma_wait3A_2837 = tpu.memref_slice %arg3[%add3A_2599, %dma_wait3A_2835, %dma_wait3A_2836] : memref<512x512x256xf32, #tpu.memory_space<hbm>> -> memref<1x128x256xf32, #tpu.memory_space<hbm>>
    %dma_wait3A_2838 = tpu.memref_squeeze %dma_wait3A_2837 : memref<1x128x256xf32, #tpu.memory_space<hbm>> -> memref<128x256xf32, #tpu.memory_space<hbm>>
    %dma_wait3A_2839 = arith.constant 16 : i32
    %dma_wait3A_2840 = arith.constant 0 : i32
    %dma_wait3A_2841 = tpu.memref_slice %arg5[%dma_wait3A_2839, %dma_wait3A_2840] : memref<256x256xf32, #tpu.memory_space<vmem>> -> memref<128x256xf32, #tpu.memory_space<vmem>>
    tpu.wait_dma2 semaphore(%arg7 : memref<!tpu.dma_semaphore, #tpu.memory_space<semaphore_mem>>) src(%dma_wait3A_2841 : memref<128x256xf32, #tpu.memory_space<vmem>>) dst(%dma_wait3A_2838 : memref<128x256xf32, #tpu.memory_space<hbm>>)
    %dma_wait3A_2842 = arith.constant 8 : i32
    %dma_wait3A_2843 = arith.constant 0 : i32
    %dma_wait3A_2844 = tpu.memref_slice %arg5[%dma_wait3A_2842, %dma_wait3A_2843] : memref<256x256xf32, #tpu.memory_space<vmem>> -> memref<128x256xf32, #tpu.memory_space<vmem>>
    %dma_wait3A_2845 = arith.constant 384 : i32
    %dma_wait3A_2846 = arith.constant 0 : i32
    %dma_wait3A_2847 = tpu.memref_slice %arg3[%add3A_2615, %dma_wait3A_2845, %dma_wait3A_2846] : memref<512x512x256xf32, #tpu.memory_space<hbm>> -> memref<1x128x256xf32, #tpu.memory_space<hbm>>
    %dma_wait3A_2848 = tpu.memref_squeeze %dma_wait3A_2847 : memref<1x128x256xf32, #tpu.memory_space<hbm>> -> memref<128x256xf32, #tpu.memory_space<hbm>>
    %dma_wait3A_2849 = arith.constant 384 : i32
    %dma_wait3A_2850 = arith.constant 0 : i32
    %dma_wait3A_2851 = tpu.memref_slice %arg3[%add3A_2615, %dma_wait3A_2849, %dma_wait3A_2850] : memref<512x512x256xf32, #tpu.memory_space<hbm>> -> memref<1x128x256xf32, #tpu.memory_space<hbm>>
    %dma_wait3A_2852 = tpu.memref_squeeze %dma_wait3A_2851 : memref<1x128x256xf32, #tpu.memory_space<hbm>> -> memref<128x256xf32, #tpu.memory_space<hbm>>
    %dma_wait3A_2853 = arith.constant 8 : i32
    %dma_wait3A_2854 = arith.constant 0 : i32
    %dma_wait3A_2855 = tpu.memref_slice %arg5[%dma_wait3A_2853, %dma_wait3A_2854] : memref<256x256xf32, #tpu.memory_space<vmem>> -> memref<128x256xf32, #tpu.memory_space<vmem>>
    tpu.wait_dma2 semaphore(%arg7 : memref<!tpu.dma_semaphore, #tpu.memory_space<semaphore_mem>>) src(%dma_wait3A_2855 : memref<128x256xf32, #tpu.memory_space<vmem>>) dst(%dma_wait3A_2852 : memref<128x256xf32, #tpu.memory_space<hbm>>)
    %dma_wait3A_2856 = arith.constant 0 : i32
    %dma_wait3A_2857 = arith.constant 0 : i32
    %dma_wait3A_2858 = tpu.memref_slice %arg5[%dma_wait3A_2856, %dma_wait3A_2857] : memref<256x256xf32, #tpu.memory_space<vmem>> -> memref<128x256xf32, #tpu.memory_space<vmem>>
    %dma_wait3A_2859 = arith.constant 384 : i32
    %dma_wait3A_2860 = arith.constant 0 : i32
    %dma_wait3A_2861 = tpu.memref_slice %arg3[%add3A_2631, %dma_wait3A_2859, %dma_wait3A_2860] : memref<512x512x256xf32, #tpu.memory_space<hbm>> -> memref<1x128x256xf32, #tpu.memory_space<hbm>>
    %dma_wait3A_2862 = tpu.memref_squeeze %dma_wait3A_2861 : memref<1x128x256xf32, #tpu.memory_space<hbm>> -> memref<128x256xf32, #tpu.memory_space<hbm>>
    %dma_wait3A_2863 = arith.constant 384 : i32
    %dma_wait3A_2864 = arith.constant 0 : i32
    %dma_wait3A_2865 = tpu.memref_slice %arg3[%add3A_2631, %dma_wait3A_2863, %dma_wait3A_2864] : memref<512x512x256xf32, #tpu.memory_space<hbm>> -> memref<1x128x256xf32, #tpu.memory_space<hbm>>
    %dma_wait3A_2866 = tpu.memref_squeeze %dma_wait3A_2865 : memref<1x128x256xf32, #tpu.memory_space<hbm>> -> memref<128x256xf32, #tpu.memory_space<hbm>>
    %dma_wait3A_2867 = arith.constant 0 : i32
    %dma_wait3A_2868 = arith.constant 0 : i32
    %dma_wait3A_2869 = tpu.memref_slice %arg5[%dma_wait3A_2867, %dma_wait3A_2868] : memref<256x256xf32, #tpu.memory_space<vmem>> -> memref<128x256xf32, #tpu.memory_space<vmem>>
    tpu.wait_dma2 semaphore(%arg7 : memref<!tpu.dma_semaphore, #tpu.memory_space<semaphore_mem>>) src(%dma_wait3A_2869 : memref<128x256xf32, #tpu.memory_space<vmem>>) dst(%dma_wait3A_2866 : memref<128x256xf32, #tpu.memory_space<hbm>>)
    return
  }
}

</mosaic_0001>

<sc_bundles>
// kernel: kernel.3.cloned.1.call-start
scs
__scs_entry_jumppad:
0x0: {  	(pc) =	sbr.rel $0x88, $3  }
0x1: {  	(tag) =	ssettag $0x0;
	lr =	simm.s32 $0x1  }
0x2: {  	[smem:$0x3FA0] =	sst lr;
	_ =	strace $0xD0000000  }
0x3: {  	_ = 	snop  }
0x4: {  	_ = 	snop  }
0x5: {  	_ = 	snop  }
0x6: {  	_ = 	snop  }
0x7: {  	_ = 	snop  }
__scs_overlays_trampoline_lowered:
0x8: {  	[smem:$0x3FAF] =	sst s0  }
0x9: {  	[smem:$0x3FB0] =	sst s1  }
0xa: {  	[smem:$0x3FB1] =	sst s2  }
0xb: {  	[smem:$0x3FB2] =	sst s3  }
0xc: {  	[smem:$0x3FB3] =	sst s4  }
0xd: {  	[smem:$0x3FB4] =	sst s5  }
0xe: {  	[smem:$0x3FB5] =	sst s6  }
0xf: {  	[smem:$0x3FB6] =	sst s7  }
0x10: {  	[smem:$0x3FB7] =	sst s8  }
0x11: {  	[smem:$0x3FB8] =	sst s9;
	s0 =	simm.s32 @!p0 $0x0  }
0x12: {  	s1 =	sld [smem:$0x3F9E];
	s0 =	simm.s32 @p0 $0x1  }
0x13: {  	[smem:$0x3FB9] =	sst s0;
	s0 =	simm.s32 @!p1 $0x0  }
0x14: {  	s2 =	sld [smem:$0x3F9D];
	s0 =	simm.s32 @p1 $0x1  }
0x15: {  	[smem:$0x3FBA] =	sst s0;
	s0 =	simm.s32 @!p2 $0x0  }
0x16: {  	s3 =	sld [smem:$0x3FDB];
	s0 =	simm.s32 @p2 $0x1  }
0x17: {  	s4 =	simm.s32 $0x1BF5;
	[smem:$0x3FBC] =	sst s0  }
0x18: {  	s0 =	sld [smem:$0x3F9F];
	_ =	swait.ge [sflag:s4], $0x0  }
0x19: {  	s7 =	sld [smem:$0x3FA0]  }
0x1a: {  	s8 =	sadd.s32 $0xFFFFE003, lr  }
0x1b: {  	s9 =	sadd.s32 $0xFFFFFEF7, lr;
	s5 =	simm.s32 $0xFFFFFFFF;
	p2 =	slt.u32 s8, $0xFFFFF086  }
0x1c: {  	p1 =	slt.u32 s9, $0xF7A;
	s5 =	simm.s32 @!p2 $0x0  }
0x1d: {  	s5 =	simm.s32 @p1 $0x1;
	p0 =	seq.s32 s7, s2  }
0x1e: {  	s7 =	smul.u32 @!p0 $0xF7A, s2;
	p2 =	seq.s32 @!p0 s5, $0x0  }
0x1f: {  	s9 =	smul.u32 $0xF7A, s1;
	s8 =	simm.s32 @!p0 $0x1BF5;
	p2 =	por !p2, p0  }
0x20: {  	[sflag:s8] =	ssyncset.s32 @!p0 $0xFFFFF086;
	s6 =	sadd.s32 @!p0 s3, s7;
	s7 =	simm.s32 @!p0 $0x108  }
0x21: {  	s3 =	sadd.s32 s3, s9;
	s6 =	sadd.s32 @!p0 $0x88, s6;
	s7 =	simm.s32 @p2 $0x1082  }
0x22: {  	[simem:s7], [sflag:s8] =	dma.local @!p0 [hbm:s6], $0xF7A  }
0x23: {  	s9 =	sor.u32 $0xD0000000, s2;
	s6 =	simm.s32 $0x108;
	_ =	swait.ge @!p0 [sflag:s8], $0x0  }
0x24: {  	s3 =	sadd.s32 $0x88, s3;
	s6 =	simm.s32 @!p1 $0x1082;
	[sflag:s4] =	ssyncset.s32 $0xFFFFF086  }
0x25: {  	[simem:s6], [sflag:s4] =	dma.local [hbm:s3], $0xF7A  }
0x26: {  	[smem:$0x3FA0] =	sst s1;
	(tag) =	ssettag s2;
	_ =	strace s9  }
0x27: {  	s1 =	sld [smem:$0x3FB0]  }
0x28: {  	s2 =	sld [smem:$0x3FB1]  }
0x29: {  	s4 =	sld [smem:$0x3FB3]  }
0x2a: {  	p0 =	seq.s32 s5, $0x0;
	s5 =	sld [smem:$0x3FB4]  }
0x2b: {  	s6 =	sld [smem:$0x3FB5]  }
0x2c: {  	s7 =	sld [smem:$0x3FB6]  }
0x2d: {  	s3 =	simm.s32 $0x108;
	s8 =	sld [smem:$0x3FB7]  }
0x2e: {  	s3 =	simm.s32 @!p0 $0x1082;
	s9 =	sld [smem:$0x3FB8]  }
0x2f: {  	lr =	sadd.s32 s0, s3;
	s0 =	sld [smem:$0x3FAF]  }
0x30: {  	s3 =	sld [smem:$0x3FB2]  }
0x31: {  	[smem:$0x3FBB] =	sst s10  }
0x32: {  	s10 =	sld [smem:$0x3FB9];
	_ =	sdelay $0x3  }
0x33: {  	p0 =	seq.s32 s10, $0x1;
	s10 =	sld [smem:$0x3FBB];
	_ =	sdelay $0x3  }
0x34: {  	[smem:$0x3FBB] =	sst s10  }
0x35: {  	s10 =	sld [smem:$0x3FBA];
	_ =	sdelay $0x3  }
0x36: {  	p1 =	seq.s32 s10, $0x1;
	s10 =	sld [smem:$0x3FBB];
	_ =	sdelay $0x3  }
0x37: {  	[smem:$0x3FBB] =	sst s10  }
0x38: {  	s10 =	sld [smem:$0x3FBC]  }
0x39: {  	_ = 	snop;
	(pc) =	sbr.ind lr, $3  }
0x3a: {  	_ = 	snop  }
0x3b: {  	_ = 	snop  }
0x3c: {  	p2 =	seq.s32 s10, $0x1;
	s10 =	sld [smem:$0x3FBB]  }
0x3d: {  	_ =	shalt  }
0x3e: {  	_ =	shalt  }
0x3f: {  	_ =	shalt  }
0x40: {  	_ =	shalt  }
0x41: {  	_ =	shalt  }
0x42: {  	_ =	shalt  }
0x43: {  	_ =	shalt  }
0x44: {  	_ =	shalt  }
0x45: {  	_ =	shalt  }
0x46: {  	_ =	shalt  }
0x47: {  	_ =	shalt  }
0x48: {  	_ =	shalt  }
0x49: {  	_ =	shalt  }
0x4a: {  	_ =	shalt  }
0x4b: {  	_ =	shalt  }
0x4c: {  	_ =	shalt  }
0x4d: {  	_ =	shalt  }
0x4e: {  	_ =	shalt  }
0x4f: {  	_ =	shalt  }
0x50: {  	_ =	shalt  }
0x51: {  	_ =	shalt  }
0x52: {  	_ =	shalt  }
0x53: {  	_ =	shalt  }
0x54: {  	_ =	shalt  }
0x55: {  	_ =	shalt  }
0x56: {  	_ =	shalt  }
0x57: {  	_ =	shalt  }
0x58: {  	_ =	shalt  }
0x59: {  	_ =	shalt  }
0x5a: {  	_ =	shalt  }
0x5b: {  	_ =	shalt  }
0x5c: {  	_ =	shalt  }
0x5d: {  	_ =	shalt  }
0x5e: {  	_ =	shalt  }
0x5f: {  	_ =	shalt  }
0x60: {  	_ =	shalt  }
0x61: {  	_ =	shalt  }
0x62: {  	_ =	shalt  }
0x63: {  	_ =	shalt  }
0x64: {  	_ =	shalt  }
0x65: {  	_ =	shalt  }
0x66: {  	_ =	shalt  }
0x67: {  	_ =	shalt  }
0x68: {  	_ =	shalt  }
0x69: {  	_ =	shalt  }
0x6a: {  	_ =	shalt  }
0x6b: {  	_ =	shalt  }
0x6c: {  	_ =	shalt  }
0x6d: {  	_ =	shalt  }
0x6e: {  	_ =	shalt  }
0x6f: {  	_ =	shalt  }
0x70: {  	_ =	shalt  }
0x71: {  	_ =	shalt  }
0x72: {  	_ =	shalt  }
0x73: {  	_ =	shalt  }
0x74: {  	_ =	shalt  }
0x75: {  	_ =	shalt  }
0x76: {  	_ =	shalt  }
0x77: {  	_ =	shalt  }
0x78: {  	_ =	shalt  }
0x79: {  	_ =	shalt  }
0x7a: {  	_ =	shalt  }
0x7b: {  	_ =	shalt  }
0x7c: {  	_ =	shalt  }
0x7d: {  	_ =	shalt  }
0x7e: {  	_ =	shalt  }
0x7f: {  	_ =	shalt  }
0x80: {  	_ =	shalt  }
0x81: {  	_ =	shalt  }
0x82: {  	_ =	shalt  }
0x83: {  	_ =	shalt  }
0x84: {  	_ =	shalt  }
0x85: {  	_ =	shalt  }
0x86: {  	_ =	shalt  }
0x87: {  	_ =	shalt  }
.Lfunc_end0:
.L_simem_size_0:
called_computation_lowered:
.L_overlay_start_0:
0x88: {  	s2 =	sld [smem:$0x3FD9]  }
0x89: {  	s3 =	sld [smem:$0x3FFE];
	_ =	sdelay $0x1  }
0x8a: {  	s1 =	srdreg.scid  }
0x8b: {  	s0 =	sand.u32 $0x1, s1  }
0x8c: {  	s18 =	sshll.u32 s0, $0xA;
	s2 =	sadd.s32 s3, s2  }
0x8d: {  	s2 =	sadd.s32 s2, s18  }
0x8e: {  	[smem:$0x3FC7] =	sst s2  }
0x8f: {  	_ = 	snop  }
0x90: {  	s2 =	sld [smem:$0x3FC9]  }
0x91: {  	s19 =	sld [smem:$0x3FD0];
	(tm) =	ssettm $0x1  }
0x92: {  	s4 =	sld [smem:$0x3FFB];
	_ =	sdelay $0x3  }
0x93: {  	_ =	strace s4  }
0x94: {  	s4 =	sld [smem:$0x3FFC];
	_ =	sdelay $0x3  }
0x95: {  	_ =	strace s4  }
0x96: {  	s4 =	sld [smem:$0x3FFD];
	_ =	sdelay $0x3  }
0x97: {  	_ =	strace s4  }
0x98: {  	_ =	strace $0x8FFFFFFF  }
0x99: {  	s20 =	sld [smem:$0x3FDB];
	_ =	sdelay $0x1  }
0x9a: {  	s5 =	simm.s32 $_scs_section_size  }
0x9b: {  	s6 =	simm.s32 $_size__tile_overlayer_lowered;
	s7 =	simm.s32 $_tile_overlayer_lowered  }
0x9c: {  	s23 =	simm.s32 $0x1BFF;
	s22 =	sshll.u32 s7, $0x1;
	s4 =	sadd.s32 s5, s20  }
0x9d: {  	s8 =	simm.s32 $0x0;
	s21 =	sshll.u32 s6, $0x1;
	s6 =	sadd.s32 s22, s4  }
0x9e: {  	[timem:s8], [sflag:s23] =	dma.local [hbm:s6], s21  }
0x9f: {  	_ =	swait.ge [sflag:s23], s21  }
0xa0: {  	s5 =	ssub.s32 $0x0, s21;
	[sflag:s23] =	ssyncset.done $0x0  }
0xa1: {  	[sflag:s23] =	ssyncadd.s32 s5;
	_ =	sdelay $0x1  }
0xa2: {  	s24 =	simm.s32 $0x1B8B  }
0xa3: {  	_ =	swait.ge [sflag:s24], $0x1  }
0xa4: {  	[sflag:s24] =	ssyncset.done $0x0  }
0xa5: {  	s25 =	simm.s32 $0x1B8E;
	[sflag:s24] =	ssyncadd.s32 $0xFFFFFFFF  }
0xa6: {  	s26 =	simm.s32 $execute0_lowered;
	[smem:$0x3FD2] =	sst s25  }
0xa7: {  	s5 =	sshll.u32 s26, $0x1;
	_ =	strace $0x80000046;
	[dreg:$0x1] =	wrdreg $0xFFFFFFFF  }
0xa8: {  	s28 =	simm.s32 $_size_execute0_lowered;
	s4 =	sadd.s32 s4, s5;
	[dreg:$0x0] =	wrdreg $0x0  }
0xa9: {  	s5 =	sshll.u32 s28, $0x1;
	[dreg:$0x2] =	wrdreg s4  }
0xaa: {  	[dreg:$0x3] =	wrdreg s5  }
0xab: {  	[dreg:$0x4] =	wrdreg $0xC0  }
0xac: {  	_ =	task [dreg:s8], $0x5FFFF  }
0xad: {  	[dreg:$0x1] =	wrdreg $0xFFFFFFFF  }
0xae: {  	[dreg:$0x0] =	wrdreg $0x60  }
0xaf: {  	[dreg:$0x2] =	wrdreg s2  }
0xb0: {  	[dreg:$0x3] =	wrdreg s19  }
0xb1: {  	[dreg:$0x4] =	wrdreg $0x9  }
0xb2: {  	_ =	task.clear_ibuf [dreg:s8], $0x5FFFF;
	_ =	strace $0x90000046  }
0xb3: {  	s29 =	simm.s32 $0x9;
	_ =	strace $0x80000048  }
0xb4: {  	_ =	swait.ge [sflag:s29], $0x1  }
0xb5: {  	[sflag:s29] =	ssyncadd.s32 $0xFFFFFFFF  }
0xb6: {  	_ =	strace $0x90000048  }
0xb7: {  	_ =	sfence  }
0xb8: {  	s30 =	sld [smem:$0x0];
	_ =	sdelay $0x2  }
0xb9: {  	s31 =	sshll.u32 s1, $0xD;
	s1 =	sshrl.u32 s1, $0x2  }
0xba: {  	s3 =	sand.u32 $0x4000, s31;
	s1 =	sadd.s32 s1, s30  }
0xbb: {  	s0 =	sor.u32 s3, s0;
	s1 =	sshll.u32 s1, $0x11  }
0xbc: {  	s0 =	sor.u32 s1, s0  }
0xbd: {  	s0 =	sadd.s32 $0x8F2B, s0  }
0xbe: {  	[sflag:s0] =	ssyncadd.remote.s32 $0x1  }
0xbf: {  	_ =	sfence.sel $0xFFFF  }
0xc0: {  	[dreg:$0x0] =	wrdreg $0xFFFFFFFF;
	(pc) =	sbr.abs _section_cstart, $3  }
0xc1: {  	[dreg:$0x1] =	wrdreg $0xFFFFFFFF  }
0xc2: {  	_ =	task.clear_ibuf [dreg:s8], $0x2FFFF;
	_ =	strace $0x9FFFFFFF  }
0xc3: {  	(tm) =	ssettm $0x7FFFFFFF  }
tec
execute0_lowered:
.L_overlay_start_1:
0x0: {  	(tag) =	ssettag $0x1  }
0x1: {  	s1 =	stileid.u32  }
0x2: {  	s0 =	sshll.u32 s1, $0x1;
	s1 =	sshll.u32 s1, $0x5  }
0x3: {  	s3 =	srdreg.scid;
	s0 =	sor.u32 s0, s1  }
0x4: {  	s1 =	sand.u32 $0x1, s3;
	s0 =	sand.u32 $0x186, s0  }
0x5: {  	s2 =	rddreg [dreg:$0x0];
	s5 =	sor.u32 s1, s0  }
0x6: {  	s4 =	rddreg [dreg:$0x1];
	s3 =	simm.s32 $0x0;
	s0 =	sshll.u32 s5, $0xE  }
0x7: {  	[smem:$0x7FF] =	sst s3;
	s4 =	sadd.s32 s4, s0  }
0x8: {  	_ =	strace $0x80000047;
	s0 =	sadd.s32 $0x20000, s4;
	[smem:$0x7FC] =	sst s4  }
0x9: {  	s8 =	sadd.s32 $0x40000, s4;
	[dreg:$0x3] =	wrdreg s0  }
0xa: {  	s9 =	sadd.s32 $0x60000, s4;
	[dreg:$0x4] =	wrdreg s8  }
0xb: {  	s10 =	sadd.s32 $0x80000, s4;
	[dreg:$0x5] =	wrdreg s9  }
0xc: {  	s11 =	sadd.s32 $0xA0000, s4;
	[dreg:$0x6] =	wrdreg s10  }
0xd: {  	s12 =	sadd.s32 $0xC0000, s4;
	[dreg:$0x7] =	wrdreg s11  }
0xe: {  	v7 =	vlaneseq.u32;
	s13 =	sadd.s32 $0xE0000, s4;
	[dreg:$0x8] =	wrdreg s12  }
0xf: {  	v40 =	vmul.u32 $0xFFFFFFFF, v7;
	s14 =	sadd.s32 $0x100000, s4;
	[dreg:$0x9] =	wrdreg s13  }
0x10: {  	v9 =	vshrl.u32 v7, $0x3;
	s15 =	sadd.s32 $0x120000, s4;
	[dreg:$0xa] =	wrdreg s14  }
0x11: {  	v10 =	vor.u32 $0x8, v7;
	v9 =	vmul.u32 $0x8, v9;
	v47 =	vadd.s32 $0xFFFFFFF0, v40;
	s16 =	sadd.s32 $0x140000, s4;
	[dreg:$0xb] =	wrdreg s15  }
0x12: {  	v48 =	vadd.s32 $0xFFFFFFE0, v40;
	v49 =	vadd.s32 $0xFFFFFFD0, v40;
	v50 =	vadd.s32 $0xFFFFFFC0, v40;
	s17 =	sadd.s32 $0x160000, s4;
	[dreg:$0xc] =	wrdreg s16  }
0x13: {  	v51 =	vadd.s32 $0xFFFFFFB0, v40;
	v52 =	vadd.s32 $0xFFFFFFA0, v40;
	v53 =	vadd.s32 $0xFFFFFF90, v40;
	s18 =	sadd.s32 $0x180000, s4;
	[dreg:$0xd] =	wrdreg s17  }
0x14: {  	v54 =	vadd.s32 $0xFFFFFF80, v40;
	v55 =	vadd.s32 $0xFFFFFF70, v40;
	v12 =	vadd.s32 $0xFFFFFF60, v40;
	s19 =	sadd.s32 $0x1A0000, s4;
	s6 =	sadd.s32 $0x1C0000, s4;
	[dreg:$0xe] =	wrdreg s18  }
0x15: {  	v5 =	vadd.s32 $0xFFFFFF50, v40;
	v4 =	vadd.s32 $0xFFFFFF40, v40;
	v2 =	vadd.s32 $0xFFFFFF20, v40;
	[dreg:$0xf] =	wrdreg s19;
	s0 =	sadd.s32 $0x277, s5;
	s8 =	sadd.s32 $0x1F7, s5  }
0x16: {  	s20 =	sadd.s32 $0x1E0000, s4;
	[dreg:$0x10] =	wrdreg s6;
	v0 =	vadd.s32 s0, v40;
	v1 =	vadd.s32 s0, v47;
	v13 =	vadd.s32 s8, v40  }
0x17: {  	s21 =	sadd.s32 $0x1000, s4;
	[dreg:$0x11] =	wrdreg s20;
	v15 =	vadd.s32 s8, v50;
	v17 =	vadd.s32 s8, v52;
	v16 =	vadd.s32 s8, v51  }
0x18: {  	s24 =	sadd.s32 $0x61000, s4;
	[dreg:$0x12] =	wrdreg s21;
	v18 =	vadd.s32 s8, v53;
	v19 =	vadd.s32 s8, v54;
	v20 =	vadd.s32 s8, v55  }
0x19: {  	s22 =	sadd.s32 $0x21000, s4;
	[dreg:$0x15] =	wrdreg s24;
	s24 =	sadd.s32 $0x177, s5;
	v21 =	vadd.s32 s8, v12;
	v22 =	vadd.s32 s8, v5;
	v23 =	vadd.s32 s8, v4  }
0x1a: {  	s23 =	sadd.s32 $0x41000, s4;
	[dreg:$0x13] =	wrdreg s22;
	v25 =	vadd.s32 s8, v2;
	v29 =	vadd.s32 s24, v40;
	v32 =	vadd.s32 s24, v50  }
0x1b: {  	s25 =	sadd.s32 $0x81000, s4;
	[dreg:$0x14] =	wrdreg s23;
	v30 =	vadd.s32 s24, v48;
	v31 =	vadd.s32 s24, v49;
	v33 =	vadd.s32 s24, v51  }
0x1c: {  	s26 =	sadd.s32 $0xA1000, s4;
	[dreg:$0x16] =	wrdreg s25;
	v34 =	vadd.s32 s24, v52;
	v35 =	vadd.s32 s24, v53;
	v36 =	vadd.s32 s24, v54  }
0x1d: {  	s30 =	sadd.s32 $0xC1000, s4;
	[dreg:$0x17] =	wrdreg s26;
	v37 =	vadd.s32 s24, v55;
	v38 =	vadd.s32 s24, v12;
	v39 =	vadd.s32 s24, v5  }
0x1e: {  	[dreg:$0x18] =	wrdreg s30;
	s22 =	sadd.s32 $0xE2000, s4;
	v41 =	vadd.s32 s24, v4;
	v45 =	vadd.s32 s24, v2;
	v59 =	vadd.s32 s0, v5  }
0x1f: {  	s31 =	sadd.s32 $0xE1000, s4;
	[smem:$0x7E4] =	sst s22;
	s22 =	sadd.s32 $0xF7, s5;
	v60 =	vadd.s32 s0, v4;
	vm0 =	vgt.s32 v0, $0x0;
	[tilespmem:$0x1FFF0] =	vst v1;
	v1 =	vadd.s32 s0, v48  }
0x20: {  	s7 =	sadd.s32 $0x101000, s4;
	[dreg:$0x19] =	wrdreg s31;
	vm1 =	vgt.s32 v36, $0x0;
	v42 =	vadd.s32 s22, v40;
	v56 =	vadd.s32 s22, v53  }
0x21: {  	[dreg:$0x1a] =	wrdreg s7;
	s7 =	sadd.s32 $0x121000, s4;
	v57 =	vadd.s32 s22, v54;
	v58 =	vadd.s32 s22, v55;
	v5 =	vadd.s32 s22, v5  }
0x22: {  	s9 =	sadd.s32 $0x141000, s4;
	[dreg:$0x1b] =	wrdreg s7;
	v4 =	vadd.s32 s22, v4;
	v14 =	vadd.s32 s22, v2;
	v0 =	vnsel vm0, $0x0, v0  }
0x23: {  	s10 =	sadd.s32 $0x161000, s4;
	[dreg:$0x1c] =	wrdreg s9;
	[tilespmem:$0x1FF50] =	vst v1;
	v1 =	vadd.s32 s0, v49;
	vm0 =	vgt.s32 v13, $0x0;
	v36 =	vnsel vm1, $0x0, v36  }
0x24: {  	s11 =	sadd.s32 $0x181000, s4;
	[dreg:$0x1d] =	wrdreg s10;
	vm1 =	vgt.s32 v39, $0x0;
	[tilespmem:$0x1FF60] =	vst v1;
	v1 =	vadd.s32 s0, v50;
	v3 =	vshll.u32 v0, $0x1  }
0x25: {  	s12 =	sadd.s32 $0x1A1000, s4;
	[dreg:$0x1e] =	wrdreg s11;
	v6 =	vand.u32 $0x7, v0;
	v39 =	vnsel vm1, $0x0, v39;
	vm1 =	vgt.s32 v42, $0x0  }
0x26: {  	s13 =	sadd.s32 $0x1C1000, s4;
	[dreg:$0x1f] =	wrdreg s12;
	v50 =	vadd.s32 s22, v50;
	[tilespmem:$0x1FF70] =	vst v1;
	v1 =	vadd.s32 s0, v51;
	v8 =	vand.u32 $0xFFFFFFF0, v3  }
0x27: {  	s14 =	sadd.s32 $0x1E1000, s4;
	[smem:$0x7DB] =	sst s13;
	v3 =	vadd.s32 $0xFFFFFF10, v40;
	v51 =	vadd.s32 s22, v51;
	[tilespmem:$0x1FF80] =	vst v1;
	v1 =	vadd.s32 s0, v52  }
0x28: {  	s15 =	sadd.s32 $0x2000, s4;
	[smem:$0x7DC] =	sst s14;
	v11 =	vor.u32 v6, v8;
	v8 =	vand.u32 $0x7, v7;
	v26 =	vadd.s32 s8, v3  }
0x29: {  	s16 =	sadd.s32 $0x22000, s4;
	[smem:$0x7DD] =	sst s15;
	v63 =	vadd.s32 s24, v3;
	[tilespmem:$0x1FF90] =	vst v1;
	v1 =	vadd.s32 s0, v53;
	v6 =	vperm.xlane v11, v8  }
0x2a: {  	s17 =	sadd.s32 $0x42000, s4;
	[smem:$0x7DE] =	sst s16;
	v7 =	vperm.xlane v11, v10;
	v11 =	vnsel vm0, $0x0, v13;
	v13 =	vadd.s32 s8, v47;
	[tilespmem:$0x1FFA0] =	vst v1  }
0x2b: {  	s18 =	sadd.s32 $0x62000, s4;
	[smem:$0x7DF] =	sst s17;
	v52 =	vadd.s32 s22, v52;
	vm0 =	vgt.s32 v15, $0x0;
	[tilespmem:$0x1FFB0] =	vst v13;
	v13 =	vadd.s32 s8, v48  }
0x2c: {  	s19 =	sadd.s32 $0x82000, s4;
	[smem:$0x7E0] =	sst s18;
	v53 =	vadd.s32 s0, v54;
	v54 =	vadd.s32 s0, v55;
	[tilespmem:$0x1FFC0] =	vst v13;
	v13 =	vadd.s32 s8, v49  }
0x2d: {  	s20 =	sadd.s32 $0xA2000, s4;
	[smem:$0x7E1] =	sst s19;
	v1 =	vadd.s32 $0xFFFFFF30, v40;
	[tilespmem:$0x1FFD0] =	vst v13;
	v13 =	vnsel vm0, $0x0, v15;
	vm0 =	vgt.s32 v17, $0x0  }
0x2e: {  	s21 =	sadd.s32 $0xC2000, s4;
	[smem:$0x7E2] =	sst s20;
	v27 =	vshll.u32 v11, $0x1;
	v17 =	vnsel vm0, $0x0, v17;
	vm0 =	vgt.s32 v18, $0x0  }
0x2f: {  	s23 =	sadd.s32 $0x102000, s4;
	[smem:$0x7E3] =	sst s21;
	v28 =	vand.u32 $0x7, v11;
	v18 =	vnsel vm0, $0x0, v18;
	vm0 =	vgt.s32 v19, $0x0  }
0x30: {  	s25 =	sadd.s32 $0x122000, s4;
	[smem:$0x7E5] =	sst s23;
	v48 =	vadd.s32 s22, v48;
	v19 =	vnsel vm0, $0x0, v19;
	vm0 =	vgt.s32 v20, $0x0  }
0x31: {  	s26 =	sadd.s32 $0x142000, s4;
	[smem:$0x7E6] =	sst s25;
	v24 =	vadd.s32 s8, v1;
	v20 =	vnsel vm0, $0x0, v20;
	vm0 =	vgt.s32 v21, $0x0  }
0x32: {  	s30 =	sadd.s32 $0x162000, s4;
	[smem:$0x7E7] =	sst s26;
	v27 =	vand.u32 $0xFFFFFFF0, v27;
	v21 =	vnsel vm0, $0x0, v21;
	vm0 =	vgt.s32 v22, $0x0  }
0x33: {  	s31 =	sadd.s32 $0x182000, s4;
	[smem:$0x7E8] =	sst s30;
	v44 =	vadd.s32 s24, v1;
	v22 =	vnsel vm0, $0x0, v22;
	vm0 =	vgt.s32 v23, $0x0  }
0x34: {  	[smem:$0x7E9] =	sst s31;
	s9 =	sadd.s32 $0x1C2000, s4;
	v49 =	vadd.s32 s22, v49;
	v23 =	vnsel vm0, $0x0, v23;
	vm0 =	vgt.s32 v24, $0x0  }
0x35: {  	s10 =	sadd.s32 $0x1E2000, s4;
	[smem:$0x7EB] =	sst s9;
	v6 =	vadd.s32 v9, v6;
	v24 =	vnsel vm0, $0x0, v24;
	vm0 =	vgt.s32 v25, $0x0  }
0x36: {  	s11 =	sadd.s32 $0x3000, s4;
	[smem:$0x7EC] =	sst s10;
	v7 =	vadd.s32 v9, v7;
	v25 =	vnsel vm0, $0x0, v25;
	vm0 =	vgt.s32 v26, $0x0  }
0x37: {  	s12 =	sadd.s32 $0x23000, s4;
	[smem:$0x7ED] =	sst s11;
	v27 =	vor.u32 v28, v27;
	v26 =	vnsel vm0, $0x0, v26;
	vm0 =	vgt.s32 v29, $0x0  }
0x38: {  	s13 =	sadd.s32 $0x43000, s4;
	[smem:$0x7EE] =	sst s12;
	v15 =	vadd.s32 s22, v3;
	v28 =	vnsel vm0, $0x0, v29;
	vm0 =	vgt.s32 v32, $0x0  }
0x39: {  	s14 =	sadd.s32 $0x63000, s4;
	[smem:$0x7EF] =	sst s13;
	[tilespmem:$0x1FFE0] =	vst v13;
	v13 =	vadd.s32 s22, v1;
	v32 =	vnsel vm0, $0x0, v32;
	vm0 =	vgt.s32 v34, $0x0  }
0x3a: {  	s15 =	sadd.s32 $0x83000, s4;
	[smem:$0x7F0] =	sst s14;
	v29 =	vadd.s32 s24, v47;
	v34 =	vnsel vm0, $0x0, v34;
	vm0 =	vgt.s32 v35, $0x0  }
0x3b: {  	s16 =	sadd.s32 $0xA3000, s4;
	[smem:$0x7F1] =	sst s15;
	v47 =	vadd.s32 s22, v47;
	v35 =	vnsel vm0, $0x0, v35;
	vm0 =	vgt.s32 v37, $0x0  }
0x3c: {  	s17 =	sadd.s32 $0xC3000, s4;
	[smem:$0x7F2] =	sst s16;
	v43 =	vshll.u32 v28, $0x1;
	v37 =	vnsel vm0, $0x0, v37;
	vm0 =	vgt.s32 v38, $0x0  }
0x3d: {  	s18 =	sadd.s32 $0xE3000, s4;
	[smem:$0x7F3] =	sst s17;
	v61 =	vand.u32 $0x7, v28;
	v38 =	vnsel vm0, $0x0, v38;
	vm0 =	vgt.s32 v41, $0x0  }
0x3e: {  	s19 =	sadd.s32 $0x103000, s4;
	[smem:$0x7F4] =	sst s18;
	v43 =	vand.u32 $0xFFFFFFF0, v43;
	v40 =	vnsel vm0, $0x0, v41;
	vm0 =	vgt.s32 v44, $0x0  }
0x3f: {  	s28 =	simm.s32 $0x1;
	s20 =	sadd.s32 $0x123000, s4;
	[smem:$0x7F5] =	sst s19;
	v41 =	vnsel vm1, $0x0, v42;
	v42 =	vor.u32 v61, v43;
	vm1 =	vgt.s32 v45, $0x0  }
0x40: {  	s29 =	simm.s32 $0x2;
	s21 =	sadd.s32 $0x143000, s4;
	[smem:$0x7F6] =	sst s20;
	v61 =	vadd.s32 s0, v1;
	v46 =	vshll.u32 v41, $0x1;
	v62 =	vand.u32 $0x7, v41  }
0x41: {  	s1 =	ssub.s32 $0x2, s1;
	s23 =	sadd.s32 $0x163000, s4;
	[smem:$0x7F7] =	sst s21;
	v44 =	vnsel vm0, $0x0, v44;
	vm0 =	vgt.s32 v63, $0x0;
	v46 =	vand.u32 $0xFFFFFFF0, v46  }
0x42: {  	s25 =	sadd.s32 $0x1A3000, s4;
	s26 =	sshrl.u32 s1, $0x1;
	[smem:$0x7F8] =	sst s23;
	v43 =	vor.u32 v62, v46;
	v46 =	vnsel vm0, $0x0, v63;
	vm0 =	vgt.s32 v50, $0x0  }
0x43: {  	s30 =	sadd.s32 $0x1C3000, s4;
	s31 =	sadd.s32 $0x1E3000, s4;
	[smem:$0x7FA] =	sst s25;
	v45 =	vnsel vm1, $0x0, v45;
	v50 =	vnsel vm0, $0x0, v50;
	vm0 =	vgt.s32 v52, $0x0  }
0x44: {  	s7 =	simm.s32 $0x900;
	s1 =	ssub.s32 s1, s26;
	[smem:$0x7FB] =	sst s30;
	vm1 =	vgt.s32 v57, $0x0;
	v52 =	vnsel vm0, $0x0, v52;
	vm0 =	vgt.s32 v56, $0x0  }
0x45: {  	[smem:$0x7FD] =	sst s31;
	s23 =	simm.s32 $0x100;
	s9 =	simm.s32 $0x1900;
	v55 =	vnsel vm0, $0x0, v56;
	v56 =	vnsel vm1, $0x0, v57;
	vm0 =	vgt.s32 v58, $0x0  }
0x46: {  	s10 =	simm.s32 $0x2100;
	s11 =	simm.s32 $0x2900;
	s12 =	simm.s32 $0x3100;
	v57 =	vnsel vm0, $0x0, v58;
	v58 =	vadd.s32 s0, v12;
	v12 =	vadd.s32 s22, v12  }
0x47: {  	s13 =	simm.s32 $0x3900;
	s14 =	simm.s32 $0x4100;
	s15 =	simm.s32 $0x4900;
	v62 =	vadd.s32 s0, v2;
	v63 =	vadd.s32 s0, v3;
	vm0 =	vgt.s32 v12, $0x0  }
0x48: {  	s16 =	simm.s32 $0x5100;
	s17 =	simm.s32 $0x5900;
	s18 =	simm.s32 $0x6100;
	vm1 =	vgt.s32 v5, $0x0;
	v1 =	vnsel vm0, $0x0, v12;
	vm0 =	vgt.s32 v4, $0x0  }
0x49: {  	s19 =	simm.s32 $0x6900;
	s20 =	simm.s32 $0x7100;
	s8 =	sadd.s32 $0x1A2000, s4;
	v2 =	vnsel vm1, $0x0, v5;
	v3 =	vnsel vm0, $0x0, v4;
	vm0 =	vgt.s32 v13, $0x0  }
0x4a: {  	s21 =	simm.s32 $0x7900;
	[smem:$0x7EA] =	sst s8;
	s24 =	sadd.s32 $0x183000, s4;
	vm1 =	vgt.s32 v14, $0x0;
	v4 =	vnsel vm0, $0x0, v13;
	vm0 =	vgt.s32 v15, $0x0  }
0x4b: {  	s5 =	smax.u32 s1, $0x1;
	s8 =	simm.s32 $0x1100;
	[smem:$0x7F9] =	sst s24;
	v5 =	vnsel vm1, $0x0, v14;
	v12 =	vnsel vm0, $0x0, v15;
	v15 =	vld [tilespmem:$0x1FFF0];
	vm0 =	vmmov $0xffff  }
.LBB2_1:
0x4c: {  	v13 =	vld [tilespmem:$0x1FF50];
	_ =	sdelay $0x4  }
0x4d: {  	[tilespmem:$0x20] =	vst v13;
	v13 =	vld [tilespmem:$0x1FF60];
	_ =	sdelay $0x4  }
0x4e: {  	[tilespmem:$0x30] =	vst v13;
	v13 =	vld [tilespmem:$0x1FF70];
	_ =	sdelay $0x4  }
0x4f: {  	[tilespmem:$0x40] =	vst v13;
	v13 =	vld [tilespmem:$0x1FF80];
	_ =	sdelay $0x2  }
0x50: {  	[tilespmem:$0x0] =	vst v0  }
0x51: {  	[tilespmem:$0x10] =	vst v15  }
0x52: {  	[tilespmem:$0x50] =	vst v13;
	v13 =	vld [tilespmem:$0x1FF90]  }
0x53: {  	[tilespmem:$0x80] =	vst v53  }
0x54: {  	[tilespmem:$0x90] =	vst v54  }
0x55: {  	[tilespmem:$0xA0] =	vst v58  }
0x56: {  	[tilespmem:$0xB0] =	vst v59  }
0x57: {  	[tilespmem:$0x60] =	vst v13;
	v13 =	vld [tilespmem:$0x1FFA0]  }
0x58: {  	[tilespmem:$0xC0] =	vst v60  }
0x59: {  	[tilespmem:$0xD0] =	vst v61  }
0x5a: {  	[tilespmem:$0xE0] =	vst v62  }
0x5b: {  	[tilespmem:$0xF0] =	vst v63  }
0x5c: {  	[tilespmem:$0x70] =	vst v13  }
0x5d: {  	[tilespmem:s23], [sflag:$0x1] =	stream.indirect_vreg.gather [hbm4b:s2+s3], $0x80, v6, vm0, $0xb8;
	[tilespmem:$0x10100] =	vst v63  }
0x5e: {  	_ = 	snop  }
0x5f: {  	[tilespmem:s7], [sflag:$0x1] =	stream.indirect_vreg.gather [hbm4b:s2+s3], $0x80, v7, vm0, $0xb8;
	[tilespmem:$0x10100] =	vst v63  }
0x60: {  	v13 =	vld [tilespmem:$0x10];
	_ =	sdelay $0x4  }
0x61: {  	v14 =	vshll.u32 v13, $0x1  }
0x62: {  	v13 =	vand.u32 $0x7, v13;
	v14 =	vand.u32 $0xFFFFFFF0, v14  }
0x63: {  	v13 =	vor.u32 v13, v14  }
0x64: {  	v14 =	vperm.xlane v13, v8;
	_ =	sdelay $0x1  }
0x65: {  	v13 =	vperm.xlane v13, v10;
	v14 =	vadd.s32 v9, v14;
	_ =	sdelay $0x1  }
0x66: {  	v13 =	vadd.s32 v9, v13;
	_ =	sdelay $0x2  }
0x67: {  	[tilespmem:s8], [sflag:$0x1] =	stream.indirect_vreg.gather [hbm4b:s2+s3], $0x80, v14, vm0, $0xb8;
	[tilespmem:$0x10100] =	vst v63  }
0x68: {  	_ = 	snop  }
0x69: {  	[tilespmem:s9], [sflag:$0x1] =	stream.indirect_vreg.gather [hbm4b:s2+s3], $0x80, v13, vm0, $0xb8;
	[tilespmem:$0x10100] =	vst v63  }
0x6a: {  	v13 =	vld [tilespmem:$0x20];
	_ =	sdelay $0x4  }
0x6b: {  	v14 =	vshll.u32 v13, $0x1  }
0x6c: {  	v13 =	vand.u32 $0x7, v13;
	v14 =	vand.u32 $0xFFFFFFF0, v14  }
0x6d: {  	v13 =	vor.u32 v13, v14  }
0x6e: {  	v14 =	vperm.xlane v13, v8;
	_ =	sdelay $0x1  }
0x6f: {  	v13 =	vperm.xlane v13, v10;
	v14 =	vadd.s32 v9, v14;
	_ =	sdelay $0x1  }
0x70: {  	v13 =	vadd.s32 v9, v13;
	_ =	sdelay $0x2  }
0x71: {  	[tilespmem:s10], [sflag:$0x1] =	stream.indirect_vreg.gather [hbm4b:s2+s3], $0x80, v14, vm0, $0xb8;
	[tilespmem:$0x10100] =	vst v63  }
0x72: {  	_ = 	snop  }
0x73: {  	[tilespmem:s11], [sflag:$0x1] =	stream.indirect_vreg.gather [hbm4b:s2+s3], $0x80, v13, vm0, $0xb8;
	[tilespmem:$0x10100] =	vst v63  }
0x74: {  	v13 =	vld [tilespmem:$0x30];
	_ =	sdelay $0x4  }
0x75: {  	v14 =	vshll.u32 v13, $0x1  }
0x76: {  	v13 =	vand.u32 $0x7, v13;
	v14 =	vand.u32 $0xFFFFFFF0, v14  }
0x77: {  	v13 =	vor.u32 v13, v14  }
0x78: {  	v14 =	vperm.xlane v13, v8;
	_ =	sdelay $0x1  }
0x79: {  	v13 =	vperm.xlane v13, v10;
	v14 =	vadd.s32 v9, v14;
	_ =	sdelay $0x1  }
0x7a: {  	v13 =	vadd.s32 v9, v13;
	_ =	sdelay $0x2  }
0x7b: {  	[tilespmem:s12], [sflag:$0x1] =	stream.indirect_vreg.gather [hbm4b:s2+s3], $0x80, v14, vm0, $0xb8;
	[tilespmem:$0x10100] =	vst v63  }
0x7c: {  	_ = 	snop  }
0x7d: {  	[tilespmem:s13], [sflag:$0x1] =	stream.indirect_vreg.gather [hbm4b:s2+s3], $0x80, v13, vm0, $0xb8;
	[tilespmem:$0x10100] =	vst v63  }
0x7e: {  	v13 =	vld [tilespmem:$0x40];
	_ =	sdelay $0x4  }
0x7f: {  	v14 =	vshll.u32 v13, $0x1  }
0x80: {  	v13 =	vand.u32 $0x7, v13;
	v14 =	vand.u32 $0xFFFFFFF0, v14  }
0x81: {  	v13 =	vor.u32 v13, v14  }
0x82: {  	v14 =	vperm.xlane v13, v8;
	_ =	sdelay $0x1  }
0x83: {  	v13 =	vperm.xlane v13, v10;
	v14 =	vadd.s32 v9, v14;
	_ =	sdelay $0x1  }
0x84: {  	v13 =	vadd.s32 v9, v13;
	_ =	sdelay $0x2  }
0x85: {  	[tilespmem:s14], [sflag:$0x1] =	stream.indirect_vreg.gather [hbm4b:s2+s3], $0x80, v14, vm0, $0xb8;
	[tilespmem:$0x10100] =	vst v63  }
0x86: {  	_ = 	snop  }
0x87: {  	[tilespmem:s15], [sflag:$0x1] =	stream.indirect_vreg.gather [hbm4b:s2+s3], $0x80, v13, vm0, $0xb8;
	[tilespmem:$0x10100] =	vst v63  }
0x88: {  	v13 =	vld [tilespmem:$0x50];
	_ =	sdelay $0x4  }
0x89: {  	v14 =	vshll.u32 v13, $0x1  }
0x8a: {  	v13 =	vand.u32 $0x7, v13;
	v14 =	vand.u32 $0xFFFFFFF0, v14  }
0x8b: {  	v13 =	vor.u32 v13, v14  }
0x8c: {  	v14 =	vperm.xlane v13, v8;
	_ =	sdelay $0x1  }
0x8d: {  	v13 =	vperm.xlane v13, v10;
	v14 =	vadd.s32 v9, v14;
	_ =	sdelay $0x1  }
0x8e: {  	v13 =	vadd.s32 v9, v13;
	_ =	sdelay $0x2  }
0x8f: {  	[tilespmem:s16], [sflag:$0x1] =	stream.indirect_vreg.gather [hbm4b:s2+s3], $0x80, v14, vm0, $0xb8;
	[tilespmem:$0x10100] =	vst v63  }
0x90: {  	_ = 	snop  }
0x91: {  	[tilespmem:s17], [sflag:$0x1] =	stream.indirect_vreg.gather [hbm4b:s2+s3], $0x80, v13, vm0, $0xb8;
	[tilespmem:$0x10100] =	vst v63  }
0x92: {  	v13 =	vld [tilespmem:$0x60];
	_ =	sdelay $0x4  }
0x93: {  	v14 =	vshll.u32 v13, $0x1  }
0x94: {  	v13 =	vand.u32 $0x7, v13;
	v14 =	vand.u32 $0xFFFFFFF0, v14  }
0x95: {  	v13 =	vor.u32 v13, v14  }
0x96: {  	v14 =	vperm.xlane v13, v8;
	_ =	sdelay $0x1  }
0x97: {  	v13 =	vperm.xlane v13, v10;
	v14 =	vadd.s32 v9, v14;
	_ =	sdelay $0x1  }
0x98: {  	v13 =	vadd.s32 v9, v13;
	_ =	sdelay $0x2  }
0x99: {  	[tilespmem:s18], [sflag:$0x1] =	stream.indirect_vreg.gather [hbm4b:s2+s3], $0x80, v14, vm0, $0xb8;
	[tilespmem:$0x10100] =	vst v63  }
0x9a: {  	_ = 	snop  }
0x9b: {  	[tilespmem:s19], [sflag:$0x1] =	stream.indirect_vreg.gather [hbm4b:s2+s3], $0x80, v13, vm0, $0xb8;
	[tilespmem:$0x10100] =	vst v63  }
0x9c: {  	v13 =	vld [tilespmem:$0x70];
	_ =	sdelay $0x4  }
0x9d: {  	v14 =	vshll.u32 v13, $0x1  }
0x9e: {  	v13 =	vand.u32 $0x7, v13;
	v14 =	vand.u32 $0xFFFFFFF0, v14  }
0x9f: {  	v13 =	vor.u32 v13, v14  }
0xa0: {  	v14 =	vperm.xlane v13, v8;
	_ =	sdelay $0x1  }
0xa1: {  	v13 =	vperm.xlane v13, v10;
	v14 =	vadd.s32 v9, v14;
	_ =	sdelay $0x1  }
0xa2: {  	v13 =	vadd.s32 v9, v13;
	_ =	sdelay $0x2  }
0xa3: {  	[tilespmem:s20], [sflag:$0x1] =	stream.indirect_vreg.gather [hbm4b:s2+s3], $0x80, v14, vm0, $0xb8;
	[tilespmem:$0x10100] =	vst v63  }
0xa4: {  	_ = 	snop  }
0xa5: {  	[tilespmem:s21], [sflag:$0x1] =	stream.indirect_vreg.gather [hbm4b:s2+s3], $0x80, v13, vm0, $0xb8;
	[tilespmem:$0x10100] =	vst v63  }
0xa6: {  	v13 =	vld [tilespmem:$0x80];
	_ =	sdelay $0x4  }
0xa7: {  	v14 =	vshll.u32 v13, $0x1  }
0xa8: {  	v13 =	vand.u32 $0x7, v13;
	v14 =	vand.u32 $0xFFFFFFF0, v14  }
0xa9: {  	v13 =	vor.u32 v13, v14  }
0xaa: {  	v14 =	vperm.xlane v13, v8;
	_ =	sdelay $0x1  }
0xab: {  	v13 =	vperm.xlane v13, v10;
	v14 =	vadd.s32 v9, v14;
	_ =	sdelay $0x1  }
0xac: {  	v13 =	vadd.s32 v9, v13;
	_ =	sdelay $0x1  }
0xad: {  	s0 =	simm.s32 $0x8100  }
0xae: {  	[tilespmem:s0], [sflag:$0x1] =	stream.indirect_vreg.gather [hbm4b:s2+s3], $0x80, v14, vm0, $0xb8;
	[tilespmem:$0x10100] =	vst v63  }
0xaf: {  	s25 =	simm.s32 $0x8900  }
0xb0: {  	[tilespmem:s25], [sflag:$0x1] =	stream.indirect_vreg.gather [hbm4b:s2+s3], $0x80, v13, vm0, $0xb8;
	[tilespmem:$0x10100] =	vst v63  }
0xb1: {  	v13 =	vld [tilespmem:$0x90];
	_ =	sdelay $0x4  }
0xb2: {  	v14 =	vshll.u32 v13, $0x1  }
0xb3: {  	v13 =	vand.u32 $0x7, v13;
	v14 =	vand.u32 $0xFFFFFFF0, v14  }
0xb4: {  	v13 =	vor.u32 v13, v14  }
0xb5: {  	v14 =	vperm.xlane v13, v8;
	_ =	sdelay $0x1  }
0xb6: {  	v13 =	vperm.xlane v13, v10;
	v14 =	vadd.s32 v9, v14;
	_ =	sdelay $0x1  }
0xb7: {  	v13 =	vadd.s32 v9, v13;
	_ =	sdelay $0x1  }
0xb8: {  	s26 =	simm.s32 $0x9100  }
0xb9: {  	[tilespmem:s26], [sflag:$0x1] =	stream.indirect_vreg.gather [hbm4b:s2+s3], $0x80, v14, vm0, $0xb8;
	[tilespmem:$0x10100] =	vst v63  }
0xba: {  	s30 =	simm.s32 $0x9900  }
0xbb: {  	[tilespmem:s30], [sflag:$0x1] =	stream.indirect_vreg.gather [hbm4b:s2+s3], $0x80, v13, vm0, $0xb8;
	[tilespmem:$0x10100] =	vst v63  }
0xbc: {  	v13 =	vld [tilespmem:$0xA0];
	_ =	sdelay $0x4  }
0xbd: {  	v14 =	vshll.u32 v13, $0x1  }
0xbe: {  	v13 =	vand.u32 $0x7, v13;
	v14 =	vand.u32 $0xFFFFFFF0, v14  }
0xbf: {  	v13 =	vor.u32 v13, v14  }
0xc0: {  	v14 =	vperm.xlane v13, v8;
	_ =	sdelay $0x1  }
0xc1: {  	v13 =	vperm.xlane v13, v10;
	v14 =	vadd.s32 v9, v14;
	_ =	sdelay $0x1  }
0xc2: {  	v13 =	vadd.s32 v9, v13;
	_ =	sdelay $0x1  }
0xc3: {  	s31 =	simm.s32 $0xA100  }
0xc4: {  	[tilespmem:s31], [sflag:$0x1] =	stream.indirect_vreg.gather [hbm4b:s2+s3], $0x80, v14, vm0, $0xb8;
	[tilespmem:$0x10100] =	vst v63  }
0xc5: {  	s6 =	simm.s32 $0xA900  }
0xc6: {  	[tilespmem:s6], [sflag:$0x1] =	stream.indirect_vreg.gather [hbm4b:s2+s3], $0x80, v13, vm0, $0xb8;
	[tilespmem:$0x10100] =	vst v63  }
0xc7: {  	v13 =	vld [tilespmem:$0xB0];
	_ =	sdelay $0x4  }
0xc8: {  	v14 =	vshll.u32 v13, $0x1  }
0xc9: {  	v13 =	vand.u32 $0x7, v13;
	v14 =	vand.u32 $0xFFFFFFF0, v14  }
0xca: {  	v13 =	vor.u32 v13, v14  }
0xcb: {  	v14 =	vperm.xlane v13, v8;
	_ =	sdelay $0x1  }
0xcc: {  	v13 =	vperm.xlane v13, v10;
	v14 =	vadd.s32 v9, v14;
	_ =	sdelay $0x1  }
0xcd: {  	v13 =	vadd.s32 v9, v13;
	_ =	sdelay $0x1  }
0xce: {  	s22 =	simm.s32 $0xB100  }
0xcf: {  	[tilespmem:s22], [sflag:$0x1] =	stream.indirect_vreg.gather [hbm4b:s2+s3], $0x80, v14, vm0, $0xb8;
	[tilespmem:$0x10100] =	vst v63  }
0xd0: {  	s24 =	simm.s32 $0xB900  }
0xd1: {  	[tilespmem:s24], [sflag:$0x1] =	stream.indirect_vreg.gather [hbm4b:s2+s3], $0x80, v13, vm0, $0xb8;
	[tilespmem:$0x10100] =	vst v63  }
0xd2: {  	v13 =	vld [tilespmem:$0xC0];
	_ =	sdelay $0x4  }
0xd3: {  	v14 =	vshll.u32 v13, $0x1  }
0xd4: {  	v13 =	vand.u32 $0x7, v13;
	v14 =	vand.u32 $0xFFFFFFF0, v14  }
0xd5: {  	v13 =	vor.u32 v13, v14  }
0xd6: {  	v14 =	vperm.xlane v13, v8;
	_ =	sdelay $0x1  }
0xd7: {  	v13 =	vperm.xlane v13, v10;
	v14 =	vadd.s32 v9, v14;
	_ =	sdelay $0x1  }
0xd8: {  	v13 =	vadd.s32 v9, v13;
	_ =	sdelay $0x1  }
0xd9: {  	s30 =	simm.s32 $0xC100  }
0xda: {  	[tilespmem:s30], [sflag:$0x1] =	stream.indirect_vreg.gather [hbm4b:s2+s3], $0x80, v14, vm0, $0xb8;
	[tilespmem:$0x10100] =	vst v63  }
0xdb: {  	s25 =	simm.s32 $0xC900  }
0xdc: {  	[tilespmem:s25], [sflag:$0x1] =	stream.indirect_vreg.gather [hbm4b:s2+s3], $0x80, v13, vm0, $0xb8;
	[tilespmem:$0x10100] =	vst v63  }
0xdd: {  	v13 =	vld [tilespmem:$0xD0];
	_ =	sdelay $0x4  }
0xde: {  	v14 =	vshll.u32 v13, $0x1  }
0xdf: {  	v13 =	vand.u32 $0x7, v13;
	v14 =	vand.u32 $0xFFFFFFF0, v14  }
0xe0: {  	v13 =	vor.u32 v13, v14  }
0xe1: {  	v14 =	vperm.xlane v13, v8;
	_ =	sdelay $0x1  }
0xe2: {  	v13 =	vperm.xlane v13, v10;
	v14 =	vadd.s32 v9, v14;
	_ =	sdelay $0x1  }
0xe3: {  	v13 =	vadd.s32 v9, v13;
	_ =	sdelay $0x1  }
0xe4: {  	s26 =	simm.s32 $0xD100  }
0xe5: {  	[tilespmem:s26], [sflag:$0x1] =	stream.indirect_vreg.gather [hbm4b:s2+s3], $0x80, v14, vm0, $0xb8;
	[tilespmem:$0x10100] =	vst v63  }
0xe6: {  	s31 =	simm.s32 $0xD900  }
0xe7: {  	[tilespmem:s31], [sflag:$0x1] =	stream.indirect_vreg.gather [hbm4b:s2+s3], $0x80, v13, vm0, $0xb8;
	[tilespmem:$0x10100] =	vst v63  }
0xe8: {  	v13 =	vld [tilespmem:$0xE0];
	_ =	sdelay $0x4  }
0xe9: {  	v14 =	vshll.u32 v13, $0x1  }
0xea: {  	v13 =	vand.u32 $0x7, v13;
	v14 =	vand.u32 $0xFFFFFFF0, v14  }
0xeb: {  	v13 =	vor.u32 v13, v14  }
0xec: {  	v14 =	vperm.xlane v13, v8;
	_ =	sdelay $0x1  }
0xed: {  	v13 =	vperm.xlane v13, v10;
	v14 =	vadd.s32 v9, v14;
	_ =	sdelay $0x1  }
0xee: {  	v13 =	vadd.s32 v9, v13;
	_ =	sdelay $0x1  }
0xef: {  	s0 =	simm.s32 $0xE100  }
0xf0: {  	[tilespmem:s0], [sflag:$0x1] =	stream.indirect_vreg.gather [hbm4b:s2+s3], $0x80, v14, vm0, $0xb8;
	[tilespmem:$0x10100] =	vst v63  }
0xf1: {  	s25 =	simm.s32 $0xE900  }
0xf2: {  	[tilespmem:s25], [sflag:$0x1] =	stream.indirect_vreg.gather [hbm4b:s2+s3], $0x80, v13, vm0, $0xb8;
	[tilespmem:$0x10100] =	vst v63  }
0xf3: {  	v13 =	vld [tilespmem:$0xF0];
	_ =	sdelay $0x4  }
0xf4: {  	v14 =	vshll.u32 v13, $0x1  }
0xf5: {  	v13 =	vand.u32 $0x7, v13;
	v14 =	vand.u32 $0xFFFFFFF0, v14  }
0xf6: {  	v13 =	vor.u32 v13, v14  }
0xf7: {  	v14 =	vperm.xlane v13, v8;
	_ =	sdelay $0x1  }
0xf8: {  	v13 =	vperm.xlane v13, v10;
	v14 =	vadd.s32 v9, v14;
	_ =	sdelay $0x1  }
0xf9: {  	v13 =	vadd.s32 v9, v13;
	_ =	sdelay $0x1  }
0xfa: {  	s26 =	simm.s32 $0xF100  }
0xfb: {  	[tilespmem:s26], [sflag:$0x1] =	stream.indirect_vreg.gather [hbm4b:s2+s3], $0x80, v14, vm0, $0xb8;
	[tilespmem:$0x10100] =	vst v63  }
0xfc: {  	s31 =	simm.s32 $0xF900  }
0xfd: {  	[tilespmem:s31], [sflag:$0x1] =	stream.indirect_vreg.gather [hbm4b:s2+s3], $0x80, v13, vm0, $0xb8;
	[tilespmem:$0x10100] =	vst v63  }
0xfe: {  	_ =	swait.ge [sflag:s28], $0x8000  }
0xff: {  	[sflag:s28] =	ssyncset.done $0x0  }
0x100: {  	[sflag:s28] =	ssyncadd.s32 $0xFFFF8000  }
0x101: {  	_ =	swait.ge [sflag:s28], $0x8000  }
0x102: {  	s31 =	sld [smem:$0x7FC]  }
0x103: {  	[sflag:s28] =	ssyncset.done $0x0  }
0x104: {  	[sflag:s28] =	ssyncadd.s32 $0xFFFF8000  }
0x105: {  	[hbm4b:s31+s3] =	stream.linear.scatter [tilespmem:s21], [sflag:$0x2], $0x8000, $0x38;
	[tilespmem:$0x10100] =	vst v63  }
0x106: {  	s0 =	rddreg [dreg:$0x3]  }
0x107: {  	[hbm4b:s0+s3] =	stream.linear.scatter [tilespmem:s20], [sflag:$0x2], $0x8000, $0x38;
	[tilespmem:$0x10100] =	vst v63  }
0x108: {  	s31 =	rddreg [dreg:$0x4]  }
0x109: {  	[hbm4b:s31+s3] =	stream.linear.scatter [tilespmem:s19], [sflag:$0x2], $0x8000, $0x38;
	[tilespmem:$0x10100] =	vst v63  }
0x10a: {  	s0 =	rddreg [dreg:$0x5]  }
0x10b: {  	[hbm4b:s0+s3] =	stream.linear.scatter [tilespmem:s18], [sflag:$0x2], $0x8000, $0x38;
	[tilespmem:$0x10100] =	vst v63  }
0x10c: {  	s31 =	rddreg [dreg:$0x6]  }
0x10d: {  	[hbm4b:s31+s3] =	stream.linear.scatter [tilespmem:s17], [sflag:$0x2], $0x8000, $0x38;
	[tilespmem:$0x10100] =	vst v63  }
0x10e: {  	s0 =	rddreg [dreg:$0x7]  }
0x10f: {  	[hbm4b:s0+s3] =	stream.linear.scatter [tilespmem:s16], [sflag:$0x2], $0x8000, $0x38;
	[tilespmem:$0x10100] =	vst v63  }
0x110: {  	s31 =	rddreg [dreg:$0x8]  }
0x111: {  	[hbm4b:s31+s3] =	stream.linear.scatter [tilespmem:s15], [sflag:$0x2], $0x8000, $0x38;
	[tilespmem:$0x10100] =	vst v63  }
0x112: {  	s0 =	rddreg [dreg:$0x9]  }
0x113: {  	[hbm4b:s0+s3] =	stream.linear.scatter [tilespmem:s14], [sflag:$0x2], $0x8000, $0x38;
	[tilespmem:$0x10100] =	vst v63  }
0x114: {  	s31 =	rddreg [dreg:$0xa]  }
0x115: {  	[hbm4b:s31+s3] =	stream.linear.scatter [tilespmem:s13], [sflag:$0x2], $0x8000, $0x38;
	[tilespmem:$0x10100] =	vst v63  }
0x116: {  	s0 =	rddreg [dreg:$0xb]  }
0x117: {  	[hbm4b:s0+s3] =	stream.linear.scatter [tilespmem:s12], [sflag:$0x2], $0x8000, $0x38;
	[tilespmem:$0x10100] =	vst v63  }
0x118: {  	s31 =	rddreg [dreg:$0xc]  }
0x119: {  	[hbm4b:s31+s3] =	stream.linear.scatter [tilespmem:s11], [sflag:$0x2], $0x8000, $0x38;
	[tilespmem:$0x10100] =	vst v63  }
0x11a: {  	s0 =	rddreg [dreg:$0xd]  }
0x11b: {  	[hbm4b:s0+s3] =	stream.linear.scatter [tilespmem:s10], [sflag:$0x2], $0x8000, $0x38;
	[tilespmem:$0x10100] =	vst v63  }
0x11c: {  	s31 =	rddreg [dreg:$0xe]  }
0x11d: {  	[hbm4b:s31+s3] =	stream.linear.scatter [tilespmem:s9], [sflag:$0x2], $0x8000, $0x38;
	[tilespmem:$0x10100] =	vst v63  }
0x11e: {  	s0 =	rddreg [dreg:$0xf]  }
0x11f: {  	[hbm4b:s0+s3] =	stream.linear.scatter [tilespmem:s8], [sflag:$0x2], $0x8000, $0x38;
	[tilespmem:$0x10100] =	vst v63  }
0x120: {  	s31 =	rddreg [dreg:$0x10]  }
0x121: {  	[hbm4b:s31+s3] =	stream.linear.scatter [tilespmem:s7], [sflag:$0x2], $0x8000, $0x38;
	[tilespmem:$0x10100] =	vst v63  }
0x122: {  	s0 =	rddreg [dreg:$0x11]  }
0x123: {  	[hbm4b:s0+s3] =	stream.linear.scatter [tilespmem:s23], [sflag:$0x2], $0x8000, $0x38;
	[tilespmem:$0x10100] =	vst v63  }
0x124: {  	_ =	swait.ge [sflag:s29], $0x8000  }
0x125: {  	[sflag:s29] =	ssyncset.done $0x0  }
0x126: {  	[sflag:s29] =	ssyncadd.s32 $0xFFFF8000  }
0x127: {  	_ =	swait.ge [sflag:s29], $0x8000  }
0x128: {  	[sflag:s29] =	ssyncset.done $0x0  }
0x129: {  	[sflag:s29] =	ssyncadd.s32 $0xFFFF8000  }
0x12a: {  	_ =	swait.ge [sflag:s29], $0x8000  }
0x12b: {  	[sflag:s29] =	ssyncset.done $0x0  }
0x12c: {  	[sflag:s29] =	ssyncadd.s32 $0xFFFF8000  }
0x12d: {  	_ =	swait.ge [sflag:s29], $0x8000  }
0x12e: {  	[sflag:s29] =	ssyncset.done $0x0  }
0x12f: {  	[sflag:s29] =	ssyncadd.s32 $0xFFFF8000  }
0x130: {  	_ =	swait.ge [sflag:s29], $0x8000  }
0x131: {  	[sflag:s29] =	ssyncset.done $0x0  }
0x132: {  	[sflag:s29] =	ssyncadd.s32 $0xFFFF8000  }
0x133: {  	_ =	swait.ge [sflag:s29], $0x8000  }
0x134: {  	[sflag:s29] =	ssyncset.done $0x0  }
0x135: {  	[sflag:s29] =	ssyncadd.s32 $0xFFFF8000  }
0x136: {  	_ =	swait.ge [sflag:s29], $0x8000  }
0x137: {  	[sflag:s29] =	ssyncset.done $0x0  }
0x138: {  	[sflag:s29] =	ssyncadd.s32 $0xFFFF8000  }
0x139: {  	_ =	swait.ge [sflag:s29], $0x8000  }
0x13a: {  	[sflag:s29] =	ssyncset.done $0x0  }
0x13b: {  	[sflag:s29] =	ssyncadd.s32 $0xFFFF8000  }
0x13c: {  	_ =	swait.ge [sflag:s29], $0x8000  }
0x13d: {  	[sflag:s29] =	ssyncset.done $0x0  }
0x13e: {  	[sflag:s29] =	ssyncadd.s32 $0xFFFF8000  }
0x13f: {  	_ =	swait.ge [sflag:s29], $0x8000  }
0x140: {  	[sflag:s29] =	ssyncset.done $0x0  }
0x141: {  	[sflag:s29] =	ssyncadd.s32 $0xFFFF8000  }
0x142: {  	_ =	swait.ge [sflag:s29], $0x8000  }
0x143: {  	[sflag:s29] =	ssyncset.done $0x0  }
0x144: {  	[sflag:s29] =	ssyncadd.s32 $0xFFFF8000  }
0x145: {  	_ =	swait.ge [sflag:s29], $0x8000  }
0x146: {  	[sflag:s29] =	ssyncset.done $0x0  }
0x147: {  	[sflag:s29] =	ssyncadd.s32 $0xFFFF8000  }
0x148: {  	_ =	swait.ge [sflag:s29], $0x8000  }
0x149: {  	[sflag:s29] =	ssyncset.done $0x0  }
0x14a: {  	[sflag:s29] =	ssyncadd.s32 $0xFFFF8000  }
0x14b: {  	_ =	swait.ge [sflag:s29], $0x8000  }
0x14c: {  	[sflag:s29] =	ssyncset.done $0x0  }
0x14d: {  	[sflag:s29] =	ssyncadd.s32 $0xFFFF8000  }
0x14e: {  	_ =	swait.ge [sflag:s29], $0x8000  }
0x14f: {  	[sflag:s29] =	ssyncset.done $0x0  }
0x150: {  	[sflag:s29] =	ssyncadd.s32 $0xFFFF8000  }
0x151: {  	_ =	swait.ge [sflag:s29], $0x8000  }
0x152: {  	v13 =	vld [tilespmem:$0x1FFB0];
	_ =	sdelay $0x2  }
0x153: {  	[sflag:s29] =	ssyncset.done $0x0  }
0x154: {  	[sflag:s29] =	ssyncadd.s32 $0xFFFF8000  }
0x155: {  	[tilespmem:$0x10] =	vst v13;
	v13 =	vld [tilespmem:$0x1FFC0];
	_ =	sdelay $0x4  }
0x156: {  	[tilespmem:$0x20] =	vst v13;
	v13 =	vld [tilespmem:$0x1FFD0];
	_ =	sdelay $0x2  }
0x157: {  	[tilespmem:$0x0] =	vst v11  }
0x158: {  	[tilespmem:$0x50] =	vst v16  }
0x159: {  	[tilespmem:$0x30] =	vst v13;
	v13 =	vld [tilespmem:$0x1FFE0]  }
0x15a: {  	[tilespmem:$0x60] =	vst v17  }
0x15b: {  	[tilespmem:$0x70] =	vst v18  }
0x15c: {  	[tilespmem:$0x80] =	vst v19  }
0x15d: {  	[tilespmem:$0x90] =	vst v20  }
0x15e: {  	[tilespmem:$0x40] =	vst v13;
	v13 =	vperm.xlane v27, v8  }
0x15f: {  	[tilespmem:$0xA0] =	vst v21  }
0x160: {  	v14 =	vperm.xlane v27, v10;
	[tilespmem:$0xB0] =	vst v22;
	v13 =	vadd.s32 v9, v13  }
0x161: {  	[tilespmem:$0xC0] =	vst v23  }
0x162: {  	v14 =	vadd.s32 v9, v14;
	[tilespmem:$0xD0] =	vst v24  }
0x163: {  	[tilespmem:$0xE0] =	vst v25  }
0x164: {  	[tilespmem:$0xF0] =	vst v26  }
0x165: {  	[tilespmem:s23], [sflag:$0x1] =	stream.indirect_vreg.gather [hbm4b:s2+s3], $0x80, v13, vm0, $0xb8;
	[tilespmem:$0x10100] =	vst v63  }
0x166: {  	_ = 	snop  }
0x167: {  	[tilespmem:s7], [sflag:$0x1] =	stream.indirect_vreg.gather [hbm4b:s2+s3], $0x80, v14, vm0, $0xb8;
	[tilespmem:$0x10100] =	vst v63  }
0x168: {  	v13 =	vld [tilespmem:$0x10];
	_ =	sdelay $0x4  }
0x169: {  	v14 =	vshll.u32 v13, $0x1  }
0x16a: {  	v13 =	vand.u32 $0x7, v13;
	v14 =	vand.u32 $0xFFFFFFF0, v14  }
0x16b: {  	v13 =	vor.u32 v13, v14  }
0x16c: {  	v14 =	vperm.xlane v13, v8;
	_ =	sdelay $0x1  }
0x16d: {  	v13 =	vperm.xlane v13, v10;
	v14 =	vadd.s32 v9, v14;
	_ =	sdelay $0x1  }
0x16e: {  	v13 =	vadd.s32 v9, v13;
	_ =	sdelay $0x2  }
0x16f: {  	[tilespmem:s8], [sflag:$0x1] =	stream.indirect_vreg.gather [hbm4b:s2+s3], $0x80, v14, vm0, $0xb8;
	[tilespmem:$0x10100] =	vst v63  }
0x170: {  	_ = 	snop  }
0x171: {  	[tilespmem:s9], [sflag:$0x1] =	stream.indirect_vreg.gather [hbm4b:s2+s3], $0x80, v13, vm0, $0xb8;
	[tilespmem:$0x10100] =	vst v63  }
0x172: {  	v13 =	vld [tilespmem:$0x20];
	_ =	sdelay $0x4  }
0x173: {  	v14 =	vshll.u32 v13, $0x1  }
0x174: {  	v13 =	vand.u32 $0x7, v13;
	v14 =	vand.u32 $0xFFFFFFF0, v14  }
0x175: {  	v13 =	vor.u32 v13, v14  }
0x176: {  	v14 =	vperm.xlane v13, v8;
	_ =	sdelay $0x1  }
0x177: {  	v13 =	vperm.xlane v13, v10;
	v14 =	vadd.s32 v9, v14;
	_ =	sdelay $0x1  }
0x178: {  	v13 =	vadd.s32 v9, v13;
	_ =	sdelay $0x2  }
0x179: {  	[tilespmem:s10], [sflag:$0x1] =	stream.indirect_vreg.gather [hbm4b:s2+s3], $0x80, v14, vm0, $0xb8;
	[tilespmem:$0x10100] =	vst v63  }
0x17a: {  	_ = 	snop  }
0x17b: {  	[tilespmem:s11], [sflag:$0x1] =	stream.indirect_vreg.gather [hbm4b:s2+s3], $0x80, v13, vm0, $0xb8;
	[tilespmem:$0x10100] =	vst v63  }
0x17c: {  	v13 =	vld [tilespmem:$0x30];
	_ =	sdelay $0x4  }
0x17d: {  	v14 =	vshll.u32 v13, $0x1  }
0x17e: {  	v13 =	vand.u32 $0x7, v13;
	v14 =	vand.u32 $0xFFFFFFF0, v14  }
0x17f: {  	v13 =	vor.u32 v13, v14  }
0x180: {  	v14 =	vperm.xlane v13, v8;
	_ =	sdelay $0x1  }
0x181: {  	v13 =	vperm.xlane v13, v10;
	v14 =	vadd.s32 v9, v14;
	_ =	sdelay $0x1  }
0x182: {  	v13 =	vadd.s32 v9, v13;
	_ =	sdelay $0x2  }
0x183: {  	[tilespmem:s12], [sflag:$0x1] =	stream.indirect_vreg.gather [hbm4b:s2+s3], $0x80, v14, vm0, $0xb8;
	[tilespmem:$0x10100] =	vst v63  }
0x184: {  	_ = 	snop  }
0x185: {  	[tilespmem:s13], [sflag:$0x1] =	stream.indirect_vreg.gather [hbm4b:s2+s3], $0x80, v13, vm0, $0xb8;
	[tilespmem:$0x10100] =	vst v63  }
0x186: {  	v13 =	vld [tilespmem:$0x40];
	_ =	sdelay $0x4  }
0x187: {  	v14 =	vshll.u32 v13, $0x1  }
0x188: {  	v13 =	vand.u32 $0x7, v13;
	v14 =	vand.u32 $0xFFFFFFF0, v14  }
0x189: {  	v13 =	vor.u32 v13, v14  }
0x18a: {  	v14 =	vperm.xlane v13, v8;
	_ =	sdelay $0x1  }
0x18b: {  	v13 =	vperm.xlane v13, v10;
	v14 =	vadd.s32 v9, v14;
	_ =	sdelay $0x1  }
0x18c: {  	v13 =	vadd.s32 v9, v13;
	_ =	sdelay $0x2  }
0x18d: {  	[tilespmem:s14], [sflag:$0x1] =	stream.indirect_vreg.gather [hbm4b:s2+s3], $0x80, v14, vm0, $0xb8;
	[tilespmem:$0x10100] =	vst v63  }
0x18e: {  	_ = 	snop  }
0x18f: {  	[tilespmem:s15], [sflag:$0x1] =	stream.indirect_vreg.gather [hbm4b:s2+s3], $0x80, v13, vm0, $0xb8;
	[tilespmem:$0x10100] =	vst v63  }
0x190: {  	v13 =	vld [tilespmem:$0x50];
	_ =	sdelay $0x4  }
0x191: {  	v14 =	vshll.u32 v13, $0x1  }
0x192: {  	v13 =	vand.u32 $0x7, v13;
	v14 =	vand.u32 $0xFFFFFFF0, v14  }
0x193: {  	v13 =	vor.u32 v13, v14  }
0x194: {  	v14 =	vperm.xlane v13, v8;
	_ =	sdelay $0x1  }
0x195: {  	v13 =	vperm.xlane v13, v10;
	v14 =	vadd.s32 v9, v14;
	_ =	sdelay $0x1  }
0x196: {  	v13 =	vadd.s32 v9, v13;
	_ =	sdelay $0x2  }
0x197: {  	[tilespmem:s16], [sflag:$0x1] =	stream.indirect_vreg.gather [hbm4b:s2+s3], $0x80, v14, vm0, $0xb8;
	[tilespmem:$0x10100] =	vst v63  }
0x198: {  	_ = 	snop  }
0x199: {  	[tilespmem:s17], [sflag:$0x1] =	stream.indirect_vreg.gather [hbm4b:s2+s3], $0x80, v13, vm0, $0xb8;
	[tilespmem:$0x10100] =	vst v63  }
0x19a: {  	v13 =	vld [tilespmem:$0x60];
	_ =	sdelay $0x4  }
0x19b: {  	v14 =	vshll.u32 v13, $0x1  }
0x19c: {  	v13 =	vand.u32 $0x7, v13;
	v14 =	vand.u32 $0xFFFFFFF0, v14  }
0x19d: {  	v13 =	vor.u32 v13, v14  }
0x19e: {  	v14 =	vperm.xlane v13, v8;
	_ =	sdelay $0x1  }
0x19f: {  	v13 =	vperm.xlane v13, v10;
	v14 =	vadd.s32 v9, v14;
	_ =	sdelay $0x1  }
0x1a0: {  	v13 =	vadd.s32 v9, v13;
	_ =	sdelay $0x2  }
0x1a1: {  	[tilespmem:s18], [sflag:$0x1] =	stream.indirect_vreg.gather [hbm4b:s2+s3], $0x80, v14, vm0, $0xb8;
	[tilespmem:$0x10100] =	vst v63  }
0x1a2: {  	_ = 	snop  }
0x1a3: {  	[tilespmem:s19], [sflag:$0x1] =	stream.indirect_vreg.gather [hbm4b:s2+s3], $0x80, v13, vm0, $0xb8;
	[tilespmem:$0x10100] =	vst v63  }
0x1a4: {  	v13 =	vld [tilespmem:$0x70];
	_ =	sdelay $0x4  }
0x1a5: {  	v14 =	vshll.u32 v13, $0x1  }
0x1a6: {  	v13 =	vand.u32 $0x7, v13;
	v14 =	vand.u32 $0xFFFFFFF0, v14  }
0x1a7: {  	v13 =	vor.u32 v13, v14  }
0x1a8: {  	v14 =	vperm.xlane v13, v8;
	_ =	sdelay $0x1  }
0x1a9: {  	v13 =	vperm.xlane v13, v10;
	v14 =	vadd.s32 v9, v14;
	_ =	sdelay $0x1  }
0x1aa: {  	v13 =	vadd.s32 v9, v13;
	_ =	sdelay $0x2  }
0x1ab: {  	[tilespmem:s20], [sflag:$0x1] =	stream.indirect_vreg.gather [hbm4b:s2+s3], $0x80, v14, vm0, $0xb8;
	[tilespmem:$0x10100] =	vst v63  }
0x1ac: {  	_ = 	snop  }
0x1ad: {  	[tilespmem:s21], [sflag:$0x1] =	stream.indirect_vreg.gather [hbm4b:s2+s3], $0x80, v13, vm0, $0xb8;
	[tilespmem:$0x10100] =	vst v63  }
0x1ae: {  	v13 =	vld [tilespmem:$0x80];
	_ =	sdelay $0x4  }
0x1af: {  	v14 =	vshll.u32 v13, $0x1  }
0x1b0: {  	v13 =	vand.u32 $0x7, v13;
	v14 =	vand.u32 $0xFFFFFFF0, v14  }
0x1b1: {  	v13 =	vor.u32 v13, v14  }
0x1b2: {  	v14 =	vperm.xlane v13, v8;
	_ =	sdelay $0x1  }
0x1b3: {  	v13 =	vperm.xlane v13, v10;
	v14 =	vadd.s32 v9, v14;
	_ =	sdelay $0x1  }
0x1b4: {  	v13 =	vadd.s32 v9, v13;
	_ =	sdelay $0x1  }
0x1b5: {  	s0 =	simm.s32 $0x8100  }
0x1b6: {  	[tilespmem:s0], [sflag:$0x1] =	stream.indirect_vreg.gather [hbm4b:s2+s3], $0x80, v14, vm0, $0xb8;
	[tilespmem:$0x10100] =	vst v63  }
0x1b7: {  	s1 =	simm.s32 $0x8900  }
0x1b8: {  	[tilespmem:s1], [sflag:$0x1] =	stream.indirect_vreg.gather [hbm4b:s2+s3], $0x80, v13, vm0, $0xb8;
	[tilespmem:$0x10100] =	vst v63  }
0x1b9: {  	v13 =	vld [tilespmem:$0x90];
	_ =	sdelay $0x4  }
0x1ba: {  	v14 =	vshll.u32 v13, $0x1  }
0x1bb: {  	v13 =	vand.u32 $0x7, v13;
	v14 =	vand.u32 $0xFFFFFFF0, v14  }
0x1bc: {  	v13 =	vor.u32 v13, v14  }
0x1bd: {  	v14 =	vperm.xlane v13, v8;
	_ =	sdelay $0x1  }
0x1be: {  	v13 =	vperm.xlane v13, v10;
	v14 =	vadd.s32 v9, v14;
	_ =	sdelay $0x1  }
0x1bf: {  	v13 =	vadd.s32 v9, v13;
	_ =	sdelay $0x1  }
0x1c0: {  	s1 =	simm.s32 $0x9100  }
0x1c1: {  	[tilespmem:s1], [sflag:$0x1] =	stream.indirect_vreg.gather [hbm4b:s2+s3], $0x80, v14, vm0, $0xb8;
	[tilespmem:$0x10100] =	vst v63  }
0x1c2: {  	s4 =	simm.s32 $0x9900  }
0x1c3: {  	[tilespmem:s4], [sflag:$0x1] =	stream.indirect_vreg.gather [hbm4b:s2+s3], $0x80, v13, vm0, $0xb8;
	[tilespmem:$0x10100] =	vst v63  }
0x1c4: {  	v13 =	vld [tilespmem:$0xA0];
	_ =	sdelay $0x4  }
0x1c5: {  	v14 =	vshll.u32 v13, $0x1  }
0x1c6: {  	v13 =	vand.u32 $0x7, v13;
	v14 =	vand.u32 $0xFFFFFFF0, v14  }
0x1c7: {  	v13 =	vor.u32 v13, v14  }
0x1c8: {  	v14 =	vperm.xlane v13, v8;
	_ =	sdelay $0x1  }
0x1c9: {  	v13 =	vperm.xlane v13, v10;
	v14 =	vadd.s32 v9, v14;
	_ =	sdelay $0x1  }
0x1ca: {  	v13 =	vadd.s32 v9, v13;
	_ =	sdelay $0x1  }
0x1cb: {  	s4 =	simm.s32 $0xA100  }
0x1cc: {  	[tilespmem:s4], [sflag:$0x1] =	stream.indirect_vreg.gather [hbm4b:s2+s3], $0x80, v14, vm0, $0xb8;
	[tilespmem:$0x10100] =	vst v63  }
0x1cd: {  	s6 =	simm.s32 $0xA900  }
0x1ce: {  	[tilespmem:s6], [sflag:$0x1] =	stream.indirect_vreg.gather [hbm4b:s2+s3], $0x80, v13, vm0, $0xb8;
	[tilespmem:$0x10100] =	vst v63  }
0x1cf: {  	v13 =	vld [tilespmem:$0xB0];
	_ =	sdelay $0x4  }
0x1d0: {  	v14 =	vshll.u32 v13, $0x1  }
0x1d1: {  	v13 =	vand.u32 $0x7, v13;
	v14 =	vand.u32 $0xFFFFFFF0, v14  }
0x1d2: {  	v13 =	vor.u32 v13, v14  }
0x1d3: {  	v14 =	vperm.xlane v13, v8;
	_ =	sdelay $0x1  }
0x1d4: {  	v13 =	vperm.xlane v13, v10;
	v14 =	vadd.s32 v9, v14;
	_ =	sdelay $0x1  }
0x1d5: {  	v13 =	vadd.s32 v9, v13;
	_ =	sdelay $0x1  }
0x1d6: {  	s6 =	simm.s32 $0xB100  }
0x1d7: {  	[tilespmem:s6], [sflag:$0x1] =	stream.indirect_vreg.gather [hbm4b:s2+s3], $0x80, v14, vm0, $0xb8;
	[tilespmem:$0x10100] =	vst v63  }
0x1d8: {  	s31 =	simm.s32 $0xB900  }
0x1d9: {  	[tilespmem:s31], [sflag:$0x1] =	stream.indirect_vreg.gather [hbm4b:s2+s3], $0x80, v13, vm0, $0xb8;
	[tilespmem:$0x10100] =	vst v63  }
0x1da: {  	v13 =	vld [tilespmem:$0xC0];
	_ =	sdelay $0x4  }
0x1db: {  	v14 =	vshll.u32 v13, $0x1  }
0x1dc: {  	v13 =	vand.u32 $0x7, v13;
	v14 =	vand.u32 $0xFFFFFFF0, v14  }
0x1dd: {  	v13 =	vor.u32 v13, v14  }
0x1de: {  	v14 =	vperm.xlane v13, v8;
	_ =	sdelay $0x1  }
0x1df: {  	v13 =	vperm.xlane v13, v10;
	v14 =	vadd.s32 v9, v14;
	_ =	sdelay $0x1  }
0x1e0: {  	v13 =	vadd.s32 v9, v13;
	_ =	sdelay $0x1  }
0x1e1: {  	s31 =	simm.s32 $0xC100  }
0x1e2: {  	[tilespmem:s31], [sflag:$0x1] =	stream.indirect_vreg.gather [hbm4b:s2+s3], $0x80, v14, vm0, $0xb8;
	[tilespmem:$0x10100] =	vst v63  }
0x1e3: {  	s22 =	simm.s32 $0xC900  }
0x1e4: {  	[tilespmem:s22], [sflag:$0x1] =	stream.indirect_vreg.gather [hbm4b:s2+s3], $0x80, v13, vm0, $0xb8;
	[tilespmem:$0x10100] =	vst v63  }
0x1e5: {  	v13 =	vld [tilespmem:$0xD0];
	_ =	sdelay $0x4  }
0x1e6: {  	v14 =	vshll.u32 v13, $0x1  }
0x1e7: {  	v13 =	vand.u32 $0x7, v13;
	v14 =	vand.u32 $0xFFFFFFF0, v14  }
0x1e8: {  	v13 =	vor.u32 v13, v14  }
0x1e9: {  	v14 =	vperm.xlane v13, v8;
	_ =	sdelay $0x1  }
0x1ea: {  	v13 =	vperm.xlane v13, v10;
	v14 =	vadd.s32 v9, v14;
	_ =	sdelay $0x1  }
0x1eb: {  	v13 =	vadd.s32 v9, v13;
	_ =	sdelay $0x1  }
0x1ec: {  	s31 =	simm.s32 $0xD100  }
0x1ed: {  	[tilespmem:s31], [sflag:$0x1] =	stream.indirect_vreg.gather [hbm4b:s2+s3], $0x80, v14, vm0, $0xb8;
	[tilespmem:$0x10100] =	vst v63  }
0x1ee: {  	s24 =	simm.s32 $0xD900  }
0x1ef: {  	[tilespmem:s24], [sflag:$0x1] =	stream.indirect_vreg.gather [hbm4b:s2+s3], $0x80, v13, vm0, $0xb8;
	[tilespmem:$0x10100] =	vst v63  }
0x1f0: {  	v13 =	vld [tilespmem:$0xE0];
	_ =	sdelay $0x4  }
0x1f1: {  	v14 =	vshll.u32 v13, $0x1  }
0x1f2: {  	v13 =	vand.u32 $0x7, v13;
	v14 =	vand.u32 $0xFFFFFFF0, v14  }
0x1f3: {  	v13 =	vor.u32 v13, v14  }
0x1f4: {  	v14 =	vperm.xlane v13, v8;
	_ =	sdelay $0x1  }
0x1f5: {  	v13 =	vperm.xlane v13, v10;
	v14 =	vadd.s32 v9, v14;
	_ =	sdelay $0x1  }
0x1f6: {  	v13 =	vadd.s32 v9, v13;
	_ =	sdelay $0x1  }
0x1f7: {  	s24 =	simm.s32 $0xE100  }
0x1f8: {  	[tilespmem:s24], [sflag:$0x1] =	stream.indirect_vreg.gather [hbm4b:s2+s3], $0x80, v14, vm0, $0xb8;
	[tilespmem:$0x10100] =	vst v63  }
0x1f9: {  	s25 =	simm.s32 $0xE900  }
0x1fa: {  	[tilespmem:s25], [sflag:$0x1] =	stream.indirect_vreg.gather [hbm4b:s2+s3], $0x80, v13, vm0, $0xb8;
	[tilespmem:$0x10100] =	vst v63  }
0x1fb: {  	v13 =	vld [tilespmem:$0xF0];
	_ =	sdelay $0x4  }
0x1fc: {  	v14 =	vshll.u32 v13, $0x1  }
0x1fd: {  	v13 =	vand.u32 $0x7, v13;
	v14 =	vand.u32 $0xFFFFFFF0, v14  }
0x1fe: {  	v13 =	vor.u32 v13, v14  }
0x1ff: {  	v14 =	vperm.xlane v13, v8;
	_ =	sdelay $0x1  }
0x200: {  	v13 =	vperm.xlane v13, v10;
	v14 =	vadd.s32 v9, v14;
	_ =	sdelay $0x1  }
0x201: {  	v13 =	vadd.s32 v9, v13;
	_ =	sdelay $0x1  }
0x202: {  	s25 =	simm.s32 $0xF100  }
0x203: {  	[tilespmem:s25], [sflag:$0x1] =	stream.indirect_vreg.gather [hbm4b:s2+s3], $0x80, v14, vm0, $0xb8;
	[tilespmem:$0x10100] =	vst v63  }
0x204: {  	s26 =	simm.s32 $0xF900  }
0x205: {  	[tilespmem:s26], [sflag:$0x1] =	stream.indirect_vreg.gather [hbm4b:s2+s3], $0x80, v13, vm0, $0xb8;
	[tilespmem:$0x10100] =	vst v63  }
0x206: {  	_ =	swait.ge [sflag:s28], $0x8000  }
0x207: {  	[sflag:s28] =	ssyncset.done $0x0  }
0x208: {  	[sflag:s28] =	ssyncadd.s32 $0xFFFF8000  }
0x209: {  	_ =	swait.ge [sflag:s28], $0x8000  }
0x20a: {  	s26 =	rddreg [dreg:$0x12];
	[sflag:s28] =	ssyncset.done $0x0  }
0x20b: {  	s22 =	rddreg [dreg:$0x13];
	[sflag:s28] =	ssyncadd.s32 $0xFFFF8000  }
0x20c: {  	[hbm4b:s26+s3] =	stream.linear.scatter [tilespmem:s21], [sflag:$0x2], $0x8000, $0x38;
	[tilespmem:$0x10100] =	vst v63  }
0x20d: {  	s24 =	rddreg [dreg:$0x14]  }
0x20e: {  	[hbm4b:s22+s3] =	stream.linear.scatter [tilespmem:s20], [sflag:$0x2], $0x8000, $0x38;
	[tilespmem:$0x10100] =	vst v63  }
0x20f: {  	s25 =	rddreg [dreg:$0x15]  }
0x210: {  	[hbm4b:s24+s3] =	stream.linear.scatter [tilespmem:s19], [sflag:$0x2], $0x8000, $0x38;
	[tilespmem:$0x10100] =	vst v63  }
0x211: {  	s26 =	rddreg [dreg:$0x16]  }
0x212: {  	[hbm4b:s25+s3] =	stream.linear.scatter [tilespmem:s18], [sflag:$0x2], $0x8000, $0x38;
	[tilespmem:$0x10100] =	vst v63  }
0x213: {  	s22 =	rddreg [dreg:$0x17]  }
0x214: {  	[hbm4b:s26+s3] =	stream.linear.scatter [tilespmem:s17], [sflag:$0x2], $0x8000, $0x38;
	[tilespmem:$0x10100] =	vst v63  }
0x215: {  	s24 =	rddreg [dreg:$0x18]  }
0x216: {  	[hbm4b:s22+s3] =	stream.linear.scatter [tilespmem:s16], [sflag:$0x2], $0x8000, $0x38;
	[tilespmem:$0x10100] =	vst v63  }
0x217: {  	s25 =	rddreg [dreg:$0x19]  }
0x218: {  	[hbm4b:s24+s3] =	stream.linear.scatter [tilespmem:s15], [sflag:$0x2], $0x8000, $0x38;
	[tilespmem:$0x10100] =	vst v63  }
0x219: {  	s26 =	rddreg [dreg:$0x1a]  }
0x21a: {  	[hbm4b:s25+s3] =	stream.linear.scatter [tilespmem:s14], [sflag:$0x2], $0x8000, $0x38;
	[tilespmem:$0x10100] =	vst v63  }
0x21b: {  	s22 =	rddreg [dreg:$0x1b]  }
0x21c: {  	[hbm4b:s26+s3] =	stream.linear.scatter [tilespmem:s13], [sflag:$0x2], $0x8000, $0x38;
	[tilespmem:$0x10100] =	vst v63  }
0x21d: {  	s24 =	rddreg [dreg:$0x1c]  }
0x21e: {  	[hbm4b:s22+s3] =	stream.linear.scatter [tilespmem:s12], [sflag:$0x2], $0x8000, $0x38;
	[tilespmem:$0x10100] =	vst v63  }
0x21f: {  	s25 =	rddreg [dreg:$0x1d]  }
0x220: {  	[hbm4b:s24+s3] =	stream.linear.scatter [tilespmem:s11], [sflag:$0x2], $0x8000, $0x38;
	[tilespmem:$0x10100] =	vst v63  }
0x221: {  	s26 =	rddreg [dreg:$0x1e]  }
0x222: {  	[hbm4b:s25+s3] =	stream.linear.scatter [tilespmem:s10], [sflag:$0x2], $0x8000, $0x38;
	[tilespmem:$0x10100] =	vst v63  }
0x223: {  	s22 =	rddreg [dreg:$0x1f]  }
0x224: {  	[hbm4b:s26+s3] =	stream.linear.scatter [tilespmem:s9], [sflag:$0x2], $0x8000, $0x38;
	[tilespmem:$0x10100] =	vst v63  }
0x225: {  	s24 =	sld [smem:$0x7DB]  }
0x226: {  	[hbm4b:s22+s3] =	stream.linear.scatter [tilespmem:s8], [sflag:$0x2], $0x8000, $0x38;
	[tilespmem:$0x10100] =	vst v63  }
0x227: {  	s25 =	sld [smem:$0x7DC]  }
0x228: {  	[hbm4b:s24+s3] =	stream.linear.scatter [tilespmem:s7], [sflag:$0x2], $0x8000, $0x38;
	[tilespmem:$0x10100] =	vst v63  }
0x229: {  	_ = 	snop  }
0x22a: {  	[hbm4b:s25+s3] =	stream.linear.scatter [tilespmem:s23], [sflag:$0x2], $0x8000, $0x38;
	[tilespmem:$0x10100] =	vst v63  }
0x22b: {  	_ =	swait.ge [sflag:s29], $0x8000  }
0x22c: {  	[sflag:s29] =	ssyncset.done $0x0  }
0x22d: {  	[sflag:s29] =	ssyncadd.s32 $0xFFFF8000  }
0x22e: {  	_ =	swait.ge [sflag:s29], $0x8000  }
0x22f: {  	[sflag:s29] =	ssyncset.done $0x0  }
0x230: {  	[sflag:s29] =	ssyncadd.s32 $0xFFFF8000  }
0x231: {  	_ =	swait.ge [sflag:s29], $0x8000  }
0x232: {  	[sflag:s29] =	ssyncset.done $0x0  }
0x233: {  	[sflag:s29] =	ssyncadd.s32 $0xFFFF8000  }
0x234: {  	_ =	swait.ge [sflag:s29], $0x8000  }
0x235: {  	[sflag:s29] =	ssyncset.done $0x0  }
0x236: {  	[sflag:s29] =	ssyncadd.s32 $0xFFFF8000  }
0x237: {  	_ =	swait.ge [sflag:s29], $0x8000  }
0x238: {  	[sflag:s29] =	ssyncset.done $0x0  }
0x239: {  	[sflag:s29] =	ssyncadd.s32 $0xFFFF8000  }
0x23a: {  	_ =	swait.ge [sflag:s29], $0x8000  }
0x23b: {  	[sflag:s29] =	ssyncset.done $0x0  }
0x23c: {  	[sflag:s29] =	ssyncadd.s32 $0xFFFF8000  }
0x23d: {  	_ =	swait.ge [sflag:s29], $0x8000  }
0x23e: {  	[sflag:s29] =	ssyncset.done $0x0  }
0x23f: {  	[sflag:s29] =	ssyncadd.s32 $0xFFFF8000  }
0x240: {  	_ =	swait.ge [sflag:s29], $0x8000  }
0x241: {  	[sflag:s29] =	ssyncset.done $0x0  }
0x242: {  	[sflag:s29] =	ssyncadd.s32 $0xFFFF8000  }
0x243: {  	_ =	swait.ge [sflag:s29], $0x8000  }
0x244: {  	[sflag:s29] =	ssyncset.done $0x0  }
0x245: {  	[sflag:s29] =	ssyncadd.s32 $0xFFFF8000  }
0x246: {  	_ =	swait.ge [sflag:s29], $0x8000  }
0x247: {  	[sflag:s29] =	ssyncset.done $0x0  }
0x248: {  	[sflag:s29] =	ssyncadd.s32 $0xFFFF8000  }
0x249: {  	_ =	swait.ge [sflag:s29], $0x8000  }
0x24a: {  	[sflag:s29] =	ssyncset.done $0x0  }
0x24b: {  	[sflag:s29] =	ssyncadd.s32 $0xFFFF8000  }
0x24c: {  	_ =	swait.ge [sflag:s29], $0x8000  }
0x24d: {  	[sflag:s29] =	ssyncset.done $0x0  }
0x24e: {  	[sflag:s29] =	ssyncadd.s32 $0xFFFF8000  }
0x24f: {  	_ =	swait.ge [sflag:s29], $0x8000  }
0x250: {  	[sflag:s29] =	ssyncset.done $0x0  }
0x251: {  	[sflag:s29] =	ssyncadd.s32 $0xFFFF8000  }
0x252: {  	_ =	swait.ge [sflag:s29], $0x8000  }
0x253: {  	[sflag:s29] =	ssyncset.done $0x0  }
0x254: {  	[sflag:s29] =	ssyncadd.s32 $0xFFFF8000  }
0x255: {  	_ =	swait.ge [sflag:s29], $0x8000  }
0x256: {  	[sflag:s29] =	ssyncset.done $0x0  }
0x257: {  	[sflag:s29] =	ssyncadd.s32 $0xFFFF8000  }
0x258: {  	_ =	swait.ge [sflag:s29], $0x8000  }
0x259: {  	[sflag:s29] =	ssyncset.done $0x0  }
0x25a: {  	[sflag:s29] =	ssyncadd.s32 $0xFFFF8000  }
0x25b: {  	[tilespmem:$0x0] =	vst v28  }
0x25c: {  	[tilespmem:$0x10] =	vst v29  }
0x25d: {  	[tilespmem:$0x20] =	vst v30  }
0x25e: {  	[tilespmem:$0x30] =	vst v31  }
0x25f: {  	[tilespmem:$0x40] =	vst v32  }
0x260: {  	[tilespmem:$0x50] =	vst v33  }
0x261: {  	[tilespmem:$0x60] =	vst v34  }
0x262: {  	[tilespmem:$0x70] =	vst v35  }
0x263: {  	[tilespmem:$0x80] =	vst v36  }
0x264: {  	v13 =	vperm.xlane v42, v8;
	[tilespmem:$0x90] =	vst v37  }
0x265: {  	[tilespmem:$0xA0] =	vst v38  }
0x266: {  	v14 =	vperm.xlane v42, v10;
	v13 =	vadd.s32 v9, v13;
	[tilespmem:$0xB0] =	vst v39  }
0x267: {  	[tilespmem:$0xC0] =	vst v40  }
0x268: {  	v14 =	vadd.s32 v9, v14;
	[tilespmem:$0xD0] =	vst v44  }
0x269: {  	[tilespmem:$0xE0] =	vst v45  }
0x26a: {  	[tilespmem:$0xF0] =	vst v46  }
0x26b: {  	[tilespmem:s23], [sflag:$0x1] =	stream.indirect_vreg.gather [hbm4b:s2+s3], $0x80, v13, vm0, $0xb8;
	[tilespmem:$0x10100] =	vst v63  }
0x26c: {  	_ = 	snop  }
0x26d: {  	[tilespmem:s7], [sflag:$0x1] =	stream.indirect_vreg.gather [hbm4b:s2+s3], $0x80, v14, vm0, $0xb8;
	[tilespmem:$0x10100] =	vst v63  }
0x26e: {  	v13 =	vld [tilespmem:$0x10];
	_ =	sdelay $0x4  }
0x26f: {  	v14 =	vshll.u32 v13, $0x1  }
0x270: {  	v13 =	vand.u32 $0x7, v13;
	v14 =	vand.u32 $0xFFFFFFF0, v14  }
0x271: {  	v13 =	vor.u32 v13, v14  }
0x272: {  	v14 =	vperm.xlane v13, v8;
	_ =	sdelay $0x1  }
0x273: {  	v13 =	vperm.xlane v13, v10;
	v14 =	vadd.s32 v9, v14;
	_ =	sdelay $0x1  }
0x274: {  	v13 =	vadd.s32 v9, v13;
	_ =	sdelay $0x2  }
0x275: {  	[tilespmem:s8], [sflag:$0x1] =	stream.indirect_vreg.gather [hbm4b:s2+s3], $0x80, v14, vm0, $0xb8;
	[tilespmem:$0x10100] =	vst v63  }
0x276: {  	_ = 	snop  }
0x277: {  	[tilespmem:s9], [sflag:$0x1] =	stream.indirect_vreg.gather [hbm4b:s2+s3], $0x80, v13, vm0, $0xb8;
	[tilespmem:$0x10100] =	vst v63  }
0x278: {  	v13 =	vld [tilespmem:$0x20];
	_ =	sdelay $0x4  }
0x279: {  	v14 =	vshll.u32 v13, $0x1  }
0x27a: {  	v13 =	vand.u32 $0x7, v13;
	v14 =	vand.u32 $0xFFFFFFF0, v14  }
0x27b: {  	v13 =	vor.u32 v13, v14  }
0x27c: {  	v14 =	vperm.xlane v13, v8;
	_ =	sdelay $0x1  }
0x27d: {  	v13 =	vperm.xlane v13, v10;
	v14 =	vadd.s32 v9, v14;
	_ =	sdelay $0x1  }
0x27e: {  	v13 =	vadd.s32 v9, v13;
	_ =	sdelay $0x2  }
0x27f: {  	[tilespmem:s10], [sflag:$0x1] =	stream.indirect_vreg.gather [hbm4b:s2+s3], $0x80, v14, vm0, $0xb8;
	[tilespmem:$0x10100] =	vst v63  }
0x280: {  	_ = 	snop  }
0x281: {  	[tilespmem:s11], [sflag:$0x1] =	stream.indirect_vreg.gather [hbm4b:s2+s3], $0x80, v13, vm0, $0xb8;
	[tilespmem:$0x10100] =	vst v63  }
0x282: {  	v13 =	vld [tilespmem:$0x30];
	_ =	sdelay $0x4  }
0x283: {  	v14 =	vshll.u32 v13, $0x1  }
0x284: {  	v13 =	vand.u32 $0x7, v13;
	v14 =	vand.u32 $0xFFFFFFF0, v14  }
0x285: {  	v13 =	vor.u32 v13, v14  }
0x286: {  	v14 =	vperm.xlane v13, v8;
	_ =	sdelay $0x1  }
0x287: {  	v13 =	vperm.xlane v13, v10;
	v14 =	vadd.s32 v9, v14;
	_ =	sdelay $0x1  }
0x288: {  	v13 =	vadd.s32 v9, v13;
	_ =	sdelay $0x2  }
0x289: {  	[tilespmem:s12], [sflag:$0x1] =	stream.indirect_vreg.gather [hbm4b:s2+s3], $0x80, v14, vm0, $0xb8;
	[tilespmem:$0x10100] =	vst v63  }
0x28a: {  	_ = 	snop  }
0x28b: {  	[tilespmem:s13], [sflag:$0x1] =	stream.indirect_vreg.gather [hbm4b:s2+s3], $0x80, v13, vm0, $0xb8;
	[tilespmem:$0x10100] =	vst v63  }
0x28c: {  	v13 =	vld [tilespmem:$0x40];
	_ =	sdelay $0x4  }
0x28d: {  	v14 =	vshll.u32 v13, $0x1  }
0x28e: {  	v13 =	vand.u32 $0x7, v13;
	v14 =	vand.u32 $0xFFFFFFF0, v14  }
0x28f: {  	v13 =	vor.u32 v13, v14  }
0x290: {  	v14 =	vperm.xlane v13, v8;
	_ =	sdelay $0x1  }
0x291: {  	v13 =	vperm.xlane v13, v10;
	v14 =	vadd.s32 v9, v14;
	_ =	sdelay $0x1  }
0x292: {  	v13 =	vadd.s32 v9, v13;
	_ =	sdelay $0x2  }
0x293: {  	[tilespmem:s14], [sflag:$0x1] =	stream.indirect_vreg.gather [hbm4b:s2+s3], $0x80, v14, vm0, $0xb8;
	[tilespmem:$0x10100] =	vst v63  }
0x294: {  	_ = 	snop  }
0x295: {  	[tilespmem:s15], [sflag:$0x1] =	stream.indirect_vreg.gather [hbm4b:s2+s3], $0x80, v13, vm0, $0xb8;
	[tilespmem:$0x10100] =	vst v63  }
0x296: {  	v13 =	vld [tilespmem:$0x50];
	_ =	sdelay $0x4  }
0x297: {  	v14 =	vshll.u32 v13, $0x1  }
0x298: {  	v13 =	vand.u32 $0x7, v13;
	v14 =	vand.u32 $0xFFFFFFF0, v14  }
0x299: {  	v13 =	vor.u32 v13, v14  }
0x29a: {  	v14 =	vperm.xlane v13, v8;
	_ =	sdelay $0x1  }
0x29b: {  	v13 =	vperm.xlane v13, v10;
	v14 =	vadd.s32 v9, v14;
	_ =	sdelay $0x1  }
0x29c: {  	v13 =	vadd.s32 v9, v13;
	_ =	sdelay $0x2  }
0x29d: {  	[tilespmem:s16], [sflag:$0x1] =	stream.indirect_vreg.gather [hbm4b:s2+s3], $0x80, v14, vm0, $0xb8;
	[tilespmem:$0x10100] =	vst v63  }
0x29e: {  	_ = 	snop  }
0x29f: {  	[tilespmem:s17], [sflag:$0x1] =	stream.indirect_vreg.gather [hbm4b:s2+s3], $0x80, v13, vm0, $0xb8;
	[tilespmem:$0x10100] =	vst v63  }
0x2a0: {  	v13 =	vld [tilespmem:$0x60];
	_ =	sdelay $0x4  }
0x2a1: {  	v14 =	vshll.u32 v13, $0x1  }
0x2a2: {  	v13 =	vand.u32 $0x7, v13;
	v14 =	vand.u32 $0xFFFFFFF0, v14  }
0x2a3: {  	v13 =	vor.u32 v13, v14  }
0x2a4: {  	v14 =	vperm.xlane v13, v8;
	_ =	sdelay $0x1  }
0x2a5: {  	v13 =	vperm.xlane v13, v10;
	v14 =	vadd.s32 v9, v14;
	_ =	sdelay $0x1  }
0x2a6: {  	v13 =	vadd.s32 v9, v13;
	_ =	sdelay $0x2  }
0x2a7: {  	[tilespmem:s18], [sflag:$0x1] =	stream.indirect_vreg.gather [hbm4b:s2+s3], $0x80, v14, vm0, $0xb8;
	[tilespmem:$0x10100] =	vst v63  }
0x2a8: {  	_ = 	snop  }
0x2a9: {  	[tilespmem:s19], [sflag:$0x1] =	stream.indirect_vreg.gather [hbm4b:s2+s3], $0x80, v13, vm0, $0xb8;
	[tilespmem:$0x10100] =	vst v63  }
0x2aa: {  	v13 =	vld [tilespmem:$0x70];
	_ =	sdelay $0x4  }
0x2ab: {  	v14 =	vshll.u32 v13, $0x1  }
0x2ac: {  	v13 =	vand.u32 $0x7, v13;
	v14 =	vand.u32 $0xFFFFFFF0, v14  }
0x2ad: {  	v13 =	vor.u32 v13, v14  }
0x2ae: {  	v14 =	vperm.xlane v13, v8;
	_ =	sdelay $0x1  }
0x2af: {  	v13 =	vperm.xlane v13, v10;
	v14 =	vadd.s32 v9, v14;
	_ =	sdelay $0x1  }
0x2b0: {  	v13 =	vadd.s32 v9, v13;
	_ =	sdelay $0x2  }
0x2b1: {  	[tilespmem:s20], [sflag:$0x1] =	stream.indirect_vreg.gather [hbm4b:s2+s3], $0x80, v14, vm0, $0xb8;
	[tilespmem:$0x10100] =	vst v63  }
0x2b2: {  	_ = 	snop  }
0x2b3: {  	[tilespmem:s21], [sflag:$0x1] =	stream.indirect_vreg.gather [hbm4b:s2+s3], $0x80, v13, vm0, $0xb8;
	[tilespmem:$0x10100] =	vst v63  }
0x2b4: {  	v13 =	vld [tilespmem:$0x80];
	_ =	sdelay $0x4  }
0x2b5: {  	v14 =	vshll.u32 v13, $0x1  }
0x2b6: {  	v13 =	vand.u32 $0x7, v13;
	v14 =	vand.u32 $0xFFFFFFF0, v14  }
0x2b7: {  	v13 =	vor.u32 v13, v14  }
0x2b8: {  	v14 =	vperm.xlane v13, v8;
	_ =	sdelay $0x1  }
0x2b9: {  	v13 =	vperm.xlane v13, v10;
	v14 =	vadd.s32 v9, v14;
	_ =	sdelay $0x1  }
0x2ba: {  	v13 =	vadd.s32 v9, v13;
	_ =	sdelay $0x2  }
0x2bb: {  	[tilespmem:s0], [sflag:$0x1] =	stream.indirect_vreg.gather [hbm4b:s2+s3], $0x80, v14, vm0, $0xb8;
	[tilespmem:$0x10100] =	vst v63  }
0x2bc: {  	s26 =	simm.s32 $0x8900  }
0x2bd: {  	[tilespmem:s26], [sflag:$0x1] =	stream.indirect_vreg.gather [hbm4b:s2+s3], $0x80, v13, vm0, $0xb8;
	[tilespmem:$0x10100] =	vst v63  }
0x2be: {  	v13 =	vld [tilespmem:$0x90];
	_ =	sdelay $0x4  }
0x2bf: {  	v14 =	vshll.u32 v13, $0x1  }
0x2c0: {  	v13 =	vand.u32 $0x7, v13;
	v14 =	vand.u32 $0xFFFFFFF0, v14  }
0x2c1: {  	v13 =	vor.u32 v13, v14  }
0x2c2: {  	v14 =	vperm.xlane v13, v8;
	_ =	sdelay $0x1  }
0x2c3: {  	v13 =	vperm.xlane v13, v10;
	v14 =	vadd.s32 v9, v14;
	_ =	sdelay $0x1  }
0x2c4: {  	v13 =	vadd.s32 v9, v13;
	_ =	sdelay $0x2  }
0x2c5: {  	[tilespmem:s1], [sflag:$0x1] =	stream.indirect_vreg.gather [hbm4b:s2+s3], $0x80, v14, vm0, $0xb8;
	[tilespmem:$0x10100] =	vst v63  }
0x2c6: {  	s30 =	simm.s32 $0x9900  }
0x2c7: {  	[tilespmem:s30], [sflag:$0x1] =	stream.indirect_vreg.gather [hbm4b:s2+s3], $0x80, v13, vm0, $0xb8;
	[tilespmem:$0x10100] =	vst v63  }
0x2c8: {  	v13 =	vld [tilespmem:$0xA0];
	_ =	sdelay $0x4  }
0x2c9: {  	v14 =	vshll.u32 v13, $0x1  }
0x2ca: {  	v13 =	vand.u32 $0x7, v13;
	v14 =	vand.u32 $0xFFFFFFF0, v14  }
0x2cb: {  	v13 =	vor.u32 v13, v14  }
0x2cc: {  	v14 =	vperm.xlane v13, v8;
	_ =	sdelay $0x1  }
0x2cd: {  	v13 =	vperm.xlane v13, v10;
	v14 =	vadd.s32 v9, v14;
	_ =	sdelay $0x1  }
0x2ce: {  	v13 =	vadd.s32 v9, v13;
	_ =	sdelay $0x2  }
0x2cf: {  	[tilespmem:s4], [sflag:$0x1] =	stream.indirect_vreg.gather [hbm4b:s2+s3], $0x80, v14, vm0, $0xb8;
	[tilespmem:$0x10100] =	vst v63  }
0x2d0: {  	s31 =	simm.s32 $0xA900  }
0x2d1: {  	[tilespmem:s31], [sflag:$0x1] =	stream.indirect_vreg.gather [hbm4b:s2+s3], $0x80, v13, vm0, $0xb8;
	[tilespmem:$0x10100] =	vst v63  }
0x2d2: {  	v13 =	vld [tilespmem:$0xB0];
	_ =	sdelay $0x4  }
0x2d3: {  	v14 =	vshll.u32 v13, $0x1  }
0x2d4: {  	v13 =	vand.u32 $0x7, v13;
	v14 =	vand.u32 $0xFFFFFFF0, v14  }
0x2d5: {  	v13 =	vor.u32 v13, v14  }
0x2d6: {  	v14 =	vperm.xlane v13, v8;
	_ =	sdelay $0x1  }
0x2d7: {  	v13 =	vperm.xlane v13, v10;
	v14 =	vadd.s32 v9, v14;
	_ =	sdelay $0x1  }
0x2d8: {  	v13 =	vadd.s32 v9, v13;
	_ =	sdelay $0x2  }
0x2d9: {  	[tilespmem:s6], [sflag:$0x1] =	stream.indirect_vreg.gather [hbm4b:s2+s3], $0x80, v14, vm0, $0xb8;
	[tilespmem:$0x10100] =	vst v63  }
0x2da: {  	s22 =	simm.s32 $0xB900  }
0x2db: {  	[tilespmem:s22], [sflag:$0x1] =	stream.indirect_vreg.gather [hbm4b:s2+s3], $0x80, v13, vm0, $0xb8;
	[tilespmem:$0x10100] =	vst v63  }
0x2dc: {  	v13 =	vld [tilespmem:$0xC0];
	_ =	sdelay $0x4  }
0x2dd: {  	v14 =	vshll.u32 v13, $0x1  }
0x2de: {  	v13 =	vand.u32 $0x7, v13;
	v14 =	vand.u32 $0xFFFFFFF0, v14  }
0x2df: {  	v13 =	vor.u32 v13, v14  }
0x2e0: {  	v14 =	vperm.xlane v13, v8;
	_ =	sdelay $0x1  }
0x2e1: {  	v13 =	vperm.xlane v13, v10;
	v14 =	vadd.s32 v9, v14;
	_ =	sdelay $0x1  }
0x2e2: {  	v13 =	vadd.s32 v9, v13;
	_ =	sdelay $0x1  }
0x2e3: {  	s24 =	simm.s32 $0xC100  }
0x2e4: {  	[tilespmem:s24], [sflag:$0x1] =	stream.indirect_vreg.gather [hbm4b:s2+s3], $0x80, v14, vm0, $0xb8;
	[tilespmem:$0x10100] =	vst v63  }
0x2e5: {  	s25 =	simm.s32 $0xC900  }
0x2e6: {  	[tilespmem:s25], [sflag:$0x1] =	stream.indirect_vreg.gather [hbm4b:s2+s3], $0x80, v13, vm0, $0xb8;
	[tilespmem:$0x10100] =	vst v63  }
0x2e7: {  	v13 =	vld [tilespmem:$0xD0];
	_ =	sdelay $0x4  }
0x2e8: {  	v14 =	vshll.u32 v13, $0x1  }
0x2e9: {  	v13 =	vand.u32 $0x7, v13;
	v14 =	vand.u32 $0xFFFFFFF0, v14  }
0x2ea: {  	v13 =	vor.u32 v13, v14  }
0x2eb: {  	v14 =	vperm.xlane v13, v8;
	_ =	sdelay $0x1  }
0x2ec: {  	v13 =	vperm.xlane v13, v10;
	v14 =	vadd.s32 v9, v14;
	_ =	sdelay $0x1  }
0x2ed: {  	v13 =	vadd.s32 v9, v13;
	_ =	sdelay $0x1  }
0x2ee: {  	s26 =	simm.s32 $0xD100  }
0x2ef: {  	[tilespmem:s26], [sflag:$0x1] =	stream.indirect_vreg.gather [hbm4b:s2+s3], $0x80, v14, vm0, $0xb8;
	[tilespmem:$0x10100] =	vst v63  }
0x2f0: {  	s30 =	simm.s32 $0xD900  }
0x2f1: {  	[tilespmem:s30], [sflag:$0x1] =	stream.indirect_vreg.gather [hbm4b:s2+s3], $0x80, v13, vm0, $0xb8;
	[tilespmem:$0x10100] =	vst v63  }
0x2f2: {  	v13 =	vld [tilespmem:$0xE0];
	_ =	sdelay $0x4  }
0x2f3: {  	v14 =	vshll.u32 v13, $0x1  }
0x2f4: {  	v13 =	vand.u32 $0x7, v13;
	v14 =	vand.u32 $0xFFFFFFF0, v14  }
0x2f5: {  	v13 =	vor.u32 v13, v14  }
0x2f6: {  	v14 =	vperm.xlane v13, v8;
	_ =	sdelay $0x1  }
0x2f7: {  	v13 =	vperm.xlane v13, v10;
	v14 =	vadd.s32 v9, v14;
	_ =	sdelay $0x1  }
0x2f8: {  	v13 =	vadd.s32 v9, v13;
	_ =	sdelay $0x1  }
0x2f9: {  	s31 =	simm.s32 $0xE100  }
0x2fa: {  	[tilespmem:s31], [sflag:$0x1] =	stream.indirect_vreg.gather [hbm4b:s2+s3], $0x80, v14, vm0, $0xb8;
	[tilespmem:$0x10100] =	vst v63  }
0x2fb: {  	s0 =	simm.s32 $0xE900  }
0x2fc: {  	[tilespmem:s0], [sflag:$0x1] =	stream.indirect_vreg.gather [hbm4b:s2+s3], $0x80, v13, vm0, $0xb8;
	[tilespmem:$0x10100] =	vst v63  }
0x2fd: {  	v13 =	vld [tilespmem:$0xF0];
	_ =	sdelay $0x4  }
0x2fe: {  	v14 =	vshll.u32 v13, $0x1  }
0x2ff: {  	v13 =	vand.u32 $0x7, v13;
	v14 =	vand.u32 $0xFFFFFFF0, v14  }
0x300: {  	v13 =	vor.u32 v13, v14  }
0x301: {  	v14 =	vperm.xlane v13, v8;
	_ =	sdelay $0x1  }
0x302: {  	v13 =	vperm.xlane v13, v10;
	v14 =	vadd.s32 v9, v14;
	_ =	sdelay $0x1  }
0x303: {  	v13 =	vadd.s32 v9, v13;
	_ =	sdelay $0x1  }
0x304: {  	s30 =	simm.s32 $0xF100  }
0x305: {  	[tilespmem:s30], [sflag:$0x1] =	stream.indirect_vreg.gather [hbm4b:s2+s3], $0x80, v14, vm0, $0xb8;
	[tilespmem:$0x10100] =	vst v63  }
0x306: {  	s0 =	simm.s32 $0xF900  }
0x307: {  	[tilespmem:s0], [sflag:$0x1] =	stream.indirect_vreg.gather [hbm4b:s2+s3], $0x80, v13, vm0, $0xb8;
	[tilespmem:$0x10100] =	vst v63  }
0x308: {  	_ =	swait.ge [sflag:s28], $0x8000  }
0x309: {  	[sflag:s28] =	ssyncset.done $0x0  }
0x30a: {  	[sflag:s28] =	ssyncadd.s32 $0xFFFF8000  }
0x30b: {  	_ =	swait.ge [sflag:s28], $0x8000  }
0x30c: {  	s30 =	sld [smem:$0x7DD]  }
0x30d: {  	[sflag:s28] =	ssyncset.done $0x0  }
0x30e: {  	s31 =	sld [smem:$0x7DE];
	[sflag:s28] =	ssyncadd.s32 $0xFFFF8000  }
0x30f: {  	[hbm4b:s30+s3] =	stream.linear.scatter [tilespmem:s21], [sflag:$0x2], $0x8000, $0x38;
	[tilespmem:$0x10100] =	vst v63  }
0x310: {  	s30 =	sld [smem:$0x7DF]  }
0x311: {  	[hbm4b:s31+s3] =	stream.linear.scatter [tilespmem:s20], [sflag:$0x2], $0x8000, $0x38;
	[tilespmem:$0x10100] =	vst v63  }
0x312: {  	s31 =	sld [smem:$0x7E0]  }
0x313: {  	[hbm4b:s30+s3] =	stream.linear.scatter [tilespmem:s19], [sflag:$0x2], $0x8000, $0x38;
	[tilespmem:$0x10100] =	vst v63  }
0x314: {  	s30 =	sld [smem:$0x7E1]  }
0x315: {  	[hbm4b:s31+s3] =	stream.linear.scatter [tilespmem:s18], [sflag:$0x2], $0x8000, $0x38;
	[tilespmem:$0x10100] =	vst v63  }
0x316: {  	s31 =	sld [smem:$0x7E2]  }
0x317: {  	[hbm4b:s30+s3] =	stream.linear.scatter [tilespmem:s17], [sflag:$0x2], $0x8000, $0x38;
	[tilespmem:$0x10100] =	vst v63  }
0x318: {  	s30 =	sld [smem:$0x7E3]  }
0x319: {  	[hbm4b:s31+s3] =	stream.linear.scatter [tilespmem:s16], [sflag:$0x2], $0x8000, $0x38;
	[tilespmem:$0x10100] =	vst v63  }
0x31a: {  	s31 =	sld [smem:$0x7E4]  }
0x31b: {  	[hbm4b:s30+s3] =	stream.linear.scatter [tilespmem:s15], [sflag:$0x2], $0x8000, $0x38;
	[tilespmem:$0x10100] =	vst v63  }
0x31c: {  	s30 =	sld [smem:$0x7E5]  }
0x31d: {  	[hbm4b:s31+s3] =	stream.linear.scatter [tilespmem:s14], [sflag:$0x2], $0x8000, $0x38;
	[tilespmem:$0x10100] =	vst v63  }
0x31e: {  	s31 =	sld [smem:$0x7E6]  }
0x31f: {  	[hbm4b:s30+s3] =	stream.linear.scatter [tilespmem:s13], [sflag:$0x2], $0x8000, $0x38;
	[tilespmem:$0x10100] =	vst v63  }
0x320: {  	s30 =	sld [smem:$0x7E7]  }
0x321: {  	[hbm4b:s31+s3] =	stream.linear.scatter [tilespmem:s12], [sflag:$0x2], $0x8000, $0x38;
	[tilespmem:$0x10100] =	vst v63  }
0x322: {  	s31 =	sld [smem:$0x7E8]  }
0x323: {  	[hbm4b:s30+s3] =	stream.linear.scatter [tilespmem:s11], [sflag:$0x2], $0x8000, $0x38;
	[tilespmem:$0x10100] =	vst v63  }
0x324: {  	s30 =	sld [smem:$0x7E9]  }
0x325: {  	[hbm4b:s31+s3] =	stream.linear.scatter [tilespmem:s10], [sflag:$0x2], $0x8000, $0x38;
	[tilespmem:$0x10100] =	vst v63  }
0x326: {  	s31 =	sld [smem:$0x7EA]  }
0x327: {  	[hbm4b:s30+s3] =	stream.linear.scatter [tilespmem:s9], [sflag:$0x2], $0x8000, $0x38;
	[tilespmem:$0x10100] =	vst v63  }
0x328: {  	s30 =	sld [smem:$0x7EB]  }
0x329: {  	[hbm4b:s31+s3] =	stream.linear.scatter [tilespmem:s8], [sflag:$0x2], $0x8000, $0x38;
	[tilespmem:$0x10100] =	vst v63  }
0x32a: {  	s31 =	sld [smem:$0x7EC]  }
0x32b: {  	[hbm4b:s30+s3] =	stream.linear.scatter [tilespmem:s7], [sflag:$0x2], $0x8000, $0x38;
	[tilespmem:$0x10100] =	vst v63  }
0x32c: {  	_ = 	snop  }
0x32d: {  	[hbm4b:s31+s3] =	stream.linear.scatter [tilespmem:s23], [sflag:$0x2], $0x8000, $0x38;
	[tilespmem:$0x10100] =	vst v63  }
0x32e: {  	_ =	swait.ge [sflag:s29], $0x8000  }
0x32f: {  	[sflag:s29] =	ssyncset.done $0x0  }
0x330: {  	[sflag:s29] =	ssyncadd.s32 $0xFFFF8000  }
0x331: {  	_ =	swait.ge [sflag:s29], $0x8000  }
0x332: {  	[sflag:s29] =	ssyncset.done $0x0  }
0x333: {  	[sflag:s29] =	ssyncadd.s32 $0xFFFF8000  }
0x334: {  	_ =	swait.ge [sflag:s29], $0x8000  }
0x335: {  	[sflag:s29] =	ssyncset.done $0x0  }
0x336: {  	[sflag:s29] =	ssyncadd.s32 $0xFFFF8000  }
0x337: {  	_ =	swait.ge [sflag:s29], $0x8000  }
0x338: {  	[sflag:s29] =	ssyncset.done $0x0  }
0x339: {  	[sflag:s29] =	ssyncadd.s32 $0xFFFF8000  }
0x33a: {  	_ =	swait.ge [sflag:s29], $0x8000  }
0x33b: {  	[sflag:s29] =	ssyncset.done $0x0  }
0x33c: {  	[sflag:s29] =	ssyncadd.s32 $0xFFFF8000  }
0x33d: {  	_ =	swait.ge [sflag:s29], $0x8000  }
0x33e: {  	[sflag:s29] =	ssyncset.done $0x0  }
0x33f: {  	[sflag:s29] =	ssyncadd.s32 $0xFFFF8000  }
0x340: {  	_ =	swait.ge [sflag:s29], $0x8000  }
0x341: {  	[sflag:s29] =	ssyncset.done $0x0  }
0x342: {  	[sflag:s29] =	ssyncadd.s32 $0xFFFF8000  }
0x343: {  	_ =	swait.ge [sflag:s29], $0x8000  }
0x344: {  	[sflag:s29] =	ssyncset.done $0x0  }
0x345: {  	[sflag:s29] =	ssyncadd.s32 $0xFFFF8000  }
0x346: {  	_ =	swait.ge [sflag:s29], $0x8000  }
0x347: {  	[sflag:s29] =	ssyncset.done $0x0  }
0x348: {  	[sflag:s29] =	ssyncadd.s32 $0xFFFF8000  }
0x349: {  	_ =	swait.ge [sflag:s29], $0x8000  }
0x34a: {  	[sflag:s29] =	ssyncset.done $0x0  }
0x34b: {  	[sflag:s29] =	ssyncadd.s32 $0xFFFF8000  }
0x34c: {  	_ =	swait.ge [sflag:s29], $0x8000  }
0x34d: {  	[sflag:s29] =	ssyncset.done $0x0  }
0x34e: {  	[sflag:s29] =	ssyncadd.s32 $0xFFFF8000  }
0x34f: {  	_ =	swait.ge [sflag:s29], $0x8000  }
0x350: {  	[sflag:s29] =	ssyncset.done $0x0  }
0x351: {  	[sflag:s29] =	ssyncadd.s32 $0xFFFF8000  }
0x352: {  	_ =	swait.ge [sflag:s29], $0x8000  }
0x353: {  	[sflag:s29] =	ssyncset.done $0x0  }
0x354: {  	[sflag:s29] =	ssyncadd.s32 $0xFFFF8000  }
0x355: {  	_ =	swait.ge [sflag:s29], $0x8000  }
0x356: {  	[sflag:s29] =	ssyncset.done $0x0  }
0x357: {  	[sflag:s29] =	ssyncadd.s32 $0xFFFF8000  }
0x358: {  	_ =	swait.ge [sflag:s29], $0x8000  }
0x359: {  	[sflag:s29] =	ssyncset.done $0x0  }
0x35a: {  	[sflag:s29] =	ssyncadd.s32 $0xFFFF8000  }
0x35b: {  	_ =	swait.ge [sflag:s29], $0x8000  }
0x35c: {  	[sflag:s29] =	ssyncset.done $0x0  }
0x35d: {  	[sflag:s29] =	ssyncadd.s32 $0xFFFF8000  }
0x35e: {  	[tilespmem:$0x0] =	vst v41  }
0x35f: {  	[tilespmem:$0x10] =	vst v47  }
0x360: {  	[tilespmem:$0x20] =	vst v48  }
0x361: {  	[tilespmem:$0x30] =	vst v49  }
0x362: {  	[tilespmem:$0x40] =	vst v50  }
0x363: {  	[tilespmem:$0x50] =	vst v51  }
0x364: {  	[tilespmem:$0x60] =	vst v52  }
0x365: {  	[tilespmem:$0x70] =	vst v55  }
0x366: {  	[tilespmem:$0x80] =	vst v56  }
0x367: {  	v13 =	vperm.xlane v43, v8;
	[tilespmem:$0x90] =	vst v57  }
0x368: {  	[tilespmem:$0xA0] =	vst v1  }
0x369: {  	v14 =	vperm.xlane v43, v10;
	v13 =	vadd.s32 v9, v13;
	[tilespmem:$0xB0] =	vst v2  }
0x36a: {  	[tilespmem:$0xC0] =	vst v3  }
0x36b: {  	v14 =	vadd.s32 v9, v14;
	[tilespmem:$0xD0] =	vst v4  }
0x36c: {  	[tilespmem:$0xE0] =	vst v5  }
0x36d: {  	[tilespmem:$0xF0] =	vst v12  }
0x36e: {  	[tilespmem:s23], [sflag:$0x1] =	stream.indirect_vreg.gather [hbm4b:s2+s3], $0x80, v13, vm0, $0xb8;
	[tilespmem:$0x10100] =	vst v63  }
0x36f: {  	_ = 	snop  }
0x370: {  	[tilespmem:s7], [sflag:$0x1] =	stream.indirect_vreg.gather [hbm4b:s2+s3], $0x80, v14, vm0, $0xb8;
	[tilespmem:$0x10100] =	vst v63  }
0x371: {  	v13 =	vld [tilespmem:$0x10];
	_ =	sdelay $0x4  }
0x372: {  	v14 =	vshll.u32 v13, $0x1  }
0x373: {  	v13 =	vand.u32 $0x7, v13;
	v14 =	vand.u32 $0xFFFFFFF0, v14  }
0x374: {  	v13 =	vor.u32 v13, v14  }
0x375: {  	v14 =	vperm.xlane v13, v8;
	_ =	sdelay $0x1  }
0x376: {  	v13 =	vperm.xlane v13, v10;
	v14 =	vadd.s32 v9, v14;
	_ =	sdelay $0x1  }
0x377: {  	v13 =	vadd.s32 v9, v13;
	_ =	sdelay $0x2  }
0x378: {  	[tilespmem:s8], [sflag:$0x1] =	stream.indirect_vreg.gather [hbm4b:s2+s3], $0x80, v14, vm0, $0xb8;
	[tilespmem:$0x10100] =	vst v63  }
0x379: {  	_ = 	snop  }
0x37a: {  	[tilespmem:s9], [sflag:$0x1] =	stream.indirect_vreg.gather [hbm4b:s2+s3], $0x80, v13, vm0, $0xb8;
	[tilespmem:$0x10100] =	vst v63  }
0x37b: {  	v13 =	vld [tilespmem:$0x20];
	_ =	sdelay $0x4  }
0x37c: {  	v14 =	vshll.u32 v13, $0x1  }
0x37d: {  	v13 =	vand.u32 $0x7, v13;
	v14 =	vand.u32 $0xFFFFFFF0, v14  }
0x37e: {  	v13 =	vor.u32 v13, v14  }
0x37f: {  	v14 =	vperm.xlane v13, v8;
	_ =	sdelay $0x1  }
0x380: {  	v13 =	vperm.xlane v13, v10;
	v14 =	vadd.s32 v9, v14;
	_ =	sdelay $0x1  }
0x381: {  	v13 =	vadd.s32 v9, v13;
	_ =	sdelay $0x2  }
0x382: {  	[tilespmem:s10], [sflag:$0x1] =	stream.indirect_vreg.gather [hbm4b:s2+s3], $0x80, v14, vm0, $0xb8;
	[tilespmem:$0x10100] =	vst v63  }
0x383: {  	_ = 	snop  }
0x384: {  	[tilespmem:s11], [sflag:$0x1] =	stream.indirect_vreg.gather [hbm4b:s2+s3], $0x80, v13, vm0, $0xb8;
	[tilespmem:$0x10100] =	vst v63  }
0x385: {  	v13 =	vld [tilespmem:$0x30];
	_ =	sdelay $0x4  }
0x386: {  	v14 =	vshll.u32 v13, $0x1  }
0x387: {  	v13 =	vand.u32 $0x7, v13;
	v14 =	vand.u32 $0xFFFFFFF0, v14  }
0x388: {  	v13 =	vor.u32 v13, v14  }
0x389: {  	v14 =	vperm.xlane v13, v8;
	_ =	sdelay $0x1  }
0x38a: {  	v13 =	vperm.xlane v13, v10;
	v14 =	vadd.s32 v9, v14;
	_ =	sdelay $0x1  }
0x38b: {  	v13 =	vadd.s32 v9, v13;
	_ =	sdelay $0x2  }
0x38c: {  	[tilespmem:s12], [sflag:$0x1] =	stream.indirect_vreg.gather [hbm4b:s2+s3], $0x80, v14, vm0, $0xb8;
	[tilespmem:$0x10100] =	vst v63  }
0x38d: {  	_ = 	snop  }
0x38e: {  	[tilespmem:s13], [sflag:$0x1] =	stream.indirect_vreg.gather [hbm4b:s2+s3], $0x80, v13, vm0, $0xb8;
	[tilespmem:$0x10100] =	vst v63  }
0x38f: {  	v13 =	vld [tilespmem:$0x40];
	_ =	sdelay $0x4  }
0x390: {  	v14 =	vshll.u32 v13, $0x1  }
0x391: {  	v13 =	vand.u32 $0x7, v13;
	v14 =	vand.u32 $0xFFFFFFF0, v14  }
0x392: {  	v13 =	vor.u32 v13, v14  }
0x393: {  	v14 =	vperm.xlane v13, v8;
	_ =	sdelay $0x1  }
0x394: {  	v13 =	vperm.xlane v13, v10;
	v14 =	vadd.s32 v9, v14;
	_ =	sdelay $0x1  }
0x395: {  	v13 =	vadd.s32 v9, v13;
	_ =	sdelay $0x2  }
0x396: {  	[tilespmem:s14], [sflag:$0x1] =	stream.indirect_vreg.gather [hbm4b:s2+s3], $0x80, v14, vm0, $0xb8;
	[tilespmem:$0x10100] =	vst v63  }
0x397: {  	_ = 	snop  }
0x398: {  	[tilespmem:s15], [sflag:$0x1] =	stream.indirect_vreg.gather [hbm4b:s2+s3], $0x80, v13, vm0, $0xb8;
	[tilespmem:$0x10100] =	vst v63  }
0x399: {  	v13 =	vld [tilespmem:$0x50];
	_ =	sdelay $0x4  }
0x39a: {  	v14 =	vshll.u32 v13, $0x1  }
0x39b: {  	v13 =	vand.u32 $0x7, v13;
	v14 =	vand.u32 $0xFFFFFFF0, v14  }
0x39c: {  	v13 =	vor.u32 v13, v14  }
0x39d: {  	v14 =	vperm.xlane v13, v8;
	_ =	sdelay $0x1  }
0x39e: {  	v13 =	vperm.xlane v13, v10;
	v14 =	vadd.s32 v9, v14;
	_ =	sdelay $0x1  }
0x39f: {  	v13 =	vadd.s32 v9, v13;
	_ =	sdelay $0x2  }
0x3a0: {  	[tilespmem:s16], [sflag:$0x1] =	stream.indirect_vreg.gather [hbm4b:s2+s3], $0x80, v14, vm0, $0xb8;
	[tilespmem:$0x10100] =	vst v63  }
0x3a1: {  	_ = 	snop  }
0x3a2: {  	[tilespmem:s17], [sflag:$0x1] =	stream.indirect_vreg.gather [hbm4b:s2+s3], $0x80, v13, vm0, $0xb8;
	[tilespmem:$0x10100] =	vst v63  }
0x3a3: {  	v13 =	vld [tilespmem:$0x60];
	_ =	sdelay $0x4  }
0x3a4: {  	v14 =	vshll.u32 v13, $0x1  }
0x3a5: {  	v13 =	vand.u32 $0x7, v13;
	v14 =	vand.u32 $0xFFFFFFF0, v14  }
0x3a6: {  	v13 =	vor.u32 v13, v14  }
0x3a7: {  	v14 =	vperm.xlane v13, v8;
	_ =	sdelay $0x1  }
0x3a8: {  	v13 =	vperm.xlane v13, v10;
	v14 =	vadd.s32 v9, v14;
	_ =	sdelay $0x1  }
0x3a9: {  	v13 =	vadd.s32 v9, v13;
	_ =	sdelay $0x2  }
0x3aa: {  	[tilespmem:s18], [sflag:$0x1] =	stream.indirect_vreg.gather [hbm4b:s2+s3], $0x80, v14, vm0, $0xb8;
	[tilespmem:$0x10100] =	vst v63  }
0x3ab: {  	_ = 	snop  }
0x3ac: {  	[tilespmem:s19], [sflag:$0x1] =	stream.indirect_vreg.gather [hbm4b:s2+s3], $0x80, v13, vm0, $0xb8;
	[tilespmem:$0x10100] =	vst v63  }
0x3ad: {  	v13 =	vld [tilespmem:$0x70];
	_ =	sdelay $0x4  }
0x3ae: {  	v14 =	vshll.u32 v13, $0x1  }
0x3af: {  	v13 =	vand.u32 $0x7, v13;
	v14 =	vand.u32 $0xFFFFFFF0, v14  }
0x3b0: {  	v13 =	vor.u32 v13, v14  }
0x3b1: {  	v14 =	vperm.xlane v13, v8;
	_ =	sdelay $0x1  }
0x3b2: {  	v13 =	vperm.xlane v13, v10;
	v14 =	vadd.s32 v9, v14;
	_ =	sdelay $0x1  }
0x3b3: {  	v13 =	vadd.s32 v9, v13;
	_ =	sdelay $0x2  }
0x3b4: {  	[tilespmem:s20], [sflag:$0x1] =	stream.indirect_vreg.gather [hbm4b:s2+s3], $0x80, v14, vm0, $0xb8;
	[tilespmem:$0x10100] =	vst v63  }
0x3b5: {  	_ = 	snop  }
0x3b6: {  	[tilespmem:s21], [sflag:$0x1] =	stream.indirect_vreg.gather [hbm4b:s2+s3], $0x80, v13, vm0, $0xb8;
	[tilespmem:$0x10100] =	vst v63  }
0x3b7: {  	v13 =	vld [tilespmem:$0x80];
	_ =	sdelay $0x4  }
0x3b8: {  	v14 =	vshll.u32 v13, $0x1  }
0x3b9: {  	v13 =	vand.u32 $0x7, v13;
	v14 =	vand.u32 $0xFFFFFFF0, v14  }
0x3ba: {  	v13 =	vor.u32 v13, v14  }
0x3bb: {  	v14 =	vperm.xlane v13, v8;
	_ =	sdelay $0x1  }
0x3bc: {  	v13 =	vperm.xlane v13, v10;
	v14 =	vadd.s32 v9, v14;
	_ =	sdelay $0x1  }
0x3bd: {  	v13 =	vadd.s32 v9, v13;
	_ =	sdelay $0x1  }
0x3be: {  	s31 =	simm.s32 $0x8100  }
0x3bf: {  	[tilespmem:s31], [sflag:$0x1] =	stream.indirect_vreg.gather [hbm4b:s2+s3], $0x80, v14, vm0, $0xb8;
	[tilespmem:$0x10100] =	vst v63  }
0x3c0: {  	s31 =	simm.s32 $0x8900  }
0x3c1: {  	[tilespmem:s31], [sflag:$0x1] =	stream.indirect_vreg.gather [hbm4b:s2+s3], $0x80, v13, vm0, $0xb8;
	[tilespmem:$0x10100] =	vst v63  }
0x3c2: {  	v13 =	vld [tilespmem:$0x90];
	_ =	sdelay $0x4  }
0x3c3: {  	v14 =	vshll.u32 v13, $0x1  }
0x3c4: {  	v13 =	vand.u32 $0x7, v13;
	v14 =	vand.u32 $0xFFFFFFF0, v14  }
0x3c5: {  	v13 =	vor.u32 v13, v14  }
0x3c6: {  	v14 =	vperm.xlane v13, v8;
	_ =	sdelay $0x1  }
0x3c7: {  	v13 =	vperm.xlane v13, v10;
	v14 =	vadd.s32 v9, v14;
	_ =	sdelay $0x1  }
0x3c8: {  	v13 =	vadd.s32 v9, v13;
	_ =	sdelay $0x1  }
0x3c9: {  	s1 =	simm.s32 $0x9100  }
0x3ca: {  	[tilespmem:s1], [sflag:$0x1] =	stream.indirect_vreg.gather [hbm4b:s2+s3], $0x80, v14, vm0, $0xb8;
	[tilespmem:$0x10100] =	vst v63  }
0x3cb: {  	s31 =	simm.s32 $0x9900  }
0x3cc: {  	[tilespmem:s31], [sflag:$0x1] =	stream.indirect_vreg.gather [hbm4b:s2+s3], $0x80, v13, vm0, $0xb8;
	[tilespmem:$0x10100] =	vst v63  }
0x3cd: {  	v13 =	vld [tilespmem:$0xA0];
	_ =	sdelay $0x4  }
0x3ce: {  	v14 =	vshll.u32 v13, $0x1  }
0x3cf: {  	v13 =	vand.u32 $0x7, v13;
	v14 =	vand.u32 $0xFFFFFFF0, v14  }
0x3d0: {  	v13 =	vor.u32 v13, v14  }
0x3d1: {  	v14 =	vperm.xlane v13, v8;
	_ =	sdelay $0x1  }
0x3d2: {  	v13 =	vperm.xlane v13, v10;
	v14 =	vadd.s32 v9, v14;
	_ =	sdelay $0x1  }
0x3d3: {  	v13 =	vadd.s32 v9, v13;
	_ =	sdelay $0x1  }
0x3d4: {  	s4 =	simm.s32 $0xA100  }
0x3d5: {  	[tilespmem:s4], [sflag:$0x1] =	stream.indirect_vreg.gather [hbm4b:s2+s3], $0x80, v14, vm0, $0xb8;
	[tilespmem:$0x10100] =	vst v63  }
0x3d6: {  	s4 =	simm.s32 $0xA900  }
0x3d7: {  	[tilespmem:s4], [sflag:$0x1] =	stream.indirect_vreg.gather [hbm4b:s2+s3], $0x80, v13, vm0, $0xb8;
	[tilespmem:$0x10100] =	vst v63  }
0x3d8: {  	v13 =	vld [tilespmem:$0xB0];
	_ =	sdelay $0x4  }
0x3d9: {  	v14 =	vshll.u32 v13, $0x1  }
0x3da: {  	v13 =	vand.u32 $0x7, v13;
	v14 =	vand.u32 $0xFFFFFFF0, v14  }
0x3db: {  	v13 =	vor.u32 v13, v14  }
0x3dc: {  	v14 =	vperm.xlane v13, v8;
	_ =	sdelay $0x1  }
0x3dd: {  	v13 =	vperm.xlane v13, v10;
	v14 =	vadd.s32 v9, v14;
	_ =	sdelay $0x1  }
0x3de: {  	v13 =	vadd.s32 v9, v13;
	_ =	sdelay $0x1  }
0x3df: {  	s6 =	simm.s32 $0xB100  }
0x3e0: {  	[tilespmem:s6], [sflag:$0x1] =	stream.indirect_vreg.gather [hbm4b:s2+s3], $0x80, v14, vm0, $0xb8;
	[tilespmem:$0x10100] =	vst v63  }
0x3e1: {  	s6 =	simm.s32 $0xB900  }
0x3e2: {  	[tilespmem:s6], [sflag:$0x1] =	stream.indirect_vreg.gather [hbm4b:s2+s3], $0x80, v13, vm0, $0xb8;
	[tilespmem:$0x10100] =	vst v63  }
0x3e3: {  	v13 =	vld [tilespmem:$0xC0];
	_ =	sdelay $0x4  }
0x3e4: {  	v14 =	vshll.u32 v13, $0x1  }
0x3e5: {  	v13 =	vand.u32 $0x7, v13;
	v14 =	vand.u32 $0xFFFFFFF0, v14  }
0x3e6: {  	v13 =	vor.u32 v13, v14  }
0x3e7: {  	v14 =	vperm.xlane v13, v8;
	_ =	sdelay $0x1  }
0x3e8: {  	v13 =	vperm.xlane v13, v10;
	v14 =	vadd.s32 v9, v14;
	_ =	sdelay $0x1  }
0x3e9: {  	v13 =	vadd.s32 v9, v13;
	_ =	sdelay $0x1  }
0x3ea: {  	s22 =	simm.s32 $0xC100  }
0x3eb: {  	[tilespmem:s22], [sflag:$0x1] =	stream.indirect_vreg.gather [hbm4b:s2+s3], $0x80, v14, vm0, $0xb8;
	[tilespmem:$0x10100] =	vst v63  }
0x3ec: {  	s22 =	simm.s32 $0xC900  }
0x3ed: {  	[tilespmem:s22], [sflag:$0x1] =	stream.indirect_vreg.gather [hbm4b:s2+s3], $0x80, v13, vm0, $0xb8;
	[tilespmem:$0x10100] =	vst v63  }
0x3ee: {  	v13 =	vld [tilespmem:$0xD0];
	_ =	sdelay $0x4  }
0x3ef: {  	v14 =	vshll.u32 v13, $0x1  }
0x3f0: {  	v13 =	vand.u32 $0x7, v13;
	v14 =	vand.u32 $0xFFFFFFF0, v14  }
0x3f1: {  	v13 =	vor.u32 v13, v14  }
0x3f2: {  	v14 =	vperm.xlane v13, v8;
	_ =	sdelay $0x1  }
0x3f3: {  	v13 =	vperm.xlane v13, v10;
	v14 =	vadd.s32 v9, v14;
	_ =	sdelay $0x1  }
0x3f4: {  	v13 =	vadd.s32 v9, v13;
	_ =	sdelay $0x1  }
0x3f5: {  	s24 =	simm.s32 $0xD100  }
0x3f6: {  	[tilespmem:s24], [sflag:$0x1] =	stream.indirect_vreg.gather [hbm4b:s2+s3], $0x80, v14, vm0, $0xb8;
	[tilespmem:$0x10100] =	vst v63  }
0x3f7: {  	s30 =	simm.s32 $0xD900  }
0x3f8: {  	[tilespmem:s30], [sflag:$0x1] =	stream.indirect_vreg.gather [hbm4b:s2+s3], $0x80, v13, vm0, $0xb8;
	[tilespmem:$0x10100] =	vst v63  }
0x3f9: {  	v13 =	vld [tilespmem:$0xE0];
	_ =	sdelay $0x4  }
0x3fa: {  	v14 =	vshll.u32 v13, $0x1  }
0x3fb: {  	v13 =	vand.u32 $0x7, v13;
	v14 =	vand.u32 $0xFFFFFFF0, v14  }
0x3fc: {  	v13 =	vor.u32 v13, v14  }
0x3fd: {  	v14 =	vperm.xlane v13, v8;
	_ =	sdelay $0x1  }
0x3fe: {  	v13 =	vperm.xlane v13, v10;
	v14 =	vadd.s32 v9, v14;
	_ =	sdelay $0x1  }
0x3ff: {  	v13 =	vadd.s32 v9, v13;
	_ =	sdelay $0x1  }
0x400: {  	s25 =	simm.s32 $0xE100  }
0x401: {  	[tilespmem:s25], [sflag:$0x1] =	stream.indirect_vreg.gather [hbm4b:s2+s3], $0x80, v14, vm0, $0xb8;
	[tilespmem:$0x10100] =	vst v63  }
0x402: {  	s31 =	simm.s32 $0xE900  }
0x403: {  	[tilespmem:s31], [sflag:$0x1] =	stream.indirect_vreg.gather [hbm4b:s2+s3], $0x80, v13, vm0, $0xb8;
	[tilespmem:$0x10100] =	vst v63  }
0x404: {  	v13 =	vld [tilespmem:$0xF0];
	_ =	sdelay $0x4  }
0x405: {  	v14 =	vshll.u32 v13, $0x1  }
0x406: {  	v13 =	vand.u32 $0x7, v13;
	v14 =	vand.u32 $0xFFFFFFF0, v14  }
0x407: {  	v13 =	vor.u32 v13, v14  }
0x408: {  	v14 =	vperm.xlane v13, v8;
	_ =	sdelay $0x1  }
0x409: {  	v13 =	vperm.xlane v13, v10;
	v14 =	vadd.s32 v9, v14;
	_ =	sdelay $0x1  }
0x40a: {  	v13 =	vadd.s32 v9, v13;
	_ =	sdelay $0x1  }
0x40b: {  	s26 =	simm.s32 $0xF100  }
0x40c: {  	[tilespmem:s26], [sflag:$0x1] =	stream.indirect_vreg.gather [hbm4b:s2+s3], $0x80, v14, vm0, $0xb8;
	[tilespmem:$0x10100] =	vst v63  }
0x40d: {  	_ = 	snop  }
0x40e: {  	[tilespmem:s0], [sflag:$0x1] =	stream.indirect_vreg.gather [hbm4b:s2+s3], $0x80, v13, vm0, $0xb8;
	[tilespmem:$0x10100] =	vst v63  }
0x40f: {  	_ =	swait.ge [sflag:s28], $0x8000  }
0x410: {  	[sflag:s28] =	ssyncset.done $0x0  }
0x411: {  	[sflag:s28] =	ssyncadd.s32 $0xFFFF8000  }
0x412: {  	_ =	swait.ge [sflag:s28], $0x8000  }
0x413: {  	s0 =	sld [smem:$0x7ED]  }
0x414: {  	[sflag:s28] =	ssyncset.done $0x0  }
0x415: {  	s1 =	sld [smem:$0x7EE];
	[sflag:s28] =	ssyncadd.s32 $0xFFFF8000  }
0x416: {  	[hbm4b:s0+s3] =	stream.linear.scatter [tilespmem:s21], [sflag:$0x2], $0x8000, $0x38;
	[tilespmem:$0x10100] =	vst v63  }
0x417: {  	s4 =	sld [smem:$0x7EF]  }
0x418: {  	[hbm4b:s1+s3] =	stream.linear.scatter [tilespmem:s20], [sflag:$0x2], $0x8000, $0x38;
	[tilespmem:$0x10100] =	vst v63  }
0x419: {  	s6 =	sld [smem:$0x7F0]  }
0x41a: {  	[hbm4b:s4+s3] =	stream.linear.scatter [tilespmem:s19], [sflag:$0x2], $0x8000, $0x38;
	[tilespmem:$0x10100] =	vst v63  }
0x41b: {  	s22 =	sld [smem:$0x7F1]  }
0x41c: {  	[hbm4b:s6+s3] =	stream.linear.scatter [tilespmem:s18], [sflag:$0x2], $0x8000, $0x38;
	[tilespmem:$0x10100] =	vst v63  }
0x41d: {  	s24 =	sld [smem:$0x7F2]  }
0x41e: {  	[hbm4b:s22+s3] =	stream.linear.scatter [tilespmem:s17], [sflag:$0x2], $0x8000, $0x38;
	[tilespmem:$0x10100] =	vst v63  }
0x41f: {  	s25 =	sld [smem:$0x7F3]  }
0x420: {  	[hbm4b:s24+s3] =	stream.linear.scatter [tilespmem:s16], [sflag:$0x2], $0x8000, $0x38;
	[tilespmem:$0x10100] =	vst v63  }
0x421: {  	s26 =	sld [smem:$0x7F4]  }
0x422: {  	[hbm4b:s25+s3] =	stream.linear.scatter [tilespmem:s15], [sflag:$0x2], $0x8000, $0x38;
	[tilespmem:$0x10100] =	vst v63  }
0x423: {  	s0 =	sld [smem:$0x7F5]  }
0x424: {  	[hbm4b:s26+s3] =	stream.linear.scatter [tilespmem:s14], [sflag:$0x2], $0x8000, $0x38;
	[tilespmem:$0x10100] =	vst v63  }
0x425: {  	s1 =	sld [smem:$0x7F6]  }
0x426: {  	[hbm4b:s0+s3] =	stream.linear.scatter [tilespmem:s13], [sflag:$0x2], $0x8000, $0x38;
	[tilespmem:$0x10100] =	vst v63  }
0x427: {  	s4 =	sld [smem:$0x7F7]  }
0x428: {  	[hbm4b:s1+s3] =	stream.linear.scatter [tilespmem:s12], [sflag:$0x2], $0x8000, $0x38;
	[tilespmem:$0x10100] =	vst v63  }
0x429: {  	s6 =	sld [smem:$0x7F8]  }
0x42a: {  	[hbm4b:s4+s3] =	stream.linear.scatter [tilespmem:s11], [sflag:$0x2], $0x8000, $0x38;
	[tilespmem:$0x10100] =	vst v63  }
0x42b: {  	s22 =	sld [smem:$0x7F9]  }
0x42c: {  	[hbm4b:s6+s3] =	stream.linear.scatter [tilespmem:s10], [sflag:$0x2], $0x8000, $0x38;
	[tilespmem:$0x10100] =	vst v63  }
0x42d: {  	s24 =	sld [smem:$0x7FA]  }
0x42e: {  	[hbm4b:s22+s3] =	stream.linear.scatter [tilespmem:s9], [sflag:$0x2], $0x8000, $0x38;
	[tilespmem:$0x10100] =	vst v63  }
0x42f: {  	s25 =	sld [smem:$0x7FB]  }
0x430: {  	[hbm4b:s24+s3] =	stream.linear.scatter [tilespmem:s8], [sflag:$0x2], $0x8000, $0x38;
	[tilespmem:$0x10100] =	vst v63  }
0x431: {  	s26 =	sld [smem:$0x7FD]  }
0x432: {  	[hbm4b:s25+s3] =	stream.linear.scatter [tilespmem:s7], [sflag:$0x2], $0x8000, $0x38;
	[tilespmem:$0x10100] =	vst v63  }
0x433: {  	_ = 	snop  }
0x434: {  	[hbm4b:s26+s3] =	stream.linear.scatter [tilespmem:s23], [sflag:$0x2], $0x8000, $0x38;
	[tilespmem:$0x10100] =	vst v63  }
0x435: {  	_ =	swait.ge [sflag:s29], $0x8000  }
0x436: {  	[sflag:s29] =	ssyncset.done $0x0  }
0x437: {  	[sflag:s29] =	ssyncadd.s32 $0xFFFF8000  }
0x438: {  	_ =	swait.ge [sflag:s29], $0x8000  }
0x439: {  	[sflag:s29] =	ssyncset.done $0x0  }
0x43a: {  	[sflag:s29] =	ssyncadd.s32 $0xFFFF8000  }
0x43b: {  	_ =	swait.ge [sflag:s29], $0x8000  }
0x43c: {  	[sflag:s29] =	ssyncset.done $0x0  }
0x43d: {  	[sflag:s29] =	ssyncadd.s32 $0xFFFF8000  }
0x43e: {  	_ =	swait.ge [sflag:s29], $0x8000  }
0x43f: {  	[sflag:s29] =	ssyncset.done $0x0  }
0x440: {  	[sflag:s29] =	ssyncadd.s32 $0xFFFF8000  }
0x441: {  	_ =	swait.ge [sflag:s29], $0x8000  }
0x442: {  	[sflag:s29] =	ssyncset.done $0x0  }
0x443: {  	[sflag:s29] =	ssyncadd.s32 $0xFFFF8000  }
0x444: {  	_ =	swait.ge [sflag:s29], $0x8000  }
0x445: {  	[sflag:s29] =	ssyncset.done $0x0  }
0x446: {  	[sflag:s29] =	ssyncadd.s32 $0xFFFF8000  }
0x447: {  	_ =	swait.ge [sflag:s29], $0x8000  }
0x448: {  	[sflag:s29] =	ssyncset.done $0x0  }
0x449: {  	[sflag:s29] =	ssyncadd.s32 $0xFFFF8000  }
0x44a: {  	_ =	swait.ge [sflag:s29], $0x8000  }
0x44b: {  	[sflag:s29] =	ssyncset.done $0x0  }
0x44c: {  	[sflag:s29] =	ssyncadd.s32 $0xFFFF8000  }
0x44d: {  	_ =	swait.ge [sflag:s29], $0x8000  }
0x44e: {  	[sflag:s29] =	ssyncset.done $0x0  }
0x44f: {  	[sflag:s29] =	ssyncadd.s32 $0xFFFF8000  }
0x450: {  	_ =	swait.ge [sflag:s29], $0x8000  }
0x451: {  	[sflag:s29] =	ssyncset.done $0x0  }
0x452: {  	[sflag:s29] =	ssyncadd.s32 $0xFFFF8000  }
0x453: {  	_ =	swait.ge [sflag:s29], $0x8000  }
0x454: {  	[sflag:s29] =	ssyncset.done $0x0  }
0x455: {  	[sflag:s29] =	ssyncadd.s32 $0xFFFF8000  }
0x456: {  	_ =	swait.ge [sflag:s29], $0x8000  }
0x457: {  	[sflag:s29] =	ssyncset.done $0x0  }
0x458: {  	[sflag:s29] =	ssyncadd.s32 $0xFFFF8000  }
0x459: {  	_ =	swait.ge [sflag:s29], $0x8000  }
0x45a: {  	[sflag:s29] =	ssyncset.done $0x0  }
0x45b: {  	[sflag:s29] =	ssyncadd.s32 $0xFFFF8000  }
0x45c: {  	_ =	swait.ge [sflag:s29], $0x8000  }
0x45d: {  	[sflag:s29] =	ssyncset.done $0x0  }
0x45e: {  	[sflag:s29] =	ssyncadd.s32 $0xFFFF8000  }
0x45f: {  	p0 =	sne.s32 s5, $0x1;
	_ =	swait.ge [sflag:s29], $0x8000  }
.Ltmp0:
0x460: {  	[sflag:s29] =	ssyncset.done $0x0;
	(pc) =	sbr.rel @p0 .LBB2_1-.Ltmp0, $4  }
0x461: {  	[sflag:s29] =	ssyncadd.s32 $0xFFFF8000  }
0x462: {  	_ =	swait.ge [sflag:s29], $0x8000  }
0x463: {  	[sflag:s29] =	ssyncset.done $0x0  }
0x464: {  	s5 =	sadd.s32 $0xFFFFFFFF, s5;
	[sflag:s29] =	ssyncadd.s32 $0xFFFF8000  }
0x465: {  	_ =	sfence.sel $0x180000  }
0x466: {  	[bflag:$0x0] =	sbarrier.arrive $0xFFFF  }
0x467: {  	_ =	strace $0x90000047  }
0x468: {  	s0 =	stileid.u32;
	[bflag:$0x2] =	sbarrier.arrive $0xFFFF  }
0x469: {  	p0 =	sne.s32 s0, $0x0;
	s0 =	rddreg [dreg:$0x2]  }
0x46a: {  	s0 =	sadd.s32 @!p0 $0x100000, s0  }
0x46b: {  	[sflag:s0] =	ssyncadd.tile.s32 @!p0 $0x1;
	_ =	shalt  }
.Lfunc_end2:
_tile_overlayer_lowered:
.L_overlay_start_2:
0x46c: {  	(tag) =	ssettag $0x2  }
0x46d: {  	s0 =	rddreg [dreg:$0x0];
	s2 =	stileid.u32  }
0x46e: {  	s1 =	rddreg [dreg:$0x1];
	p0 =	sne.s32 s2, $0x0  }
0x46f: {  	s3 =	rddreg [dreg:$0x2];
	[bflag:$0x3] =	sbarrier.arrive $0xFFFF;
	s2 =	simm.s32 @!p0 $0x1C03  }
0x470: {  	[timem:s3], [sflag:s2] =	dma.local @!p0 [hbm:s0], s1  }
0x471: {  	s0 =	simm.s32 @!p0 $0x3  }
0x472: {  	_ =	swait.ge @!p0 [sflag:s0], s1  }
0x473: {  	s1 =	ssub.s32 @!p0 $0x0, s1;
	[sflag:s0] =	ssyncset.done @!p0 $0x0  }
0x474: {  	[sflag:s0] =	ssyncadd.s32 @!p0 s1  }
0x475: {  	[bflag:$0x3] =	sbarrier.arrive $0xFFFF  }
0x476: {  	_ =	shalt  }

</sc_bundles>
